<compile_context>
chip_gen: v7x
topology: tpu7x:2x2x1
jax: 0.10.2.dev20260603
libtpu: 0.0.44.dev20260713+nightly
codegen_flags: <defaults>
</compile_context>

<pallas_src>
import functools

import jax
import jax.numpy as jnp
from jax import lax
from jax.experimental import pallas as pl
from jax.experimental.pallas import tpu as pltpu
from jax.experimental.pallas import tpu_sc as plsc

VOCAB = 1000000
D = 64
B = 16384
CTX = 20
NEG = 20
NR = D // 16

NC = 2
NS = 16
NW = NC * NS
BPW = B // NW
CB = 16
NCHUNK = BPW // CB
IDS_PER_CHUNK = CB * CTX
QROWS = 80
NQ = IDS_PER_CHUNK // QROWS
PSTRIDE = 17
KSLOT = CB * PSTRIDE
NK = NEG + 1


def _sc_body(ctx_ids2, neg_ids2, tgt_ids2, in_embed, out_embed,
             pos_out, neg_out,
             ctx_idx, neg_idx, tgt_idx, rows, pbuf, pos_stage, neg_stage,
             rowsem, outsem):
    c = lax.axis_index("c")
    s = lax.axis_index("s")
    wid = s * NC + c
    iota = lax.iota(jnp.int32, 16)
    iota17 = iota * PSTRIDE
    iota20 = iota * NEG

    pltpu.sync_copy(ctx_ids2.at[pl.ds(wid * (BPW * CTX // QROWS),
                                      BPW * CTX // QROWS)], ctx_idx)
    pltpu.sync_copy(neg_ids2.at[pl.ds(wid * (BPW * CTX // QROWS),
                                      BPW * CTX // QROWS)], neg_idx)
    pltpu.sync_copy(tgt_ids2.at[pl.ds(wid * NCHUNK, NCHUNK)], tgt_idx)

    def issue_rows(i):
        p = lax.rem(i, 2)
        r0 = i * NQ
        for q in range(NQ):
            pltpu.async_copy(
                in_embed.at[ctx_idx.at[r0 + q]],
                rows.at[p, pl.ds(q * QROWS, QROWS)], rowsem.at[p])
            pltpu.async_copy(
                out_embed.at[neg_idx.at[r0 + q]],
                rows.at[p, pl.ds(IDS_PER_CHUNK + q * QROWS, QROWS)],
                rowsem.at[p])
        pltpu.async_copy(out_embed.at[tgt_idx.at[i]],
                         rows.at[p, pl.ds(2 * IDS_PER_CHUNK, CB)],
                         rowsem.at[p])

    def drain_rows(i):
        p = lax.rem(i, 2)
        for q in range(NQ):
            pltpu.make_async_copy(
                in_embed.at[ctx_idx.at[0]],
                rows.at[p, pl.ds(q * QROWS, QROWS)], rowsem.at[p]).wait()
            pltpu.make_async_copy(
                out_embed.at[neg_idx.at[0]],
                rows.at[p, pl.ds(IDS_PER_CHUNK + q * QROWS, QROWS)],
                rowsem.at[p]).wait()
        pltpu.make_async_copy(out_embed.at[tgt_idx.at[0]],
                              rows.at[p, pl.ds(2 * IDS_PER_CHUNK, CB)],
                              rowsem.at[p]).wait()

    issue_rows(0)

    def chunk_body(i, carry_unused):
        p = lax.rem(i, 2)
        b0 = wid * BPW + i * CB

        @pl.when(i < NCHUNK - 1)
        def _():
            issue_rows(i + 1)

        drain_rows(i)

        def b_body(b, carry_unused2):
            base = b * CTX
            vc = [rows[p, base, pl.ds(r * 16, 16)] for r in range(NR)]
            for j in range(1, CTX):
                for r in range(NR):
                    vc[r] = vc[r] + rows[p, base + j, pl.ds(r * 16, 16)]
            inv = jnp.float32(1.0 / CTX)
            vc = [v * inv for v in vc]

            def dot_partial(row):
                t = [vc[r] * rows[p, row, pl.ds(r * 16, 16)]
                     for r in range(NR)]
                return (t[0] + t[1]) + (t[2] + t[3])

            slot = b * PSTRIDE
            pbuf[pl.ds(NEG * KSLOT + slot, 16)] = dot_partial(
                2 * IDS_PER_CHUNK + b)
            for k in range(NEG):
                pbuf[pl.ds(k * KSLOT + slot, 16)] = dot_partial(
                    IDS_PER_CHUNK + base + k)
            return carry_unused2

        lax.fori_loop(0, CB, b_body, 0, unroll=False)

        @pl.when(i >= 2)
        def _():
            pltpu.make_async_copy(pos_stage.at[p],
                                  pos_out.at[pl.ds(0, CB)], outsem.at[p]
                                  ).wait()
            pltpu.make_async_copy(neg_stage.at[p],
                                  neg_out.at[pl.ds(0, CB * NEG)],
                                  outsem.at[p]).wait()

        def treduce(k):
            vals = [plsc.load_gather(pbuf, [iota17 + (k * KSLOT + j)])
                    for j in range(16)]
            while len(vals) > 1:
                vals = [vals[2 * m] + vals[2 * m + 1]
                        for m in range(len(vals) // 2)]
            return vals[0]

        pos_stage[p] = treduce(NEG)
        for k in range(NEG):
            plsc.store_scatter(neg_stage.at[p], [iota20 + k], treduce(k))

        pltpu.async_copy(pos_stage.at[p], pos_out.at[pl.ds(b0, CB)],
                         outsem.at[p])
        pltpu.async_copy(neg_stage.at[p],
                         neg_out.at[pl.ds(b0 * NEG, CB * NEG)],
                         outsem.at[p])
        return carry_unused

    lax.fori_loop(0, NCHUNK, chunk_body, 0)

    for p in range(2):
        pltpu.make_async_copy(pos_stage.at[p], pos_out.at[pl.ds(0, CB)],
                              outsem.at[p]).wait()
        pltpu.make_async_copy(neg_stage.at[p],
                              neg_out.at[pl.ds(0, CB * NEG)],
                              outsem.at[p]).wait()


TPS = 8192
NTPB = 62
VH = TPS * NTPB
VP = 2 * VH


def _tp_body(src_ref, dst_ref):
    r = jax.lax.broadcasted_iota(jnp.int32, (D, D), 0)
    c = jax.lax.broadcasted_iota(jnp.int32, (D, D), 1)
    iden = (r == c).astype(jnp.float32)

    def tp(x):
        return jax.lax.dot_general(
            x, iden, (((0,), (0,)), ((), ())),
            preferred_element_type=jnp.float32,
            precision=jax.lax.Precision.DEFAULT)
    x = src_ref[...]
    dst_ref[...] = jnp.concatenate(
        [tp(x[:, :TPS]), tp(x[:, TPS:])], axis=1)


_TP_PARAMS = pltpu.CompilerParams(fuse_transposed_lhs_in_matmul=True)


def _transpose_table(table_t):
    return pl.pallas_call(
        _tp_body,
        grid=(NTPB,),
        in_specs=[pl.BlockSpec((D, 2 * TPS), lambda i: (0, i))],
        out_specs=pl.BlockSpec((TPS, 2 * D), lambda i: (i, 0)),
        out_shape=jax.ShapeDtypeStruct((VH, 2 * D), jnp.float32),
        compiler_params=_TP_PARAMS,
    )(table_t)


@jax.jit
def _sc_call(ctx_ids2, neg_ids2, tgt_ids2, in_embed, out_embed):
    mesh = plsc.VectorSubcoreMesh(core_axis_name="c", subcore_axis_name="s")
    f = functools.partial(
        pl.kernel,
        out_type=[
            jax.ShapeDtypeStruct((B,), jnp.float32),
            jax.ShapeDtypeStruct((B * NEG,), jnp.float32),
        ],
        mesh=mesh,
        compiler_params=pltpu.CompilerParams(
            needs_layout_passes=False, use_tc_tiling_on_sc=False),
        scratch_types=[
            pltpu.VMEM((BPW * CTX // QROWS, QROWS), jnp.int32),
            pltpu.VMEM((BPW * CTX // QROWS, QROWS), jnp.int32),
            pltpu.VMEM((NCHUNK, CB), jnp.int32),
            pltpu.VMEM((2, 2 * IDS_PER_CHUNK + CB, D), jnp.float32),
            pltpu.VMEM((NK * KSLOT,), jnp.float32),
            pltpu.VMEM((2, CB), jnp.float32),
            pltpu.VMEM((2, CB * NEG), jnp.float32),
            pltpu.SemaphoreType.DMA((2,)),
            pltpu.SemaphoreType.DMA((2,)),
        ],
    )(_sc_body)
    return f(ctx_ids2, neg_ids2, tgt_ids2, in_embed, out_embed)


def _remap(ids):
    v = jnp.asarray(ids, jnp.int32)
    return ((v >> 14) << 14) + ((v & (TPS - 1)) << 1) + ((v >> 13) & 1)


def kernel(context_ids, target_ids, neg_ids, in_embed, out_embed):
    ctx2 = _remap(context_ids).reshape(B * CTX // QROWS, QROWS)
    neg2 = _remap(neg_ids).reshape(B * NEG // QROWS, QROWS)
    tgt2 = _remap(target_ids).reshape(B // CB, CB)
    in2 = _transpose_table(in_embed.T).reshape(VP, D)
    out2 = _transpose_table(out_embed.T).reshape(VP, D)
    pos, neg_flat = _sc_call(ctx2, neg2, tgt2, in2, out2)
    return pos, neg_flat.reshape(B, NEG)

# --- scband reference (transcript-rebuilt; emitter-appended) ---
"""Pipeline reference for scband-cbowmodel-75161927680233 (READ-ONLY COPY).

The authoritative reference and input builder live on the scoring server;
editing this copy changes nothing except your own understanding.
"""

import jax, jax.numpy as jnp
import numpy as np

VOCAB = 1000000
EMBED_DIM = 64
BATCH = 16384
CTX = 20
NEG = 20


def setup_inputs(seed: int = 0) -> dict:
    key = jax.random.key(seed)
    k1, k2, k3, k4, k5 = jax.random.split(key, 5)
    context_ids = jax.random.randint(k1, (BATCH, CTX), 0, VOCAB, dtype=jnp.int64 if jax.config.read('jax_enable_x64') else jnp.int32)
    target_ids = jax.random.randint(k2, (BATCH,), 0, VOCAB)
    neg_ids = jax.random.randint(k3, (BATCH, NEG), 0, VOCAB)
    in_embed = jax.random.normal(k4, (VOCAB, EMBED_DIM), dtype=jnp.float32)
    out_embed = jax.random.normal(k5, (VOCAB, EMBED_DIM), dtype=jnp.float32)
    return {
        'context_ids': context_ids,
        'target_ids': target_ids,
        'neg_ids': neg_ids,
        'in_embed': in_embed,
        'out_embed': out_embed,
    }


def reference(context_ids, target_ids, neg_ids, in_embed, out_embed):
    # v_ctx = mean of context input-embeddings: gather [B, CTX, D] then mean over CTX
    v_ctx = jnp.take(in_embed, context_ids, axis=0).mean(axis=1)  # [B, D]
    # positive score
    u_pos = jnp.take(out_embed, target_ids, axis=0)               # [B, D]
    pos_score = (v_ctx * u_pos).sum(axis=1)                       # [B]
    # negative scores: bmm([B, NEG, D], [B, D, 1]) -> [B, NEG]
    u_neg = jnp.take(out_embed, neg_ids, axis=0)                  # [B, NEG, D]
    neg_score = jnp.einsum('bkd,bd->bk', u_neg, v_ctx)            # [B, NEG]
    return (pos_score, neg_score)

if __name__ == "__main__":
    import jax
    _d = setup_inputs()
    print(jax.jit(kernel)(*tuple(_d.values())))

</pallas_src>

<mosaic_0001>
#map = affine_map<(d0, d1) -> (0, 0)>
#map1 = affine_map<(d0, d1) -> (0)>
module attributes {stable_mosaic.version = 14 : i64} {
  func.func @_sc_body(%arg0: i32, %arg1: i32, %arg2: memref<4096x80xi32, #tpu.memory_space<hbm>>, %arg3: memref<4096x80xi32, #tpu.memory_space<hbm>>, %arg4: memref<1024x16xi32, #tpu.memory_space<hbm>>, %arg5: memref<1015808x64xf32, #tpu.memory_space<hbm>>, %arg6: memref<1015808x64xf32, #tpu.memory_space<hbm>>, %arg7: memref<16384xf32, #tpu.memory_space<hbm>>, %arg8: memref<327680xf32, #tpu.memory_space<hbm>>, %arg9: memref<128x80xi32, #tpu.memory_space<vmem>>, %arg10: memref<128x80xi32, #tpu.memory_space<vmem>>, %arg11: memref<32x16xi32, #tpu.memory_space<vmem>>, %arg12: memref<2x656x64xf32, #tpu.memory_space<vmem>>, %arg13: memref<5712xf32, #tpu.memory_space<vmem>>, %arg14: memref<2x16xf32, #tpu.memory_space<vmem>>, %arg15: memref<2x320xf32, #tpu.memory_space<vmem>>, %arg16: memref<2x!tpu.dma_semaphore, #tpu.memory_space<semaphore_mem>>, %arg17: memref<2x!tpu.dma_semaphore, #tpu.memory_space<semaphore_mem>>) attributes {dimension_semantics = [#tpu.dimension_semantics<core_parallel>, #tpu.dimension_semantics<subcore_parallel>], iteration_bounds = array<i64: 2, 16>, scalar_prefetch = 0 : i64, scratch_operands = 9 : i64, tpu.core_type = #tpu.core_type<sc_vector_subcore>, window_params = [{transform_indices = #map}, {transform_indices = #map}, {transform_indices = #map}, {transform_indices = #map}, {transform_indices = #map}, {transform_indices = #map1}, {transform_indices = #map1}]} {
    %mul3A = arith.constant 2 : i32
    %mul3A_0 = arith.muli %arg1, %mul3A : i32
    %add3A = arith.addi %mul3A_0, %arg0 : i32
    %iota3A = tpu.iota {dimensions = array<i32: 0>} : vector<16xi32>
    %mul3A_1 = arith.constant 17 : i32
    %mul3A_2 = vector.broadcast %mul3A_1 : i32 to vector<16xi32>
    %mul3A_3 = arith.muli %iota3A, %mul3A_2 : vector<16xi32>
    %mul3A_4 = arith.constant 20 : i32
    %mul3A_5 = vector.broadcast %mul3A_4 : i32 to vector<16xi32>
    %mul3A_6 = arith.muli %iota3A, %mul3A_5 : vector<16xi32>
    %mul3A_7 = arith.constant 128 : i32
    %mul3A_8 = arith.muli %add3A, %mul3A_7 : i32
    "tpu.region"() ({
      %run_scoped3A = tpu.sem_alloc : memref<!tpu.dma_semaphore, #tpu.memory_space<semaphore_mem>>
      %dma_start3A_191 = arith.constant 0 : i32
      %dma_start3A_192 = tpu.memref_slice %arg2[%mul3A_8, %dma_start3A_191] : memref<4096x80xi32, #tpu.memory_space<hbm>> -> memref<128x80xi32, #tpu.memory_space<hbm>>
      %dma_start3A_193 = arith.constant 0 : i32
      %dma_start3A_194 = tpu.memref_slice %arg2[%mul3A_8, %dma_start3A_193] : memref<4096x80xi32, #tpu.memory_space<hbm>> -> memref<128x80xi32, #tpu.memory_space<hbm>>
      tpu.enqueue_dma source(%dma_start3A_194 : memref<128x80xi32, #tpu.memory_space<hbm>>) target(%arg9 : memref<128x80xi32, #tpu.memory_space<vmem>>) target_semaphore(%run_scoped3A : memref<!tpu.dma_semaphore, #tpu.memory_space<semaphore_mem>>)
      %dma_wait3A_195 = arith.constant 0 : i32
      %dma_wait3A_196 = tpu.memref_slice %arg2[%mul3A_8, %dma_wait3A_195] : memref<4096x80xi32, #tpu.memory_space<hbm>> -> memref<128x80xi32, #tpu.memory_space<hbm>>
      %dma_wait3A_197 = arith.constant 0 : i32
      %dma_wait3A_198 = tpu.memref_slice %arg2[%mul3A_8, %dma_wait3A_197] : memref<4096x80xi32, #tpu.memory_space<hbm>> -> memref<128x80xi32, #tpu.memory_space<hbm>>
      tpu.wait_dma2 semaphore(%run_scoped3A : memref<!tpu.dma_semaphore, #tpu.memory_space<semaphore_mem>>) src(%dma_wait3A_198 : memref<128x80xi32, #tpu.memory_space<hbm>>) dst(%arg9 : memref<128x80xi32, #tpu.memory_space<vmem>>)
      tpu.yield
    }) : () -> ()
    %mul3A_9 = arith.constant 128 : i32
    %mul3A_10 = arith.muli %add3A, %mul3A_9 : i32
    "tpu.region"() ({
      %run_scoped3A = tpu.sem_alloc : memref<!tpu.dma_semaphore, #tpu.memory_space<semaphore_mem>>
      %dma_start3A_191 = arith.constant 0 : i32
      %dma_start3A_192 = tpu.memref_slice %arg3[%mul3A_10, %dma_start3A_191] : memref<4096x80xi32, #tpu.memory_space<hbm>> -> memref<128x80xi32, #tpu.memory_space<hbm>>
      %dma_start3A_193 = arith.constant 0 : i32
      %dma_start3A_194 = tpu.memref_slice %arg3[%mul3A_10, %dma_start3A_193] : memref<4096x80xi32, #tpu.memory_space<hbm>> -> memref<128x80xi32, #tpu.memory_space<hbm>>
      tpu.enqueue_dma source(%dma_start3A_194 : memref<128x80xi32, #tpu.memory_space<hbm>>) target(%arg10 : memref<128x80xi32, #tpu.memory_space<vmem>>) target_semaphore(%run_scoped3A : memref<!tpu.dma_semaphore, #tpu.memory_space<semaphore_mem>>)
      %dma_wait3A_195 = arith.constant 0 : i32
      %dma_wait3A_196 = tpu.memref_slice %arg3[%mul3A_10, %dma_wait3A_195] : memref<4096x80xi32, #tpu.memory_space<hbm>> -> memref<128x80xi32, #tpu.memory_space<hbm>>
      %dma_wait3A_197 = arith.constant 0 : i32
      %dma_wait3A_198 = tpu.memref_slice %arg3[%mul3A_10, %dma_wait3A_197] : memref<4096x80xi32, #tpu.memory_space<hbm>> -> memref<128x80xi32, #tpu.memory_space<hbm>>
      tpu.wait_dma2 semaphore(%run_scoped3A : memref<!tpu.dma_semaphore, #tpu.memory_space<semaphore_mem>>) src(%dma_wait3A_198 : memref<128x80xi32, #tpu.memory_space<hbm>>) dst(%arg10 : memref<128x80xi32, #tpu.memory_space<vmem>>)
      tpu.yield
    }) : () -> ()
    %mul3A_11 = arith.constant 32 : i32
    %mul3A_12 = arith.muli %add3A, %mul3A_11 : i32
    "tpu.region"() ({
      %run_scoped3A = tpu.sem_alloc : memref<!tpu.dma_semaphore, #tpu.memory_space<semaphore_mem>>
      %dma_start3A_191 = arith.constant 0 : i32
      %dma_start3A_192 = tpu.memref_slice %arg4[%mul3A_12, %dma_start3A_191] : memref<1024x16xi32, #tpu.memory_space<hbm>> -> memref<32x16xi32, #tpu.memory_space<hbm>>
      %dma_start3A_193 = arith.constant 0 : i32
      %dma_start3A_194 = tpu.memref_slice %arg4[%mul3A_12, %dma_start3A_193] : memref<1024x16xi32, #tpu.memory_space<hbm>> -> memref<32x16xi32, #tpu.memory_space<hbm>>
      tpu.enqueue_dma source(%dma_start3A_194 : memref<32x16xi32, #tpu.memory_space<hbm>>) target(%arg11 : memref<32x16xi32, #tpu.memory_space<vmem>>) target_semaphore(%run_scoped3A : memref<!tpu.dma_semaphore, #tpu.memory_space<semaphore_mem>>)
      %dma_wait3A_195 = arith.constant 0 : i32
      %dma_wait3A_196 = tpu.memref_slice %arg4[%mul3A_12, %dma_wait3A_195] : memref<1024x16xi32, #tpu.memory_space<hbm>> -> memref<32x16xi32, #tpu.memory_space<hbm>>
      %dma_wait3A_197 = arith.constant 0 : i32
      %dma_wait3A_198 = tpu.memref_slice %arg4[%mul3A_12, %dma_wait3A_197] : memref<1024x16xi32, #tpu.memory_space<hbm>> -> memref<32x16xi32, #tpu.memory_space<hbm>>
      tpu.wait_dma2 semaphore(%run_scoped3A : memref<!tpu.dma_semaphore, #tpu.memory_space<semaphore_mem>>) src(%dma_wait3A_198 : memref<32x16xi32, #tpu.memory_space<hbm>>) dst(%arg11 : memref<32x16xi32, #tpu.memory_space<vmem>>)
      tpu.yield
    }) : () -> ()
    %rem3A = arith.constant 0 : i32
    %rem3A_13 = arith.constant 2 : i32
    %rem3A_14 = arith.remsi %rem3A, %rem3A_13 : i32
    %dma_start3A = arith.constant 0 : i32
    %dma_start3A_15 = arith.constant 0 : i32
    %dma_start3A_16 = arith.constant 0 : i32
    %dma_start3A_17 = tpu.memref_slice %arg12[%rem3A_14, %dma_start3A_15, %dma_start3A_16] : memref<2x656x64xf32, #tpu.memory_space<vmem>> -> memref<1x80x64xf32, #tpu.memory_space<vmem>>
    %dma_start3A_18 = tpu.memref_squeeze %dma_start3A_17 : memref<1x80x64xf32, #tpu.memory_space<vmem>> -> memref<80x64xf32, #tpu.memory_space<vmem>>
    %dma_start3A_19 = arith.constant 0 : i32
    %dma_start3A_20 = tpu.memref_slice %arg9[%dma_start3A, %dma_start3A_19] : memref<128x80xi32, #tpu.memory_space<vmem>> -> memref<1x80xi32, #tpu.memory_space<vmem>>
    %dma_start3A_21 = tpu.memref_squeeze %dma_start3A_20 : memref<1x80xi32, #tpu.memory_space<vmem>> -> memref<80xi32, #tpu.memory_space<vmem>>
    %dma_start3A_22 = arith.constant 0 : i32
    %dma_start3A_23 = arith.constant 0 : i32
    %dma_start3A_24 = tpu.memref_slice %arg5[%dma_start3A_22, %dma_start3A_23] : memref<1015808x64xf32, #tpu.memory_space<hbm>> -> memref<1015808x64xf32, #tpu.memory_space<hbm>>
    %dma_start3A_25 = tpu.memref_slice %arg16[%rem3A_14] : memref<2x!tpu.dma_semaphore, #tpu.memory_space<semaphore_mem>> -> memref<1x!tpu.dma_semaphore, #tpu.memory_space<semaphore_mem>>
    %dma_start3A_26 = tpu.memref_squeeze %dma_start3A_25 : memref<1x!tpu.dma_semaphore, #tpu.memory_space<semaphore_mem>> -> memref<!tpu.dma_semaphore, #tpu.memory_space<semaphore_mem>>
    tpu.enqueue_indirect_dma source(%dma_start3A_24 : memref<1015808x64xf32, #tpu.memory_space<hbm>>) target(%dma_start3A_18 : memref<80x64xf32, #tpu.memory_space<vmem>>) offsets(%dma_start3A_21 : memref<80xi32, #tpu.memory_space<vmem>>) semaphore(%dma_start3A_26 : memref<!tpu.dma_semaphore, #tpu.memory_space<semaphore_mem>>)
    %dma_start3A_27 = arith.constant 0 : i32
    %dma_start3A_28 = arith.constant 320 : i32
    %dma_start3A_29 = arith.constant 0 : i32
    %dma_start3A_30 = tpu.memref_slice %arg12[%rem3A_14, %dma_start3A_28, %dma_start3A_29] : memref<2x656x64xf32, #tpu.memory_space<vmem>> -> memref<1x80x64xf32, #tpu.memory_space<vmem>>
    %dma_start3A_31 = tpu.memref_squeeze %dma_start3A_30 : memref<1x80x64xf32, #tpu.memory_space<vmem>> -> memref<80x64xf32, #tpu.memory_space<vmem>>
    %dma_start3A_32 = arith.constant 0 : i32
    %dma_start3A_33 = tpu.memref_slice %arg10[%dma_start3A_27, %dma_start3A_32] : memref<128x80xi32, #tpu.memory_space<vmem>> -> memref<1x80xi32, #tpu.memory_space<vmem>>
    %dma_start3A_34 = tpu.memref_squeeze %dma_start3A_33 : memref<1x80xi32, #tpu.memory_space<vmem>> -> memref<80xi32, #tpu.memory_space<vmem>>
    %dma_start3A_35 = arith.constant 0 : i32
    %dma_start3A_36 = arith.constant 0 : i32
    %dma_start3A_37 = tpu.memref_slice %arg6[%dma_start3A_35, %dma_start3A_36] : memref<1015808x64xf32, #tpu.memory_space<hbm>> -> memref<1015808x64xf32, #tpu.memory_space<hbm>>
    %dma_start3A_38 = tpu.memref_slice %arg16[%rem3A_14] : memref<2x!tpu.dma_semaphore, #tpu.memory_space<semaphore_mem>> -> memref<1x!tpu.dma_semaphore, #tpu.memory_space<semaphore_mem>>
    %dma_start3A_39 = tpu.memref_squeeze %dma_start3A_38 : memref<1x!tpu.dma_semaphore, #tpu.memory_space<semaphore_mem>> -> memref<!tpu.dma_semaphore, #tpu.memory_space<semaphore_mem>>
    tpu.enqueue_indirect_dma source(%dma_start3A_37 : memref<1015808x64xf32, #tpu.memory_space<hbm>>) target(%dma_start3A_31 : memref<80x64xf32, #tpu.memory_space<vmem>>) offsets(%dma_start3A_34 : memref<80xi32, #tpu.memory_space<vmem>>) semaphore(%dma_start3A_39 : memref<!tpu.dma_semaphore, #tpu.memory_space<semaphore_mem>>)
    %dma_start3A_40 = arith.constant 1 : i32
    %dma_start3A_41 = arith.constant 80 : i32
    %dma_start3A_42 = arith.constant 0 : i32
    %dma_start3A_43 = tpu.memref_slice %arg12[%rem3A_14, %dma_start3A_41, %dma_start3A_42] : memref<2x656x64xf32, #tpu.memory_space<vmem>> -> memref<1x80x64xf32, #tpu.memory_space<vmem>>
    %dma_start3A_44 = tpu.memref_squeeze %dma_start3A_43 : memref<1x80x64xf32, #tpu.memory_space<vmem>> -> memref<80x64xf32, #tpu.memory_space<vmem>>
    %dma_start3A_45 = arith.constant 0 : i32
    %dma_start3A_46 = tpu.memref_slice %arg9[%dma_start3A_40, %dma_start3A_45] : memref<128x80xi32, #tpu.memory_space<vmem>> -> memref<1x80xi32, #tpu.memory_space<vmem>>
    %dma_start3A_47 = tpu.memref_squeeze %dma_start3A_46 : memref<1x80xi32, #tpu.memory_space<vmem>> -> memref<80xi32, #tpu.memory_space<vmem>>
    %dma_start3A_48 = arith.constant 0 : i32
    %dma_start3A_49 = arith.constant 0 : i32
    %dma_start3A_50 = tpu.memref_slice %arg5[%dma_start3A_48, %dma_start3A_49] : memref<1015808x64xf32, #tpu.memory_space<hbm>> -> memref<1015808x64xf32, #tpu.memory_space<hbm>>
    %dma_start3A_51 = tpu.memref_slice %arg16[%rem3A_14] : memref<2x!tpu.dma_semaphore, #tpu.memory_space<semaphore_mem>> -> memref<1x!tpu.dma_semaphore, #tpu.memory_space<semaphore_mem>>
    %dma_start3A_52 = tpu.memref_squeeze %dma_start3A_51 : memref<1x!tpu.dma_semaphore, #tpu.memory_space<semaphore_mem>> -> memref<!tpu.dma_semaphore, #tpu.memory_space<semaphore_mem>>
    tpu.enqueue_indirect_dma source(%dma_start3A_50 : memref<1015808x64xf32, #tpu.memory_space<hbm>>) target(%dma_start3A_44 : memref<80x64xf32, #tpu.memory_space<vmem>>) offsets(%dma_start3A_47 : memref<80xi32, #tpu.memory_space<vmem>>) semaphore(%dma_start3A_52 : memref<!tpu.dma_semaphore, #tpu.memory_space<semaphore_mem>>)
    %dma_start3A_53 = arith.constant 1 : i32
    %dma_start3A_54 = arith.constant 400 : i32
    %dma_start3A_55 = arith.constant 0 : i32
    %dma_start3A_56 = tpu.memref_slice %arg12[%rem3A_14, %dma_start3A_54, %dma_start3A_55] : memref<2x656x64xf32, #tpu.memory_space<vmem>> -> memref<1x80x64xf32, #tpu.memory_space<vmem>>
    %dma_start3A_57 = tpu.memref_squeeze %dma_start3A_56 : memref<1x80x64xf32, #tpu.memory_space<vmem>> -> memref<80x64xf32, #tpu.memory_space<vmem>>
    %dma_start3A_58 = arith.constant 0 : i32
    %dma_start3A_59 = tpu.memref_slice %arg10[%dma_start3A_53, %dma_start3A_58] : memref<128x80xi32, #tpu.memory_space<vmem>> -> memref<1x80xi32, #tpu.memory_space<vmem>>
    %dma_start3A_60 = tpu.memref_squeeze %dma_start3A_59 : memref<1x80xi32, #tpu.memory_space<vmem>> -> memref<80xi32, #tpu.memory_space<vmem>>
    %dma_start3A_61 = arith.constant 0 : i32
    %dma_start3A_62 = arith.constant 0 : i32
    %dma_start3A_63 = tpu.memref_slice %arg6[%dma_start3A_61, %dma_start3A_62] : memref<1015808x64xf32, #tpu.memory_space<hbm>> -> memref<1015808x64xf32, #tpu.memory_space<hbm>>
    %dma_start3A_64 = tpu.memref_slice %arg16[%rem3A_14] : memref<2x!tpu.dma_semaphore, #tpu.memory_space<semaphore_mem>> -> memref<1x!tpu.dma_semaphore, #tpu.memory_space<semaphore_mem>>
    %dma_start3A_65 = tpu.memref_squeeze %dma_start3A_64 : memref<1x!tpu.dma_semaphore, #tpu.memory_space<semaphore_mem>> -> memref<!tpu.dma_semaphore, #tpu.memory_space<semaphore_mem>>
    tpu.enqueue_indirect_dma source(%dma_start3A_63 : memref<1015808x64xf32, #tpu.memory_space<hbm>>) target(%dma_start3A_57 : memref<80x64xf32, #tpu.memory_space<vmem>>) offsets(%dma_start3A_60 : memref<80xi32, #tpu.memory_space<vmem>>) semaphore(%dma_start3A_65 : memref<!tpu.dma_semaphore, #tpu.memory_space<semaphore_mem>>)
    %dma_start3A_66 = arith.constant 2 : i32
    %dma_start3A_67 = arith.constant 160 : i32
    %dma_start3A_68 = arith.constant 0 : i32
    %dma_start3A_69 = tpu.memref_slice %arg12[%rem3A_14, %dma_start3A_67, %dma_start3A_68] : memref<2x656x64xf32, #tpu.memory_space<vmem>> -> memref<1x80x64xf32, #tpu.memory_space<vmem>>
    %dma_start3A_70 = tpu.memref_squeeze %dma_start3A_69 : memref<1x80x64xf32, #tpu.memory_space<vmem>> -> memref<80x64xf32, #tpu.memory_space<vmem>>
    %dma_start3A_71 = arith.constant 0 : i32
    %dma_start3A_72 = tpu.memref_slice %arg9[%dma_start3A_66, %dma_start3A_71] : memref<128x80xi32, #tpu.memory_space<vmem>> -> memref<1x80xi32, #tpu.memory_space<vmem>>
    %dma_start3A_73 = tpu.memref_squeeze %dma_start3A_72 : memref<1x80xi32, #tpu.memory_space<vmem>> -> memref<80xi32, #tpu.memory_space<vmem>>
    %dma_start3A_74 = arith.constant 0 : i32
    %dma_start3A_75 = arith.constant 0 : i32
    %dma_start3A_76 = tpu.memref_slice %arg5[%dma_start3A_74, %dma_start3A_75] : memref<1015808x64xf32, #tpu.memory_space<hbm>> -> memref<1015808x64xf32, #tpu.memory_space<hbm>>
    %dma_start3A_77 = tpu.memref_slice %arg16[%rem3A_14] : memref<2x!tpu.dma_semaphore, #tpu.memory_space<semaphore_mem>> -> memref<1x!tpu.dma_semaphore, #tpu.memory_space<semaphore_mem>>
    %dma_start3A_78 = tpu.memref_squeeze %dma_start3A_77 : memref<1x!tpu.dma_semaphore, #tpu.memory_space<semaphore_mem>> -> memref<!tpu.dma_semaphore, #tpu.memory_space<semaphore_mem>>
    tpu.enqueue_indirect_dma source(%dma_start3A_76 : memref<1015808x64xf32, #tpu.memory_space<hbm>>) target(%dma_start3A_70 : memref<80x64xf32, #tpu.memory_space<vmem>>) offsets(%dma_start3A_73 : memref<80xi32, #tpu.memory_space<vmem>>) semaphore(%dma_start3A_78 : memref<!tpu.dma_semaphore, #tpu.memory_space<semaphore_mem>>)
    %dma_start3A_79 = arith.constant 2 : i32
    %dma_start3A_80 = arith.constant 480 : i32
    %dma_start3A_81 = arith.constant 0 : i32
    %dma_start3A_82 = tpu.memref_slice %arg12[%rem3A_14, %dma_start3A_80, %dma_start3A_81] : memref<2x656x64xf32, #tpu.memory_space<vmem>> -> memref<1x80x64xf32, #tpu.memory_space<vmem>>
    %dma_start3A_83 = tpu.memref_squeeze %dma_start3A_82 : memref<1x80x64xf32, #tpu.memory_space<vmem>> -> memref<80x64xf32, #tpu.memory_space<vmem>>
    %dma_start3A_84 = arith.constant 0 : i32
    %dma_start3A_85 = tpu.memref_slice %arg10[%dma_start3A_79, %dma_start3A_84] : memref<128x80xi32, #tpu.memory_space<vmem>> -> memref<1x80xi32, #tpu.memory_space<vmem>>
    %dma_start3A_86 = tpu.memref_squeeze %dma_start3A_85 : memref<1x80xi32, #tpu.memory_space<vmem>> -> memref<80xi32, #tpu.memory_space<vmem>>
    %dma_start3A_87 = arith.constant 0 : i32
    %dma_start3A_88 = arith.constant 0 : i32
    %dma_start3A_89 = tpu.memref_slice %arg6[%dma_start3A_87, %dma_start3A_88] : memref<1015808x64xf32, #tpu.memory_space<hbm>> -> memref<1015808x64xf32, #tpu.memory_space<hbm>>
    %dma_start3A_90 = tpu.memref_slice %arg16[%rem3A_14] : memref<2x!tpu.dma_semaphore, #tpu.memory_space<semaphore_mem>> -> memref<1x!tpu.dma_semaphore, #tpu.memory_space<semaphore_mem>>
    %dma_start3A_91 = tpu.memref_squeeze %dma_start3A_90 : memref<1x!tpu.dma_semaphore, #tpu.memory_space<semaphore_mem>> -> memref<!tpu.dma_semaphore, #tpu.memory_space<semaphore_mem>>
    tpu.enqueue_indirect_dma source(%dma_start3A_89 : memref<1015808x64xf32, #tpu.memory_space<hbm>>) target(%dma_start3A_83 : memref<80x64xf32, #tpu.memory_space<vmem>>) offsets(%dma_start3A_86 : memref<80xi32, #tpu.memory_space<vmem>>) semaphore(%dma_start3A_91 : memref<!tpu.dma_semaphore, #tpu.memory_space<semaphore_mem>>)
    %dma_start3A_92 = arith.constant 3 : i32
    %dma_start3A_93 = arith.constant 240 : i32
    %dma_start3A_94 = arith.constant 0 : i32
    %dma_start3A_95 = tpu.memref_slice %arg12[%rem3A_14, %dma_start3A_93, %dma_start3A_94] : memref<2x656x64xf32, #tpu.memory_space<vmem>> -> memref<1x80x64xf32, #tpu.memory_space<vmem>>
    %dma_start3A_96 = tpu.memref_squeeze %dma_start3A_95 : memref<1x80x64xf32, #tpu.memory_space<vmem>> -> memref<80x64xf32, #tpu.memory_space<vmem>>
    %dma_start3A_97 = arith.constant 0 : i32
    %dma_start3A_98 = tpu.memref_slice %arg9[%dma_start3A_92, %dma_start3A_97] : memref<128x80xi32, #tpu.memory_space<vmem>> -> memref<1x80xi32, #tpu.memory_space<vmem>>
    %dma_start3A_99 = tpu.memref_squeeze %dma_start3A_98 : memref<1x80xi32, #tpu.memory_space<vmem>> -> memref<80xi32, #tpu.memory_space<vmem>>
    %dma_start3A_100 = arith.constant 0 : i32
    %dma_start3A_101 = arith.constant 0 : i32
    %dma_start3A_102 = tpu.memref_slice %arg5[%dma_start3A_100, %dma_start3A_101] : memref<1015808x64xf32, #tpu.memory_space<hbm>> -> memref<1015808x64xf32, #tpu.memory_space<hbm>>
    %dma_start3A_103 = tpu.memref_slice %arg16[%rem3A_14] : memref<2x!tpu.dma_semaphore, #tpu.memory_space<semaphore_mem>> -> memref<1x!tpu.dma_semaphore, #tpu.memory_space<semaphore_mem>>
    %dma_start3A_104 = tpu.memref_squeeze %dma_start3A_103 : memref<1x!tpu.dma_semaphore, #tpu.memory_space<semaphore_mem>> -> memref<!tpu.dma_semaphore, #tpu.memory_space<semaphore_mem>>
    tpu.enqueue_indirect_dma source(%dma_start3A_102 : memref<1015808x64xf32, #tpu.memory_space<hbm>>) target(%dma_start3A_96 : memref<80x64xf32, #tpu.memory_space<vmem>>) offsets(%dma_start3A_99 : memref<80xi32, #tpu.memory_space<vmem>>) semaphore(%dma_start3A_104 : memref<!tpu.dma_semaphore, #tpu.memory_space<semaphore_mem>>)
    %dma_start3A_105 = arith.constant 3 : i32
    %dma_start3A_106 = arith.constant 560 : i32
    %dma_start3A_107 = arith.constant 0 : i32
    %dma_start3A_108 = tpu.memref_slice %arg12[%rem3A_14, %dma_start3A_106, %dma_start3A_107] : memref<2x656x64xf32, #tpu.memory_space<vmem>> -> memref<1x80x64xf32, #tpu.memory_space<vmem>>
    %dma_start3A_109 = tpu.memref_squeeze %dma_start3A_108 : memref<1x80x64xf32, #tpu.memory_space<vmem>> -> memref<80x64xf32, #tpu.memory_space<vmem>>
    %dma_start3A_110 = arith.constant 0 : i32
    %dma_start3A_111 = tpu.memref_slice %arg10[%dma_start3A_105, %dma_start3A_110] : memref<128x80xi32, #tpu.memory_space<vmem>> -> memref<1x80xi32, #tpu.memory_space<vmem>>
    %dma_start3A_112 = tpu.memref_squeeze %dma_start3A_111 : memref<1x80xi32, #tpu.memory_space<vmem>> -> memref<80xi32, #tpu.memory_space<vmem>>
    %dma_start3A_113 = arith.constant 0 : i32
    %dma_start3A_114 = arith.constant 0 : i32
    %dma_start3A_115 = tpu.memref_slice %arg6[%dma_start3A_113, %dma_start3A_114] : memref<1015808x64xf32, #tpu.memory_space<hbm>> -> memref<1015808x64xf32, #tpu.memory_space<hbm>>
    %dma_start3A_116 = tpu.memref_slice %arg16[%rem3A_14] : memref<2x!tpu.dma_semaphore, #tpu.memory_space<semaphore_mem>> -> memref<1x!tpu.dma_semaphore, #tpu.memory_space<semaphore_mem>>
    %dma_start3A_117 = tpu.memref_squeeze %dma_start3A_116 : memref<1x!tpu.dma_semaphore, #tpu.memory_space<semaphore_mem>> -> memref<!tpu.dma_semaphore, #tpu.memory_space<semaphore_mem>>
    tpu.enqueue_indirect_dma source(%dma_start3A_115 : memref<1015808x64xf32, #tpu.memory_space<hbm>>) target(%dma_start3A_109 : memref<80x64xf32, #tpu.memory_space<vmem>>) offsets(%dma_start3A_112 : memref<80xi32, #tpu.memory_space<vmem>>) semaphore(%dma_start3A_117 : memref<!tpu.dma_semaphore, #tpu.memory_space<semaphore_mem>>)
    %dma_start3A_118 = arith.constant 0 : i32
    %dma_start3A_119 = arith.constant 640 : i32
    %dma_start3A_120 = arith.constant 0 : i32
    %dma_start3A_121 = tpu.memref_slice %arg12[%rem3A_14, %dma_start3A_119, %dma_start3A_120] : memref<2x656x64xf32, #tpu.memory_space<vmem>> -> memref<1x16x64xf32, #tpu.memory_space<vmem>>
    %dma_start3A_122 = tpu.memref_squeeze %dma_start3A_121 : memref<1x16x64xf32, #tpu.memory_space<vmem>> -> memref<16x64xf32, #tpu.memory_space<vmem>>
    %dma_start3A_123 = arith.constant 0 : i32
    %dma_start3A_124 = tpu.memref_slice %arg11[%dma_start3A_118, %dma_start3A_123] : memref<32x16xi32, #tpu.memory_space<vmem>> -> memref<1x16xi32, #tpu.memory_space<vmem>>
    %dma_start3A_125 = tpu.memref_squeeze %dma_start3A_124 : memref<1x16xi32, #tpu.memory_space<vmem>> -> memref<16xi32, #tpu.memory_space<vmem>>
    %dma_start3A_126 = arith.constant 0 : i32
    %dma_start3A_127 = arith.constant 0 : i32
    %dma_start3A_128 = tpu.memref_slice %arg6[%dma_start3A_126, %dma_start3A_127] : memref<1015808x64xf32, #tpu.memory_space<hbm>> -> memref<1015808x64xf32, #tpu.memory_space<hbm>>
    %dma_start3A_129 = tpu.memref_slice %arg16[%rem3A_14] : memref<2x!tpu.dma_semaphore, #tpu.memory_space<semaphore_mem>> -> memref<1x!tpu.dma_semaphore, #tpu.memory_space<semaphore_mem>>
    %dma_start3A_130 = tpu.memref_squeeze %dma_start3A_129 : memref<1x!tpu.dma_semaphore, #tpu.memory_space<semaphore_mem>> -> memref<!tpu.dma_semaphore, #tpu.memory_space<semaphore_mem>>
    tpu.enqueue_indirect_dma source(%dma_start3A_128 : memref<1015808x64xf32, #tpu.memory_space<hbm>>) target(%dma_start3A_122 : memref<16x64xf32, #tpu.memory_space<vmem>>) offsets(%dma_start3A_125 : memref<16xi32, #tpu.memory_space<vmem>>) semaphore(%dma_start3A_130 : memref<!tpu.dma_semaphore, #tpu.memory_space<semaphore_mem>>)
    %scan3A = arith.constant 0 : i32
    %scan3A_131 = arith.constant 0 : i32
    %scan3A_132 = arith.constant 32 : i32
    %scan3A_133 = arith.addi %scan3A_131, %scan3A_132 : i32
    %scan3A_134 = arith.constant 1 : i32
    scf.for %scan3A_191 = %scan3A_131 to %scan3A_133 step %scan3A_134  : i32 {
      %rem3A_192 = arith.constant 2 : i32
      %rem3A_193 = arith.remsi %scan3A_191, %rem3A_192 : i32
      %mul3A_194 = arith.constant 512 : i32
      %mul3A_195 = arith.muli %add3A, %mul3A_194 : i32
      %mul3A_196 = arith.constant 16 : i32
      %mul3A_197 = arith.muli %scan3A_191, %mul3A_196 : i32
      %add3A_198 = arith.addi %mul3A_195, %mul3A_197 : i32
      %lt3A = arith.constant 31 : i32
      %lt3A_199 = arith.cmpi slt, %scan3A_191, %lt3A : i32
      %convert_element_type3A = arith.extui %lt3A_199 : i1 to i32
      %cond3A = arith.constant 0 : i32
      %cond3A_200 = arith.cmpi ne, %convert_element_type3A, %cond3A : i32
      scf.if %cond3A_200 {
        %add3A_2131 = arith.constant 1 : i32
        %add3A_2132 = arith.addi %scan3A_191, %add3A_2131 : i32
        %rem3A_2133 = arith.constant 2 : i32
        %rem3A_2134 = arith.remsi %add3A_2132, %rem3A_2133 : i32
        %mul3A_2135 = arith.constant 4 : i32
        %mul3A_2136 = arith.muli %add3A_2132, %mul3A_2135 : i32
        %add3A_2137 = arith.constant 0 : i32
        %add3A_2138 = arith.addi %mul3A_2136, %add3A_2137 : i32
        %dma_start3A_2139 = arith.constant 0 : i32
        %dma_start3A_2140 = arith.constant 0 : i32
        %dma_start3A_2141 = tpu.memref_slice %arg12[%rem3A_2134, %dma_start3A_2139, %dma_start3A_2140] : memref<2x656x64xf32, #tpu.memory_space<vmem>> -> memref<1x80x64xf32, #tpu.memory_space<vmem>>
        %dma_start3A_2142 = tpu.memref_squeeze %dma_start3A_2141 : memref<1x80x64xf32, #tpu.memory_space<vmem>> -> memref<80x64xf32, #tpu.memory_space<vmem>>
        %dma_start3A_2143 = arith.constant 0 : i32
        %dma_start3A_2144 = tpu.memref_slice %arg9[%add3A_2138, %dma_start3A_2143] : memref<128x80xi32, #tpu.memory_space<vmem>> -> memref<1x80xi32, #tpu.memory_space<vmem>>
        %dma_start3A_2145 = tpu.memref_squeeze %dma_start3A_2144 : memref<1x80xi32, #tpu.memory_space<vmem>> -> memref<80xi32, #tpu.memory_space<vmem>>
        %dma_start3A_2146 = arith.constant 0 : i32
        %dma_start3A_2147 = arith.constant 0 : i32
        %dma_start3A_2148 = tpu.memref_slice %arg5[%dma_start3A_2146, %dma_start3A_2147] : memref<1015808x64xf32, #tpu.memory_space<hbm>> -> memref<1015808x64xf32, #tpu.memory_space<hbm>>
        %dma_start3A_2149 = tpu.memref_slice %arg16[%rem3A_2134] : memref<2x!tpu.dma_semaphore, #tpu.memory_space<semaphore_mem>> -> memref<1x!tpu.dma_semaphore, #tpu.memory_space<semaphore_mem>>
        %dma_start3A_2150 = tpu.memref_squeeze %dma_start3A_2149 : memref<1x!tpu.dma_semaphore, #tpu.memory_space<semaphore_mem>> -> memref<!tpu.dma_semaphore, #tpu.memory_space<semaphore_mem>>
        tpu.enqueue_indirect_dma source(%dma_start3A_2148 : memref<1015808x64xf32, #tpu.memory_space<hbm>>) target(%dma_start3A_2142 : memref<80x64xf32, #tpu.memory_space<vmem>>) offsets(%dma_start3A_2145 : memref<80xi32, #tpu.memory_space<vmem>>) semaphore(%dma_start3A_2150 : memref<!tpu.dma_semaphore, #tpu.memory_space<semaphore_mem>>)
        %add3A_2151 = arith.constant 0 : i32
        %add3A_2152 = arith.addi %mul3A_2136, %add3A_2151 : i32
        %dma_start3A_2153 = arith.constant 320 : i32
        %dma_start3A_2154 = arith.constant 0 : i32
        %dma_start3A_2155 = tpu.memref_slice %arg12[%rem3A_2134, %dma_start3A_2153, %dma_start3A_2154] : memref<2x656x64xf32, #tpu.memory_space<vmem>> -> memref<1x80x64xf32, #tpu.memory_space<vmem>>
        %dma_start3A_2156 = tpu.memref_squeeze %dma_start3A_2155 : memref<1x80x64xf32, #tpu.memory_space<vmem>> -> memref<80x64xf32, #tpu.memory_space<vmem>>
        %dma_start3A_2157 = arith.constant 0 : i32
        %dma_start3A_2158 = tpu.memref_slice %arg10[%add3A_2152, %dma_start3A_2157] : memref<128x80xi32, #tpu.memory_space<vmem>> -> memref<1x80xi32, #tpu.memory_space<vmem>>
        %dma_start3A_2159 = tpu.memref_squeeze %dma_start3A_2158 : memref<1x80xi32, #tpu.memory_space<vmem>> -> memref<80xi32, #tpu.memory_space<vmem>>
        %dma_start3A_2160 = arith.constant 0 : i32
        %dma_start3A_2161 = arith.constant 0 : i32
        %dma_start3A_2162 = tpu.memref_slice %arg6[%dma_start3A_2160, %dma_start3A_2161] : memref<1015808x64xf32, #tpu.memory_space<hbm>> -> memref<1015808x64xf32, #tpu.memory_space<hbm>>
        %dma_start3A_2163 = tpu.memref_slice %arg16[%rem3A_2134] : memref<2x!tpu.dma_semaphore, #tpu.memory_space<semaphore_mem>> -> memref<1x!tpu.dma_semaphore, #tpu.memory_space<semaphore_mem>>
        %dma_start3A_2164 = tpu.memref_squeeze %dma_start3A_2163 : memref<1x!tpu.dma_semaphore, #tpu.memory_space<semaphore_mem>> -> memref<!tpu.dma_semaphore, #tpu.memory_space<semaphore_mem>>
        tpu.enqueue_indirect_dma source(%dma_start3A_2162 : memref<1015808x64xf32, #tpu.memory_space<hbm>>) target(%dma_start3A_2156 : memref<80x64xf32, #tpu.memory_space<vmem>>) offsets(%dma_start3A_2159 : memref<80xi32, #tpu.memory_space<vmem>>) semaphore(%dma_start3A_2164 : memref<!tpu.dma_semaphore, #tpu.memory_space<semaphore_mem>>)
        %add3A_2165 = arith.constant 1 : i32
        %add3A_2166 = arith.addi %mul3A_2136, %add3A_2165 : i32
        %dma_start3A_2167 = arith.constant 80 : i32
        %dma_start3A_2168 = arith.constant 0 : i32
        %dma_start3A_2169 = tpu.memref_slice %arg12[%rem3A_2134, %dma_start3A_2167, %dma_start3A_2168] : memref<2x656x64xf32, #tpu.memory_space<vmem>> -> memref<1x80x64xf32, #tpu.memory_space<vmem>>
        %dma_start3A_2170 = tpu.memref_squeeze %dma_start3A_2169 : memref<1x80x64xf32, #tpu.memory_space<vmem>> -> memref<80x64xf32, #tpu.memory_space<vmem>>
        %dma_start3A_2171 = arith.constant 0 : i32
        %dma_start3A_2172 = tpu.memref_slice %arg9[%add3A_2166, %dma_start3A_2171] : memref<128x80xi32, #tpu.memory_space<vmem>> -> memref<1x80xi32, #tpu.memory_space<vmem>>
        %dma_start3A_2173 = tpu.memref_squeeze %dma_start3A_2172 : memref<1x80xi32, #tpu.memory_space<vmem>> -> memref<80xi32, #tpu.memory_space<vmem>>
        %dma_start3A_2174 = arith.constant 0 : i32
        %dma_start3A_2175 = arith.constant 0 : i32
        %dma_start3A_2176 = tpu.memref_slice %arg5[%dma_start3A_2174, %dma_start3A_2175] : memref<1015808x64xf32, #tpu.memory_space<hbm>> -> memref<1015808x64xf32, #tpu.memory_space<hbm>>
        %dma_start3A_2177 = tpu.memref_slice %arg16[%rem3A_2134] : memref<2x!tpu.dma_semaphore, #tpu.memory_space<semaphore_mem>> -> memref<1x!tpu.dma_semaphore, #tpu.memory_space<semaphore_mem>>
        %dma_start3A_2178 = tpu.memref_squeeze %dma_start3A_2177 : memref<1x!tpu.dma_semaphore, #tpu.memory_space<semaphore_mem>> -> memref<!tpu.dma_semaphore, #tpu.memory_space<semaphore_mem>>
        tpu.enqueue_indirect_dma source(%dma_start3A_2176 : memref<1015808x64xf32, #tpu.memory_space<hbm>>) target(%dma_start3A_2170 : memref<80x64xf32, #tpu.memory_space<vmem>>) offsets(%dma_start3A_2173 : memref<80xi32, #tpu.memory_space<vmem>>) semaphore(%dma_start3A_2178 : memref<!tpu.dma_semaphore, #tpu.memory_space<semaphore_mem>>)
        %add3A_2179 = arith.constant 1 : i32
        %add3A_2180 = arith.addi %mul3A_2136, %add3A_2179 : i32
        %dma_start3A_2181 = arith.constant 400 : i32
        %dma_start3A_2182 = arith.constant 0 : i32
        %dma_start3A_2183 = tpu.memref_slice %arg12[%rem3A_2134, %dma_start3A_2181, %dma_start3A_2182] : memref<2x656x64xf32, #tpu.memory_space<vmem>> -> memref<1x80x64xf32, #tpu.memory_space<vmem>>
        %dma_start3A_2184 = tpu.memref_squeeze %dma_start3A_2183 : memref<1x80x64xf32, #tpu.memory_space<vmem>> -> memref<80x64xf32, #tpu.memory_space<vmem>>
        %dma_start3A_2185 = arith.constant 0 : i32
        %dma_start3A_2186 = tpu.memref_slice %arg10[%add3A_2180, %dma_start3A_2185] : memref<128x80xi32, #tpu.memory_space<vmem>> -> memref<1x80xi32, #tpu.memory_space<vmem>>
        %dma_start3A_2187 = tpu.memref_squeeze %dma_start3A_2186 : memref<1x80xi32, #tpu.memory_space<vmem>> -> memref<80xi32, #tpu.memory_space<vmem>>
        %dma_start3A_2188 = arith.constant 0 : i32
        %dma_start3A_2189 = arith.constant 0 : i32
        %dma_start3A_2190 = tpu.memref_slice %arg6[%dma_start3A_2188, %dma_start3A_2189] : memref<1015808x64xf32, #tpu.memory_space<hbm>> -> memref<1015808x64xf32, #tpu.memory_space<hbm>>
        %dma_start3A_2191 = tpu.memref_slice %arg16[%rem3A_2134] : memref<2x!tpu.dma_semaphore, #tpu.memory_space<semaphore_mem>> -> memref<1x!tpu.dma_semaphore, #tpu.memory_space<semaphore_mem>>
        %dma_start3A_2192 = tpu.memref_squeeze %dma_start3A_2191 : memref<1x!tpu.dma_semaphore, #tpu.memory_space<semaphore_mem>> -> memref<!tpu.dma_semaphore, #tpu.memory_space<semaphore_mem>>
        tpu.enqueue_indirect_dma source(%dma_start3A_2190 : memref<1015808x64xf32, #tpu.memory_space<hbm>>) target(%dma_start3A_2184 : memref<80x64xf32, #tpu.memory_space<vmem>>) offsets(%dma_start3A_2187 : memref<80xi32, #tpu.memory_space<vmem>>) semaphore(%dma_start3A_2192 : memref<!tpu.dma_semaphore, #tpu.memory_space<semaphore_mem>>)
        %add3A_2193 = arith.constant 2 : i32
        %add3A_2194 = arith.addi %mul3A_2136, %add3A_2193 : i32
        %dma_start3A_2195 = arith.constant 160 : i32
        %dma_start3A_2196 = arith.constant 0 : i32
        %dma_start3A_2197 = tpu.memref_slice %arg12[%rem3A_2134, %dma_start3A_2195, %dma_start3A_2196] : memref<2x656x64xf32, #tpu.memory_space<vmem>> -> memref<1x80x64xf32, #tpu.memory_space<vmem>>
        %dma_start3A_2198 = tpu.memref_squeeze %dma_start3A_2197 : memref<1x80x64xf32, #tpu.memory_space<vmem>> -> memref<80x64xf32, #tpu.memory_space<vmem>>
        %dma_start3A_2199 = arith.constant 0 : i32
        %dma_start3A_2200 = tpu.memref_slice %arg9[%add3A_2194, %dma_start3A_2199] : memref<128x80xi32, #tpu.memory_space<vmem>> -> memref<1x80xi32, #tpu.memory_space<vmem>>
        %dma_start3A_2201 = tpu.memref_squeeze %dma_start3A_2200 : memref<1x80xi32, #tpu.memory_space<vmem>> -> memref<80xi32, #tpu.memory_space<vmem>>
        %dma_start3A_2202 = arith.constant 0 : i32
        %dma_start3A_2203 = arith.constant 0 : i32
        %dma_start3A_2204 = tpu.memref_slice %arg5[%dma_start3A_2202, %dma_start3A_2203] : memref<1015808x64xf32, #tpu.memory_space<hbm>> -> memref<1015808x64xf32, #tpu.memory_space<hbm>>
        %dma_start3A_2205 = tpu.memref_slice %arg16[%rem3A_2134] : memref<2x!tpu.dma_semaphore, #tpu.memory_space<semaphore_mem>> -> memref<1x!tpu.dma_semaphore, #tpu.memory_space<semaphore_mem>>
        %dma_start3A_2206 = tpu.memref_squeeze %dma_start3A_2205 : memref<1x!tpu.dma_semaphore, #tpu.memory_space<semaphore_mem>> -> memref<!tpu.dma_semaphore, #tpu.memory_space<semaphore_mem>>
        tpu.enqueue_indirect_dma source(%dma_start3A_2204 : memref<1015808x64xf32, #tpu.memory_space<hbm>>) target(%dma_start3A_2198 : memref<80x64xf32, #tpu.memory_space<vmem>>) offsets(%dma_start3A_2201 : memref<80xi32, #tpu.memory_space<vmem>>) semaphore(%dma_start3A_2206 : memref<!tpu.dma_semaphore, #tpu.memory_space<semaphore_mem>>)
        %add3A_2207 = arith.constant 2 : i32
        %add3A_2208 = arith.addi %mul3A_2136, %add3A_2207 : i32
        %dma_start3A_2209 = arith.constant 480 : i32
        %dma_start3A_2210 = arith.constant 0 : i32
        %dma_start3A_2211 = tpu.memref_slice %arg12[%rem3A_2134, %dma_start3A_2209, %dma_start3A_2210] : memref<2x656x64xf32, #tpu.memory_space<vmem>> -> memref<1x80x64xf32, #tpu.memory_space<vmem>>
        %dma_start3A_2212 = tpu.memref_squeeze %dma_start3A_2211 : memref<1x80x64xf32, #tpu.memory_space<vmem>> -> memref<80x64xf32, #tpu.memory_space<vmem>>
        %dma_start3A_2213 = arith.constant 0 : i32
        %dma_start3A_2214 = tpu.memref_slice %arg10[%add3A_2208, %dma_start3A_2213] : memref<128x80xi32, #tpu.memory_space<vmem>> -> memref<1x80xi32, #tpu.memory_space<vmem>>
        %dma_start3A_2215 = tpu.memref_squeeze %dma_start3A_2214 : memref<1x80xi32, #tpu.memory_space<vmem>> -> memref<80xi32, #tpu.memory_space<vmem>>
        %dma_start3A_2216 = arith.constant 0 : i32
        %dma_start3A_2217 = arith.constant 0 : i32
        %dma_start3A_2218 = tpu.memref_slice %arg6[%dma_start3A_2216, %dma_start3A_2217] : memref<1015808x64xf32, #tpu.memory_space<hbm>> -> memref<1015808x64xf32, #tpu.memory_space<hbm>>
        %dma_start3A_2219 = tpu.memref_slice %arg16[%rem3A_2134] : memref<2x!tpu.dma_semaphore, #tpu.memory_space<semaphore_mem>> -> memref<1x!tpu.dma_semaphore, #tpu.memory_space<semaphore_mem>>
        %dma_start3A_2220 = tpu.memref_squeeze %dma_start3A_2219 : memref<1x!tpu.dma_semaphore, #tpu.memory_space<semaphore_mem>> -> memref<!tpu.dma_semaphore, #tpu.memory_space<semaphore_mem>>
        tpu.enqueue_indirect_dma source(%dma_start3A_2218 : memref<1015808x64xf32, #tpu.memory_space<hbm>>) target(%dma_start3A_2212 : memref<80x64xf32, #tpu.memory_space<vmem>>) offsets(%dma_start3A_2215 : memref<80xi32, #tpu.memory_space<vmem>>) semaphore(%dma_start3A_2220 : memref<!tpu.dma_semaphore, #tpu.memory_space<semaphore_mem>>)
        %add3A_2221 = arith.constant 3 : i32
        %add3A_2222 = arith.addi %mul3A_2136, %add3A_2221 : i32
        %dma_start3A_2223 = arith.constant 240 : i32
        %dma_start3A_2224 = arith.constant 0 : i32
        %dma_start3A_2225 = tpu.memref_slice %arg12[%rem3A_2134, %dma_start3A_2223, %dma_start3A_2224] : memref<2x656x64xf32, #tpu.memory_space<vmem>> -> memref<1x80x64xf32, #tpu.memory_space<vmem>>
        %dma_start3A_2226 = tpu.memref_squeeze %dma_start3A_2225 : memref<1x80x64xf32, #tpu.memory_space<vmem>> -> memref<80x64xf32, #tpu.memory_space<vmem>>
        %dma_start3A_2227 = arith.constant 0 : i32
        %dma_start3A_2228 = tpu.memref_slice %arg9[%add3A_2222, %dma_start3A_2227] : memref<128x80xi32, #tpu.memory_space<vmem>> -> memref<1x80xi32, #tpu.memory_space<vmem>>
        %dma_start3A_2229 = tpu.memref_squeeze %dma_start3A_2228 : memref<1x80xi32, #tpu.memory_space<vmem>> -> memref<80xi32, #tpu.memory_space<vmem>>
        %dma_start3A_2230 = arith.constant 0 : i32
        %dma_start3A_2231 = arith.constant 0 : i32
        %dma_start3A_2232 = tpu.memref_slice %arg5[%dma_start3A_2230, %dma_start3A_2231] : memref<1015808x64xf32, #tpu.memory_space<hbm>> -> memref<1015808x64xf32, #tpu.memory_space<hbm>>
        %dma_start3A_2233 = tpu.memref_slice %arg16[%rem3A_2134] : memref<2x!tpu.dma_semaphore, #tpu.memory_space<semaphore_mem>> -> memref<1x!tpu.dma_semaphore, #tpu.memory_space<semaphore_mem>>
        %dma_start3A_2234 = tpu.memref_squeeze %dma_start3A_2233 : memref<1x!tpu.dma_semaphore, #tpu.memory_space<semaphore_mem>> -> memref<!tpu.dma_semaphore, #tpu.memory_space<semaphore_mem>>
        tpu.enqueue_indirect_dma source(%dma_start3A_2232 : memref<1015808x64xf32, #tpu.memory_space<hbm>>) target(%dma_start3A_2226 : memref<80x64xf32, #tpu.memory_space<vmem>>) offsets(%dma_start3A_2229 : memref<80xi32, #tpu.memory_space<vmem>>) semaphore(%dma_start3A_2234 : memref<!tpu.dma_semaphore, #tpu.memory_space<semaphore_mem>>)
        %add3A_2235 = arith.constant 3 : i32
        %add3A_2236 = arith.addi %mul3A_2136, %add3A_2235 : i32
        %dma_start3A_2237 = arith.constant 560 : i32
        %dma_start3A_2238 = arith.constant 0 : i32
        %dma_start3A_2239 = tpu.memref_slice %arg12[%rem3A_2134, %dma_start3A_2237, %dma_start3A_2238] : memref<2x656x64xf32, #tpu.memory_space<vmem>> -> memref<1x80x64xf32, #tpu.memory_space<vmem>>
        %dma_start3A_2240 = tpu.memref_squeeze %dma_start3A_2239 : memref<1x80x64xf32, #tpu.memory_space<vmem>> -> memref<80x64xf32, #tpu.memory_space<vmem>>
        %dma_start3A_2241 = arith.constant 0 : i32
        %dma_start3A_2242 = tpu.memref_slice %arg10[%add3A_2236, %dma_start3A_2241] : memref<128x80xi32, #tpu.memory_space<vmem>> -> memref<1x80xi32, #tpu.memory_space<vmem>>
        %dma_start3A_2243 = tpu.memref_squeeze %dma_start3A_2242 : memref<1x80xi32, #tpu.memory_space<vmem>> -> memref<80xi32, #tpu.memory_space<vmem>>
        %dma_start3A_2244 = arith.constant 0 : i32
        %dma_start3A_2245 = arith.constant 0 : i32
        %dma_start3A_2246 = tpu.memref_slice %arg6[%dma_start3A_2244, %dma_start3A_2245] : memref<1015808x64xf32, #tpu.memory_space<hbm>> -> memref<1015808x64xf32, #tpu.memory_space<hbm>>
        %dma_start3A_2247 = tpu.memref_slice %arg16[%rem3A_2134] : memref<2x!tpu.dma_semaphore, #tpu.memory_space<semaphore_mem>> -> memref<1x!tpu.dma_semaphore, #tpu.memory_space<semaphore_mem>>
        %dma_start3A_2248 = tpu.memref_squeeze %dma_start3A_2247 : memref<1x!tpu.dma_semaphore, #tpu.memory_space<semaphore_mem>> -> memref<!tpu.dma_semaphore, #tpu.memory_space<semaphore_mem>>
        tpu.enqueue_indirect_dma source(%dma_start3A_2246 : memref<1015808x64xf32, #tpu.memory_space<hbm>>) target(%dma_start3A_2240 : memref<80x64xf32, #tpu.memory_space<vmem>>) offsets(%dma_start3A_2243 : memref<80xi32, #tpu.memory_space<vmem>>) semaphore(%dma_start3A_2248 : memref<!tpu.dma_semaphore, #tpu.memory_space<semaphore_mem>>)
        %dma_start3A_2249 = arith.constant 640 : i32
        %dma_start3A_2250 = arith.constant 0 : i32
        %dma_start3A_2251 = tpu.memref_slice %arg12[%rem3A_2134, %dma_start3A_2249, %dma_start3A_2250] : memref<2x656x64xf32, #tpu.memory_space<vmem>> -> memref<1x16x64xf32, #tpu.memory_space<vmem>>
        %dma_start3A_2252 = tpu.memref_squeeze %dma_start3A_2251 : memref<1x16x64xf32, #tpu.memory_space<vmem>> -> memref<16x64xf32, #tpu.memory_space<vmem>>
        %dma_start3A_2253 = arith.constant 0 : i32
        %dma_start3A_2254 = tpu.memref_slice %arg11[%add3A_2132, %dma_start3A_2253] : memref<32x16xi32, #tpu.memory_space<vmem>> -> memref<1x16xi32, #tpu.memory_space<vmem>>
        %dma_start3A_2255 = tpu.memref_squeeze %dma_start3A_2254 : memref<1x16xi32, #tpu.memory_space<vmem>> -> memref<16xi32, #tpu.memory_space<vmem>>
        %dma_start3A_2256 = arith.constant 0 : i32
        %dma_start3A_2257 = arith.constant 0 : i32
        %dma_start3A_2258 = tpu.memref_slice %arg6[%dma_start3A_2256, %dma_start3A_2257] : memref<1015808x64xf32, #tpu.memory_space<hbm>> -> memref<1015808x64xf32, #tpu.memory_space<hbm>>
        %dma_start3A_2259 = tpu.memref_slice %arg16[%rem3A_2134] : memref<2x!tpu.dma_semaphore, #tpu.memory_space<semaphore_mem>> -> memref<1x!tpu.dma_semaphore, #tpu.memory_space<semaphore_mem>>
        %dma_start3A_2260 = tpu.memref_squeeze %dma_start3A_2259 : memref<1x!tpu.dma_semaphore, #tpu.memory_space<semaphore_mem>> -> memref<!tpu.dma_semaphore, #tpu.memory_space<semaphore_mem>>
        tpu.enqueue_indirect_dma source(%dma_start3A_2258 : memref<1015808x64xf32, #tpu.memory_space<hbm>>) target(%dma_start3A_2252 : memref<16x64xf32, #tpu.memory_space<vmem>>) offsets(%dma_start3A_2255 : memref<16xi32, #tpu.memory_space<vmem>>) semaphore(%dma_start3A_2260 : memref<!tpu.dma_semaphore, #tpu.memory_space<semaphore_mem>>)
      } else {
      }
      %rem3A_201 = arith.constant 2 : i32
      %rem3A_202 = arith.remsi %scan3A_191, %rem3A_201 : i32
      %dma_wait3A_203 = arith.constant 0 : i32
      %dma_wait3A_204 = arith.constant 0 : i32
      %dma_wait3A_205 = arith.constant 0 : i32
      %dma_wait3A_206 = tpu.memref_slice %arg12[%rem3A_202, %dma_wait3A_204, %dma_wait3A_205] : memref<2x656x64xf32, #tpu.memory_space<vmem>> -> memref<1x80x64xf32, #tpu.memory_space<vmem>>
      %dma_wait3A_207 = tpu.memref_squeeze %dma_wait3A_206 : memref<1x80x64xf32, #tpu.memory_space<vmem>> -> memref<80x64xf32, #tpu.memory_space<vmem>>
      %dma_wait3A_208 = arith.constant 0 : i32
      %dma_wait3A_209 = tpu.memref_slice %arg9[%dma_wait3A_203, %dma_wait3A_208] : memref<128x80xi32, #tpu.memory_space<vmem>> -> memref<1x80xi32, #tpu.memory_space<vmem>>
      %dma_wait3A_210 = tpu.memref_squeeze %dma_wait3A_209 : memref<1x80xi32, #tpu.memory_space<vmem>> -> memref<80xi32, #tpu.memory_space<vmem>>
      %dma_wait3A_211 = arith.constant 0 : i32
      %dma_wait3A_212 = arith.constant 0 : i32
      %dma_wait3A_213 = tpu.memref_slice %arg5[%dma_wait3A_211, %dma_wait3A_212] : memref<1015808x64xf32, #tpu.memory_space<hbm>> -> memref<1015808x64xf32, #tpu.memory_space<hbm>>
      %dma_wait3A_214 = tpu.memref_slice %arg16[%rem3A_202] : memref<2x!tpu.dma_semaphore, #tpu.memory_space<semaphore_mem>> -> memref<1x!tpu.dma_semaphore, #tpu.memory_space<semaphore_mem>>
      %dma_wait3A_215 = tpu.memref_squeeze %dma_wait3A_214 : memref<1x!tpu.dma_semaphore, #tpu.memory_space<semaphore_mem>> -> memref<!tpu.dma_semaphore, #tpu.memory_space<semaphore_mem>>
      tpu.wait_indirect_dma semaphore(%dma_wait3A_215 : memref<!tpu.dma_semaphore, #tpu.memory_space<semaphore_mem>>) src(%dma_wait3A_213 : memref<1015808x64xf32, #tpu.memory_space<hbm>>) dst(%dma_wait3A_207 : memref<80x64xf32, #tpu.memory_space<vmem>>)
      %dma_wait3A_216 = arith.constant 0 : i32
      %dma_wait3A_217 = arith.constant 320 : i32
      %dma_wait3A_218 = arith.constant 0 : i32
      %dma_wait3A_219 = tpu.memref_slice %arg12[%rem3A_202, %dma_wait3A_217, %dma_wait3A_218] : memref<2x656x64xf32, #tpu.memory_space<vmem>> -> memref<1x80x64xf32, #tpu.memory_space<vmem>>
      %dma_wait3A_220 = tpu.memref_squeeze %dma_wait3A_219 : memref<1x80x64xf32, #tpu.memory_space<vmem>> -> memref<80x64xf32, #tpu.memory_space<vmem>>
      %dma_wait3A_221 = arith.constant 0 : i32
      %dma_wait3A_222 = tpu.memref_slice %arg10[%dma_wait3A_216, %dma_wait3A_221] : memref<128x80xi32, #tpu.memory_space<vmem>> -> memref<1x80xi32, #tpu.memory_space<vmem>>
      %dma_wait3A_223 = tpu.memref_squeeze %dma_wait3A_222 : memref<1x80xi32, #tpu.memory_space<vmem>> -> memref<80xi32, #tpu.memory_space<vmem>>
      %dma_wait3A_224 = arith.constant 0 : i32
      %dma_wait3A_225 = arith.constant 0 : i32
      %dma_wait3A_226 = tpu.memref_slice %arg6[%dma_wait3A_224, %dma_wait3A_225] : memref<1015808x64xf32, #tpu.memory_space<hbm>> -> memref<1015808x64xf32, #tpu.memory_space<hbm>>
      %dma_wait3A_227 = tpu.memref_slice %arg16[%rem3A_202] : memref<2x!tpu.dma_semaphore, #tpu.memory_space<semaphore_mem>> -> memref<1x!tpu.dma_semaphore, #tpu.memory_space<semaphore_mem>>
      %dma_wait3A_228 = tpu.memref_squeeze %dma_wait3A_227 : memref<1x!tpu.dma_semaphore, #tpu.memory_space<semaphore_mem>> -> memref<!tpu.dma_semaphore, #tpu.memory_space<semaphore_mem>>
      tpu.wait_indirect_dma semaphore(%dma_wait3A_228 : memref<!tpu.dma_semaphore, #tpu.memory_space<semaphore_mem>>) src(%dma_wait3A_226 : memref<1015808x64xf32, #tpu.memory_space<hbm>>) dst(%dma_wait3A_220 : memref<80x64xf32, #tpu.memory_space<vmem>>)
      %dma_wait3A_229 = arith.constant 0 : i32
      %dma_wait3A_230 = arith.constant 80 : i32
      %dma_wait3A_231 = arith.constant 0 : i32
      %dma_wait3A_232 = tpu.memref_slice %arg12[%rem3A_202, %dma_wait3A_230, %dma_wait3A_231] : memref<2x656x64xf32, #tpu.memory_space<vmem>> -> memref<1x80x64xf32, #tpu.memory_space<vmem>>
      %dma_wait3A_233 = tpu.memref_squeeze %dma_wait3A_232 : memref<1x80x64xf32, #tpu.memory_space<vmem>> -> memref<80x64xf32, #tpu.memory_space<vmem>>
      %dma_wait3A_234 = arith.constant 0 : i32
      %dma_wait3A_235 = tpu.memref_slice %arg9[%dma_wait3A_229, %dma_wait3A_234] : memref<128x80xi32, #tpu.memory_space<vmem>> -> memref<1x80xi32, #tpu.memory_space<vmem>>
      %dma_wait3A_236 = tpu.memref_squeeze %dma_wait3A_235 : memref<1x80xi32, #tpu.memory_space<vmem>> -> memref<80xi32, #tpu.memory_space<vmem>>
      %dma_wait3A_237 = arith.constant 0 : i32
      %dma_wait3A_238 = arith.constant 0 : i32
      %dma_wait3A_239 = tpu.memref_slice %arg5[%dma_wait3A_237, %dma_wait3A_238] : memref<1015808x64xf32, #tpu.memory_space<hbm>> -> memref<1015808x64xf32, #tpu.memory_space<hbm>>
      %dma_wait3A_240 = tpu.memref_slice %arg16[%rem3A_202] : memref<2x!tpu.dma_semaphore, #tpu.memory_space<semaphore_mem>> -> memref<1x!tpu.dma_semaphore, #tpu.memory_space<semaphore_mem>>
      %dma_wait3A_241 = tpu.memref_squeeze %dma_wait3A_240 : memref<1x!tpu.dma_semaphore, #tpu.memory_space<semaphore_mem>> -> memref<!tpu.dma_semaphore, #tpu.memory_space<semaphore_mem>>
      tpu.wait_indirect_dma semaphore(%dma_wait3A_241 : memref<!tpu.dma_semaphore, #tpu.memory_space<semaphore_mem>>) src(%dma_wait3A_239 : memref<1015808x64xf32, #tpu.memory_space<hbm>>) dst(%dma_wait3A_233 : memref<80x64xf32, #tpu.memory_space<vmem>>)
      %dma_wait3A_242 = arith.constant 0 : i32
      %dma_wait3A_243 = arith.constant 400 : i32
      %dma_wait3A_244 = arith.constant 0 : i32
      %dma_wait3A_245 = tpu.memref_slice %arg12[%rem3A_202, %dma_wait3A_243, %dma_wait3A_244] : memref<2x656x64xf32, #tpu.memory_space<vmem>> -> memref<1x80x64xf32, #tpu.memory_space<vmem>>
      %dma_wait3A_246 = tpu.memref_squeeze %dma_wait3A_245 : memref<1x80x64xf32, #tpu.memory_space<vmem>> -> memref<80x64xf32, #tpu.memory_space<vmem>>
      %dma_wait3A_247 = arith.constant 0 : i32
      %dma_wait3A_248 = tpu.memref_slice %arg10[%dma_wait3A_242, %dma_wait3A_247] : memref<128x80xi32, #tpu.memory_space<vmem>> -> memref<1x80xi32, #tpu.memory_space<vmem>>
      %dma_wait3A_249 = tpu.memref_squeeze %dma_wait3A_248 : memref<1x80xi32, #tpu.memory_space<vmem>> -> memref<80xi32, #tpu.memory_space<vmem>>
      %dma_wait3A_250 = arith.constant 0 : i32
      %dma_wait3A_251 = arith.constant 0 : i32
      %dma_wait3A_252 = tpu.memref_slice %arg6[%dma_wait3A_250, %dma_wait3A_251] : memref<1015808x64xf32, #tpu.memory_space<hbm>> -> memref<1015808x64xf32, #tpu.memory_space<hbm>>
      %dma_wait3A_253 = tpu.memref_slice %arg16[%rem3A_202] : memref<2x!tpu.dma_semaphore, #tpu.memory_space<semaphore_mem>> -> memref<1x!tpu.dma_semaphore, #tpu.memory_space<semaphore_mem>>
      %dma_wait3A_254 = tpu.memref_squeeze %dma_wait3A_253 : memref<1x!tpu.dma_semaphore, #tpu.memory_space<semaphore_mem>> -> memref<!tpu.dma_semaphore, #tpu.memory_space<semaphore_mem>>
      tpu.wait_indirect_dma semaphore(%dma_wait3A_254 : memref<!tpu.dma_semaphore, #tpu.memory_space<semaphore_mem>>) src(%dma_wait3A_252 : memref<1015808x64xf32, #tpu.memory_space<hbm>>) dst(%dma_wait3A_246 : memref<80x64xf32, #tpu.memory_space<vmem>>)
      %dma_wait3A_255 = arith.constant 0 : i32
      %dma_wait3A_256 = arith.constant 160 : i32
      %dma_wait3A_257 = arith.constant 0 : i32
      %dma_wait3A_258 = tpu.memref_slice %arg12[%rem3A_202, %dma_wait3A_256, %dma_wait3A_257] : memref<2x656x64xf32, #tpu.memory_space<vmem>> -> memref<1x80x64xf32, #tpu.memory_space<vmem>>
      %dma_wait3A_259 = tpu.memref_squeeze %dma_wait3A_258 : memref<1x80x64xf32, #tpu.memory_space<vmem>> -> memref<80x64xf32, #tpu.memory_space<vmem>>
      %dma_wait3A_260 = arith.constant 0 : i32
      %dma_wait3A_261 = tpu.memref_slice %arg9[%dma_wait3A_255, %dma_wait3A_260] : memref<128x80xi32, #tpu.memory_space<vmem>> -> memref<1x80xi32, #tpu.memory_space<vmem>>
      %dma_wait3A_262 = tpu.memref_squeeze %dma_wait3A_261 : memref<1x80xi32, #tpu.memory_space<vmem>> -> memref<80xi32, #tpu.memory_space<vmem>>
      %dma_wait3A_263 = arith.constant 0 : i32
      %dma_wait3A_264 = arith.constant 0 : i32
      %dma_wait3A_265 = tpu.memref_slice %arg5[%dma_wait3A_263, %dma_wait3A_264] : memref<1015808x64xf32, #tpu.memory_space<hbm>> -> memref<1015808x64xf32, #tpu.memory_space<hbm>>
      %dma_wait3A_266 = tpu.memref_slice %arg16[%rem3A_202] : memref<2x!tpu.dma_semaphore, #tpu.memory_space<semaphore_mem>> -> memref<1x!tpu.dma_semaphore, #tpu.memory_space<semaphore_mem>>
      %dma_wait3A_267 = tpu.memref_squeeze %dma_wait3A_266 : memref<1x!tpu.dma_semaphore, #tpu.memory_space<semaphore_mem>> -> memref<!tpu.dma_semaphore, #tpu.memory_space<semaphore_mem>>
      tpu.wait_indirect_dma semaphore(%dma_wait3A_267 : memref<!tpu.dma_semaphore, #tpu.memory_space<semaphore_mem>>) src(%dma_wait3A_265 : memref<1015808x64xf32, #tpu.memory_space<hbm>>) dst(%dma_wait3A_259 : memref<80x64xf32, #tpu.memory_space<vmem>>)
      %dma_wait3A_268 = arith.constant 0 : i32
      %dma_wait3A_269 = arith.constant 480 : i32
      %dma_wait3A_270 = arith.constant 0 : i32
      %dma_wait3A_271 = tpu.memref_slice %arg12[%rem3A_202, %dma_wait3A_269, %dma_wait3A_270] : memref<2x656x64xf32, #tpu.memory_space<vmem>> -> memref<1x80x64xf32, #tpu.memory_space<vmem>>
      %dma_wait3A_272 = tpu.memref_squeeze %dma_wait3A_271 : memref<1x80x64xf32, #tpu.memory_space<vmem>> -> memref<80x64xf32, #tpu.memory_space<vmem>>
      %dma_wait3A_273 = arith.constant 0 : i32
      %dma_wait3A_274 = tpu.memref_slice %arg10[%dma_wait3A_268, %dma_wait3A_273] : memref<128x80xi32, #tpu.memory_space<vmem>> -> memref<1x80xi32, #tpu.memory_space<vmem>>
      %dma_wait3A_275 = tpu.memref_squeeze %dma_wait3A_274 : memref<1x80xi32, #tpu.memory_space<vmem>> -> memref<80xi32, #tpu.memory_space<vmem>>
      %dma_wait3A_276 = arith.constant 0 : i32
      %dma_wait3A_277 = arith.constant 0 : i32
      %dma_wait3A_278 = tpu.memref_slice %arg6[%dma_wait3A_276, %dma_wait3A_277] : memref<1015808x64xf32, #tpu.memory_space<hbm>> -> memref<1015808x64xf32, #tpu.memory_space<hbm>>
      %dma_wait3A_279 = tpu.memref_slice %arg16[%rem3A_202] : memref<2x!tpu.dma_semaphore, #tpu.memory_space<semaphore_mem>> -> memref<1x!tpu.dma_semaphore, #tpu.memory_space<semaphore_mem>>
      %dma_wait3A_280 = tpu.memref_squeeze %dma_wait3A_279 : memref<1x!tpu.dma_semaphore, #tpu.memory_space<semaphore_mem>> -> memref<!tpu.dma_semaphore, #tpu.memory_space<semaphore_mem>>
      tpu.wait_indirect_dma semaphore(%dma_wait3A_280 : memref<!tpu.dma_semaphore, #tpu.memory_space<semaphore_mem>>) src(%dma_wait3A_278 : memref<1015808x64xf32, #tpu.memory_space<hbm>>) dst(%dma_wait3A_272 : memref<80x64xf32, #tpu.memory_space<vmem>>)
      %dma_wait3A_281 = arith.constant 0 : i32
      %dma_wait3A_282 = arith.constant 240 : i32
      %dma_wait3A_283 = arith.constant 0 : i32
      %dma_wait3A_284 = tpu.memref_slice %arg12[%rem3A_202, %dma_wait3A_282, %dma_wait3A_283] : memref<2x656x64xf32, #tpu.memory_space<vmem>> -> memref<1x80x64xf32, #tpu.memory_space<vmem>>
      %dma_wait3A_285 = tpu.memref_squeeze %dma_wait3A_284 : memref<1x80x64xf32, #tpu.memory_space<vmem>> -> memref<80x64xf32, #tpu.memory_space<vmem>>
      %dma_wait3A_286 = arith.constant 0 : i32
      %dma_wait3A_287 = tpu.memref_slice %arg9[%dma_wait3A_281, %dma_wait3A_286] : memref<128x80xi32, #tpu.memory_space<vmem>> -> memref<1x80xi32, #tpu.memory_space<vmem>>
      %dma_wait3A_288 = tpu.memref_squeeze %dma_wait3A_287 : memref<1x80xi32, #tpu.memory_space<vmem>> -> memref<80xi32, #tpu.memory_space<vmem>>
      %dma_wait3A_289 = arith.constant 0 : i32
      %dma_wait3A_290 = arith.constant 0 : i32
      %dma_wait3A_291 = tpu.memref_slice %arg5[%dma_wait3A_289, %dma_wait3A_290] : memref<1015808x64xf32, #tpu.memory_space<hbm>> -> memref<1015808x64xf32, #tpu.memory_space<hbm>>
      %dma_wait3A_292 = tpu.memref_slice %arg16[%rem3A_202] : memref<2x!tpu.dma_semaphore, #tpu.memory_space<semaphore_mem>> -> memref<1x!tpu.dma_semaphore, #tpu.memory_space<semaphore_mem>>
      %dma_wait3A_293 = tpu.memref_squeeze %dma_wait3A_292 : memref<1x!tpu.dma_semaphore, #tpu.memory_space<semaphore_mem>> -> memref<!tpu.dma_semaphore, #tpu.memory_space<semaphore_mem>>
      tpu.wait_indirect_dma semaphore(%dma_wait3A_293 : memref<!tpu.dma_semaphore, #tpu.memory_space<semaphore_mem>>) src(%dma_wait3A_291 : memref<1015808x64xf32, #tpu.memory_space<hbm>>) dst(%dma_wait3A_285 : memref<80x64xf32, #tpu.memory_space<vmem>>)
      %dma_wait3A_294 = arith.constant 0 : i32
      %dma_wait3A_295 = arith.constant 560 : i32
      %dma_wait3A_296 = arith.constant 0 : i32
      %dma_wait3A_297 = tpu.memref_slice %arg12[%rem3A_202, %dma_wait3A_295, %dma_wait3A_296] : memref<2x656x64xf32, #tpu.memory_space<vmem>> -> memref<1x80x64xf32, #tpu.memory_space<vmem>>
      %dma_wait3A_298 = tpu.memref_squeeze %dma_wait3A_297 : memref<1x80x64xf32, #tpu.memory_space<vmem>> -> memref<80x64xf32, #tpu.memory_space<vmem>>
      %dma_wait3A_299 = arith.constant 0 : i32
      %dma_wait3A_300 = tpu.memref_slice %arg10[%dma_wait3A_294, %dma_wait3A_299] : memref<128x80xi32, #tpu.memory_space<vmem>> -> memref<1x80xi32, #tpu.memory_space<vmem>>
      %dma_wait3A_301 = tpu.memref_squeeze %dma_wait3A_300 : memref<1x80xi32, #tpu.memory_space<vmem>> -> memref<80xi32, #tpu.memory_space<vmem>>
      %dma_wait3A_302 = arith.constant 0 : i32
      %dma_wait3A_303 = arith.constant 0 : i32
      %dma_wait3A_304 = tpu.memref_slice %arg6[%dma_wait3A_302, %dma_wait3A_303] : memref<1015808x64xf32, #tpu.memory_space<hbm>> -> memref<1015808x64xf32, #tpu.memory_space<hbm>>
      %dma_wait3A_305 = tpu.memref_slice %arg16[%rem3A_202] : memref<2x!tpu.dma_semaphore, #tpu.memory_space<semaphore_mem>> -> memref<1x!tpu.dma_semaphore, #tpu.memory_space<semaphore_mem>>
      %dma_wait3A_306 = tpu.memref_squeeze %dma_wait3A_305 : memref<1x!tpu.dma_semaphore, #tpu.memory_space<semaphore_mem>> -> memref<!tpu.dma_semaphore, #tpu.memory_space<semaphore_mem>>
      tpu.wait_indirect_dma semaphore(%dma_wait3A_306 : memref<!tpu.dma_semaphore, #tpu.memory_space<semaphore_mem>>) src(%dma_wait3A_304 : memref<1015808x64xf32, #tpu.memory_space<hbm>>) dst(%dma_wait3A_298 : memref<80x64xf32, #tpu.memory_space<vmem>>)
      %dma_wait3A_307 = arith.constant 0 : i32
      %dma_wait3A_308 = arith.constant 640 : i32
      %dma_wait3A_309 = arith.constant 0 : i32
      %dma_wait3A_310 = tpu.memref_slice %arg12[%rem3A_202, %dma_wait3A_308, %dma_wait3A_309] : memref<2x656x64xf32, #tpu.memory_space<vmem>> -> memref<1x16x64xf32, #tpu.memory_space<vmem>>
      %dma_wait3A_311 = tpu.memref_squeeze %dma_wait3A_310 : memref<1x16x64xf32, #tpu.memory_space<vmem>> -> memref<16x64xf32, #tpu.memory_space<vmem>>
      %dma_wait3A_312 = arith.constant 0 : i32
      %dma_wait3A_313 = tpu.memref_slice %arg11[%dma_wait3A_307, %dma_wait3A_312] : memref<32x16xi32, #tpu.memory_space<vmem>> -> memref<1x16xi32, #tpu.memory_space<vmem>>
      %dma_wait3A_314 = tpu.memref_squeeze %dma_wait3A_313 : memref<1x16xi32, #tpu.memory_space<vmem>> -> memref<16xi32, #tpu.memory_space<vmem>>
      %dma_wait3A_315 = arith.constant 0 : i32
      %dma_wait3A_316 = arith.constant 0 : i32
      %dma_wait3A_317 = tpu.memref_slice %arg6[%dma_wait3A_315, %dma_wait3A_316] : memref<1015808x64xf32, #tpu.memory_space<hbm>> -> memref<1015808x64xf32, #tpu.memory_space<hbm>>
      %dma_wait3A_318 = tpu.memref_slice %arg16[%rem3A_202] : memref<2x!tpu.dma_semaphore, #tpu.memory_space<semaphore_mem>> -> memref<1x!tpu.dma_semaphore, #tpu.memory_space<semaphore_mem>>
      %dma_wait3A_319 = tpu.memref_squeeze %dma_wait3A_318 : memref<1x!tpu.dma_semaphore, #tpu.memory_space<semaphore_mem>> -> memref<!tpu.dma_semaphore, #tpu.memory_space<semaphore_mem>>
      tpu.wait_indirect_dma semaphore(%dma_wait3A_319 : memref<!tpu.dma_semaphore, #tpu.memory_space<semaphore_mem>>) src(%dma_wait3A_317 : memref<1015808x64xf32, #tpu.memory_space<hbm>>) dst(%dma_wait3A_311 : memref<16x64xf32, #tpu.memory_space<vmem>>)
      %scan3A_320 = arith.constant 0 : i32
      %scan3A_321 = arith.constant 0 : i32
      %scan3A_322 = arith.constant 16 : i32
      %scan3A_323 = arith.addi %scan3A_321, %scan3A_322 : i32
      %scan3A_324 = arith.constant 1 : i32
      scf.for %scan3A_2131 = %scan3A_321 to %scan3A_323 step %scan3A_324  : i32 {
        %mul3A_2132 = arith.constant 20 : i32
        %mul3A_2133 = arith.muli %scan3A_2131, %mul3A_2132 : i32
        %get3A = arith.index_cast %rem3A_193 : i32 to index
        %get3A_2134 = arith.index_cast %mul3A_2133 : i32 to index
        %get3A_2135 = arith.constant 0 : index
        %get3A_2136 = tpu.vector_load %arg12[%get3A, %get3A_2134, %get3A_2135] {strides = array<i32>} : memref<2x656x64xf32, #tpu.memory_space<vmem>>, vector<16xf32>,
        %get3A_2137 = arith.index_cast %rem3A_193 : i32 to index
        %get3A_2138 = arith.index_cast %mul3A_2133 : i32 to index
        %get3A_2139 = arith.constant 16 : index
        %get3A_2140 = tpu.vector_load %arg12[%get3A_2137, %get3A_2138, %get3A_2139] {strides = array<i32>} : memref<2x656x64xf32, #tpu.memory_space<vmem>>, vector<16xf32>,
        %get3A_2141 = arith.index_cast %rem3A_193 : i32 to index
        %get3A_2142 = arith.index_cast %mul3A_2133 : i32 to index
        %get3A_2143 = arith.constant 32 : index
        %get3A_2144 = tpu.vector_load %arg12[%get3A_2141, %get3A_2142, %get3A_2143] {strides = array<i32>} : memref<2x656x64xf32, #tpu.memory_space<vmem>>, vector<16xf32>,
        %get3A_2145 = arith.index_cast %rem3A_193 : i32 to index
        %get3A_2146 = arith.index_cast %mul3A_2133 : i32 to index
        %get3A_2147 = arith.constant 48 : index
        %get3A_2148 = tpu.vector_load %arg12[%get3A_2145, %get3A_2146, %get3A_2147] {strides = array<i32>} : memref<2x656x64xf32, #tpu.memory_space<vmem>>, vector<16xf32>,
        %add3A_2149 = arith.constant 1 : i32
        %add3A_2150 = arith.addi %mul3A_2133, %add3A_2149 : i32
        %get3A_2151 = arith.index_cast %rem3A_193 : i32 to index
        %get3A_2152 = arith.index_cast %add3A_2150 : i32 to index
        %get3A_2153 = arith.constant 0 : index
        %get3A_2154 = tpu.vector_load %arg12[%get3A_2151, %get3A_2152, %get3A_2153] {strides = array<i32>} : memref<2x656x64xf32, #tpu.memory_space<vmem>>, vector<16xf32>,
        %add3A_2155 = arith.addf %get3A_2136, %get3A_2154 : vector<16xf32>
        %add3A_2156 = arith.constant 1 : i32
        %add3A_2157 = arith.addi %mul3A_2133, %add3A_2156 : i32
        %get3A_2158 = arith.index_cast %rem3A_193 : i32 to index
        %get3A_2159 = arith.index_cast %add3A_2157 : i32 to index
        %get3A_2160 = arith.constant 16 : index
        %get3A_2161 = tpu.vector_load %arg12[%get3A_2158, %get3A_2159, %get3A_2160] {strides = array<i32>} : memref<2x656x64xf32, #tpu.memory_space<vmem>>, vector<16xf32>,
        %add3A_2162 = arith.addf %get3A_2140, %get3A_2161 : vector<16xf32>
        %add3A_2163 = arith.constant 1 : i32
        %add3A_2164 = arith.addi %mul3A_2133, %add3A_2163 : i32
        %get3A_2165 = arith.index_cast %rem3A_193 : i32 to index
        %get3A_2166 = arith.index_cast %add3A_2164 : i32 to index
        %get3A_2167 = arith.constant 32 : index
        %get3A_2168 = tpu.vector_load %arg12[%get3A_2165, %get3A_2166, %get3A_2167] {strides = array<i32>} : memref<2x656x64xf32, #tpu.memory_space<vmem>>, vector<16xf32>,
        %add3A_2169 = arith.addf %get3A_2144, %get3A_2168 : vector<16xf32>
        %add3A_2170 = arith.constant 1 : i32
        %add3A_2171 = arith.addi %mul3A_2133, %add3A_2170 : i32
        %get3A_2172 = arith.index_cast %rem3A_193 : i32 to index
        %get3A_2173 = arith.index_cast %add3A_2171 : i32 to index
        %get3A_2174 = arith.constant 48 : index
        %get3A_2175 = tpu.vector_load %arg12[%get3A_2172, %get3A_2173, %get3A_2174] {strides = array<i32>} : memref<2x656x64xf32, #tpu.memory_space<vmem>>, vector<16xf32>,
        %add3A_2176 = arith.addf %get3A_2148, %get3A_2175 : vector<16xf32>
        %add3A_2177 = arith.constant 2 : i32
        %add3A_2178 = arith.addi %mul3A_2133, %add3A_2177 : i32
        %get3A_2179 = arith.index_cast %rem3A_193 : i32 to index
        %get3A_2180 = arith.index_cast %add3A_2178 : i32 to index
        %get3A_2181 = arith.constant 0 : index
        %get3A_2182 = tpu.vector_load %arg12[%get3A_2179, %get3A_2180, %get3A_2181] {strides = array<i32>} : memref<2x656x64xf32, #tpu.memory_space<vmem>>, vector<16xf32>,
        %add3A_2183 = arith.addf %add3A_2155, %get3A_2182 : vector<16xf32>
        %add3A_2184 = arith.constant 2 : i32
        %add3A_2185 = arith.addi %mul3A_2133, %add3A_2184 : i32
        %get3A_2186 = arith.index_cast %rem3A_193 : i32 to index
        %get3A_2187 = arith.index_cast %add3A_2185 : i32 to index
        %get3A_2188 = arith.constant 16 : index
        %get3A_2189 = tpu.vector_load %arg12[%get3A_2186, %get3A_2187, %get3A_2188] {strides = array<i32>} : memref<2x656x64xf32, #tpu.memory_space<vmem>>, vector<16xf32>,
        %add3A_2190 = arith.addf %add3A_2162, %get3A_2189 : vector<16xf32>
        %add3A_2191 = arith.constant 2 : i32
        %add3A_2192 = arith.addi %mul3A_2133, %add3A_2191 : i32
        %get3A_2193 = arith.index_cast %rem3A_193 : i32 to index
        %get3A_2194 = arith.index_cast %add3A_2192 : i32 to index
        %get3A_2195 = arith.constant 32 : index
        %get3A_2196 = tpu.vector_load %arg12[%get3A_2193, %get3A_2194, %get3A_2195] {strides = array<i32>} : memref<2x656x64xf32, #tpu.memory_space<vmem>>, vector<16xf32>,
        %add3A_2197 = arith.addf %add3A_2169, %get3A_2196 : vector<16xf32>
        %add3A_2198 = arith.constant 2 : i32
        %add3A_2199 = arith.addi %mul3A_2133, %add3A_2198 : i32
        %get3A_2200 = arith.index_cast %rem3A_193 : i32 to index
        %get3A_2201 = arith.index_cast %add3A_2199 : i32 to index
        %get3A_2202 = arith.constant 48 : index
        %get3A_2203 = tpu.vector_load %arg12[%get3A_2200, %get3A_2201, %get3A_2202] {strides = array<i32>} : memref<2x656x64xf32, #tpu.memory_space<vmem>>, vector<16xf32>,
        %add3A_2204 = arith.addf %add3A_2176, %get3A_2203 : vector<16xf32>
        %add3A_2205 = arith.constant 3 : i32
        %add3A_2206 = arith.addi %mul3A_2133, %add3A_2205 : i32
        %get3A_2207 = arith.index_cast %rem3A_193 : i32 to index
        %get3A_2208 = arith.index_cast %add3A_2206 : i32 to index
        %get3A_2209 = arith.constant 0 : index
        %get3A_2210 = tpu.vector_load %arg12[%get3A_2207, %get3A_2208, %get3A_2209] {strides = array<i32>} : memref<2x656x64xf32, #tpu.memory_space<vmem>>, vector<16xf32>,
        %add3A_2211 = arith.addf %add3A_2183, %get3A_2210 : vector<16xf32>
        %add3A_2212 = arith.constant 3 : i32
        %add3A_2213 = arith.addi %mul3A_2133, %add3A_2212 : i32
        %get3A_2214 = arith.index_cast %rem3A_193 : i32 to index
        %get3A_2215 = arith.index_cast %add3A_2213 : i32 to index
        %get3A_2216 = arith.constant 16 : index
        %get3A_2217 = tpu.vector_load %arg12[%get3A_2214, %get3A_2215, %get3A_2216] {strides = array<i32>} : memref<2x656x64xf32, #tpu.memory_space<vmem>>, vector<16xf32>,
        %add3A_2218 = arith.addf %add3A_2190, %get3A_2217 : vector<16xf32>
        %add3A_2219 = arith.constant 3 : i32
        %add3A_2220 = arith.addi %mul3A_2133, %add3A_2219 : i32
        %get3A_2221 = arith.index_cast %rem3A_193 : i32 to index
        %get3A_2222 = arith.index_cast %add3A_2220 : i32 to index
        %get3A_2223 = arith.constant 32 : index
        %get3A_2224 = tpu.vector_load %arg12[%get3A_2221, %get3A_2222, %get3A_2223] {strides = array<i32>} : memref<2x656x64xf32, #tpu.memory_space<vmem>>, vector<16xf32>,
        %add3A_2225 = arith.addf %add3A_2197, %get3A_2224 : vector<16xf32>
        %add3A_2226 = arith.constant 3 : i32
        %add3A_2227 = arith.addi %mul3A_2133, %add3A_2226 : i32
        %get3A_2228 = arith.index_cast %rem3A_193 : i32 to index
        %get3A_2229 = arith.index_cast %add3A_2227 : i32 to index
        %get3A_2230 = arith.constant 48 : index
        %get3A_2231 = tpu.vector_load %arg12[%get3A_2228, %get3A_2229, %get3A_2230] {strides = array<i32>} : memref<2x656x64xf32, #tpu.memory_space<vmem>>, vector<16xf32>,
        %add3A_2232 = arith.addf %add3A_2204, %get3A_2231 : vector<16xf32>
        %add3A_2233 = arith.constant 4 : i32
        %add3A_2234 = arith.addi %mul3A_2133, %add3A_2233 : i32
        %get3A_2235 = arith.index_cast %rem3A_193 : i32 to index
        %get3A_2236 = arith.index_cast %add3A_2234 : i32 to index
        %get3A_2237 = arith.constant 0 : index
        %get3A_2238 = tpu.vector_load %arg12[%get3A_2235, %get3A_2236, %get3A_2237] {strides = array<i32>} : memref<2x656x64xf32, #tpu.memory_space<vmem>>, vector<16xf32>,
        %add3A_2239 = arith.addf %add3A_2211, %get3A_2238 : vector<16xf32>
        %add3A_2240 = arith.constant 4 : i32
        %add3A_2241 = arith.addi %mul3A_2133, %add3A_2240 : i32
        %get3A_2242 = arith.index_cast %rem3A_193 : i32 to index
        %get3A_2243 = arith.index_cast %add3A_2241 : i32 to index
        %get3A_2244 = arith.constant 16 : index
        %get3A_2245 = tpu.vector_load %arg12[%get3A_2242, %get3A_2243, %get3A_2244] {strides = array<i32>} : memref<2x656x64xf32, #tpu.memory_space<vmem>>, vector<16xf32>,
        %add3A_2246 = arith.addf %add3A_2218, %get3A_2245 : vector<16xf32>
        %add3A_2247 = arith.constant 4 : i32
        %add3A_2248 = arith.addi %mul3A_2133, %add3A_2247 : i32
        %get3A_2249 = arith.index_cast %rem3A_193 : i32 to index
        %get3A_2250 = arith.index_cast %add3A_2248 : i32 to index
        %get3A_2251 = arith.constant 32 : index
        %get3A_2252 = tpu.vector_load %arg12[%get3A_2249, %get3A_2250, %get3A_2251] {strides = array<i32>} : memref<2x656x64xf32, #tpu.memory_space<vmem>>, vector<16xf32>,
        %add3A_2253 = arith.addf %add3A_2225, %get3A_2252 : vector<16xf32>
        %add3A_2254 = arith.constant 4 : i32
        %add3A_2255 = arith.addi %mul3A_2133, %add3A_2254 : i32
        %get3A_2256 = arith.index_cast %rem3A_193 : i32 to index
        %get3A_2257 = arith.index_cast %add3A_2255 : i32 to index
        %get3A_2258 = arith.constant 48 : index
        %get3A_2259 = tpu.vector_load %arg12[%get3A_2256, %get3A_2257, %get3A_2258] {strides = array<i32>} : memref<2x656x64xf32, #tpu.memory_space<vmem>>, vector<16xf32>,
        %add3A_2260 = arith.addf %add3A_2232, %get3A_2259 : vector<16xf32>
        %add3A_2261 = arith.constant 5 : i32
        %add3A_2262 = arith.addi %mul3A_2133, %add3A_2261 : i32
        %get3A_2263 = arith.index_cast %rem3A_193 : i32 to index
        %get3A_2264 = arith.index_cast %add3A_2262 : i32 to index
        %get3A_2265 = arith.constant 0 : index
        %get3A_2266 = tpu.vector_load %arg12[%get3A_2263, %get3A_2264, %get3A_2265] {strides = array<i32>} : memref<2x656x64xf32, #tpu.memory_space<vmem>>, vector<16xf32>,
        %add3A_2267 = arith.addf %add3A_2239, %get3A_2266 : vector<16xf32>
        %add3A_2268 = arith.constant 5 : i32
        %add3A_2269 = arith.addi %mul3A_2133, %add3A_2268 : i32
        %get3A_2270 = arith.index_cast %rem3A_193 : i32 to index
        %get3A_2271 = arith.index_cast %add3A_2269 : i32 to index
        %get3A_2272 = arith.constant 16 : index
        %get3A_2273 = tpu.vector_load %arg12[%get3A_2270, %get3A_2271, %get3A_2272] {strides = array<i32>} : memref<2x656x64xf32, #tpu.memory_space<vmem>>, vector<16xf32>,
        %add3A_2274 = arith.addf %add3A_2246, %get3A_2273 : vector<16xf32>
        %add3A_2275 = arith.constant 5 : i32
        %add3A_2276 = arith.addi %mul3A_2133, %add3A_2275 : i32
        %get3A_2277 = arith.index_cast %rem3A_193 : i32 to index
        %get3A_2278 = arith.index_cast %add3A_2276 : i32 to index
        %get3A_2279 = arith.constant 32 : index
        %get3A_2280 = tpu.vector_load %arg12[%get3A_2277, %get3A_2278, %get3A_2279] {strides = array<i32>} : memref<2x656x64xf32, #tpu.memory_space<vmem>>, vector<16xf32>,
        %add3A_2281 = arith.addf %add3A_2253, %get3A_2280 : vector<16xf32>
        %add3A_2282 = arith.constant 5 : i32
        %add3A_2283 = arith.addi %mul3A_2133, %add3A_2282 : i32
        %get3A_2284 = arith.index_cast %rem3A_193 : i32 to index
        %get3A_2285 = arith.index_cast %add3A_2283 : i32 to index
        %get3A_2286 = arith.constant 48 : index
        %get3A_2287 = tpu.vector_load %arg12[%get3A_2284, %get3A_2285, %get3A_2286] {strides = array<i32>} : memref<2x656x64xf32, #tpu.memory_space<vmem>>, vector<16xf32>,
        %add3A_2288 = arith.addf %add3A_2260, %get3A_2287 : vector<16xf32>
        %add3A_2289 = arith.constant 6 : i32
        %add3A_2290 = arith.addi %mul3A_2133, %add3A_2289 : i32
        %get3A_2291 = arith.index_cast %rem3A_193 : i32 to index
        %get3A_2292 = arith.index_cast %add3A_2290 : i32 to index
        %get3A_2293 = arith.constant 0 : index
        %get3A_2294 = tpu.vector_load %arg12[%get3A_2291, %get3A_2292, %get3A_2293] {strides = array<i32>} : memref<2x656x64xf32, #tpu.memory_space<vmem>>, vector<16xf32>,
        %add3A_2295 = arith.addf %add3A_2267, %get3A_2294 : vector<16xf32>
        %add3A_2296 = arith.constant 6 : i32
        %add3A_2297 = arith.addi %mul3A_2133, %add3A_2296 : i32
        %get3A_2298 = arith.index_cast %rem3A_193 : i32 to index
        %get3A_2299 = arith.index_cast %add3A_2297 : i32 to index
        %get3A_2300 = arith.constant 16 : index
        %get3A_2301 = tpu.vector_load %arg12[%get3A_2298, %get3A_2299, %get3A_2300] {strides = array<i32>} : memref<2x656x64xf32, #tpu.memory_space<vmem>>, vector<16xf32>,
        %add3A_2302 = arith.addf %add3A_2274, %get3A_2301 : vector<16xf32>
        %add3A_2303 = arith.constant 6 : i32
        %add3A_2304 = arith.addi %mul3A_2133, %add3A_2303 : i32
        %get3A_2305 = arith.index_cast %rem3A_193 : i32 to index
        %get3A_2306 = arith.index_cast %add3A_2304 : i32 to index
        %get3A_2307 = arith.constant 32 : index
        %get3A_2308 = tpu.vector_load %arg12[%get3A_2305, %get3A_2306, %get3A_2307] {strides = array<i32>} : memref<2x656x64xf32, #tpu.memory_space<vmem>>, vector<16xf32>,
        %add3A_2309 = arith.addf %add3A_2281, %get3A_2308 : vector<16xf32>
        %add3A_2310 = arith.constant 6 : i32
        %add3A_2311 = arith.addi %mul3A_2133, %add3A_2310 : i32
        %get3A_2312 = arith.index_cast %rem3A_193 : i32 to index
        %get3A_2313 = arith.index_cast %add3A_2311 : i32 to index
        %get3A_2314 = arith.constant 48 : index
        %get3A_2315 = tpu.vector_load %arg12[%get3A_2312, %get3A_2313, %get3A_2314] {strides = array<i32>} : memref<2x656x64xf32, #tpu.memory_space<vmem>>, vector<16xf32>,
        %add3A_2316 = arith.addf %add3A_2288, %get3A_2315 : vector<16xf32>
        %add3A_2317 = arith.constant 7 : i32
        %add3A_2318 = arith.addi %mul3A_2133, %add3A_2317 : i32
        %get3A_2319 = arith.index_cast %rem3A_193 : i32 to index
        %get3A_2320 = arith.index_cast %add3A_2318 : i32 to index
        %get3A_2321 = arith.constant 0 : index
        %get3A_2322 = tpu.vector_load %arg12[%get3A_2319, %get3A_2320, %get3A_2321] {strides = array<i32>} : memref<2x656x64xf32, #tpu.memory_space<vmem>>, vector<16xf32>,
        %add3A_2323 = arith.addf %add3A_2295, %get3A_2322 : vector<16xf32>
        %add3A_2324 = arith.constant 7 : i32
        %add3A_2325 = arith.addi %mul3A_2133, %add3A_2324 : i32
        %get3A_2326 = arith.index_cast %rem3A_193 : i32 to index
        %get3A_2327 = arith.index_cast %add3A_2325 : i32 to index
        %get3A_2328 = arith.constant 16 : index
        %get3A_2329 = tpu.vector_load %arg12[%get3A_2326, %get3A_2327, %get3A_2328] {strides = array<i32>} : memref<2x656x64xf32, #tpu.memory_space<vmem>>, vector<16xf32>,
        %add3A_2330 = arith.addf %add3A_2302, %get3A_2329 : vector<16xf32>
        %add3A_2331 = arith.constant 7 : i32
        %add3A_2332 = arith.addi %mul3A_2133, %add3A_2331 : i32
        %get3A_2333 = arith.index_cast %rem3A_193 : i32 to index
        %get3A_2334 = arith.index_cast %add3A_2332 : i32 to index
        %get3A_2335 = arith.constant 32 : index
        %get3A_2336 = tpu.vector_load %arg12[%get3A_2333, %get3A_2334, %get3A_2335] {strides = array<i32>} : memref<2x656x64xf32, #tpu.memory_space<vmem>>, vector<16xf32>,
        %add3A_2337 = arith.addf %add3A_2309, %get3A_2336 : vector<16xf32>
        %add3A_2338 = arith.constant 7 : i32
        %add3A_2339 = arith.addi %mul3A_2133, %add3A_2338 : i32
        %get3A_2340 = arith.index_cast %rem3A_193 : i32 to index
        %get3A_2341 = arith.index_cast %add3A_2339 : i32 to index
        %get3A_2342 = arith.constant 48 : index
        %get3A_2343 = tpu.vector_load %arg12[%get3A_2340, %get3A_2341, %get3A_2342] {strides = array<i32>} : memref<2x656x64xf32, #tpu.memory_space<vmem>>, vector<16xf32>,
        %add3A_2344 = arith.addf %add3A_2316, %get3A_2343 : vector<16xf32>
        %add3A_2345 = arith.constant 8 : i32
        %add3A_2346 = arith.addi %mul3A_2133, %add3A_2345 : i32
        %get3A_2347 = arith.index_cast %rem3A_193 : i32 to index
        %get3A_2348 = arith.index_cast %add3A_2346 : i32 to index
        %get3A_2349 = arith.constant 0 : index
        %get3A_2350 = tpu.vector_load %arg12[%get3A_2347, %get3A_2348, %get3A_2349] {strides = array<i32>} : memref<2x656x64xf32, #tpu.memory_space<vmem>>, vector<16xf32>,
        %add3A_2351 = arith.addf %add3A_2323, %get3A_2350 : vector<16xf32>
        %add3A_2352 = arith.constant 8 : i32
        %add3A_2353 = arith.addi %mul3A_2133, %add3A_2352 : i32
        %get3A_2354 = arith.index_cast %rem3A_193 : i32 to index
        %get3A_2355 = arith.index_cast %add3A_2353 : i32 to index
        %get3A_2356 = arith.constant 16 : index
        %get3A_2357 = tpu.vector_load %arg12[%get3A_2354, %get3A_2355, %get3A_2356] {strides = array<i32>} : memref<2x656x64xf32, #tpu.memory_space<vmem>>, vector<16xf32>,
        %add3A_2358 = arith.addf %add3A_2330, %get3A_2357 : vector<16xf32>
        %add3A_2359 = arith.constant 8 : i32
        %add3A_2360 = arith.addi %mul3A_2133, %add3A_2359 : i32
        %get3A_2361 = arith.index_cast %rem3A_193 : i32 to index
        %get3A_2362 = arith.index_cast %add3A_2360 : i32 to index
        %get3A_2363 = arith.constant 32 : index
        %get3A_2364 = tpu.vector_load %arg12[%get3A_2361, %get3A_2362, %get3A_2363] {strides = array<i32>} : memref<2x656x64xf32, #tpu.memory_space<vmem>>, vector<16xf32>,
        %add3A_2365 = arith.addf %add3A_2337, %get3A_2364 : vector<16xf32>
        %add3A_2366 = arith.constant 8 : i32
        %add3A_2367 = arith.addi %mul3A_2133, %add3A_2366 : i32
        %get3A_2368 = arith.index_cast %rem3A_193 : i32 to index
        %get3A_2369 = arith.index_cast %add3A_2367 : i32 to index
        %get3A_2370 = arith.constant 48 : index
        %get3A_2371 = tpu.vector_load %arg12[%get3A_2368, %get3A_2369, %get3A_2370] {strides = array<i32>} : memref<2x656x64xf32, #tpu.memory_space<vmem>>, vector<16xf32>,
        %add3A_2372 = arith.addf %add3A_2344, %get3A_2371 : vector<16xf32>
        %add3A_2373 = arith.constant 9 : i32
        %add3A_2374 = arith.addi %mul3A_2133, %add3A_2373 : i32
        %get3A_2375 = arith.index_cast %rem3A_193 : i32 to index
        %get3A_2376 = arith.index_cast %add3A_2374 : i32 to index
        %get3A_2377 = arith.constant 0 : index
        %get3A_2378 = tpu.vector_load %arg12[%get3A_2375, %get3A_2376, %get3A_2377] {strides = array<i32>} : memref<2x656x64xf32, #tpu.memory_space<vmem>>, vector<16xf32>,
        %add3A_2379 = arith.addf %add3A_2351, %get3A_2378 : vector<16xf32>
        %add3A_2380 = arith.constant 9 : i32
        %add3A_2381 = arith.addi %mul3A_2133, %add3A_2380 : i32
        %get3A_2382 = arith.index_cast %rem3A_193 : i32 to index
        %get3A_2383 = arith.index_cast %add3A_2381 : i32 to index
        %get3A_2384 = arith.constant 16 : index
        %get3A_2385 = tpu.vector_load %arg12[%get3A_2382, %get3A_2383, %get3A_2384] {strides = array<i32>} : memref<2x656x64xf32, #tpu.memory_space<vmem>>, vector<16xf32>,
        %add3A_2386 = arith.addf %add3A_2358, %get3A_2385 : vector<16xf32>
        %add3A_2387 = arith.constant 9 : i32
        %add3A_2388 = arith.addi %mul3A_2133, %add3A_2387 : i32
        %get3A_2389 = arith.index_cast %rem3A_193 : i32 to index
        %get3A_2390 = arith.index_cast %add3A_2388 : i32 to index
        %get3A_2391 = arith.constant 32 : index
        %get3A_2392 = tpu.vector_load %arg12[%get3A_2389, %get3A_2390, %get3A_2391] {strides = array<i32>} : memref<2x656x64xf32, #tpu.memory_space<vmem>>, vector<16xf32>,
        %add3A_2393 = arith.addf %add3A_2365, %get3A_2392 : vector<16xf32>
        %add3A_2394 = arith.constant 9 : i32
        %add3A_2395 = arith.addi %mul3A_2133, %add3A_2394 : i32
        %get3A_2396 = arith.index_cast %rem3A_193 : i32 to index
        %get3A_2397 = arith.index_cast %add3A_2395 : i32 to index
        %get3A_2398 = arith.constant 48 : index
        %get3A_2399 = tpu.vector_load %arg12[%get3A_2396, %get3A_2397, %get3A_2398] {strides = array<i32>} : memref<2x656x64xf32, #tpu.memory_space<vmem>>, vector<16xf32>,
        %add3A_2400 = arith.addf %add3A_2372, %get3A_2399 : vector<16xf32>
        %add3A_2401 = arith.constant 10 : i32
        %add3A_2402 = arith.addi %mul3A_2133, %add3A_2401 : i32
        %get3A_2403 = arith.index_cast %rem3A_193 : i32 to index
        %get3A_2404 = arith.index_cast %add3A_2402 : i32 to index
        %get3A_2405 = arith.constant 0 : index
        %get3A_2406 = tpu.vector_load %arg12[%get3A_2403, %get3A_2404, %get3A_2405] {strides = array<i32>} : memref<2x656x64xf32, #tpu.memory_space<vmem>>, vector<16xf32>,
        %add3A_2407 = arith.addf %add3A_2379, %get3A_2406 : vector<16xf32>
        %add3A_2408 = arith.constant 10 : i32
        %add3A_2409 = arith.addi %mul3A_2133, %add3A_2408 : i32
        %get3A_2410 = arith.index_cast %rem3A_193 : i32 to index
        %get3A_2411 = arith.index_cast %add3A_2409 : i32 to index
        %get3A_2412 = arith.constant 16 : index
        %get3A_2413 = tpu.vector_load %arg12[%get3A_2410, %get3A_2411, %get3A_2412] {strides = array<i32>} : memref<2x656x64xf32, #tpu.memory_space<vmem>>, vector<16xf32>,
        %add3A_2414 = arith.addf %add3A_2386, %get3A_2413 : vector<16xf32>
        %add3A_2415 = arith.constant 10 : i32
        %add3A_2416 = arith.addi %mul3A_2133, %add3A_2415 : i32
        %get3A_2417 = arith.index_cast %rem3A_193 : i32 to index
        %get3A_2418 = arith.index_cast %add3A_2416 : i32 to index
        %get3A_2419 = arith.constant 32 : index
        %get3A_2420 = tpu.vector_load %arg12[%get3A_2417, %get3A_2418, %get3A_2419] {strides = array<i32>} : memref<2x656x64xf32, #tpu.memory_space<vmem>>, vector<16xf32>,
        %add3A_2421 = arith.addf %add3A_2393, %get3A_2420 : vector<16xf32>
        %add3A_2422 = arith.constant 10 : i32
        %add3A_2423 = arith.addi %mul3A_2133, %add3A_2422 : i32
        %get3A_2424 = arith.index_cast %rem3A_193 : i32 to index
        %get3A_2425 = arith.index_cast %add3A_2423 : i32 to index
        %get3A_2426 = arith.constant 48 : index
        %get3A_2427 = tpu.vector_load %arg12[%get3A_2424, %get3A_2425, %get3A_2426] {strides = array<i32>} : memref<2x656x64xf32, #tpu.memory_space<vmem>>, vector<16xf32>,
        %add3A_2428 = arith.addf %add3A_2400, %get3A_2427 : vector<16xf32>
        %add3A_2429 = arith.constant 11 : i32
        %add3A_2430 = arith.addi %mul3A_2133, %add3A_2429 : i32
        %get3A_2431 = arith.index_cast %rem3A_193 : i32 to index
        %get3A_2432 = arith.index_cast %add3A_2430 : i32 to index
        %get3A_2433 = arith.constant 0 : index
        %get3A_2434 = tpu.vector_load %arg12[%get3A_2431, %get3A_2432, %get3A_2433] {strides = array<i32>} : memref<2x656x64xf32, #tpu.memory_space<vmem>>, vector<16xf32>,
        %add3A_2435 = arith.addf %add3A_2407, %get3A_2434 : vector<16xf32>
        %add3A_2436 = arith.constant 11 : i32
        %add3A_2437 = arith.addi %mul3A_2133, %add3A_2436 : i32
        %get3A_2438 = arith.index_cast %rem3A_193 : i32 to index
        %get3A_2439 = arith.index_cast %add3A_2437 : i32 to index
        %get3A_2440 = arith.constant 16 : index
        %get3A_2441 = tpu.vector_load %arg12[%get3A_2438, %get3A_2439, %get3A_2440] {strides = array<i32>} : memref<2x656x64xf32, #tpu.memory_space<vmem>>, vector<16xf32>,
        %add3A_2442 = arith.addf %add3A_2414, %get3A_2441 : vector<16xf32>
        %add3A_2443 = arith.constant 11 : i32
        %add3A_2444 = arith.addi %mul3A_2133, %add3A_2443 : i32
        %get3A_2445 = arith.index_cast %rem3A_193 : i32 to index
        %get3A_2446 = arith.index_cast %add3A_2444 : i32 to index
        %get3A_2447 = arith.constant 32 : index
        %get3A_2448 = tpu.vector_load %arg12[%get3A_2445, %get3A_2446, %get3A_2447] {strides = array<i32>} : memref<2x656x64xf32, #tpu.memory_space<vmem>>, vector<16xf32>,
        %add3A_2449 = arith.addf %add3A_2421, %get3A_2448 : vector<16xf32>
        %add3A_2450 = arith.constant 11 : i32
        %add3A_2451 = arith.addi %mul3A_2133, %add3A_2450 : i32
        %get3A_2452 = arith.index_cast %rem3A_193 : i32 to index
        %get3A_2453 = arith.index_cast %add3A_2451 : i32 to index
        %get3A_2454 = arith.constant 48 : index
        %get3A_2455 = tpu.vector_load %arg12[%get3A_2452, %get3A_2453, %get3A_2454] {strides = array<i32>} : memref<2x656x64xf32, #tpu.memory_space<vmem>>, vector<16xf32>,
        %add3A_2456 = arith.addf %add3A_2428, %get3A_2455 : vector<16xf32>
        %add3A_2457 = arith.constant 12 : i32
        %add3A_2458 = arith.addi %mul3A_2133, %add3A_2457 : i32
        %get3A_2459 = arith.index_cast %rem3A_193 : i32 to index
        %get3A_2460 = arith.index_cast %add3A_2458 : i32 to index
        %get3A_2461 = arith.constant 0 : index
        %get3A_2462 = tpu.vector_load %arg12[%get3A_2459, %get3A_2460, %get3A_2461] {strides = array<i32>} : memref<2x656x64xf32, #tpu.memory_space<vmem>>, vector<16xf32>,
        %add3A_2463 = arith.addf %add3A_2435, %get3A_2462 : vector<16xf32>
        %add3A_2464 = arith.constant 12 : i32
        %add3A_2465 = arith.addi %mul3A_2133, %add3A_2464 : i32
        %get3A_2466 = arith.index_cast %rem3A_193 : i32 to index
        %get3A_2467 = arith.index_cast %add3A_2465 : i32 to index
        %get3A_2468 = arith.constant 16 : index
        %get3A_2469 = tpu.vector_load %arg12[%get3A_2466, %get3A_2467, %get3A_2468] {strides = array<i32>} : memref<2x656x64xf32, #tpu.memory_space<vmem>>, vector<16xf32>,
        %add3A_2470 = arith.addf %add3A_2442, %get3A_2469 : vector<16xf32>
        %add3A_2471 = arith.constant 12 : i32
        %add3A_2472 = arith.addi %mul3A_2133, %add3A_2471 : i32
        %get3A_2473 = arith.index_cast %rem3A_193 : i32 to index
        %get3A_2474 = arith.index_cast %add3A_2472 : i32 to index
        %get3A_2475 = arith.constant 32 : index
        %get3A_2476 = tpu.vector_load %arg12[%get3A_2473, %get3A_2474, %get3A_2475] {strides = array<i32>} : memref<2x656x64xf32, #tpu.memory_space<vmem>>, vector<16xf32>,
        %add3A_2477 = arith.addf %add3A_2449, %get3A_2476 : vector<16xf32>
        %add3A_2478 = arith.constant 12 : i32
        %add3A_2479 = arith.addi %mul3A_2133, %add3A_2478 : i32
        %get3A_2480 = arith.index_cast %rem3A_193 : i32 to index
        %get3A_2481 = arith.index_cast %add3A_2479 : i32 to index
        %get3A_2482 = arith.constant 48 : index
        %get3A_2483 = tpu.vector_load %arg12[%get3A_2480, %get3A_2481, %get3A_2482] {strides = array<i32>} : memref<2x656x64xf32, #tpu.memory_space<vmem>>, vector<16xf32>,
        %add3A_2484 = arith.addf %add3A_2456, %get3A_2483 : vector<16xf32>
        %add3A_2485 = arith.constant 13 : i32
        %add3A_2486 = arith.addi %mul3A_2133, %add3A_2485 : i32
        %get3A_2487 = arith.index_cast %rem3A_193 : i32 to index
        %get3A_2488 = arith.index_cast %add3A_2486 : i32 to index
        %get3A_2489 = arith.constant 0 : index
        %get3A_2490 = tpu.vector_load %arg12[%get3A_2487, %get3A_2488, %get3A_2489] {strides = array<i32>} : memref<2x656x64xf32, #tpu.memory_space<vmem>>, vector<16xf32>,
        %add3A_2491 = arith.addf %add3A_2463, %get3A_2490 : vector<16xf32>
        %add3A_2492 = arith.constant 13 : i32
        %add3A_2493 = arith.addi %mul3A_2133, %add3A_2492 : i32
        %get3A_2494 = arith.index_cast %rem3A_193 : i32 to index
        %get3A_2495 = arith.index_cast %add3A_2493 : i32 to index
        %get3A_2496 = arith.constant 16 : index
        %get3A_2497 = tpu.vector_load %arg12[%get3A_2494, %get3A_2495, %get3A_2496] {strides = array<i32>} : memref<2x656x64xf32, #tpu.memory_space<vmem>>, vector<16xf32>,
        %add3A_2498 = arith.addf %add3A_2470, %get3A_2497 : vector<16xf32>
        %add3A_2499 = arith.constant 13 : i32
        %add3A_2500 = arith.addi %mul3A_2133, %add3A_2499 : i32
        %get3A_2501 = arith.index_cast %rem3A_193 : i32 to index
        %get3A_2502 = arith.index_cast %add3A_2500 : i32 to index
        %get3A_2503 = arith.constant 32 : index
        %get3A_2504 = tpu.vector_load %arg12[%get3A_2501, %get3A_2502, %get3A_2503] {strides = array<i32>} : memref<2x656x64xf32, #tpu.memory_space<vmem>>, vector<16xf32>,
        %add3A_2505 = arith.addf %add3A_2477, %get3A_2504 : vector<16xf32>
        %add3A_2506 = arith.constant 13 : i32
        %add3A_2507 = arith.addi %mul3A_2133, %add3A_2506 : i32
        %get3A_2508 = arith.index_cast %rem3A_193 : i32 to index
        %get3A_2509 = arith.index_cast %add3A_2507 : i32 to index
        %get3A_2510 = arith.constant 48 : index
        %get3A_2511 = tpu.vector_load %arg12[%get3A_2508, %get3A_2509, %get3A_2510] {strides = array<i32>} : memref<2x656x64xf32, #tpu.memory_space<vmem>>, vector<16xf32>,
        %add3A_2512 = arith.addf %add3A_2484, %get3A_2511 : vector<16xf32>
        %add3A_2513 = arith.constant 14 : i32
        %add3A_2514 = arith.addi %mul3A_2133, %add3A_2513 : i32
        %get3A_2515 = arith.index_cast %rem3A_193 : i32 to index
        %get3A_2516 = arith.index_cast %add3A_2514 : i32 to index
        %get3A_2517 = arith.constant 0 : index
        %get3A_2518 = tpu.vector_load %arg12[%get3A_2515, %get3A_2516, %get3A_2517] {strides = array<i32>} : memref<2x656x64xf32, #tpu.memory_space<vmem>>, vector<16xf32>,
        %add3A_2519 = arith.addf %add3A_2491, %get3A_2518 : vector<16xf32>
        %add3A_2520 = arith.constant 14 : i32
        %add3A_2521 = arith.addi %mul3A_2133, %add3A_2520 : i32
        %get3A_2522 = arith.index_cast %rem3A_193 : i32 to index
        %get3A_2523 = arith.index_cast %add3A_2521 : i32 to index
        %get3A_2524 = arith.constant 16 : index
        %get3A_2525 = tpu.vector_load %arg12[%get3A_2522, %get3A_2523, %get3A_2524] {strides = array<i32>} : memref<2x656x64xf32, #tpu.memory_space<vmem>>, vector<16xf32>,
        %add3A_2526 = arith.addf %add3A_2498, %get3A_2525 : vector<16xf32>
        %add3A_2527 = arith.constant 14 : i32
        %add3A_2528 = arith.addi %mul3A_2133, %add3A_2527 : i32
        %get3A_2529 = arith.index_cast %rem3A_193 : i32 to index
        %get3A_2530 = arith.index_cast %add3A_2528 : i32 to index
        %get3A_2531 = arith.constant 32 : index
        %get3A_2532 = tpu.vector_load %arg12[%get3A_2529, %get3A_2530, %get3A_2531] {strides = array<i32>} : memref<2x656x64xf32, #tpu.memory_space<vmem>>, vector<16xf32>,
        %add3A_2533 = arith.addf %add3A_2505, %get3A_2532 : vector<16xf32>
        %add3A_2534 = arith.constant 14 : i32
        %add3A_2535 = arith.addi %mul3A_2133, %add3A_2534 : i32
        %get3A_2536 = arith.index_cast %rem3A_193 : i32 to index
        %get3A_2537 = arith.index_cast %add3A_2535 : i32 to index
        %get3A_2538 = arith.constant 48 : index
        %get3A_2539 = tpu.vector_load %arg12[%get3A_2536, %get3A_2537, %get3A_2538] {strides = array<i32>} : memref<2x656x64xf32, #tpu.memory_space<vmem>>, vector<16xf32>,
        %add3A_2540 = arith.addf %add3A_2512, %get3A_2539 : vector<16xf32>
        %add3A_2541 = arith.constant 15 : i32
        %add3A_2542 = arith.addi %mul3A_2133, %add3A_2541 : i32
        %get3A_2543 = arith.index_cast %rem3A_193 : i32 to index
        %get3A_2544 = arith.index_cast %add3A_2542 : i32 to index
        %get3A_2545 = arith.constant 0 : index
        %get3A_2546 = tpu.vector_load %arg12[%get3A_2543, %get3A_2544, %get3A_2545] {strides = array<i32>} : memref<2x656x64xf32, #tpu.memory_space<vmem>>, vector<16xf32>,
        %add3A_2547 = arith.addf %add3A_2519, %get3A_2546 : vector<16xf32>
        %add3A_2548 = arith.constant 15 : i32
        %add3A_2549 = arith.addi %mul3A_2133, %add3A_2548 : i32
        %get3A_2550 = arith.index_cast %rem3A_193 : i32 to index
        %get3A_2551 = arith.index_cast %add3A_2549 : i32 to index
        %get3A_2552 = arith.constant 16 : index
        %get3A_2553 = tpu.vector_load %arg12[%get3A_2550, %get3A_2551, %get3A_2552] {strides = array<i32>} : memref<2x656x64xf32, #tpu.memory_space<vmem>>, vector<16xf32>,
        %add3A_2554 = arith.addf %add3A_2526, %get3A_2553 : vector<16xf32>
        %add3A_2555 = arith.constant 15 : i32
        %add3A_2556 = arith.addi %mul3A_2133, %add3A_2555 : i32
        %get3A_2557 = arith.index_cast %rem3A_193 : i32 to index
        %get3A_2558 = arith.index_cast %add3A_2556 : i32 to index
        %get3A_2559 = arith.constant 32 : index
        %get3A_2560 = tpu.vector_load %arg12[%get3A_2557, %get3A_2558, %get3A_2559] {strides = array<i32>} : memref<2x656x64xf32, #tpu.memory_space<vmem>>, vector<16xf32>,
        %add3A_2561 = arith.addf %add3A_2533, %get3A_2560 : vector<16xf32>
        %add3A_2562 = arith.constant 15 : i32
        %add3A_2563 = arith.addi %mul3A_2133, %add3A_2562 : i32
        %get3A_2564 = arith.index_cast %rem3A_193 : i32 to index
        %get3A_2565 = arith.index_cast %add3A_2563 : i32 to index
        %get3A_2566 = arith.constant 48 : index
        %get3A_2567 = tpu.vector_load %arg12[%get3A_2564, %get3A_2565, %get3A_2566] {strides = array<i32>} : memref<2x656x64xf32, #tpu.memory_space<vmem>>, vector<16xf32>,
        %add3A_2568 = arith.addf %add3A_2540, %get3A_2567 : vector<16xf32>
        %add3A_2569 = arith.constant 16 : i32
        %add3A_2570 = arith.addi %mul3A_2133, %add3A_2569 : i32
        %get3A_2571 = arith.index_cast %rem3A_193 : i32 to index
        %get3A_2572 = arith.index_cast %add3A_2570 : i32 to index
        %get3A_2573 = arith.constant 0 : index
        %get3A_2574 = tpu.vector_load %arg12[%get3A_2571, %get3A_2572, %get3A_2573] {strides = array<i32>} : memref<2x656x64xf32, #tpu.memory_space<vmem>>, vector<16xf32>,
        %add3A_2575 = arith.addf %add3A_2547, %get3A_2574 : vector<16xf32>
        %add3A_2576 = arith.constant 16 : i32
        %add3A_2577 = arith.addi %mul3A_2133, %add3A_2576 : i32
        %get3A_2578 = arith.index_cast %rem3A_193 : i32 to index
        %get3A_2579 = arith.index_cast %add3A_2577 : i32 to index
        %get3A_2580 = arith.constant 16 : index
        %get3A_2581 = tpu.vector_load %arg12[%get3A_2578, %get3A_2579, %get3A_2580] {strides = array<i32>} : memref<2x656x64xf32, #tpu.memory_space<vmem>>, vector<16xf32>,
        %add3A_2582 = arith.addf %add3A_2554, %get3A_2581 : vector<16xf32>
        %add3A_2583 = arith.constant 16 : i32
        %add3A_2584 = arith.addi %mul3A_2133, %add3A_2583 : i32
        %get3A_2585 = arith.index_cast %rem3A_193 : i32 to index
        %get3A_2586 = arith.index_cast %add3A_2584 : i32 to index
        %get3A_2587 = arith.constant 32 : index
        %get3A_2588 = tpu.vector_load %arg12[%get3A_2585, %get3A_2586, %get3A_2587] {strides = array<i32>} : memref<2x656x64xf32, #tpu.memory_space<vmem>>, vector<16xf32>,
        %add3A_2589 = arith.addf %add3A_2561, %get3A_2588 : vector<16xf32>
        %add3A_2590 = arith.constant 16 : i32
        %add3A_2591 = arith.addi %mul3A_2133, %add3A_2590 : i32
        %get3A_2592 = arith.index_cast %rem3A_193 : i32 to index
        %get3A_2593 = arith.index_cast %add3A_2591 : i32 to index
        %get3A_2594 = arith.constant 48 : index
        %get3A_2595 = tpu.vector_load %arg12[%get3A_2592, %get3A_2593, %get3A_2594] {strides = array<i32>} : memref<2x656x64xf32, #tpu.memory_space<vmem>>, vector<16xf32>,
        %add3A_2596 = arith.addf %add3A_2568, %get3A_2595 : vector<16xf32>
        %add3A_2597 = arith.constant 17 : i32
        %add3A_2598 = arith.addi %mul3A_2133, %add3A_2597 : i32
        %get3A_2599 = arith.index_cast %rem3A_193 : i32 to index
        %get3A_2600 = arith.index_cast %add3A_2598 : i32 to index
        %get3A_2601 = arith.constant 0 : index
        %get3A_2602 = tpu.vector_load %arg12[%get3A_2599, %get3A_2600, %get3A_2601] {strides = array<i32>} : memref<2x656x64xf32, #tpu.memory_space<vmem>>, vector<16xf32>,
        %add3A_2603 = arith.addf %add3A_2575, %get3A_2602 : vector<16xf32>
        %add3A_2604 = arith.constant 17 : i32
        %add3A_2605 = arith.addi %mul3A_2133, %add3A_2604 : i32
        %get3A_2606 = arith.index_cast %rem3A_193 : i32 to index
        %get3A_2607 = arith.index_cast %add3A_2605 : i32 to index
        %get3A_2608 = arith.constant 16 : index
        %get3A_2609 = tpu.vector_load %arg12[%get3A_2606, %get3A_2607, %get3A_2608] {strides = array<i32>} : memref<2x656x64xf32, #tpu.memory_space<vmem>>, vector<16xf32>,
        %add3A_2610 = arith.addf %add3A_2582, %get3A_2609 : vector<16xf32>
        %add3A_2611 = arith.constant 17 : i32
        %add3A_2612 = arith.addi %mul3A_2133, %add3A_2611 : i32
        %get3A_2613 = arith.index_cast %rem3A_193 : i32 to index
        %get3A_2614 = arith.index_cast %add3A_2612 : i32 to index
        %get3A_2615 = arith.constant 32 : index
        %get3A_2616 = tpu.vector_load %arg12[%get3A_2613, %get3A_2614, %get3A_2615] {strides = array<i32>} : memref<2x656x64xf32, #tpu.memory_space<vmem>>, vector<16xf32>,
        %add3A_2617 = arith.addf %add3A_2589, %get3A_2616 : vector<16xf32>
        %add3A_2618 = arith.constant 17 : i32
        %add3A_2619 = arith.addi %mul3A_2133, %add3A_2618 : i32
        %get3A_2620 = arith.index_cast %rem3A_193 : i32 to index
        %get3A_2621 = arith.index_cast %add3A_2619 : i32 to index
        %get3A_2622 = arith.constant 48 : index
        %get3A_2623 = tpu.vector_load %arg12[%get3A_2620, %get3A_2621, %get3A_2622] {strides = array<i32>} : memref<2x656x64xf32, #tpu.memory_space<vmem>>, vector<16xf32>,
        %add3A_2624 = arith.addf %add3A_2596, %get3A_2623 : vector<16xf32>
        %add3A_2625 = arith.constant 18 : i32
        %add3A_2626 = arith.addi %mul3A_2133, %add3A_2625 : i32
        %get3A_2627 = arith.index_cast %rem3A_193 : i32 to index
        %get3A_2628 = arith.index_cast %add3A_2626 : i32 to index
        %get3A_2629 = arith.constant 0 : index
        %get3A_2630 = tpu.vector_load %arg12[%get3A_2627, %get3A_2628, %get3A_2629] {strides = array<i32>} : memref<2x656x64xf32, #tpu.memory_space<vmem>>, vector<16xf32>,
        %add3A_2631 = arith.addf %add3A_2603, %get3A_2630 : vector<16xf32>
        %add3A_2632 = arith.constant 18 : i32
        %add3A_2633 = arith.addi %mul3A_2133, %add3A_2632 : i32
        %get3A_2634 = arith.index_cast %rem3A_193 : i32 to index
        %get3A_2635 = arith.index_cast %add3A_2633 : i32 to index
        %get3A_2636 = arith.constant 16 : index
        %get3A_2637 = tpu.vector_load %arg12[%get3A_2634, %get3A_2635, %get3A_2636] {strides = array<i32>} : memref<2x656x64xf32, #tpu.memory_space<vmem>>, vector<16xf32>,
        %add3A_2638 = arith.addf %add3A_2610, %get3A_2637 : vector<16xf32>
        %add3A_2639 = arith.constant 18 : i32
        %add3A_2640 = arith.addi %mul3A_2133, %add3A_2639 : i32
        %get3A_2641 = arith.index_cast %rem3A_193 : i32 to index
        %get3A_2642 = arith.index_cast %add3A_2640 : i32 to index
        %get3A_2643 = arith.constant 32 : index
        %get3A_2644 = tpu.vector_load %arg12[%get3A_2641, %get3A_2642, %get3A_2643] {strides = array<i32>} : memref<2x656x64xf32, #tpu.memory_space<vmem>>, vector<16xf32>,
        %add3A_2645 = arith.addf %add3A_2617, %get3A_2644 : vector<16xf32>
        %add3A_2646 = arith.constant 18 : i32
        %add3A_2647 = arith.addi %mul3A_2133, %add3A_2646 : i32
        %get3A_2648 = arith.index_cast %rem3A_193 : i32 to index
        %get3A_2649 = arith.index_cast %add3A_2647 : i32 to index
        %get3A_2650 = arith.constant 48 : index
        %get3A_2651 = tpu.vector_load %arg12[%get3A_2648, %get3A_2649, %get3A_2650] {strides = array<i32>} : memref<2x656x64xf32, #tpu.memory_space<vmem>>, vector<16xf32>,
        %add3A_2652 = arith.addf %add3A_2624, %get3A_2651 : vector<16xf32>
        %add3A_2653 = arith.constant 19 : i32
        %add3A_2654 = arith.addi %mul3A_2133, %add3A_2653 : i32
        %get3A_2655 = arith.index_cast %rem3A_193 : i32 to index
        %get3A_2656 = arith.index_cast %add3A_2654 : i32 to index
        %get3A_2657 = arith.constant 0 : index
        %get3A_2658 = tpu.vector_load %arg12[%get3A_2655, %get3A_2656, %get3A_2657] {strides = array<i32>} : memref<2x656x64xf32, #tpu.memory_space<vmem>>, vector<16xf32>,
        %add3A_2659 = arith.addf %add3A_2631, %get3A_2658 : vector<16xf32>
        %add3A_2660 = arith.constant 19 : i32
        %add3A_2661 = arith.addi %mul3A_2133, %add3A_2660 : i32
        %get3A_2662 = arith.index_cast %rem3A_193 : i32 to index
        %get3A_2663 = arith.index_cast %add3A_2661 : i32 to index
        %get3A_2664 = arith.constant 16 : index
        %get3A_2665 = tpu.vector_load %arg12[%get3A_2662, %get3A_2663, %get3A_2664] {strides = array<i32>} : memref<2x656x64xf32, #tpu.memory_space<vmem>>, vector<16xf32>,
        %add3A_2666 = arith.addf %add3A_2638, %get3A_2665 : vector<16xf32>
        %add3A_2667 = arith.constant 19 : i32
        %add3A_2668 = arith.addi %mul3A_2133, %add3A_2667 : i32
        %get3A_2669 = arith.index_cast %rem3A_193 : i32 to index
        %get3A_2670 = arith.index_cast %add3A_2668 : i32 to index
        %get3A_2671 = arith.constant 32 : index
        %get3A_2672 = tpu.vector_load %arg12[%get3A_2669, %get3A_2670, %get3A_2671] {strides = array<i32>} : memref<2x656x64xf32, #tpu.memory_space<vmem>>, vector<16xf32>,
        %add3A_2673 = arith.addf %add3A_2645, %get3A_2672 : vector<16xf32>
        %add3A_2674 = arith.constant 19 : i32
        %add3A_2675 = arith.addi %mul3A_2133, %add3A_2674 : i32
        %get3A_2676 = arith.index_cast %rem3A_193 : i32 to index
        %get3A_2677 = arith.index_cast %add3A_2675 : i32 to index
        %get3A_2678 = arith.constant 48 : index
        %get3A_2679 = tpu.vector_load %arg12[%get3A_2676, %get3A_2677, %get3A_2678] {strides = array<i32>} : memref<2x656x64xf32, #tpu.memory_space<vmem>>, vector<16xf32>,
        %add3A_2680 = arith.addf %add3A_2652, %get3A_2679 : vector<16xf32>
        %mul3A_2681 = arith.constant 5.000000e-02 : f32
        %mul3A_2682 = vector.broadcast %mul3A_2681 : f32 to vector<16xf32>
        %mul3A_2683 = arith.mulf %add3A_2659, %mul3A_2682 : vector<16xf32>
        %mul3A_2684 = arith.constant 5.000000e-02 : f32
        %mul3A_2685 = vector.broadcast %mul3A_2684 : f32 to vector<16xf32>
        %mul3A_2686 = arith.mulf %add3A_2666, %mul3A_2685 : vector<16xf32>
        %mul3A_2687 = arith.constant 5.000000e-02 : f32
        %mul3A_2688 = vector.broadcast %mul3A_2687 : f32 to vector<16xf32>
        %mul3A_2689 = arith.mulf %add3A_2673, %mul3A_2688 : vector<16xf32>
        %mul3A_2690 = arith.constant 5.000000e-02 : f32
        %mul3A_2691 = vector.broadcast %mul3A_2690 : f32 to vector<16xf32>
        %mul3A_2692 = arith.mulf %add3A_2680, %mul3A_2691 : vector<16xf32>
        %mul3A_2693 = arith.constant 17 : i32
        %mul3A_2694 = arith.muli %scan3A_2131, %mul3A_2693 : i32
        %add3A_2695 = arith.constant 640 : i32
        %add3A_2696 = arith.addi %add3A_2695, %scan3A_2131 : i32
        %get3A_2697 = arith.index_cast %rem3A_193 : i32 to index
        %get3A_2698 = arith.index_cast %add3A_2696 : i32 to index
        %get3A_2699 = arith.constant 0 : index
        %get3A_2700 = tpu.vector_load %arg12[%get3A_2697, %get3A_2698, %get3A_2699] {strides = array<i32>} : memref<2x656x64xf32, #tpu.memory_space<vmem>>, vector<16xf32>,
        %mul3A_2701 = arith.mulf %mul3A_2683, %get3A_2700 : vector<16xf32>
        %get3A_2702 = arith.index_cast %rem3A_193 : i32 to index
        %get3A_2703 = arith.index_cast %add3A_2696 : i32 to index
        %get3A_2704 = arith.constant 16 : index
        %get3A_2705 = tpu.vector_load %arg12[%get3A_2702, %get3A_2703, %get3A_2704] {strides = array<i32>} : memref<2x656x64xf32, #tpu.memory_space<vmem>>, vector<16xf32>,
        %mul3A_2706 = arith.mulf %mul3A_2686, %get3A_2705 : vector<16xf32>
        %get3A_2707 = arith.index_cast %rem3A_193 : i32 to index
        %get3A_2708 = arith.index_cast %add3A_2696 : i32 to index
        %get3A_2709 = arith.constant 32 : index
        %get3A_2710 = tpu.vector_load %arg12[%get3A_2707, %get3A_2708, %get3A_2709] {strides = array<i32>} : memref<2x656x64xf32, #tpu.memory_space<vmem>>, vector<16xf32>,
        %mul3A_2711 = arith.mulf %mul3A_2689, %get3A_2710 : vector<16xf32>
        %get3A_2712 = arith.index_cast %rem3A_193 : i32 to index
        %get3A_2713 = arith.index_cast %add3A_2696 : i32 to index
        %get3A_2714 = arith.constant 48 : index
        %get3A_2715 = tpu.vector_load %arg12[%get3A_2712, %get3A_2713, %get3A_2714] {strides = array<i32>} : memref<2x656x64xf32, #tpu.memory_space<vmem>>, vector<16xf32>,
        %mul3A_2716 = arith.mulf %mul3A_2692, %get3A_2715 : vector<16xf32>
        %add3A_2717 = arith.addf %mul3A_2701, %mul3A_2706 : vector<16xf32>
        %add3A_2718 = arith.addf %mul3A_2711, %mul3A_2716 : vector<16xf32>
        %add3A_2719 = arith.addf %add3A_2717, %add3A_2718 : vector<16xf32>
        %add3A_2720 = arith.constant 5440 : i32
        %add3A_2721 = arith.addi %add3A_2720, %mul3A_2694 : i32
        %swap3A_2722 = arith.index_cast %add3A_2721 : i32 to index
        %swap3A_2723 = tpu.vector_load %arg13[%swap3A_2722] {strides = array<i32>} : memref<5712xf32, #tpu.memory_space<vmem>>, vector<16xf32>,
        tpu.vector_store %arg13[%swap3A_2722], %add3A_2719 {strides = array<i32>} : memref<5712xf32, #tpu.memory_space<vmem>>, vector<16xf32>,
        %add3A_2724 = arith.constant 320 : i32
        %add3A_2725 = arith.addi %add3A_2724, %mul3A_2133 : i32
        %add3A_2726 = arith.constant 0 : i32
        %add3A_2727 = arith.addi %add3A_2725, %add3A_2726 : i32
        %get3A_2728 = arith.index_cast %rem3A_193 : i32 to index
        %get3A_2729 = arith.index_cast %add3A_2727 : i32 to index
        %get3A_2730 = arith.constant 0 : index
        %get3A_2731 = tpu.vector_load %arg12[%get3A_2728, %get3A_2729, %get3A_2730] {strides = array<i32>} : memref<2x656x64xf32, #tpu.memory_space<vmem>>, vector<16xf32>,
        %mul3A_2732 = arith.mulf %mul3A_2683, %get3A_2731 : vector<16xf32>
        %get3A_2733 = arith.index_cast %rem3A_193 : i32 to index
        %get3A_2734 = arith.index_cast %add3A_2727 : i32 to index
        %get3A_2735 = arith.constant 16 : index
        %get3A_2736 = tpu.vector_load %arg12[%get3A_2733, %get3A_2734, %get3A_2735] {strides = array<i32>} : memref<2x656x64xf32, #tpu.memory_space<vmem>>, vector<16xf32>,
        %mul3A_2737 = arith.mulf %mul3A_2686, %get3A_2736 : vector<16xf32>
        %get3A_2738 = arith.index_cast %rem3A_193 : i32 to index
        %get3A_2739 = arith.index_cast %add3A_2727 : i32 to index
        %get3A_2740 = arith.constant 32 : index
        %get3A_2741 = tpu.vector_load %arg12[%get3A_2738, %get3A_2739, %get3A_2740] {strides = array<i32>} : memref<2x656x64xf32, #tpu.memory_space<vmem>>, vector<16xf32>,
        %mul3A_2742 = arith.mulf %mul3A_2689, %get3A_2741 : vector<16xf32>
        %get3A_2743 = arith.index_cast %rem3A_193 : i32 to index
        %get3A_2744 = arith.index_cast %add3A_2727 : i32 to index
        %get3A_2745 = arith.constant 48 : index
        %get3A_2746 = tpu.vector_load %arg12[%get3A_2743, %get3A_2744, %get3A_2745] {strides = array<i32>} : memref<2x656x64xf32, #tpu.memory_space<vmem>>, vector<16xf32>,
        %mul3A_2747 = arith.mulf %mul3A_2692, %get3A_2746 : vector<16xf32>
        %add3A_2748 = arith.addf %mul3A_2732, %mul3A_2737 : vector<16xf32>
        %add3A_2749 = arith.addf %mul3A_2742, %mul3A_2747 : vector<16xf32>
        %add3A_2750 = arith.addf %add3A_2748, %add3A_2749 : vector<16xf32>
        %add3A_2751 = arith.constant 0 : i32
        %add3A_2752 = arith.addi %add3A_2751, %mul3A_2694 : i32
        %swap3A_2753 = arith.index_cast %add3A_2752 : i32 to index
        %swap3A_2754 = tpu.vector_load %arg13[%swap3A_2753] {strides = array<i32>} : memref<5712xf32, #tpu.memory_space<vmem>>, vector<16xf32>,
        tpu.vector_store %arg13[%swap3A_2753], %add3A_2750 {strides = array<i32>} : memref<5712xf32, #tpu.memory_space<vmem>>, vector<16xf32>,
        %add3A_2755 = arith.constant 320 : i32
        %add3A_2756 = arith.addi %add3A_2755, %mul3A_2133 : i32
        %add3A_2757 = arith.constant 1 : i32
        %add3A_2758 = arith.addi %add3A_2756, %add3A_2757 : i32
        %get3A_2759 = arith.index_cast %rem3A_193 : i32 to index
        %get3A_2760 = arith.index_cast %add3A_2758 : i32 to index
        %get3A_2761 = arith.constant 0 : index
        %get3A_2762 = tpu.vector_load %arg12[%get3A_2759, %get3A_2760, %get3A_2761] {strides = array<i32>} : memref<2x656x64xf32, #tpu.memory_space<vmem>>, vector<16xf32>,
        %mul3A_2763 = arith.mulf %mul3A_2683, %get3A_2762 : vector<16xf32>
        %get3A_2764 = arith.index_cast %rem3A_193 : i32 to index
        %get3A_2765 = arith.index_cast %add3A_2758 : i32 to index
        %get3A_2766 = arith.constant 16 : index
        %get3A_2767 = tpu.vector_load %arg12[%get3A_2764, %get3A_2765, %get3A_2766] {strides = array<i32>} : memref<2x656x64xf32, #tpu.memory_space<vmem>>, vector<16xf32>,
        %mul3A_2768 = arith.mulf %mul3A_2686, %get3A_2767 : vector<16xf32>
        %get3A_2769 = arith.index_cast %rem3A_193 : i32 to index
        %get3A_2770 = arith.index_cast %add3A_2758 : i32 to index
        %get3A_2771 = arith.constant 32 : index
        %get3A_2772 = tpu.vector_load %arg12[%get3A_2769, %get3A_2770, %get3A_2771] {strides = array<i32>} : memref<2x656x64xf32, #tpu.memory_space<vmem>>, vector<16xf32>,
        %mul3A_2773 = arith.mulf %mul3A_2689, %get3A_2772 : vector<16xf32>
        %get3A_2774 = arith.index_cast %rem3A_193 : i32 to index
        %get3A_2775 = arith.index_cast %add3A_2758 : i32 to index
        %get3A_2776 = arith.constant 48 : index
        %get3A_2777 = tpu.vector_load %arg12[%get3A_2774, %get3A_2775, %get3A_2776] {strides = array<i32>} : memref<2x656x64xf32, #tpu.memory_space<vmem>>, vector<16xf32>,
        %mul3A_2778 = arith.mulf %mul3A_2692, %get3A_2777 : vector<16xf32>
        %add3A_2779 = arith.addf %mul3A_2763, %mul3A_2768 : vector<16xf32>
        %add3A_2780 = arith.addf %mul3A_2773, %mul3A_2778 : vector<16xf32>
        %add3A_2781 = arith.addf %add3A_2779, %add3A_2780 : vector<16xf32>
        %add3A_2782 = arith.constant 272 : i32
        %add3A_2783 = arith.addi %add3A_2782, %mul3A_2694 : i32
        %swap3A_2784 = arith.index_cast %add3A_2783 : i32 to index
        %swap3A_2785 = tpu.vector_load %arg13[%swap3A_2784] {strides = array<i32>} : memref<5712xf32, #tpu.memory_space<vmem>>, vector<16xf32>,
        tpu.vector_store %arg13[%swap3A_2784], %add3A_2781 {strides = array<i32>} : memref<5712xf32, #tpu.memory_space<vmem>>, vector<16xf32>,
        %add3A_2786 = arith.constant 320 : i32
        %add3A_2787 = arith.addi %add3A_2786, %mul3A_2133 : i32
        %add3A_2788 = arith.constant 2 : i32
        %add3A_2789 = arith.addi %add3A_2787, %add3A_2788 : i32
        %get3A_2790 = arith.index_cast %rem3A_193 : i32 to index
        %get3A_2791 = arith.index_cast %add3A_2789 : i32 to index
        %get3A_2792 = arith.constant 0 : index
        %get3A_2793 = tpu.vector_load %arg12[%get3A_2790, %get3A_2791, %get3A_2792] {strides = array<i32>} : memref<2x656x64xf32, #tpu.memory_space<vmem>>, vector<16xf32>,
        %mul3A_2794 = arith.mulf %mul3A_2683, %get3A_2793 : vector<16xf32>
        %get3A_2795 = arith.index_cast %rem3A_193 : i32 to index
        %get3A_2796 = arith.index_cast %add3A_2789 : i32 to index
        %get3A_2797 = arith.constant 16 : index
        %get3A_2798 = tpu.vector_load %arg12[%get3A_2795, %get3A_2796, %get3A_2797] {strides = array<i32>} : memref<2x656x64xf32, #tpu.memory_space<vmem>>, vector<16xf32>,
        %mul3A_2799 = arith.mulf %mul3A_2686, %get3A_2798 : vector<16xf32>
        %get3A_2800 = arith.index_cast %rem3A_193 : i32 to index
        %get3A_2801 = arith.index_cast %add3A_2789 : i32 to index
        %get3A_2802 = arith.constant 32 : index
        %get3A_2803 = tpu.vector_load %arg12[%get3A_2800, %get3A_2801, %get3A_2802] {strides = array<i32>} : memref<2x656x64xf32, #tpu.memory_space<vmem>>, vector<16xf32>,
        %mul3A_2804 = arith.mulf %mul3A_2689, %get3A_2803 : vector<16xf32>
        %get3A_2805 = arith.index_cast %rem3A_193 : i32 to index
        %get3A_2806 = arith.index_cast %add3A_2789 : i32 to index
        %get3A_2807 = arith.constant 48 : index
        %get3A_2808 = tpu.vector_load %arg12[%get3A_2805, %get3A_2806, %get3A_2807] {strides = array<i32>} : memref<2x656x64xf32, #tpu.memory_space<vmem>>, vector<16xf32>,
        %mul3A_2809 = arith.mulf %mul3A_2692, %get3A_2808 : vector<16xf32>
        %add3A_2810 = arith.addf %mul3A_2794, %mul3A_2799 : vector<16xf32>
        %add3A_2811 = arith.addf %mul3A_2804, %mul3A_2809 : vector<16xf32>
        %add3A_2812 = arith.addf %add3A_2810, %add3A_2811 : vector<16xf32>
        %add3A_2813 = arith.constant 544 : i32
        %add3A_2814 = arith.addi %add3A_2813, %mul3A_2694 : i32
        %swap3A_2815 = arith.index_cast %add3A_2814 : i32 to index
        %swap3A_2816 = tpu.vector_load %arg13[%swap3A_2815] {strides = array<i32>} : memref<5712xf32, #tpu.memory_space<vmem>>, vector<16xf32>,
        tpu.vector_store %arg13[%swap3A_2815], %add3A_2812 {strides = array<i32>} : memref<5712xf32, #tpu.memory_space<vmem>>, vector<16xf32>,
        %add3A_2817 = arith.constant 320 : i32
        %add3A_2818 = arith.addi %add3A_2817, %mul3A_2133 : i32
        %add3A_2819 = arith.constant 3 : i32
        %add3A_2820 = arith.addi %add3A_2818, %add3A_2819 : i32
        %get3A_2821 = arith.index_cast %rem3A_193 : i32 to index
        %get3A_2822 = arith.index_cast %add3A_2820 : i32 to index
        %get3A_2823 = arith.constant 0 : index
        %get3A_2824 = tpu.vector_load %arg12[%get3A_2821, %get3A_2822, %get3A_2823] {strides = array<i32>} : memref<2x656x64xf32, #tpu.memory_space<vmem>>, vector<16xf32>,
        %mul3A_2825 = arith.mulf %mul3A_2683, %get3A_2824 : vector<16xf32>
        %get3A_2826 = arith.index_cast %rem3A_193 : i32 to index
        %get3A_2827 = arith.index_cast %add3A_2820 : i32 to index
        %get3A_2828 = arith.constant 16 : index
        %get3A_2829 = tpu.vector_load %arg12[%get3A_2826, %get3A_2827, %get3A_2828] {strides = array<i32>} : memref<2x656x64xf32, #tpu.memory_space<vmem>>, vector<16xf32>,
        %mul3A_2830 = arith.mulf %mul3A_2686, %get3A_2829 : vector<16xf32>
        %get3A_2831 = arith.index_cast %rem3A_193 : i32 to index
        %get3A_2832 = arith.index_cast %add3A_2820 : i32 to index
        %get3A_2833 = arith.constant 32 : index
        %get3A_2834 = tpu.vector_load %arg12[%get3A_2831, %get3A_2832, %get3A_2833] {strides = array<i32>} : memref<2x656x64xf32, #tpu.memory_space<vmem>>, vector<16xf32>,
        %mul3A_2835 = arith.mulf %mul3A_2689, %get3A_2834 : vector<16xf32>
        %get3A_2836 = arith.index_cast %rem3A_193 : i32 to index
        %get3A_2837 = arith.index_cast %add3A_2820 : i32 to index
        %get3A_2838 = arith.constant 48 : index
        %get3A_2839 = tpu.vector_load %arg12[%get3A_2836, %get3A_2837, %get3A_2838] {strides = array<i32>} : memref<2x656x64xf32, #tpu.memory_space<vmem>>, vector<16xf32>,
        %mul3A_2840 = arith.mulf %mul3A_2692, %get3A_2839 : vector<16xf32>
        %add3A_2841 = arith.addf %mul3A_2825, %mul3A_2830 : vector<16xf32>
        %add3A_2842 = arith.addf %mul3A_2835, %mul3A_2840 : vector<16xf32>
        %add3A_2843 = arith.addf %add3A_2841, %add3A_2842 : vector<16xf32>
        %add3A_2844 = arith.constant 816 : i32
        %add3A_2845 = arith.addi %add3A_2844, %mul3A_2694 : i32
        %swap3A_2846 = arith.index_cast %add3A_2845 : i32 to index
        %swap3A_2847 = tpu.vector_load %arg13[%swap3A_2846] {strides = array<i32>} : memref<5712xf32, #tpu.memory_space<vmem>>, vector<16xf32>,
        tpu.vector_store %arg13[%swap3A_2846], %add3A_2843 {strides = array<i32>} : memref<5712xf32, #tpu.memory_space<vmem>>, vector<16xf32>,
        %add3A_2848 = arith.constant 320 : i32
        %add3A_2849 = arith.addi %add3A_2848, %mul3A_2133 : i32
        %add3A_2850 = arith.constant 4 : i32
        %add3A_2851 = arith.addi %add3A_2849, %add3A_2850 : i32
        %get3A_2852 = arith.index_cast %rem3A_193 : i32 to index
        %get3A_2853 = arith.index_cast %add3A_2851 : i32 to index
        %get3A_2854 = arith.constant 0 : index
        %get3A_2855 = tpu.vector_load %arg12[%get3A_2852, %get3A_2853, %get3A_2854] {strides = array<i32>} : memref<2x656x64xf32, #tpu.memory_space<vmem>>, vector<16xf32>,
        %mul3A_2856 = arith.mulf %mul3A_2683, %get3A_2855 : vector<16xf32>
        %get3A_2857 = arith.index_cast %rem3A_193 : i32 to index
        %get3A_2858 = arith.index_cast %add3A_2851 : i32 to index
        %get3A_2859 = arith.constant 16 : index
        %get3A_2860 = tpu.vector_load %arg12[%get3A_2857, %get3A_2858, %get3A_2859] {strides = array<i32>} : memref<2x656x64xf32, #tpu.memory_space<vmem>>, vector<16xf32>,
        %mul3A_2861 = arith.mulf %mul3A_2686, %get3A_2860 : vector<16xf32>
        %get3A_2862 = arith.index_cast %rem3A_193 : i32 to index
        %get3A_2863 = arith.index_cast %add3A_2851 : i32 to index
        %get3A_2864 = arith.constant 32 : index
        %get3A_2865 = tpu.vector_load %arg12[%get3A_2862, %get3A_2863, %get3A_2864] {strides = array<i32>} : memref<2x656x64xf32, #tpu.memory_space<vmem>>, vector<16xf32>,
        %mul3A_2866 = arith.mulf %mul3A_2689, %get3A_2865 : vector<16xf32>
        %get3A_2867 = arith.index_cast %rem3A_193 : i32 to index
        %get3A_2868 = arith.index_cast %add3A_2851 : i32 to index
        %get3A_2869 = arith.constant 48 : index
        %get3A_2870 = tpu.vector_load %arg12[%get3A_2867, %get3A_2868, %get3A_2869] {strides = array<i32>} : memref<2x656x64xf32, #tpu.memory_space<vmem>>, vector<16xf32>,
        %mul3A_2871 = arith.mulf %mul3A_2692, %get3A_2870 : vector<16xf32>
        %add3A_2872 = arith.addf %mul3A_2856, %mul3A_2861 : vector<16xf32>
        %add3A_2873 = arith.addf %mul3A_2866, %mul3A_2871 : vector<16xf32>
        %add3A_2874 = arith.addf %add3A_2872, %add3A_2873 : vector<16xf32>
        %add3A_2875 = arith.constant 1088 : i32
        %add3A_2876 = arith.addi %add3A_2875, %mul3A_2694 : i32
        %swap3A_2877 = arith.index_cast %add3A_2876 : i32 to index
        %swap3A_2878 = tpu.vector_load %arg13[%swap3A_2877] {strides = array<i32>} : memref<5712xf32, #tpu.memory_space<vmem>>, vector<16xf32>,
        tpu.vector_store %arg13[%swap3A_2877], %add3A_2874 {strides = array<i32>} : memref<5712xf32, #tpu.memory_space<vmem>>, vector<16xf32>,
        %add3A_2879 = arith.constant 320 : i32
        %add3A_2880 = arith.addi %add3A_2879, %mul3A_2133 : i32
        %add3A_2881 = arith.constant 5 : i32
        %add3A_2882 = arith.addi %add3A_2880, %add3A_2881 : i32
        %get3A_2883 = arith.index_cast %rem3A_193 : i32 to index
        %get3A_2884 = arith.index_cast %add3A_2882 : i32 to index
        %get3A_2885 = arith.constant 0 : index
        %get3A_2886 = tpu.vector_load %arg12[%get3A_2883, %get3A_2884, %get3A_2885] {strides = array<i32>} : memref<2x656x64xf32, #tpu.memory_space<vmem>>, vector<16xf32>,
        %mul3A_2887 = arith.mulf %mul3A_2683, %get3A_2886 : vector<16xf32>
        %get3A_2888 = arith.index_cast %rem3A_193 : i32 to index
        %get3A_2889 = arith.index_cast %add3A_2882 : i32 to index
        %get3A_2890 = arith.constant 16 : index
        %get3A_2891 = tpu.vector_load %arg12[%get3A_2888, %get3A_2889, %get3A_2890] {strides = array<i32>} : memref<2x656x64xf32, #tpu.memory_space<vmem>>, vector<16xf32>,
        %mul3A_2892 = arith.mulf %mul3A_2686, %get3A_2891 : vector<16xf32>
        %get3A_2893 = arith.index_cast %rem3A_193 : i32 to index
        %get3A_2894 = arith.index_cast %add3A_2882 : i32 to index
        %get3A_2895 = arith.constant 32 : index
        %get3A_2896 = tpu.vector_load %arg12[%get3A_2893, %get3A_2894, %get3A_2895] {strides = array<i32>} : memref<2x656x64xf32, #tpu.memory_space<vmem>>, vector<16xf32>,
        %mul3A_2897 = arith.mulf %mul3A_2689, %get3A_2896 : vector<16xf32>
        %get3A_2898 = arith.index_cast %rem3A_193 : i32 to index
        %get3A_2899 = arith.index_cast %add3A_2882 : i32 to index
        %get3A_2900 = arith.constant 48 : index
        %get3A_2901 = tpu.vector_load %arg12[%get3A_2898, %get3A_2899, %get3A_2900] {strides = array<i32>} : memref<2x656x64xf32, #tpu.memory_space<vmem>>, vector<16xf32>,
        %mul3A_2902 = arith.mulf %mul3A_2692, %get3A_2901 : vector<16xf32>
        %add3A_2903 = arith.addf %mul3A_2887, %mul3A_2892 : vector<16xf32>
        %add3A_2904 = arith.addf %mul3A_2897, %mul3A_2902 : vector<16xf32>
        %add3A_2905 = arith.addf %add3A_2903, %add3A_2904 : vector<16xf32>
        %add3A_2906 = arith.constant 1360 : i32
        %add3A_2907 = arith.addi %add3A_2906, %mul3A_2694 : i32
        %swap3A_2908 = arith.index_cast %add3A_2907 : i32 to index
        %swap3A_2909 = tpu.vector_load %arg13[%swap3A_2908] {strides = array<i32>} : memref<5712xf32, #tpu.memory_space<vmem>>, vector<16xf32>,
        tpu.vector_store %arg13[%swap3A_2908], %add3A_2905 {strides = array<i32>} : memref<5712xf32, #tpu.memory_space<vmem>>, vector<16xf32>,
        %add3A_2910 = arith.constant 320 : i32
        %add3A_2911 = arith.addi %add3A_2910, %mul3A_2133 : i32
        %add3A_2912 = arith.constant 6 : i32
        %add3A_2913 = arith.addi %add3A_2911, %add3A_2912 : i32
        %get3A_2914 = arith.index_cast %rem3A_193 : i32 to index
        %get3A_2915 = arith.index_cast %add3A_2913 : i32 to index
        %get3A_2916 = arith.constant 0 : index
        %get3A_2917 = tpu.vector_load %arg12[%get3A_2914, %get3A_2915, %get3A_2916] {strides = array<i32>} : memref<2x656x64xf32, #tpu.memory_space<vmem>>, vector<16xf32>,
        %mul3A_2918 = arith.mulf %mul3A_2683, %get3A_2917 : vector<16xf32>
        %get3A_2919 = arith.index_cast %rem3A_193 : i32 to index
        %get3A_2920 = arith.index_cast %add3A_2913 : i32 to index
        %get3A_2921 = arith.constant 16 : index
        %get3A_2922 = tpu.vector_load %arg12[%get3A_2919, %get3A_2920, %get3A_2921] {strides = array<i32>} : memref<2x656x64xf32, #tpu.memory_space<vmem>>, vector<16xf32>,
        %mul3A_2923 = arith.mulf %mul3A_2686, %get3A_2922 : vector<16xf32>
        %get3A_2924 = arith.index_cast %rem3A_193 : i32 to index
        %get3A_2925 = arith.index_cast %add3A_2913 : i32 to index
        %get3A_2926 = arith.constant 32 : index
        %get3A_2927 = tpu.vector_load %arg12[%get3A_2924, %get3A_2925, %get3A_2926] {strides = array<i32>} : memref<2x656x64xf32, #tpu.memory_space<vmem>>, vector<16xf32>,
        %mul3A_2928 = arith.mulf %mul3A_2689, %get3A_2927 : vector<16xf32>
        %get3A_2929 = arith.index_cast %rem3A_193 : i32 to index
        %get3A_2930 = arith.index_cast %add3A_2913 : i32 to index
        %get3A_2931 = arith.constant 48 : index
        %get3A_2932 = tpu.vector_load %arg12[%get3A_2929, %get3A_2930, %get3A_2931] {strides = array<i32>} : memref<2x656x64xf32, #tpu.memory_space<vmem>>, vector<16xf32>,
        %mul3A_2933 = arith.mulf %mul3A_2692, %get3A_2932 : vector<16xf32>
        %add3A_2934 = arith.addf %mul3A_2918, %mul3A_2923 : vector<16xf32>
        %add3A_2935 = arith.addf %mul3A_2928, %mul3A_2933 : vector<16xf32>
        %add3A_2936 = arith.addf %add3A_2934, %add3A_2935 : vector<16xf32>
        %add3A_2937 = arith.constant 1632 : i32
        %add3A_2938 = arith.addi %add3A_2937, %mul3A_2694 : i32
        %swap3A_2939 = arith.index_cast %add3A_2938 : i32 to index
        %swap3A_2940 = tpu.vector_load %arg13[%swap3A_2939] {strides = array<i32>} : memref<5712xf32, #tpu.memory_space<vmem>>, vector<16xf32>,
        tpu.vector_store %arg13[%swap3A_2939], %add3A_2936 {strides = array<i32>} : memref<5712xf32, #tpu.memory_space<vmem>>, vector<16xf32>,
        %add3A_2941 = arith.constant 320 : i32
        %add3A_2942 = arith.addi %add3A_2941, %mul3A_2133 : i32
        %add3A_2943 = arith.constant 7 : i32
        %add3A_2944 = arith.addi %add3A_2942, %add3A_2943 : i32
        %get3A_2945 = arith.index_cast %rem3A_193 : i32 to index
        %get3A_2946 = arith.index_cast %add3A_2944 : i32 to index
        %get3A_2947 = arith.constant 0 : index
        %get3A_2948 = tpu.vector_load %arg12[%get3A_2945, %get3A_2946, %get3A_2947] {strides = array<i32>} : memref<2x656x64xf32, #tpu.memory_space<vmem>>, vector<16xf32>,
        %mul3A_2949 = arith.mulf %mul3A_2683, %get3A_2948 : vector<16xf32>
        %get3A_2950 = arith.index_cast %rem3A_193 : i32 to index
        %get3A_2951 = arith.index_cast %add3A_2944 : i32 to index
        %get3A_2952 = arith.constant 16 : index
        %get3A_2953 = tpu.vector_load %arg12[%get3A_2950, %get3A_2951, %get3A_2952] {strides = array<i32>} : memref<2x656x64xf32, #tpu.memory_space<vmem>>, vector<16xf32>,
        %mul3A_2954 = arith.mulf %mul3A_2686, %get3A_2953 : vector<16xf32>
        %get3A_2955 = arith.index_cast %rem3A_193 : i32 to index
        %get3A_2956 = arith.index_cast %add3A_2944 : i32 to index
        %get3A_2957 = arith.constant 32 : index
        %get3A_2958 = tpu.vector_load %arg12[%get3A_2955, %get3A_2956, %get3A_2957] {strides = array<i32>} : memref<2x656x64xf32, #tpu.memory_space<vmem>>, vector<16xf32>,
        %mul3A_2959 = arith.mulf %mul3A_2689, %get3A_2958 : vector<16xf32>
        %get3A_2960 = arith.index_cast %rem3A_193 : i32 to index
        %get3A_2961 = arith.index_cast %add3A_2944 : i32 to index
        %get3A_2962 = arith.constant 48 : index
        %get3A_2963 = tpu.vector_load %arg12[%get3A_2960, %get3A_2961, %get3A_2962] {strides = array<i32>} : memref<2x656x64xf32, #tpu.memory_space<vmem>>, vector<16xf32>,
        %mul3A_2964 = arith.mulf %mul3A_2692, %get3A_2963 : vector<16xf32>
        %add3A_2965 = arith.addf %mul3A_2949, %mul3A_2954 : vector<16xf32>
        %add3A_2966 = arith.addf %mul3A_2959, %mul3A_2964 : vector<16xf32>
        %add3A_2967 = arith.addf %add3A_2965, %add3A_2966 : vector<16xf32>
        %add3A_2968 = arith.constant 1904 : i32
        %add3A_2969 = arith.addi %add3A_2968, %mul3A_2694 : i32
        %swap3A_2970 = arith.index_cast %add3A_2969 : i32 to index
        %swap3A_2971 = tpu.vector_load %arg13[%swap3A_2970] {strides = array<i32>} : memref<5712xf32, #tpu.memory_space<vmem>>, vector<16xf32>,
        tpu.vector_store %arg13[%swap3A_2970], %add3A_2967 {strides = array<i32>} : memref<5712xf32, #tpu.memory_space<vmem>>, vector<16xf32>,
        %add3A_2972 = arith.constant 320 : i32
        %add3A_2973 = arith.addi %add3A_2972, %mul3A_2133 : i32
        %add3A_2974 = arith.constant 8 : i32
        %add3A_2975 = arith.addi %add3A_2973, %add3A_2974 : i32
        %get3A_2976 = arith.index_cast %rem3A_193 : i32 to index
        %get3A_2977 = arith.index_cast %add3A_2975 : i32 to index
        %get3A_2978 = arith.constant 0 : index
        %get3A_2979 = tpu.vector_load %arg12[%get3A_2976, %get3A_2977, %get3A_2978] {strides = array<i32>} : memref<2x656x64xf32, #tpu.memory_space<vmem>>, vector<16xf32>,
        %mul3A_2980 = arith.mulf %mul3A_2683, %get3A_2979 : vector<16xf32>
        %get3A_2981 = arith.index_cast %rem3A_193 : i32 to index
        %get3A_2982 = arith.index_cast %add3A_2975 : i32 to index
        %get3A_2983 = arith.constant 16 : index
        %get3A_2984 = tpu.vector_load %arg12[%get3A_2981, %get3A_2982, %get3A_2983] {strides = array<i32>} : memref<2x656x64xf32, #tpu.memory_space<vmem>>, vector<16xf32>,
        %mul3A_2985 = arith.mulf %mul3A_2686, %get3A_2984 : vector<16xf32>
        %get3A_2986 = arith.index_cast %rem3A_193 : i32 to index
        %get3A_2987 = arith.index_cast %add3A_2975 : i32 to index
        %get3A_2988 = arith.constant 32 : index
        %get3A_2989 = tpu.vector_load %arg12[%get3A_2986, %get3A_2987, %get3A_2988] {strides = array<i32>} : memref<2x656x64xf32, #tpu.memory_space<vmem>>, vector<16xf32>,
        %mul3A_2990 = arith.mulf %mul3A_2689, %get3A_2989 : vector<16xf32>
        %get3A_2991 = arith.index_cast %rem3A_193 : i32 to index
        %get3A_2992 = arith.index_cast %add3A_2975 : i32 to index
        %get3A_2993 = arith.constant 48 : index
        %get3A_2994 = tpu.vector_load %arg12[%get3A_2991, %get3A_2992, %get3A_2993] {strides = array<i32>} : memref<2x656x64xf32, #tpu.memory_space<vmem>>, vector<16xf32>,
        %mul3A_2995 = arith.mulf %mul3A_2692, %get3A_2994 : vector<16xf32>
        %add3A_2996 = arith.addf %mul3A_2980, %mul3A_2985 : vector<16xf32>
        %add3A_2997 = arith.addf %mul3A_2990, %mul3A_2995 : vector<16xf32>
        %add3A_2998 = arith.addf %add3A_2996, %add3A_2997 : vector<16xf32>
        %add3A_2999 = arith.constant 2176 : i32
        %add3A_3000 = arith.addi %add3A_2999, %mul3A_2694 : i32
        %swap3A_3001 = arith.index_cast %add3A_3000 : i32 to index
        %swap3A_3002 = tpu.vector_load %arg13[%swap3A_3001] {strides = array<i32>} : memref<5712xf32, #tpu.memory_space<vmem>>, vector<16xf32>,
        tpu.vector_store %arg13[%swap3A_3001], %add3A_2998 {strides = array<i32>} : memref<5712xf32, #tpu.memory_space<vmem>>, vector<16xf32>,
        %add3A_3003 = arith.constant 320 : i32
        %add3A_3004 = arith.addi %add3A_3003, %mul3A_2133 : i32
        %add3A_3005 = arith.constant 9 : i32
        %add3A_3006 = arith.addi %add3A_3004, %add3A_3005 : i32
        %get3A_3007 = arith.index_cast %rem3A_193 : i32 to index
        %get3A_3008 = arith.index_cast %add3A_3006 : i32 to index
        %get3A_3009 = arith.constant 0 : index
        %get3A_3010 = tpu.vector_load %arg12[%get3A_3007, %get3A_3008, %get3A_3009] {strides = array<i32>} : memref<2x656x64xf32, #tpu.memory_space<vmem>>, vector<16xf32>,
        %mul3A_3011 = arith.mulf %mul3A_2683, %get3A_3010 : vector<16xf32>
        %get3A_3012 = arith.index_cast %rem3A_193 : i32 to index
        %get3A_3013 = arith.index_cast %add3A_3006 : i32 to index
        %get3A_3014 = arith.constant 16 : index
        %get3A_3015 = tpu.vector_load %arg12[%get3A_3012, %get3A_3013, %get3A_3014] {strides = array<i32>} : memref<2x656x64xf32, #tpu.memory_space<vmem>>, vector<16xf32>,
        %mul3A_3016 = arith.mulf %mul3A_2686, %get3A_3015 : vector<16xf32>
        %get3A_3017 = arith.index_cast %rem3A_193 : i32 to index
        %get3A_3018 = arith.index_cast %add3A_3006 : i32 to index
        %get3A_3019 = arith.constant 32 : index
        %get3A_3020 = tpu.vector_load %arg12[%get3A_3017, %get3A_3018, %get3A_3019] {strides = array<i32>} : memref<2x656x64xf32, #tpu.memory_space<vmem>>, vector<16xf32>,
        %mul3A_3021 = arith.mulf %mul3A_2689, %get3A_3020 : vector<16xf32>
        %get3A_3022 = arith.index_cast %rem3A_193 : i32 to index
        %get3A_3023 = arith.index_cast %add3A_3006 : i32 to index
        %get3A_3024 = arith.constant 48 : index
        %get3A_3025 = tpu.vector_load %arg12[%get3A_3022, %get3A_3023, %get3A_3024] {strides = array<i32>} : memref<2x656x64xf32, #tpu.memory_space<vmem>>, vector<16xf32>,
        %mul3A_3026 = arith.mulf %mul3A_2692, %get3A_3025 : vector<16xf32>
        %add3A_3027 = arith.addf %mul3A_3011, %mul3A_3016 : vector<16xf32>
        %add3A_3028 = arith.addf %mul3A_3021, %mul3A_3026 : vector<16xf32>
        %add3A_3029 = arith.addf %add3A_3027, %add3A_3028 : vector<16xf32>
        %add3A_3030 = arith.constant 2448 : i32
        %add3A_3031 = arith.addi %add3A_3030, %mul3A_2694 : i32
        %swap3A_3032 = arith.index_cast %add3A_3031 : i32 to index
        %swap3A_3033 = tpu.vector_load %arg13[%swap3A_3032] {strides = array<i32>} : memref<5712xf32, #tpu.memory_space<vmem>>, vector<16xf32>,
        tpu.vector_store %arg13[%swap3A_3032], %add3A_3029 {strides = array<i32>} : memref<5712xf32, #tpu.memory_space<vmem>>, vector<16xf32>,
        %add3A_3034 = arith.constant 320 : i32
        %add3A_3035 = arith.addi %add3A_3034, %mul3A_2133 : i32
        %add3A_3036 = arith.constant 10 : i32
        %add3A_3037 = arith.addi %add3A_3035, %add3A_3036 : i32
        %get3A_3038 = arith.index_cast %rem3A_193 : i32 to index
        %get3A_3039 = arith.index_cast %add3A_3037 : i32 to index
        %get3A_3040 = arith.constant 0 : index
        %get3A_3041 = tpu.vector_load %arg12[%get3A_3038, %get3A_3039, %get3A_3040] {strides = array<i32>} : memref<2x656x64xf32, #tpu.memory_space<vmem>>, vector<16xf32>,
        %mul3A_3042 = arith.mulf %mul3A_2683, %get3A_3041 : vector<16xf32>
        %get3A_3043 = arith.index_cast %rem3A_193 : i32 to index
        %get3A_3044 = arith.index_cast %add3A_3037 : i32 to index
        %get3A_3045 = arith.constant 16 : index
        %get3A_3046 = tpu.vector_load %arg12[%get3A_3043, %get3A_3044, %get3A_3045] {strides = array<i32>} : memref<2x656x64xf32, #tpu.memory_space<vmem>>, vector<16xf32>,
        %mul3A_3047 = arith.mulf %mul3A_2686, %get3A_3046 : vector<16xf32>
        %get3A_3048 = arith.index_cast %rem3A_193 : i32 to index
        %get3A_3049 = arith.index_cast %add3A_3037 : i32 to index
        %get3A_3050 = arith.constant 32 : index
        %get3A_3051 = tpu.vector_load %arg12[%get3A_3048, %get3A_3049, %get3A_3050] {strides = array<i32>} : memref<2x656x64xf32, #tpu.memory_space<vmem>>, vector<16xf32>,
        %mul3A_3052 = arith.mulf %mul3A_2689, %get3A_3051 : vector<16xf32>
        %get3A_3053 = arith.index_cast %rem3A_193 : i32 to index
        %get3A_3054 = arith.index_cast %add3A_3037 : i32 to index
        %get3A_3055 = arith.constant 48 : index
        %get3A_3056 = tpu.vector_load %arg12[%get3A_3053, %get3A_3054, %get3A_3055] {strides = array<i32>} : memref<2x656x64xf32, #tpu.memory_space<vmem>>, vector<16xf32>,
        %mul3A_3057 = arith.mulf %mul3A_2692, %get3A_3056 : vector<16xf32>
        %add3A_3058 = arith.addf %mul3A_3042, %mul3A_3047 : vector<16xf32>
        %add3A_3059 = arith.addf %mul3A_3052, %mul3A_3057 : vector<16xf32>
        %add3A_3060 = arith.addf %add3A_3058, %add3A_3059 : vector<16xf32>
        %add3A_3061 = arith.constant 2720 : i32
        %add3A_3062 = arith.addi %add3A_3061, %mul3A_2694 : i32
        %swap3A_3063 = arith.index_cast %add3A_3062 : i32 to index
        %swap3A_3064 = tpu.vector_load %arg13[%swap3A_3063] {strides = array<i32>} : memref<5712xf32, #tpu.memory_space<vmem>>, vector<16xf32>,
        tpu.vector_store %arg13[%swap3A_3063], %add3A_3060 {strides = array<i32>} : memref<5712xf32, #tpu.memory_space<vmem>>, vector<16xf32>,
        %add3A_3065 = arith.constant 320 : i32
        %add3A_3066 = arith.addi %add3A_3065, %mul3A_2133 : i32
        %add3A_3067 = arith.constant 11 : i32
        %add3A_3068 = arith.addi %add3A_3066, %add3A_3067 : i32
        %get3A_3069 = arith.index_cast %rem3A_193 : i32 to index
        %get3A_3070 = arith.index_cast %add3A_3068 : i32 to index
        %get3A_3071 = arith.constant 0 : index
        %get3A_3072 = tpu.vector_load %arg12[%get3A_3069, %get3A_3070, %get3A_3071] {strides = array<i32>} : memref<2x656x64xf32, #tpu.memory_space<vmem>>, vector<16xf32>,
        %mul3A_3073 = arith.mulf %mul3A_2683, %get3A_3072 : vector<16xf32>
        %get3A_3074 = arith.index_cast %rem3A_193 : i32 to index
        %get3A_3075 = arith.index_cast %add3A_3068 : i32 to index
        %get3A_3076 = arith.constant 16 : index
        %get3A_3077 = tpu.vector_load %arg12[%get3A_3074, %get3A_3075, %get3A_3076] {strides = array<i32>} : memref<2x656x64xf32, #tpu.memory_space<vmem>>, vector<16xf32>,
        %mul3A_3078 = arith.mulf %mul3A_2686, %get3A_3077 : vector<16xf32>
        %get3A_3079 = arith.index_cast %rem3A_193 : i32 to index
        %get3A_3080 = arith.index_cast %add3A_3068 : i32 to index
        %get3A_3081 = arith.constant 32 : index
        %get3A_3082 = tpu.vector_load %arg12[%get3A_3079, %get3A_3080, %get3A_3081] {strides = array<i32>} : memref<2x656x64xf32, #tpu.memory_space<vmem>>, vector<16xf32>,
        %mul3A_3083 = arith.mulf %mul3A_2689, %get3A_3082 : vector<16xf32>
        %get3A_3084 = arith.index_cast %rem3A_193 : i32 to index
        %get3A_3085 = arith.index_cast %add3A_3068 : i32 to index
        %get3A_3086 = arith.constant 48 : index
        %get3A_3087 = tpu.vector_load %arg12[%get3A_3084, %get3A_3085, %get3A_3086] {strides = array<i32>} : memref<2x656x64xf32, #tpu.memory_space<vmem>>, vector<16xf32>,
        %mul3A_3088 = arith.mulf %mul3A_2692, %get3A_3087 : vector<16xf32>
        %add3A_3089 = arith.addf %mul3A_3073, %mul3A_3078 : vector<16xf32>
        %add3A_3090 = arith.addf %mul3A_3083, %mul3A_3088 : vector<16xf32>
        %add3A_3091 = arith.addf %add3A_3089, %add3A_3090 : vector<16xf32>
        %add3A_3092 = arith.constant 2992 : i32
        %add3A_3093 = arith.addi %add3A_3092, %mul3A_2694 : i32
        %swap3A_3094 = arith.index_cast %add3A_3093 : i32 to index
        %swap3A_3095 = tpu.vector_load %arg13[%swap3A_3094] {strides = array<i32>} : memref<5712xf32, #tpu.memory_space<vmem>>, vector<16xf32>,
        tpu.vector_store %arg13[%swap3A_3094], %add3A_3091 {strides = array<i32>} : memref<5712xf32, #tpu.memory_space<vmem>>, vector<16xf32>,
        %add3A_3096 = arith.constant 320 : i32
        %add3A_3097 = arith.addi %add3A_3096, %mul3A_2133 : i32
        %add3A_3098 = arith.constant 12 : i32
        %add3A_3099 = arith.addi %add3A_3097, %add3A_3098 : i32
        %get3A_3100 = arith.index_cast %rem3A_193 : i32 to index
        %get3A_3101 = arith.index_cast %add3A_3099 : i32 to index
        %get3A_3102 = arith.constant 0 : index
        %get3A_3103 = tpu.vector_load %arg12[%get3A_3100, %get3A_3101, %get3A_3102] {strides = array<i32>} : memref<2x656x64xf32, #tpu.memory_space<vmem>>, vector<16xf32>,
        %mul3A_3104 = arith.mulf %mul3A_2683, %get3A_3103 : vector<16xf32>
        %get3A_3105 = arith.index_cast %rem3A_193 : i32 to index
        %get3A_3106 = arith.index_cast %add3A_3099 : i32 to index
        %get3A_3107 = arith.constant 16 : index
        %get3A_3108 = tpu.vector_load %arg12[%get3A_3105, %get3A_3106, %get3A_3107] {strides = array<i32>} : memref<2x656x64xf32, #tpu.memory_space<vmem>>, vector<16xf32>,
        %mul3A_3109 = arith.mulf %mul3A_2686, %get3A_3108 : vector<16xf32>
        %get3A_3110 = arith.index_cast %rem3A_193 : i32 to index
        %get3A_3111 = arith.index_cast %add3A_3099 : i32 to index
        %get3A_3112 = arith.constant 32 : index
        %get3A_3113 = tpu.vector_load %arg12[%get3A_3110, %get3A_3111, %get3A_3112] {strides = array<i32>} : memref<2x656x64xf32, #tpu.memory_space<vmem>>, vector<16xf32>,
        %mul3A_3114 = arith.mulf %mul3A_2689, %get3A_3113 : vector<16xf32>
        %get3A_3115 = arith.index_cast %rem3A_193 : i32 to index
        %get3A_3116 = arith.index_cast %add3A_3099 : i32 to index
        %get3A_3117 = arith.constant 48 : index
        %get3A_3118 = tpu.vector_load %arg12[%get3A_3115, %get3A_3116, %get3A_3117] {strides = array<i32>} : memref<2x656x64xf32, #tpu.memory_space<vmem>>, vector<16xf32>,
        %mul3A_3119 = arith.mulf %mul3A_2692, %get3A_3118 : vector<16xf32>
        %add3A_3120 = arith.addf %mul3A_3104, %mul3A_3109 : vector<16xf32>
        %add3A_3121 = arith.addf %mul3A_3114, %mul3A_3119 : vector<16xf32>
        %add3A_3122 = arith.addf %add3A_3120, %add3A_3121 : vector<16xf32>
        %add3A_3123 = arith.constant 3264 : i32
        %add3A_3124 = arith.addi %add3A_3123, %mul3A_2694 : i32
        %swap3A_3125 = arith.index_cast %add3A_3124 : i32 to index
        %swap3A_3126 = tpu.vector_load %arg13[%swap3A_3125] {strides = array<i32>} : memref<5712xf32, #tpu.memory_space<vmem>>, vector<16xf32>,
        tpu.vector_store %arg13[%swap3A_3125], %add3A_3122 {strides = array<i32>} : memref<5712xf32, #tpu.memory_space<vmem>>, vector<16xf32>,
        %add3A_3127 = arith.constant 320 : i32
        %add3A_3128 = arith.addi %add3A_3127, %mul3A_2133 : i32
        %add3A_3129 = arith.constant 13 : i32
        %add3A_3130 = arith.addi %add3A_3128, %add3A_3129 : i32
        %get3A_3131 = arith.index_cast %rem3A_193 : i32 to index
        %get3A_3132 = arith.index_cast %add3A_3130 : i32 to index
        %get3A_3133 = arith.constant 0 : index
        %get3A_3134 = tpu.vector_load %arg12[%get3A_3131, %get3A_3132, %get3A_3133] {strides = array<i32>} : memref<2x656x64xf32, #tpu.memory_space<vmem>>, vector<16xf32>,
        %mul3A_3135 = arith.mulf %mul3A_2683, %get3A_3134 : vector<16xf32>
        %get3A_3136 = arith.index_cast %rem3A_193 : i32 to index
        %get3A_3137 = arith.index_cast %add3A_3130 : i32 to index
        %get3A_3138 = arith.constant 16 : index
        %get3A_3139 = tpu.vector_load %arg12[%get3A_3136, %get3A_3137, %get3A_3138] {strides = array<i32>} : memref<2x656x64xf32, #tpu.memory_space<vmem>>, vector<16xf32>,
        %mul3A_3140 = arith.mulf %mul3A_2686, %get3A_3139 : vector<16xf32>
        %get3A_3141 = arith.index_cast %rem3A_193 : i32 to index
        %get3A_3142 = arith.index_cast %add3A_3130 : i32 to index
        %get3A_3143 = arith.constant 32 : index
        %get3A_3144 = tpu.vector_load %arg12[%get3A_3141, %get3A_3142, %get3A_3143] {strides = array<i32>} : memref<2x656x64xf32, #tpu.memory_space<vmem>>, vector<16xf32>,
        %mul3A_3145 = arith.mulf %mul3A_2689, %get3A_3144 : vector<16xf32>
        %get3A_3146 = arith.index_cast %rem3A_193 : i32 to index
        %get3A_3147 = arith.index_cast %add3A_3130 : i32 to index
        %get3A_3148 = arith.constant 48 : index
        %get3A_3149 = tpu.vector_load %arg12[%get3A_3146, %get3A_3147, %get3A_3148] {strides = array<i32>} : memref<2x656x64xf32, #tpu.memory_space<vmem>>, vector<16xf32>,
        %mul3A_3150 = arith.mulf %mul3A_2692, %get3A_3149 : vector<16xf32>
        %add3A_3151 = arith.addf %mul3A_3135, %mul3A_3140 : vector<16xf32>
        %add3A_3152 = arith.addf %mul3A_3145, %mul3A_3150 : vector<16xf32>
        %add3A_3153 = arith.addf %add3A_3151, %add3A_3152 : vector<16xf32>
        %add3A_3154 = arith.constant 3536 : i32
        %add3A_3155 = arith.addi %add3A_3154, %mul3A_2694 : i32
        %swap3A_3156 = arith.index_cast %add3A_3155 : i32 to index
        %swap3A_3157 = tpu.vector_load %arg13[%swap3A_3156] {strides = array<i32>} : memref<5712xf32, #tpu.memory_space<vmem>>, vector<16xf32>,
        tpu.vector_store %arg13[%swap3A_3156], %add3A_3153 {strides = array<i32>} : memref<5712xf32, #tpu.memory_space<vmem>>, vector<16xf32>,
        %add3A_3158 = arith.constant 320 : i32
        %add3A_3159 = arith.addi %add3A_3158, %mul3A_2133 : i32
        %add3A_3160 = arith.constant 14 : i32
        %add3A_3161 = arith.addi %add3A_3159, %add3A_3160 : i32
        %get3A_3162 = arith.index_cast %rem3A_193 : i32 to index
        %get3A_3163 = arith.index_cast %add3A_3161 : i32 to index
        %get3A_3164 = arith.constant 0 : index
        %get3A_3165 = tpu.vector_load %arg12[%get3A_3162, %get3A_3163, %get3A_3164] {strides = array<i32>} : memref<2x656x64xf32, #tpu.memory_space<vmem>>, vector<16xf32>,
        %mul3A_3166 = arith.mulf %mul3A_2683, %get3A_3165 : vector<16xf32>
        %get3A_3167 = arith.index_cast %rem3A_193 : i32 to index
        %get3A_3168 = arith.index_cast %add3A_3161 : i32 to index
        %get3A_3169 = arith.constant 16 : index
        %get3A_3170 = tpu.vector_load %arg12[%get3A_3167, %get3A_3168, %get3A_3169] {strides = array<i32>} : memref<2x656x64xf32, #tpu.memory_space<vmem>>, vector<16xf32>,
        %mul3A_3171 = arith.mulf %mul3A_2686, %get3A_3170 : vector<16xf32>
        %get3A_3172 = arith.index_cast %rem3A_193 : i32 to index
        %get3A_3173 = arith.index_cast %add3A_3161 : i32 to index
        %get3A_3174 = arith.constant 32 : index
        %get3A_3175 = tpu.vector_load %arg12[%get3A_3172, %get3A_3173, %get3A_3174] {strides = array<i32>} : memref<2x656x64xf32, #tpu.memory_space<vmem>>, vector<16xf32>,
        %mul3A_3176 = arith.mulf %mul3A_2689, %get3A_3175 : vector<16xf32>
        %get3A_3177 = arith.index_cast %rem3A_193 : i32 to index
        %get3A_3178 = arith.index_cast %add3A_3161 : i32 to index
        %get3A_3179 = arith.constant 48 : index
        %get3A_3180 = tpu.vector_load %arg12[%get3A_3177, %get3A_3178, %get3A_3179] {strides = array<i32>} : memref<2x656x64xf32, #tpu.memory_space<vmem>>, vector<16xf32>,
        %mul3A_3181 = arith.mulf %mul3A_2692, %get3A_3180 : vector<16xf32>
        %add3A_3182 = arith.addf %mul3A_3166, %mul3A_3171 : vector<16xf32>
        %add3A_3183 = arith.addf %mul3A_3176, %mul3A_3181 : vector<16xf32>
        %add3A_3184 = arith.addf %add3A_3182, %add3A_3183 : vector<16xf32>
        %add3A_3185 = arith.constant 3808 : i32
        %add3A_3186 = arith.addi %add3A_3185, %mul3A_2694 : i32
        %swap3A_3187 = arith.index_cast %add3A_3186 : i32 to index
        %swap3A_3188 = tpu.vector_load %arg13[%swap3A_3187] {strides = array<i32>} : memref<5712xf32, #tpu.memory_space<vmem>>, vector<16xf32>,
        tpu.vector_store %arg13[%swap3A_3187], %add3A_3184 {strides = array<i32>} : memref<5712xf32, #tpu.memory_space<vmem>>, vector<16xf32>,
        %add3A_3189 = arith.constant 320 : i32
        %add3A_3190 = arith.addi %add3A_3189, %mul3A_2133 : i32
        %add3A_3191 = arith.constant 15 : i32
        %add3A_3192 = arith.addi %add3A_3190, %add3A_3191 : i32
        %get3A_3193 = arith.index_cast %rem3A_193 : i32 to index
        %get3A_3194 = arith.index_cast %add3A_3192 : i32 to index
        %get3A_3195 = arith.constant 0 : index
        %get3A_3196 = tpu.vector_load %arg12[%get3A_3193, %get3A_3194, %get3A_3195] {strides = array<i32>} : memref<2x656x64xf32, #tpu.memory_space<vmem>>, vector<16xf32>,
        %mul3A_3197 = arith.mulf %mul3A_2683, %get3A_3196 : vector<16xf32>
        %get3A_3198 = arith.index_cast %rem3A_193 : i32 to index
        %get3A_3199 = arith.index_cast %add3A_3192 : i32 to index
        %get3A_3200 = arith.constant 16 : index
        %get3A_3201 = tpu.vector_load %arg12[%get3A_3198, %get3A_3199, %get3A_3200] {strides = array<i32>} : memref<2x656x64xf32, #tpu.memory_space<vmem>>, vector<16xf32>,
        %mul3A_3202 = arith.mulf %mul3A_2686, %get3A_3201 : vector<16xf32>
        %get3A_3203 = arith.index_cast %rem3A_193 : i32 to index
        %get3A_3204 = arith.index_cast %add3A_3192 : i32 to index
        %get3A_3205 = arith.constant 32 : index
        %get3A_3206 = tpu.vector_load %arg12[%get3A_3203, %get3A_3204, %get3A_3205] {strides = array<i32>} : memref<2x656x64xf32, #tpu.memory_space<vmem>>, vector<16xf32>,
        %mul3A_3207 = arith.mulf %mul3A_2689, %get3A_3206 : vector<16xf32>
        %get3A_3208 = arith.index_cast %rem3A_193 : i32 to index
        %get3A_3209 = arith.index_cast %add3A_3192 : i32 to index
        %get3A_3210 = arith.constant 48 : index
        %get3A_3211 = tpu.vector_load %arg12[%get3A_3208, %get3A_3209, %get3A_3210] {strides = array<i32>} : memref<2x656x64xf32, #tpu.memory_space<vmem>>, vector<16xf32>,
        %mul3A_3212 = arith.mulf %mul3A_2692, %get3A_3211 : vector<16xf32>
        %add3A_3213 = arith.addf %mul3A_3197, %mul3A_3202 : vector<16xf32>
        %add3A_3214 = arith.addf %mul3A_3207, %mul3A_3212 : vector<16xf32>
        %add3A_3215 = arith.addf %add3A_3213, %add3A_3214 : vector<16xf32>
        %add3A_3216 = arith.constant 4080 : i32
        %add3A_3217 = arith.addi %add3A_3216, %mul3A_2694 : i32
        %swap3A_3218 = arith.index_cast %add3A_3217 : i32 to index
        %swap3A_3219 = tpu.vector_load %arg13[%swap3A_3218] {strides = array<i32>} : memref<5712xf32, #tpu.memory_space<vmem>>, vector<16xf32>,
        tpu.vector_store %arg13[%swap3A_3218], %add3A_3215 {strides = array<i32>} : memref<5712xf32, #tpu.memory_space<vmem>>, vector<16xf32>,
        %add3A_3220 = arith.constant 320 : i32
        %add3A_3221 = arith.addi %add3A_3220, %mul3A_2133 : i32
        %add3A_3222 = arith.constant 16 : i32
        %add3A_3223 = arith.addi %add3A_3221, %add3A_3222 : i32
        %get3A_3224 = arith.index_cast %rem3A_193 : i32 to index
        %get3A_3225 = arith.index_cast %add3A_3223 : i32 to index
        %get3A_3226 = arith.constant 0 : index
        %get3A_3227 = tpu.vector_load %arg12[%get3A_3224, %get3A_3225, %get3A_3226] {strides = array<i32>} : memref<2x656x64xf32, #tpu.memory_space<vmem>>, vector<16xf32>,
        %mul3A_3228 = arith.mulf %mul3A_2683, %get3A_3227 : vector<16xf32>
        %get3A_3229 = arith.index_cast %rem3A_193 : i32 to index
        %get3A_3230 = arith.index_cast %add3A_3223 : i32 to index
        %get3A_3231 = arith.constant 16 : index
        %get3A_3232 = tpu.vector_load %arg12[%get3A_3229, %get3A_3230, %get3A_3231] {strides = array<i32>} : memref<2x656x64xf32, #tpu.memory_space<vmem>>, vector<16xf32>,
        %mul3A_3233 = arith.mulf %mul3A_2686, %get3A_3232 : vector<16xf32>
        %get3A_3234 = arith.index_cast %rem3A_193 : i32 to index
        %get3A_3235 = arith.index_cast %add3A_3223 : i32 to index
        %get3A_3236 = arith.constant 32 : index
        %get3A_3237 = tpu.vector_load %arg12[%get3A_3234, %get3A_3235, %get3A_3236] {strides = array<i32>} : memref<2x656x64xf32, #tpu.memory_space<vmem>>, vector<16xf32>,
        %mul3A_3238 = arith.mulf %mul3A_2689, %get3A_3237 : vector<16xf32>
        %get3A_3239 = arith.index_cast %rem3A_193 : i32 to index
        %get3A_3240 = arith.index_cast %add3A_3223 : i32 to index
        %get3A_3241 = arith.constant 48 : index
        %get3A_3242 = tpu.vector_load %arg12[%get3A_3239, %get3A_3240, %get3A_3241] {strides = array<i32>} : memref<2x656x64xf32, #tpu.memory_space<vmem>>, vector<16xf32>,
        %mul3A_3243 = arith.mulf %mul3A_2692, %get3A_3242 : vector<16xf32>
        %add3A_3244 = arith.addf %mul3A_3228, %mul3A_3233 : vector<16xf32>
        %add3A_3245 = arith.addf %mul3A_3238, %mul3A_3243 : vector<16xf32>
        %add3A_3246 = arith.addf %add3A_3244, %add3A_3245 : vector<16xf32>
        %add3A_3247 = arith.constant 4352 : i32
        %add3A_3248 = arith.addi %add3A_3247, %mul3A_2694 : i32
        %swap3A_3249 = arith.index_cast %add3A_3248 : i32 to index
        %swap3A_3250 = tpu.vector_load %arg13[%swap3A_3249] {strides = array<i32>} : memref<5712xf32, #tpu.memory_space<vmem>>, vector<16xf32>,
        tpu.vector_store %arg13[%swap3A_3249], %add3A_3246 {strides = array<i32>} : memref<5712xf32, #tpu.memory_space<vmem>>, vector<16xf32>,
        %add3A_3251 = arith.constant 320 : i32
        %add3A_3252 = arith.addi %add3A_3251, %mul3A_2133 : i32
        %add3A_3253 = arith.constant 17 : i32
        %add3A_3254 = arith.addi %add3A_3252, %add3A_3253 : i32
        %get3A_3255 = arith.index_cast %rem3A_193 : i32 to index
        %get3A_3256 = arith.index_cast %add3A_3254 : i32 to index
        %get3A_3257 = arith.constant 0 : index
        %get3A_3258 = tpu.vector_load %arg12[%get3A_3255, %get3A_3256, %get3A_3257] {strides = array<i32>} : memref<2x656x64xf32, #tpu.memory_space<vmem>>, vector<16xf32>,
        %mul3A_3259 = arith.mulf %mul3A_2683, %get3A_3258 : vector<16xf32>
        %get3A_3260 = arith.index_cast %rem3A_193 : i32 to index
        %get3A_3261 = arith.index_cast %add3A_3254 : i32 to index
        %get3A_3262 = arith.constant 16 : index
        %get3A_3263 = tpu.vector_load %arg12[%get3A_3260, %get3A_3261, %get3A_3262] {strides = array<i32>} : memref<2x656x64xf32, #tpu.memory_space<vmem>>, vector<16xf32>,
        %mul3A_3264 = arith.mulf %mul3A_2686, %get3A_3263 : vector<16xf32>
        %get3A_3265 = arith.index_cast %rem3A_193 : i32 to index
        %get3A_3266 = arith.index_cast %add3A_3254 : i32 to index
        %get3A_3267 = arith.constant 32 : index
        %get3A_3268 = tpu.vector_load %arg12[%get3A_3265, %get3A_3266, %get3A_3267] {strides = array<i32>} : memref<2x656x64xf32, #tpu.memory_space<vmem>>, vector<16xf32>,
        %mul3A_3269 = arith.mulf %mul3A_2689, %get3A_3268 : vector<16xf32>
        %get3A_3270 = arith.index_cast %rem3A_193 : i32 to index
        %get3A_3271 = arith.index_cast %add3A_3254 : i32 to index
        %get3A_3272 = arith.constant 48 : index
        %get3A_3273 = tpu.vector_load %arg12[%get3A_3270, %get3A_3271, %get3A_3272] {strides = array<i32>} : memref<2x656x64xf32, #tpu.memory_space<vmem>>, vector<16xf32>,
        %mul3A_3274 = arith.mulf %mul3A_2692, %get3A_3273 : vector<16xf32>
        %add3A_3275 = arith.addf %mul3A_3259, %mul3A_3264 : vector<16xf32>
        %add3A_3276 = arith.addf %mul3A_3269, %mul3A_3274 : vector<16xf32>
        %add3A_3277 = arith.addf %add3A_3275, %add3A_3276 : vector<16xf32>
        %add3A_3278 = arith.constant 4624 : i32
        %add3A_3279 = arith.addi %add3A_3278, %mul3A_2694 : i32
        %swap3A_3280 = arith.index_cast %add3A_3279 : i32 to index
        %swap3A_3281 = tpu.vector_load %arg13[%swap3A_3280] {strides = array<i32>} : memref<5712xf32, #tpu.memory_space<vmem>>, vector<16xf32>,
        tpu.vector_store %arg13[%swap3A_3280], %add3A_3277 {strides = array<i32>} : memref<5712xf32, #tpu.memory_space<vmem>>, vector<16xf32>,
        %add3A_3282 = arith.constant 320 : i32
        %add3A_3283 = arith.addi %add3A_3282, %mul3A_2133 : i32
        %add3A_3284 = arith.constant 18 : i32
        %add3A_3285 = arith.addi %add3A_3283, %add3A_3284 : i32
        %get3A_3286 = arith.index_cast %rem3A_193 : i32 to index
        %get3A_3287 = arith.index_cast %add3A_3285 : i32 to index
        %get3A_3288 = arith.constant 0 : index
        %get3A_3289 = tpu.vector_load %arg12[%get3A_3286, %get3A_3287, %get3A_3288] {strides = array<i32>} : memref<2x656x64xf32, #tpu.memory_space<vmem>>, vector<16xf32>,
        %mul3A_3290 = arith.mulf %mul3A_2683, %get3A_3289 : vector<16xf32>
        %get3A_3291 = arith.index_cast %rem3A_193 : i32 to index
        %get3A_3292 = arith.index_cast %add3A_3285 : i32 to index
        %get3A_3293 = arith.constant 16 : index
        %get3A_3294 = tpu.vector_load %arg12[%get3A_3291, %get3A_3292, %get3A_3293] {strides = array<i32>} : memref<2x656x64xf32, #tpu.memory_space<vmem>>, vector<16xf32>,
        %mul3A_3295 = arith.mulf %mul3A_2686, %get3A_3294 : vector<16xf32>
        %get3A_3296 = arith.index_cast %rem3A_193 : i32 to index
        %get3A_3297 = arith.index_cast %add3A_3285 : i32 to index
        %get3A_3298 = arith.constant 32 : index
        %get3A_3299 = tpu.vector_load %arg12[%get3A_3296, %get3A_3297, %get3A_3298] {strides = array<i32>} : memref<2x656x64xf32, #tpu.memory_space<vmem>>, vector<16xf32>,
        %mul3A_3300 = arith.mulf %mul3A_2689, %get3A_3299 : vector<16xf32>
        %get3A_3301 = arith.index_cast %rem3A_193 : i32 to index
        %get3A_3302 = arith.index_cast %add3A_3285 : i32 to index
        %get3A_3303 = arith.constant 48 : index
        %get3A_3304 = tpu.vector_load %arg12[%get3A_3301, %get3A_3302, %get3A_3303] {strides = array<i32>} : memref<2x656x64xf32, #tpu.memory_space<vmem>>, vector<16xf32>,
        %mul3A_3305 = arith.mulf %mul3A_2692, %get3A_3304 : vector<16xf32>
        %add3A_3306 = arith.addf %mul3A_3290, %mul3A_3295 : vector<16xf32>
        %add3A_3307 = arith.addf %mul3A_3300, %mul3A_3305 : vector<16xf32>
        %add3A_3308 = arith.addf %add3A_3306, %add3A_3307 : vector<16xf32>
        %add3A_3309 = arith.constant 4896 : i32
        %add3A_3310 = arith.addi %add3A_3309, %mul3A_2694 : i32
        %swap3A_3311 = arith.index_cast %add3A_3310 : i32 to index
        %swap3A_3312 = tpu.vector_load %arg13[%swap3A_3311] {strides = array<i32>} : memref<5712xf32, #tpu.memory_space<vmem>>, vector<16xf32>,
        tpu.vector_store %arg13[%swap3A_3311], %add3A_3308 {strides = array<i32>} : memref<5712xf32, #tpu.memory_space<vmem>>, vector<16xf32>,
        %add3A_3313 = arith.constant 320 : i32
        %add3A_3314 = arith.addi %add3A_3313, %mul3A_2133 : i32
        %add3A_3315 = arith.constant 19 : i32
        %add3A_3316 = arith.addi %add3A_3314, %add3A_3315 : i32
        %get3A_3317 = arith.index_cast %rem3A_193 : i32 to index
        %get3A_3318 = arith.index_cast %add3A_3316 : i32 to index
        %get3A_3319 = arith.constant 0 : index
        %get3A_3320 = tpu.vector_load %arg12[%get3A_3317, %get3A_3318, %get3A_3319] {strides = array<i32>} : memref<2x656x64xf32, #tpu.memory_space<vmem>>, vector<16xf32>,
        %mul3A_3321 = arith.mulf %mul3A_2683, %get3A_3320 : vector<16xf32>
        %get3A_3322 = arith.index_cast %rem3A_193 : i32 to index
        %get3A_3323 = arith.index_cast %add3A_3316 : i32 to index
        %get3A_3324 = arith.constant 16 : index
        %get3A_3325 = tpu.vector_load %arg12[%get3A_3322, %get3A_3323, %get3A_3324] {strides = array<i32>} : memref<2x656x64xf32, #tpu.memory_space<vmem>>, vector<16xf32>,
        %mul3A_3326 = arith.mulf %mul3A_2686, %get3A_3325 : vector<16xf32>
        %get3A_3327 = arith.index_cast %rem3A_193 : i32 to index
        %get3A_3328 = arith.index_cast %add3A_3316 : i32 to index
        %get3A_3329 = arith.constant 32 : index
        %get3A_3330 = tpu.vector_load %arg12[%get3A_3327, %get3A_3328, %get3A_3329] {strides = array<i32>} : memref<2x656x64xf32, #tpu.memory_space<vmem>>, vector<16xf32>,
        %mul3A_3331 = arith.mulf %mul3A_2689, %get3A_3330 : vector<16xf32>
        %get3A_3332 = arith.index_cast %rem3A_193 : i32 to index
        %get3A_3333 = arith.index_cast %add3A_3316 : i32 to index
        %get3A_3334 = arith.constant 48 : index
        %get3A_3335 = tpu.vector_load %arg12[%get3A_3332, %get3A_3333, %get3A_3334] {strides = array<i32>} : memref<2x656x64xf32, #tpu.memory_space<vmem>>, vector<16xf32>,
        %mul3A_3336 = arith.mulf %mul3A_2692, %get3A_3335 : vector<16xf32>
        %add3A_3337 = arith.addf %mul3A_3321, %mul3A_3326 : vector<16xf32>
        %add3A_3338 = arith.addf %mul3A_3331, %mul3A_3336 : vector<16xf32>
        %add3A_3339 = arith.addf %add3A_3337, %add3A_3338 : vector<16xf32>
        %add3A_3340 = arith.constant 5168 : i32
        %add3A_3341 = arith.addi %add3A_3340, %mul3A_2694 : i32
        %swap3A_3342 = arith.index_cast %add3A_3341 : i32 to index
        %swap3A_3343 = tpu.vector_load %arg13[%swap3A_3342] {strides = array<i32>} : memref<5712xf32, #tpu.memory_space<vmem>>, vector<16xf32>,
        tpu.vector_store %arg13[%swap3A_3342], %add3A_3339 {strides = array<i32>} : memref<5712xf32, #tpu.memory_space<vmem>>, vector<16xf32>,
      }
      %scan3A_325 = arith.constant 16 : i32
      %ge3A = arith.constant 2 : i32
      %ge3A_326 = arith.cmpi sge, %scan3A_191, %ge3A : i32
      %convert_element_type3A_327 = arith.extui %ge3A_326 : i1 to i32
      %cond3A_328 = arith.constant 0 : i32
      %cond3A_329 = arith.cmpi ne, %convert_element_type3A_327, %cond3A_328 : i32
      scf.if %cond3A_329 {
        %dma_wait3A_2131 = arith.constant 0 : i32
        %dma_wait3A_2132 = tpu.memref_slice %arg14[%rem3A_193, %dma_wait3A_2131] : memref<2x16xf32, #tpu.memory_space<vmem>> -> memref<1x16xf32, #tpu.memory_space<vmem>>
        %dma_wait3A_2133 = tpu.memref_squeeze %dma_wait3A_2132 : memref<1x16xf32, #tpu.memory_space<vmem>> -> memref<16xf32, #tpu.memory_space<vmem>>
        %dma_wait3A_2134 = arith.constant 0 : i32
        %dma_wait3A_2135 = tpu.memref_slice %arg7[%dma_wait3A_2134] : memref<16384xf32, #tpu.memory_space<hbm>> -> memref<16xf32, #tpu.memory_space<hbm>>
        %dma_wait3A_2136 = tpu.memref_slice %arg17[%rem3A_193] : memref<2x!tpu.dma_semaphore, #tpu.memory_space<semaphore_mem>> -> memref<1x!tpu.dma_semaphore, #tpu.memory_space<semaphore_mem>>
        %dma_wait3A_2137 = tpu.memref_squeeze %dma_wait3A_2136 : memref<1x!tpu.dma_semaphore, #tpu.memory_space<semaphore_mem>> -> memref<!tpu.dma_semaphore, #tpu.memory_space<semaphore_mem>>
        %dma_wait3A_2138 = arith.constant 0 : i32
        %dma_wait3A_2139 = tpu.memref_slice %arg7[%dma_wait3A_2138] : memref<16384xf32, #tpu.memory_space<hbm>> -> memref<16xf32, #tpu.memory_space<hbm>>
        %dma_wait3A_2140 = arith.constant 0 : i32
        %dma_wait3A_2141 = tpu.memref_slice %arg14[%rem3A_193, %dma_wait3A_2140] : memref<2x16xf32, #tpu.memory_space<vmem>> -> memref<1x16xf32, #tpu.memory_space<vmem>>
        %dma_wait3A_2142 = tpu.memref_squeeze %dma_wait3A_2141 : memref<1x16xf32, #tpu.memory_space<vmem>> -> memref<16xf32, #tpu.memory_space<vmem>>
        tpu.wait_dma2 semaphore(%dma_wait3A_2137 : memref<!tpu.dma_semaphore, #tpu.memory_space<semaphore_mem>>) src(%dma_wait3A_2142 : memref<16xf32, #tpu.memory_space<vmem>>) dst(%dma_wait3A_2139 : memref<16xf32, #tpu.memory_space<hbm>>)
        %dma_wait3A_2143 = arith.constant 0 : i32
        %dma_wait3A_2144 = tpu.memref_slice %arg15[%rem3A_193, %dma_wait3A_2143] : memref<2x320xf32, #tpu.memory_space<vmem>> -> memref<1x320xf32, #tpu.memory_space<vmem>>
        %dma_wait3A_2145 = tpu.memref_squeeze %dma_wait3A_2144 : memref<1x320xf32, #tpu.memory_space<vmem>> -> memref<320xf32, #tpu.memory_space<vmem>>
        %dma_wait3A_2146 = arith.constant 0 : i32
        %dma_wait3A_2147 = tpu.memref_slice %arg8[%dma_wait3A_2146] : memref<327680xf32, #tpu.memory_space<hbm>> -> memref<320xf32, #tpu.memory_space<hbm>>
        %dma_wait3A_2148 = tpu.memref_slice %arg17[%rem3A_193] : memref<2x!tpu.dma_semaphore, #tpu.memory_space<semaphore_mem>> -> memref<1x!tpu.dma_semaphore, #tpu.memory_space<semaphore_mem>>
        %dma_wait3A_2149 = tpu.memref_squeeze %dma_wait3A_2148 : memref<1x!tpu.dma_semaphore, #tpu.memory_space<semaphore_mem>> -> memref<!tpu.dma_semaphore, #tpu.memory_space<semaphore_mem>>
        %dma_wait3A_2150 = arith.constant 0 : i32
        %dma_wait3A_2151 = tpu.memref_slice %arg8[%dma_wait3A_2150] : memref<327680xf32, #tpu.memory_space<hbm>> -> memref<320xf32, #tpu.memory_space<hbm>>
        %dma_wait3A_2152 = arith.constant 0 : i32
        %dma_wait3A_2153 = tpu.memref_slice %arg15[%rem3A_193, %dma_wait3A_2152] : memref<2x320xf32, #tpu.memory_space<vmem>> -> memref<1x320xf32, #tpu.memory_space<vmem>>
        %dma_wait3A_2154 = tpu.memref_squeeze %dma_wait3A_2153 : memref<1x320xf32, #tpu.memory_space<vmem>> -> memref<320xf32, #tpu.memory_space<vmem>>
        tpu.wait_dma2 semaphore(%dma_wait3A_2149 : memref<!tpu.dma_semaphore, #tpu.memory_space<semaphore_mem>>) src(%dma_wait3A_2154 : memref<320xf32, #tpu.memory_space<vmem>>) dst(%dma_wait3A_2151 : memref<320xf32, #tpu.memory_space<hbm>>)
      } else {
      }
      %add3A_330 = arith.constant 5440 : i32
      %add3A_331 = vector.broadcast %add3A_330 : i32 to vector<16xi32>
      %add3A_332 = arith.addi %mul3A_3, %add3A_331 : vector<16xi32>
      %gather3A = tpu.vector_load_idx %arg13[%add3A_332] : memref<5712xf32, #tpu.memory_space<vmem>>[vector<16xi32>], vector<16xf32>,
      %add3A_333 = arith.constant 5441 : i32
      %add3A_334 = vector.broadcast %add3A_333 : i32 to vector<16xi32>
      %add3A_335 = arith.addi %mul3A_3, %add3A_334 : vector<16xi32>
      %gather3A_336 = tpu.vector_load_idx %arg13[%add3A_335] : memref<5712xf32, #tpu.memory_space<vmem>>[vector<16xi32>], vector<16xf32>,
      %add3A_337 = arith.constant 5442 : i32
      %add3A_338 = vector.broadcast %add3A_337 : i32 to vector<16xi32>
      %add3A_339 = arith.addi %mul3A_3, %add3A_338 : vector<16xi32>
      %gather3A_340 = tpu.vector_load_idx %arg13[%add3A_339] : memref<5712xf32, #tpu.memory_space<vmem>>[vector<16xi32>], vector<16xf32>,
      %add3A_341 = arith.constant 5443 : i32
      %add3A_342 = vector.broadcast %add3A_341 : i32 to vector<16xi32>
      %add3A_343 = arith.addi %mul3A_3, %add3A_342 : vector<16xi32>
      %gather3A_344 = tpu.vector_load_idx %arg13[%add3A_343] : memref<5712xf32, #tpu.memory_space<vmem>>[vector<16xi32>], vector<16xf32>,
      %add3A_345 = arith.constant 5444 : i32
      %add3A_346 = vector.broadcast %add3A_345 : i32 to vector<16xi32>
      %add3A_347 = arith.addi %mul3A_3, %add3A_346 : vector<16xi32>
      %gather3A_348 = tpu.vector_load_idx %arg13[%add3A_347] : memref<5712xf32, #tpu.memory_space<vmem>>[vector<16xi32>], vector<16xf32>,
      %add3A_349 = arith.constant 5445 : i32
      %add3A_350 = vector.broadcast %add3A_349 : i32 to vector<16xi32>
      %add3A_351 = arith.addi %mul3A_3, %add3A_350 : vector<16xi32>
      %gather3A_352 = tpu.vector_load_idx %arg13[%add3A_351] : memref<5712xf32, #tpu.memory_space<vmem>>[vector<16xi32>], vector<16xf32>,
      %add3A_353 = arith.constant 5446 : i32
      %add3A_354 = vector.broadcast %add3A_353 : i32 to vector<16xi32>
      %add3A_355 = arith.addi %mul3A_3, %add3A_354 : vector<16xi32>
      %gather3A_356 = tpu.vector_load_idx %arg13[%add3A_355] : memref<5712xf32, #tpu.memory_space<vmem>>[vector<16xi32>], vector<16xf32>,
      %add3A_357 = arith.constant 5447 : i32
      %add3A_358 = vector.broadcast %add3A_357 : i32 to vector<16xi32>
      %add3A_359 = arith.addi %mul3A_3, %add3A_358 : vector<16xi32>
      %gather3A_360 = tpu.vector_load_idx %arg13[%add3A_359] : memref<5712xf32, #tpu.memory_space<vmem>>[vector<16xi32>], vector<16xf32>,
      %add3A_361 = arith.constant 5448 : i32
      %add3A_362 = vector.broadcast %add3A_361 : i32 to vector<16xi32>
      %add3A_363 = arith.addi %mul3A_3, %add3A_362 : vector<16xi32>
      %gather3A_364 = tpu.vector_load_idx %arg13[%add3A_363] : memref<5712xf32, #tpu.memory_space<vmem>>[vector<16xi32>], vector<16xf32>,
      %add3A_365 = arith.constant 5449 : i32
      %add3A_366 = vector.broadcast %add3A_365 : i32 to vector<16xi32>
      %add3A_367 = arith.addi %mul3A_3, %add3A_366 : vector<16xi32>
      %gather3A_368 = tpu.vector_load_idx %arg13[%add3A_367] : memref<5712xf32, #tpu.memory_space<vmem>>[vector<16xi32>], vector<16xf32>,
      %add3A_369 = arith.constant 5450 : i32
      %add3A_370 = vector.broadcast %add3A_369 : i32 to vector<16xi32>
      %add3A_371 = arith.addi %mul3A_3, %add3A_370 : vector<16xi32>
      %gather3A_372 = tpu.vector_load_idx %arg13[%add3A_371] : memref<5712xf32, #tpu.memory_space<vmem>>[vector<16xi32>], vector<16xf32>,
      %add3A_373 = arith.constant 5451 : i32
      %add3A_374 = vector.broadcast %add3A_373 : i32 to vector<16xi32>
      %add3A_375 = arith.addi %mul3A_3, %add3A_374 : vector<16xi32>
      %gather3A_376 = tpu.vector_load_idx %arg13[%add3A_375] : memref<5712xf32, #tpu.memory_space<vmem>>[vector<16xi32>], vector<16xf32>,
      %add3A_377 = arith.constant 5452 : i32
      %add3A_378 = vector.broadcast %add3A_377 : i32 to vector<16xi32>
      %add3A_379 = arith.addi %mul3A_3, %add3A_378 : vector<16xi32>
      %gather3A_380 = tpu.vector_load_idx %arg13[%add3A_379] : memref<5712xf32, #tpu.memory_space<vmem>>[vector<16xi32>], vector<16xf32>,
      %add3A_381 = arith.constant 5453 : i32
      %add3A_382 = vector.broadcast %add3A_381 : i32 to vector<16xi32>
      %add3A_383 = arith.addi %mul3A_3, %add3A_382 : vector<16xi32>
      %gather3A_384 = tpu.vector_load_idx %arg13[%add3A_383] : memref<5712xf32, #tpu.memory_space<vmem>>[vector<16xi32>], vector<16xf32>,
      %add3A_385 = arith.constant 5454 : i32
      %add3A_386 = vector.broadcast %add3A_385 : i32 to vector<16xi32>
      %add3A_387 = arith.addi %mul3A_3, %add3A_386 : vector<16xi32>
      %gather3A_388 = tpu.vector_load_idx %arg13[%add3A_387] : memref<5712xf32, #tpu.memory_space<vmem>>[vector<16xi32>], vector<16xf32>,
      %add3A_389 = arith.constant 5455 : i32
      %add3A_390 = vector.broadcast %add3A_389 : i32 to vector<16xi32>
      %add3A_391 = arith.addi %mul3A_3, %add3A_390 : vector<16xi32>
      %gather3A_392 = tpu.vector_load_idx %arg13[%add3A_391] : memref<5712xf32, #tpu.memory_space<vmem>>[vector<16xi32>], vector<16xf32>,
      %add3A_393 = arith.addf %gather3A, %gather3A_336 : vector<16xf32>
      %add3A_394 = arith.addf %gather3A_340, %gather3A_344 : vector<16xf32>
      %add3A_395 = arith.addf %gather3A_348, %gather3A_352 : vector<16xf32>
      %add3A_396 = arith.addf %gather3A_356, %gather3A_360 : vector<16xf32>
      %add3A_397 = arith.addf %gather3A_364, %gather3A_368 : vector<16xf32>
      %add3A_398 = arith.addf %gather3A_372, %gather3A_376 : vector<16xf32>
      %add3A_399 = arith.addf %gather3A_380, %gather3A_384 : vector<16xf32>
      %add3A_400 = arith.addf %gather3A_388, %gather3A_392 : vector<16xf32>
      %add3A_401 = arith.addf %add3A_393, %add3A_394 : vector<16xf32>
      %add3A_402 = arith.addf %add3A_395, %add3A_396 : vector<16xf32>
      %add3A_403 = arith.addf %add3A_397, %add3A_398 : vector<16xf32>
      %add3A_404 = arith.addf %add3A_399, %add3A_400 : vector<16xf32>
      %add3A_405 = arith.addf %add3A_401, %add3A_402 : vector<16xf32>
      %add3A_406 = arith.addf %add3A_403, %add3A_404 : vector<16xf32>
      %add3A_407 = arith.addf %add3A_405, %add3A_406 : vector<16xf32>
      %swap3A = arith.index_cast %rem3A_193 : i32 to index
      %swap3A_408 = arith.constant 0 : index
      %swap3A_409 = tpu.vector_load %arg14[%swap3A, %swap3A_408] {strides = array<i32>} : memref<2x16xf32, #tpu.memory_space<vmem>>, vector<16xf32>,
      tpu.vector_store %arg14[%swap3A, %swap3A_408], %add3A_407 {strides = array<i32>} : memref<2x16xf32, #tpu.memory_space<vmem>>, vector<16xf32>,
      %add3A_410 = arith.constant 0 : i32
      %add3A_411 = vector.broadcast %add3A_410 : i32 to vector<16xi32>
      %add3A_412 = arith.addi %mul3A_6, %add3A_411 : vector<16xi32>
      %add3A_413 = arith.constant 0 : i32
      %add3A_414 = vector.broadcast %add3A_413 : i32 to vector<16xi32>
      %add3A_415 = arith.addi %mul3A_3, %add3A_414 : vector<16xi32>
      %gather3A_416 = tpu.vector_load_idx %arg13[%add3A_415] : memref<5712xf32, #tpu.memory_space<vmem>>[vector<16xi32>], vector<16xf32>,
      %add3A_417 = arith.constant 1 : i32
      %add3A_418 = vector.broadcast %add3A_417 : i32 to vector<16xi32>
      %add3A_419 = arith.addi %mul3A_3, %add3A_418 : vector<16xi32>
      %gather3A_420 = tpu.vector_load_idx %arg13[%add3A_419] : memref<5712xf32, #tpu.memory_space<vmem>>[vector<16xi32>], vector<16xf32>,
      %add3A_421 = arith.constant 2 : i32
      %add3A_422 = vector.broadcast %add3A_421 : i32 to vector<16xi32>
      %add3A_423 = arith.addi %mul3A_3, %add3A_422 : vector<16xi32>
      %gather3A_424 = tpu.vector_load_idx %arg13[%add3A_423] : memref<5712xf32, #tpu.memory_space<vmem>>[vector<16xi32>], vector<16xf32>,
      %add3A_425 = arith.constant 3 : i32
      %add3A_426 = vector.broadcast %add3A_425 : i32 to vector<16xi32>
      %add3A_427 = arith.addi %mul3A_3, %add3A_426 : vector<16xi32>
      %gather3A_428 = tpu.vector_load_idx %arg13[%add3A_427] : memref<5712xf32, #tpu.memory_space<vmem>>[vector<16xi32>], vector<16xf32>,
      %add3A_429 = arith.constant 4 : i32
      %add3A_430 = vector.broadcast %add3A_429 : i32 to vector<16xi32>
      %add3A_431 = arith.addi %mul3A_3, %add3A_430 : vector<16xi32>
      %gather3A_432 = tpu.vector_load_idx %arg13[%add3A_431] : memref<5712xf32, #tpu.memory_space<vmem>>[vector<16xi32>], vector<16xf32>,
      %add3A_433 = arith.constant 5 : i32
      %add3A_434 = vector.broadcast %add3A_433 : i32 to vector<16xi32>
      %add3A_435 = arith.addi %mul3A_3, %add3A_434 : vector<16xi32>
      %gather3A_436 = tpu.vector_load_idx %arg13[%add3A_435] : memref<5712xf32, #tpu.memory_space<vmem>>[vector<16xi32>], vector<16xf32>,
      %add3A_437 = arith.constant 6 : i32
      %add3A_438 = vector.broadcast %add3A_437 : i32 to vector<16xi32>
      %add3A_439 = arith.addi %mul3A_3, %add3A_438 : vector<16xi32>
      %gather3A_440 = tpu.vector_load_idx %arg13[%add3A_439] : memref<5712xf32, #tpu.memory_space<vmem>>[vector<16xi32>], vector<16xf32>,
      %add3A_441 = arith.constant 7 : i32
      %add3A_442 = vector.broadcast %add3A_441 : i32 to vector<16xi32>
      %add3A_443 = arith.addi %mul3A_3, %add3A_442 : vector<16xi32>
      %gather3A_444 = tpu.vector_load_idx %arg13[%add3A_443] : memref<5712xf32, #tpu.memory_space<vmem>>[vector<16xi32>], vector<16xf32>,
      %add3A_445 = arith.constant 8 : i32
      %add3A_446 = vector.broadcast %add3A_445 : i32 to vector<16xi32>
      %add3A_447 = arith.addi %mul3A_3, %add3A_446 : vector<16xi32>
      %gather3A_448 = tpu.vector_load_idx %arg13[%add3A_447] : memref<5712xf32, #tpu.memory_space<vmem>>[vector<16xi32>], vector<16xf32>,
      %add3A_449 = arith.constant 9 : i32
      %add3A_450 = vector.broadcast %add3A_449 : i32 to vector<16xi32>
      %add3A_451 = arith.addi %mul3A_3, %add3A_450 : vector<16xi32>
      %gather3A_452 = tpu.vector_load_idx %arg13[%add3A_451] : memref<5712xf32, #tpu.memory_space<vmem>>[vector<16xi32>], vector<16xf32>,
      %add3A_453 = arith.constant 10 : i32
      %add3A_454 = vector.broadcast %add3A_453 : i32 to vector<16xi32>
      %add3A_455 = arith.addi %mul3A_3, %add3A_454 : vector<16xi32>
      %gather3A_456 = tpu.vector_load_idx %arg13[%add3A_455] : memref<5712xf32, #tpu.memory_space<vmem>>[vector<16xi32>], vector<16xf32>,
      %add3A_457 = arith.constant 11 : i32
      %add3A_458 = vector.broadcast %add3A_457 : i32 to vector<16xi32>
      %add3A_459 = arith.addi %mul3A_3, %add3A_458 : vector<16xi32>
      %gather3A_460 = tpu.vector_load_idx %arg13[%add3A_459] : memref<5712xf32, #tpu.memory_space<vmem>>[vector<16xi32>], vector<16xf32>,
      %add3A_461 = arith.constant 12 : i32
      %add3A_462 = vector.broadcast %add3A_461 : i32 to vector<16xi32>
      %add3A_463 = arith.addi %mul3A_3, %add3A_462 : vector<16xi32>
      %gather3A_464 = tpu.vector_load_idx %arg13[%add3A_463] : memref<5712xf32, #tpu.memory_space<vmem>>[vector<16xi32>], vector<16xf32>,
      %add3A_465 = arith.constant 13 : i32
      %add3A_466 = vector.broadcast %add3A_465 : i32 to vector<16xi32>
      %add3A_467 = arith.addi %mul3A_3, %add3A_466 : vector<16xi32>
      %gather3A_468 = tpu.vector_load_idx %arg13[%add3A_467] : memref<5712xf32, #tpu.memory_space<vmem>>[vector<16xi32>], vector<16xf32>,
      %add3A_469 = arith.constant 14 : i32
      %add3A_470 = vector.broadcast %add3A_469 : i32 to vector<16xi32>
      %add3A_471 = arith.addi %mul3A_3, %add3A_470 : vector<16xi32>
      %gather3A_472 = tpu.vector_load_idx %arg13[%add3A_471] : memref<5712xf32, #tpu.memory_space<vmem>>[vector<16xi32>], vector<16xf32>,
      %add3A_473 = arith.constant 15 : i32
      %add3A_474 = vector.broadcast %add3A_473 : i32 to vector<16xi32>
      %add3A_475 = arith.addi %mul3A_3, %add3A_474 : vector<16xi32>
      %gather3A_476 = tpu.vector_load_idx %arg13[%add3A_475] : memref<5712xf32, #tpu.memory_space<vmem>>[vector<16xi32>], vector<16xf32>,
      %add3A_477 = arith.addf %gather3A_416, %gather3A_420 : vector<16xf32>
      %add3A_478 = arith.addf %gather3A_424, %gather3A_428 : vector<16xf32>
      %add3A_479 = arith.addf %gather3A_432, %gather3A_436 : vector<16xf32>
      %add3A_480 = arith.addf %gather3A_440, %gather3A_444 : vector<16xf32>
      %add3A_481 = arith.addf %gather3A_448, %gather3A_452 : vector<16xf32>
      %add3A_482 = arith.addf %gather3A_456, %gather3A_460 : vector<16xf32>
      %add3A_483 = arith.addf %gather3A_464, %gather3A_468 : vector<16xf32>
      %add3A_484 = arith.addf %gather3A_472, %gather3A_476 : vector<16xf32>
      %add3A_485 = arith.addf %add3A_477, %add3A_478 : vector<16xf32>
      %add3A_486 = arith.addf %add3A_479, %add3A_480 : vector<16xf32>
      %add3A_487 = arith.addf %add3A_481, %add3A_482 : vector<16xf32>
      %add3A_488 = arith.addf %add3A_483, %add3A_484 : vector<16xf32>
      %add3A_489 = arith.addf %add3A_485, %add3A_486 : vector<16xf32>
      %add3A_490 = arith.addf %add3A_487, %add3A_488 : vector<16xf32>
      %add3A_491 = arith.addf %add3A_489, %add3A_490 : vector<16xf32>
      %scatter3A = arith.constant 0 : i32
      %scatter3A_492 = tpu.memref_slice %arg15[%rem3A_193, %scatter3A] : memref<2x320xf32, #tpu.memory_space<vmem>> -> memref<1x320xf32, #tpu.memory_space<vmem>>
      %scatter3A_493 = tpu.memref_squeeze %scatter3A_492 : memref<1x320xf32, #tpu.memory_space<vmem>> -> memref<320xf32, #tpu.memory_space<vmem>>
      tpu.vector_store_idx %scatter3A_493[%add3A_412], %add3A_491 : memref<320xf32, #tpu.memory_space<vmem>>[vector<16xi32>], vector<16xf32>,
      %add3A_494 = arith.constant 1 : i32
      %add3A_495 = vector.broadcast %add3A_494 : i32 to vector<16xi32>
      %add3A_496 = arith.addi %mul3A_6, %add3A_495 : vector<16xi32>
      %add3A_497 = arith.constant 272 : i32
      %add3A_498 = vector.broadcast %add3A_497 : i32 to vector<16xi32>
      %add3A_499 = arith.addi %mul3A_3, %add3A_498 : vector<16xi32>
      %gather3A_500 = tpu.vector_load_idx %arg13[%add3A_499] : memref<5712xf32, #tpu.memory_space<vmem>>[vector<16xi32>], vector<16xf32>,
      %add3A_501 = arith.constant 273 : i32
      %add3A_502 = vector.broadcast %add3A_501 : i32 to vector<16xi32>
      %add3A_503 = arith.addi %mul3A_3, %add3A_502 : vector<16xi32>
      %gather3A_504 = tpu.vector_load_idx %arg13[%add3A_503] : memref<5712xf32, #tpu.memory_space<vmem>>[vector<16xi32>], vector<16xf32>,
      %add3A_505 = arith.constant 274 : i32
      %add3A_506 = vector.broadcast %add3A_505 : i32 to vector<16xi32>
      %add3A_507 = arith.addi %mul3A_3, %add3A_506 : vector<16xi32>
      %gather3A_508 = tpu.vector_load_idx %arg13[%add3A_507] : memref<5712xf32, #tpu.memory_space<vmem>>[vector<16xi32>], vector<16xf32>,
      %add3A_509 = arith.constant 275 : i32
      %add3A_510 = vector.broadcast %add3A_509 : i32 to vector<16xi32>
      %add3A_511 = arith.addi %mul3A_3, %add3A_510 : vector<16xi32>
      %gather3A_512 = tpu.vector_load_idx %arg13[%add3A_511] : memref<5712xf32, #tpu.memory_space<vmem>>[vector<16xi32>], vector<16xf32>,
      %add3A_513 = arith.constant 276 : i32
      %add3A_514 = vector.broadcast %add3A_513 : i32 to vector<16xi32>
      %add3A_515 = arith.addi %mul3A_3, %add3A_514 : vector<16xi32>
      %gather3A_516 = tpu.vector_load_idx %arg13[%add3A_515] : memref<5712xf32, #tpu.memory_space<vmem>>[vector<16xi32>], vector<16xf32>,
      %add3A_517 = arith.constant 277 : i32
      %add3A_518 = vector.broadcast %add3A_517 : i32 to vector<16xi32>
      %add3A_519 = arith.addi %mul3A_3, %add3A_518 : vector<16xi32>
      %gather3A_520 = tpu.vector_load_idx %arg13[%add3A_519] : memref<5712xf32, #tpu.memory_space<vmem>>[vector<16xi32>], vector<16xf32>,
      %add3A_521 = arith.constant 278 : i32
      %add3A_522 = vector.broadcast %add3A_521 : i32 to vector<16xi32>
      %add3A_523 = arith.addi %mul3A_3, %add3A_522 : vector<16xi32>
      %gather3A_524 = tpu.vector_load_idx %arg13[%add3A_523] : memref<5712xf32, #tpu.memory_space<vmem>>[vector<16xi32>], vector<16xf32>,
      %add3A_525 = arith.constant 279 : i32
      %add3A_526 = vector.broadcast %add3A_525 : i32 to vector<16xi32>
      %add3A_527 = arith.addi %mul3A_3, %add3A_526 : vector<16xi32>
      %gather3A_528 = tpu.vector_load_idx %arg13[%add3A_527] : memref<5712xf32, #tpu.memory_space<vmem>>[vector<16xi32>], vector<16xf32>,
      %add3A_529 = arith.constant 280 : i32
      %add3A_530 = vector.broadcast %add3A_529 : i32 to vector<16xi32>
      %add3A_531 = arith.addi %mul3A_3, %add3A_530 : vector<16xi32>
      %gather3A_532 = tpu.vector_load_idx %arg13[%add3A_531] : memref<5712xf32, #tpu.memory_space<vmem>>[vector<16xi32>], vector<16xf32>,
      %add3A_533 = arith.constant 281 : i32
      %add3A_534 = vector.broadcast %add3A_533 : i32 to vector<16xi32>
      %add3A_535 = arith.addi %mul3A_3, %add3A_534 : vector<16xi32>
      %gather3A_536 = tpu.vector_load_idx %arg13[%add3A_535] : memref<5712xf32, #tpu.memory_space<vmem>>[vector<16xi32>], vector<16xf32>,
      %add3A_537 = arith.constant 282 : i32
      %add3A_538 = vector.broadcast %add3A_537 : i32 to vector<16xi32>
      %add3A_539 = arith.addi %mul3A_3, %add3A_538 : vector<16xi32>
      %gather3A_540 = tpu.vector_load_idx %arg13[%add3A_539] : memref<5712xf32, #tpu.memory_space<vmem>>[vector<16xi32>], vector<16xf32>,
      %add3A_541 = arith.constant 283 : i32
      %add3A_542 = vector.broadcast %add3A_541 : i32 to vector<16xi32>
      %add3A_543 = arith.addi %mul3A_3, %add3A_542 : vector<16xi32>
      %gather3A_544 = tpu.vector_load_idx %arg13[%add3A_543] : memref<5712xf32, #tpu.memory_space<vmem>>[vector<16xi32>], vector<16xf32>,
      %add3A_545 = arith.constant 284 : i32
      %add3A_546 = vector.broadcast %add3A_545 : i32 to vector<16xi32>
      %add3A_547 = arith.addi %mul3A_3, %add3A_546 : vector<16xi32>
      %gather3A_548 = tpu.vector_load_idx %arg13[%add3A_547] : memref<5712xf32, #tpu.memory_space<vmem>>[vector<16xi32>], vector<16xf32>,
      %add3A_549 = arith.constant 285 : i32
      %add3A_550 = vector.broadcast %add3A_549 : i32 to vector<16xi32>
      %add3A_551 = arith.addi %mul3A_3, %add3A_550 : vector<16xi32>
      %gather3A_552 = tpu.vector_load_idx %arg13[%add3A_551] : memref<5712xf32, #tpu.memory_space<vmem>>[vector<16xi32>], vector<16xf32>,
      %add3A_553 = arith.constant 286 : i32
      %add3A_554 = vector.broadcast %add3A_553 : i32 to vector<16xi32>
      %add3A_555 = arith.addi %mul3A_3, %add3A_554 : vector<16xi32>
      %gather3A_556 = tpu.vector_load_idx %arg13[%add3A_555] : memref<5712xf32, #tpu.memory_space<vmem>>[vector<16xi32>], vector<16xf32>,
      %add3A_557 = arith.constant 287 : i32
      %add3A_558 = vector.broadcast %add3A_557 : i32 to vector<16xi32>
      %add3A_559 = arith.addi %mul3A_3, %add3A_558 : vector<16xi32>
      %gather3A_560 = tpu.vector_load_idx %arg13[%add3A_559] : memref<5712xf32, #tpu.memory_space<vmem>>[vector<16xi32>], vector<16xf32>,
      %add3A_561 = arith.addf %gather3A_500, %gather3A_504 : vector<16xf32>
      %add3A_562 = arith.addf %gather3A_508, %gather3A_512 : vector<16xf32>
      %add3A_563 = arith.addf %gather3A_516, %gather3A_520 : vector<16xf32>
      %add3A_564 = arith.addf %gather3A_524, %gather3A_528 : vector<16xf32>
      %add3A_565 = arith.addf %gather3A_532, %gather3A_536 : vector<16xf32>
      %add3A_566 = arith.addf %gather3A_540, %gather3A_544 : vector<16xf32>
      %add3A_567 = arith.addf %gather3A_548, %gather3A_552 : vector<16xf32>
      %add3A_568 = arith.addf %gather3A_556, %gather3A_560 : vector<16xf32>
      %add3A_569 = arith.addf %add3A_561, %add3A_562 : vector<16xf32>
      %add3A_570 = arith.addf %add3A_563, %add3A_564 : vector<16xf32>
      %add3A_571 = arith.addf %add3A_565, %add3A_566 : vector<16xf32>
      %add3A_572 = arith.addf %add3A_567, %add3A_568 : vector<16xf32>
      %add3A_573 = arith.addf %add3A_569, %add3A_570 : vector<16xf32>
      %add3A_574 = arith.addf %add3A_571, %add3A_572 : vector<16xf32>
      %add3A_575 = arith.addf %add3A_573, %add3A_574 : vector<16xf32>
      %scatter3A_576 = arith.constant 0 : i32
      %scatter3A_577 = tpu.memref_slice %arg15[%rem3A_193, %scatter3A_576] : memref<2x320xf32, #tpu.memory_space<vmem>> -> memref<1x320xf32, #tpu.memory_space<vmem>>
      %scatter3A_578 = tpu.memref_squeeze %scatter3A_577 : memref<1x320xf32, #tpu.memory_space<vmem>> -> memref<320xf32, #tpu.memory_space<vmem>>
      tpu.vector_store_idx %scatter3A_578[%add3A_496], %add3A_575 : memref<320xf32, #tpu.memory_space<vmem>>[vector<16xi32>], vector<16xf32>,
      %add3A_579 = arith.constant 2 : i32
      %add3A_580 = vector.broadcast %add3A_579 : i32 to vector<16xi32>
      %add3A_581 = arith.addi %mul3A_6, %add3A_580 : vector<16xi32>
      %add3A_582 = arith.constant 544 : i32
      %add3A_583 = vector.broadcast %add3A_582 : i32 to vector<16xi32>
      %add3A_584 = arith.addi %mul3A_3, %add3A_583 : vector<16xi32>
      %gather3A_585 = tpu.vector_load_idx %arg13[%add3A_584] : memref<5712xf32, #tpu.memory_space<vmem>>[vector<16xi32>], vector<16xf32>,
      %add3A_586 = arith.constant 545 : i32
      %add3A_587 = vector.broadcast %add3A_586 : i32 to vector<16xi32>
      %add3A_588 = arith.addi %mul3A_3, %add3A_587 : vector<16xi32>
      %gather3A_589 = tpu.vector_load_idx %arg13[%add3A_588] : memref<5712xf32, #tpu.memory_space<vmem>>[vector<16xi32>], vector<16xf32>,
      %add3A_590 = arith.constant 546 : i32
      %add3A_591 = vector.broadcast %add3A_590 : i32 to vector<16xi32>
      %add3A_592 = arith.addi %mul3A_3, %add3A_591 : vector<16xi32>
      %gather3A_593 = tpu.vector_load_idx %arg13[%add3A_592] : memref<5712xf32, #tpu.memory_space<vmem>>[vector<16xi32>], vector<16xf32>,
      %add3A_594 = arith.constant 547 : i32
      %add3A_595 = vector.broadcast %add3A_594 : i32 to vector<16xi32>
      %add3A_596 = arith.addi %mul3A_3, %add3A_595 : vector<16xi32>
      %gather3A_597 = tpu.vector_load_idx %arg13[%add3A_596] : memref<5712xf32, #tpu.memory_space<vmem>>[vector<16xi32>], vector<16xf32>,
      %add3A_598 = arith.constant 548 : i32
      %add3A_599 = vector.broadcast %add3A_598 : i32 to vector<16xi32>
      %add3A_600 = arith.addi %mul3A_3, %add3A_599 : vector<16xi32>
      %gather3A_601 = tpu.vector_load_idx %arg13[%add3A_600] : memref<5712xf32, #tpu.memory_space<vmem>>[vector<16xi32>], vector<16xf32>,
      %add3A_602 = arith.constant 549 : i32
      %add3A_603 = vector.broadcast %add3A_602 : i32 to vector<16xi32>
      %add3A_604 = arith.addi %mul3A_3, %add3A_603 : vector<16xi32>
      %gather3A_605 = tpu.vector_load_idx %arg13[%add3A_604] : memref<5712xf32, #tpu.memory_space<vmem>>[vector<16xi32>], vector<16xf32>,
      %add3A_606 = arith.constant 550 : i32
      %add3A_607 = vector.broadcast %add3A_606 : i32 to vector<16xi32>
      %add3A_608 = arith.addi %mul3A_3, %add3A_607 : vector<16xi32>
      %gather3A_609 = tpu.vector_load_idx %arg13[%add3A_608] : memref<5712xf32, #tpu.memory_space<vmem>>[vector<16xi32>], vector<16xf32>,
      %add3A_610 = arith.constant 551 : i32
      %add3A_611 = vector.broadcast %add3A_610 : i32 to vector<16xi32>
      %add3A_612 = arith.addi %mul3A_3, %add3A_611 : vector<16xi32>
      %gather3A_613 = tpu.vector_load_idx %arg13[%add3A_612] : memref<5712xf32, #tpu.memory_space<vmem>>[vector<16xi32>], vector<16xf32>,
      %add3A_614 = arith.constant 552 : i32
      %add3A_615 = vector.broadcast %add3A_614 : i32 to vector<16xi32>
      %add3A_616 = arith.addi %mul3A_3, %add3A_615 : vector<16xi32>
      %gather3A_617 = tpu.vector_load_idx %arg13[%add3A_616] : memref<5712xf32, #tpu.memory_space<vmem>>[vector<16xi32>], vector<16xf32>,
      %add3A_618 = arith.constant 553 : i32
      %add3A_619 = vector.broadcast %add3A_618 : i32 to vector<16xi32>
      %add3A_620 = arith.addi %mul3A_3, %add3A_619 : vector<16xi32>
      %gather3A_621 = tpu.vector_load_idx %arg13[%add3A_620] : memref<5712xf32, #tpu.memory_space<vmem>>[vector<16xi32>], vector<16xf32>,
      %add3A_622 = arith.constant 554 : i32
      %add3A_623 = vector.broadcast %add3A_622 : i32 to vector<16xi32>
      %add3A_624 = arith.addi %mul3A_3, %add3A_623 : vector<16xi32>
      %gather3A_625 = tpu.vector_load_idx %arg13[%add3A_624] : memref<5712xf32, #tpu.memory_space<vmem>>[vector<16xi32>], vector<16xf32>,
      %add3A_626 = arith.constant 555 : i32
      %add3A_627 = vector.broadcast %add3A_626 : i32 to vector<16xi32>
      %add3A_628 = arith.addi %mul3A_3, %add3A_627 : vector<16xi32>
      %gather3A_629 = tpu.vector_load_idx %arg13[%add3A_628] : memref<5712xf32, #tpu.memory_space<vmem>>[vector<16xi32>], vector<16xf32>,
      %add3A_630 = arith.constant 556 : i32
      %add3A_631 = vector.broadcast %add3A_630 : i32 to vector<16xi32>
      %add3A_632 = arith.addi %mul3A_3, %add3A_631 : vector<16xi32>
      %gather3A_633 = tpu.vector_load_idx %arg13[%add3A_632] : memref<5712xf32, #tpu.memory_space<vmem>>[vector<16xi32>], vector<16xf32>,
      %add3A_634 = arith.constant 557 : i32
      %add3A_635 = vector.broadcast %add3A_634 : i32 to vector<16xi32>
      %add3A_636 = arith.addi %mul3A_3, %add3A_635 : vector<16xi32>
      %gather3A_637 = tpu.vector_load_idx %arg13[%add3A_636] : memref<5712xf32, #tpu.memory_space<vmem>>[vector<16xi32>], vector<16xf32>,
      %add3A_638 = arith.constant 558 : i32
      %add3A_639 = vector.broadcast %add3A_638 : i32 to vector<16xi32>
      %add3A_640 = arith.addi %mul3A_3, %add3A_639 : vector<16xi32>
      %gather3A_641 = tpu.vector_load_idx %arg13[%add3A_640] : memref<5712xf32, #tpu.memory_space<vmem>>[vector<16xi32>], vector<16xf32>,
      %add3A_642 = arith.constant 559 : i32
      %add3A_643 = vector.broadcast %add3A_642 : i32 to vector<16xi32>
      %add3A_644 = arith.addi %mul3A_3, %add3A_643 : vector<16xi32>
      %gather3A_645 = tpu.vector_load_idx %arg13[%add3A_644] : memref<5712xf32, #tpu.memory_space<vmem>>[vector<16xi32>], vector<16xf32>,
      %add3A_646 = arith.addf %gather3A_585, %gather3A_589 : vector<16xf32>
      %add3A_647 = arith.addf %gather3A_593, %gather3A_597 : vector<16xf32>
      %add3A_648 = arith.addf %gather3A_601, %gather3A_605 : vector<16xf32>
      %add3A_649 = arith.addf %gather3A_609, %gather3A_613 : vector<16xf32>
      %add3A_650 = arith.addf %gather3A_617, %gather3A_621 : vector<16xf32>
      %add3A_651 = arith.addf %gather3A_625, %gather3A_629 : vector<16xf32>
      %add3A_652 = arith.addf %gather3A_633, %gather3A_637 : vector<16xf32>
      %add3A_653 = arith.addf %gather3A_641, %gather3A_645 : vector<16xf32>
      %add3A_654 = arith.addf %add3A_646, %add3A_647 : vector<16xf32>
      %add3A_655 = arith.addf %add3A_648, %add3A_649 : vector<16xf32>
      %add3A_656 = arith.addf %add3A_650, %add3A_651 : vector<16xf32>
      %add3A_657 = arith.addf %add3A_652, %add3A_653 : vector<16xf32>
      %add3A_658 = arith.addf %add3A_654, %add3A_655 : vector<16xf32>
      %add3A_659 = arith.addf %add3A_656, %add3A_657 : vector<16xf32>
      %add3A_660 = arith.addf %add3A_658, %add3A_659 : vector<16xf32>
      %scatter3A_661 = arith.constant 0 : i32
      %scatter3A_662 = tpu.memref_slice %arg15[%rem3A_193, %scatter3A_661] : memref<2x320xf32, #tpu.memory_space<vmem>> -> memref<1x320xf32, #tpu.memory_space<vmem>>
      %scatter3A_663 = tpu.memref_squeeze %scatter3A_662 : memref<1x320xf32, #tpu.memory_space<vmem>> -> memref<320xf32, #tpu.memory_space<vmem>>
      tpu.vector_store_idx %scatter3A_663[%add3A_581], %add3A_660 : memref<320xf32, #tpu.memory_space<vmem>>[vector<16xi32>], vector<16xf32>,
      %add3A_664 = arith.constant 3 : i32
      %add3A_665 = vector.broadcast %add3A_664 : i32 to vector<16xi32>
      %add3A_666 = arith.addi %mul3A_6, %add3A_665 : vector<16xi32>
      %add3A_667 = arith.constant 816 : i32
      %add3A_668 = vector.broadcast %add3A_667 : i32 to vector<16xi32>
      %add3A_669 = arith.addi %mul3A_3, %add3A_668 : vector<16xi32>
      %gather3A_670 = tpu.vector_load_idx %arg13[%add3A_669] : memref<5712xf32, #tpu.memory_space<vmem>>[vector<16xi32>], vector<16xf32>,
      %add3A_671 = arith.constant 817 : i32
      %add3A_672 = vector.broadcast %add3A_671 : i32 to vector<16xi32>
      %add3A_673 = arith.addi %mul3A_3, %add3A_672 : vector<16xi32>
      %gather3A_674 = tpu.vector_load_idx %arg13[%add3A_673] : memref<5712xf32, #tpu.memory_space<vmem>>[vector<16xi32>], vector<16xf32>,
      %add3A_675 = arith.constant 818 : i32
      %add3A_676 = vector.broadcast %add3A_675 : i32 to vector<16xi32>
      %add3A_677 = arith.addi %mul3A_3, %add3A_676 : vector<16xi32>
      %gather3A_678 = tpu.vector_load_idx %arg13[%add3A_677] : memref<5712xf32, #tpu.memory_space<vmem>>[vector<16xi32>], vector<16xf32>,
      %add3A_679 = arith.constant 819 : i32
      %add3A_680 = vector.broadcast %add3A_679 : i32 to vector<16xi32>
      %add3A_681 = arith.addi %mul3A_3, %add3A_680 : vector<16xi32>
      %gather3A_682 = tpu.vector_load_idx %arg13[%add3A_681] : memref<5712xf32, #tpu.memory_space<vmem>>[vector<16xi32>], vector<16xf32>,
      %add3A_683 = arith.constant 820 : i32
      %add3A_684 = vector.broadcast %add3A_683 : i32 to vector<16xi32>
      %add3A_685 = arith.addi %mul3A_3, %add3A_684 : vector<16xi32>
      %gather3A_686 = tpu.vector_load_idx %arg13[%add3A_685] : memref<5712xf32, #tpu.memory_space<vmem>>[vector<16xi32>], vector<16xf32>,
      %add3A_687 = arith.constant 821 : i32
      %add3A_688 = vector.broadcast %add3A_687 : i32 to vector<16xi32>
      %add3A_689 = arith.addi %mul3A_3, %add3A_688 : vector<16xi32>
      %gather3A_690 = tpu.vector_load_idx %arg13[%add3A_689] : memref<5712xf32, #tpu.memory_space<vmem>>[vector<16xi32>], vector<16xf32>,
      %add3A_691 = arith.constant 822 : i32
      %add3A_692 = vector.broadcast %add3A_691 : i32 to vector<16xi32>
      %add3A_693 = arith.addi %mul3A_3, %add3A_692 : vector<16xi32>
      %gather3A_694 = tpu.vector_load_idx %arg13[%add3A_693] : memref<5712xf32, #tpu.memory_space<vmem>>[vector<16xi32>], vector<16xf32>,
      %add3A_695 = arith.constant 823 : i32
      %add3A_696 = vector.broadcast %add3A_695 : i32 to vector<16xi32>
      %add3A_697 = arith.addi %mul3A_3, %add3A_696 : vector<16xi32>
      %gather3A_698 = tpu.vector_load_idx %arg13[%add3A_697] : memref<5712xf32, #tpu.memory_space<vmem>>[vector<16xi32>], vector<16xf32>,
      %add3A_699 = arith.constant 824 : i32
      %add3A_700 = vector.broadcast %add3A_699 : i32 to vector<16xi32>
      %add3A_701 = arith.addi %mul3A_3, %add3A_700 : vector<16xi32>
      %gather3A_702 = tpu.vector_load_idx %arg13[%add3A_701] : memref<5712xf32, #tpu.memory_space<vmem>>[vector<16xi32>], vector<16xf32>,
      %add3A_703 = arith.constant 825 : i32
      %add3A_704 = vector.broadcast %add3A_703 : i32 to vector<16xi32>
      %add3A_705 = arith.addi %mul3A_3, %add3A_704 : vector<16xi32>
      %gather3A_706 = tpu.vector_load_idx %arg13[%add3A_705] : memref<5712xf32, #tpu.memory_space<vmem>>[vector<16xi32>], vector<16xf32>,
      %add3A_707 = arith.constant 826 : i32
      %add3A_708 = vector.broadcast %add3A_707 : i32 to vector<16xi32>
      %add3A_709 = arith.addi %mul3A_3, %add3A_708 : vector<16xi32>
      %gather3A_710 = tpu.vector_load_idx %arg13[%add3A_709] : memref<5712xf32, #tpu.memory_space<vmem>>[vector<16xi32>], vector<16xf32>,
      %add3A_711 = arith.constant 827 : i32
      %add3A_712 = vector.broadcast %add3A_711 : i32 to vector<16xi32>
      %add3A_713 = arith.addi %mul3A_3, %add3A_712 : vector<16xi32>
      %gather3A_714 = tpu.vector_load_idx %arg13[%add3A_713] : memref<5712xf32, #tpu.memory_space<vmem>>[vector<16xi32>], vector<16xf32>,
      %add3A_715 = arith.constant 828 : i32
      %add3A_716 = vector.broadcast %add3A_715 : i32 to vector<16xi32>
      %add3A_717 = arith.addi %mul3A_3, %add3A_716 : vector<16xi32>
      %gather3A_718 = tpu.vector_load_idx %arg13[%add3A_717] : memref<5712xf32, #tpu.memory_space<vmem>>[vector<16xi32>], vector<16xf32>,
      %add3A_719 = arith.constant 829 : i32
      %add3A_720 = vector.broadcast %add3A_719 : i32 to vector<16xi32>
      %add3A_721 = arith.addi %mul3A_3, %add3A_720 : vector<16xi32>
      %gather3A_722 = tpu.vector_load_idx %arg13[%add3A_721] : memref<5712xf32, #tpu.memory_space<vmem>>[vector<16xi32>], vector<16xf32>,
      %add3A_723 = arith.constant 830 : i32
      %add3A_724 = vector.broadcast %add3A_723 : i32 to vector<16xi32>
      %add3A_725 = arith.addi %mul3A_3, %add3A_724 : vector<16xi32>
      %gather3A_726 = tpu.vector_load_idx %arg13[%add3A_725] : memref<5712xf32, #tpu.memory_space<vmem>>[vector<16xi32>], vector<16xf32>,
      %add3A_727 = arith.constant 831 : i32
      %add3A_728 = vector.broadcast %add3A_727 : i32 to vector<16xi32>
      %add3A_729 = arith.addi %mul3A_3, %add3A_728 : vector<16xi32>
      %gather3A_730 = tpu.vector_load_idx %arg13[%add3A_729] : memref<5712xf32, #tpu.memory_space<vmem>>[vector<16xi32>], vector<16xf32>,
      %add3A_731 = arith.addf %gather3A_670, %gather3A_674 : vector<16xf32>
      %add3A_732 = arith.addf %gather3A_678, %gather3A_682 : vector<16xf32>
      %add3A_733 = arith.addf %gather3A_686, %gather3A_690 : vector<16xf32>
      %add3A_734 = arith.addf %gather3A_694, %gather3A_698 : vector<16xf32>
      %add3A_735 = arith.addf %gather3A_702, %gather3A_706 : vector<16xf32>
      %add3A_736 = arith.addf %gather3A_710, %gather3A_714 : vector<16xf32>
      %add3A_737 = arith.addf %gather3A_718, %gather3A_722 : vector<16xf32>
      %add3A_738 = arith.addf %gather3A_726, %gather3A_730 : vector<16xf32>
      %add3A_739 = arith.addf %add3A_731, %add3A_732 : vector<16xf32>
      %add3A_740 = arith.addf %add3A_733, %add3A_734 : vector<16xf32>
      %add3A_741 = arith.addf %add3A_735, %add3A_736 : vector<16xf32>
      %add3A_742 = arith.addf %add3A_737, %add3A_738 : vector<16xf32>
      %add3A_743 = arith.addf %add3A_739, %add3A_740 : vector<16xf32>
      %add3A_744 = arith.addf %add3A_741, %add3A_742 : vector<16xf32>
      %add3A_745 = arith.addf %add3A_743, %add3A_744 : vector<16xf32>
      %scatter3A_746 = arith.constant 0 : i32
      %scatter3A_747 = tpu.memref_slice %arg15[%rem3A_193, %scatter3A_746] : memref<2x320xf32, #tpu.memory_space<vmem>> -> memref<1x320xf32, #tpu.memory_space<vmem>>
      %scatter3A_748 = tpu.memref_squeeze %scatter3A_747 : memref<1x320xf32, #tpu.memory_space<vmem>> -> memref<320xf32, #tpu.memory_space<vmem>>
      tpu.vector_store_idx %scatter3A_748[%add3A_666], %add3A_745 : memref<320xf32, #tpu.memory_space<vmem>>[vector<16xi32>], vector<16xf32>,
      %add3A_749 = arith.constant 4 : i32
      %add3A_750 = vector.broadcast %add3A_749 : i32 to vector<16xi32>
      %add3A_751 = arith.addi %mul3A_6, %add3A_750 : vector<16xi32>
      %add3A_752 = arith.constant 1088 : i32
      %add3A_753 = vector.broadcast %add3A_752 : i32 to vector<16xi32>
      %add3A_754 = arith.addi %mul3A_3, %add3A_753 : vector<16xi32>
      %gather3A_755 = tpu.vector_load_idx %arg13[%add3A_754] : memref<5712xf32, #tpu.memory_space<vmem>>[vector<16xi32>], vector<16xf32>,
      %add3A_756 = arith.constant 1089 : i32
      %add3A_757 = vector.broadcast %add3A_756 : i32 to vector<16xi32>
      %add3A_758 = arith.addi %mul3A_3, %add3A_757 : vector<16xi32>
      %gather3A_759 = tpu.vector_load_idx %arg13[%add3A_758] : memref<5712xf32, #tpu.memory_space<vmem>>[vector<16xi32>], vector<16xf32>,
      %add3A_760 = arith.constant 1090 : i32
      %add3A_761 = vector.broadcast %add3A_760 : i32 to vector<16xi32>
      %add3A_762 = arith.addi %mul3A_3, %add3A_761 : vector<16xi32>
      %gather3A_763 = tpu.vector_load_idx %arg13[%add3A_762] : memref<5712xf32, #tpu.memory_space<vmem>>[vector<16xi32>], vector<16xf32>,
      %add3A_764 = arith.constant 1091 : i32
      %add3A_765 = vector.broadcast %add3A_764 : i32 to vector<16xi32>
      %add3A_766 = arith.addi %mul3A_3, %add3A_765 : vector<16xi32>
      %gather3A_767 = tpu.vector_load_idx %arg13[%add3A_766] : memref<5712xf32, #tpu.memory_space<vmem>>[vector<16xi32>], vector<16xf32>,
      %add3A_768 = arith.constant 1092 : i32
      %add3A_769 = vector.broadcast %add3A_768 : i32 to vector<16xi32>
      %add3A_770 = arith.addi %mul3A_3, %add3A_769 : vector<16xi32>
      %gather3A_771 = tpu.vector_load_idx %arg13[%add3A_770] : memref<5712xf32, #tpu.memory_space<vmem>>[vector<16xi32>], vector<16xf32>,
      %add3A_772 = arith.constant 1093 : i32
      %add3A_773 = vector.broadcast %add3A_772 : i32 to vector<16xi32>
      %add3A_774 = arith.addi %mul3A_3, %add3A_773 : vector<16xi32>
      %gather3A_775 = tpu.vector_load_idx %arg13[%add3A_774] : memref<5712xf32, #tpu.memory_space<vmem>>[vector<16xi32>], vector<16xf32>,
      %add3A_776 = arith.constant 1094 : i32
      %add3A_777 = vector.broadcast %add3A_776 : i32 to vector<16xi32>
      %add3A_778 = arith.addi %mul3A_3, %add3A_777 : vector<16xi32>
      %gather3A_779 = tpu.vector_load_idx %arg13[%add3A_778] : memref<5712xf32, #tpu.memory_space<vmem>>[vector<16xi32>], vector<16xf32>,
      %add3A_780 = arith.constant 1095 : i32
      %add3A_781 = vector.broadcast %add3A_780 : i32 to vector<16xi32>
      %add3A_782 = arith.addi %mul3A_3, %add3A_781 : vector<16xi32>
      %gather3A_783 = tpu.vector_load_idx %arg13[%add3A_782] : memref<5712xf32, #tpu.memory_space<vmem>>[vector<16xi32>], vector<16xf32>,
      %add3A_784 = arith.constant 1096 : i32
      %add3A_785 = vector.broadcast %add3A_784 : i32 to vector<16xi32>
      %add3A_786 = arith.addi %mul3A_3, %add3A_785 : vector<16xi32>
      %gather3A_787 = tpu.vector_load_idx %arg13[%add3A_786] : memref<5712xf32, #tpu.memory_space<vmem>>[vector<16xi32>], vector<16xf32>,
      %add3A_788 = arith.constant 1097 : i32
      %add3A_789 = vector.broadcast %add3A_788 : i32 to vector<16xi32>
      %add3A_790 = arith.addi %mul3A_3, %add3A_789 : vector<16xi32>
      %gather3A_791 = tpu.vector_load_idx %arg13[%add3A_790] : memref<5712xf32, #tpu.memory_space<vmem>>[vector<16xi32>], vector<16xf32>,
      %add3A_792 = arith.constant 1098 : i32
      %add3A_793 = vector.broadcast %add3A_792 : i32 to vector<16xi32>
      %add3A_794 = arith.addi %mul3A_3, %add3A_793 : vector<16xi32>
      %gather3A_795 = tpu.vector_load_idx %arg13[%add3A_794] : memref<5712xf32, #tpu.memory_space<vmem>>[vector<16xi32>], vector<16xf32>,
      %add3A_796 = arith.constant 1099 : i32
      %add3A_797 = vector.broadcast %add3A_796 : i32 to vector<16xi32>
      %add3A_798 = arith.addi %mul3A_3, %add3A_797 : vector<16xi32>
      %gather3A_799 = tpu.vector_load_idx %arg13[%add3A_798] : memref<5712xf32, #tpu.memory_space<vmem>>[vector<16xi32>], vector<16xf32>,
      %add3A_800 = arith.constant 1100 : i32
      %add3A_801 = vector.broadcast %add3A_800 : i32 to vector<16xi32>
      %add3A_802 = arith.addi %mul3A_3, %add3A_801 : vector<16xi32>
      %gather3A_803 = tpu.vector_load_idx %arg13[%add3A_802] : memref<5712xf32, #tpu.memory_space<vmem>>[vector<16xi32>], vector<16xf32>,
      %add3A_804 = arith.constant 1101 : i32
      %add3A_805 = vector.broadcast %add3A_804 : i32 to vector<16xi32>
      %add3A_806 = arith.addi %mul3A_3, %add3A_805 : vector<16xi32>
      %gather3A_807 = tpu.vector_load_idx %arg13[%add3A_806] : memref<5712xf32, #tpu.memory_space<vmem>>[vector<16xi32>], vector<16xf32>,
      %add3A_808 = arith.constant 1102 : i32
      %add3A_809 = vector.broadcast %add3A_808 : i32 to vector<16xi32>
      %add3A_810 = arith.addi %mul3A_3, %add3A_809 : vector<16xi32>
      %gather3A_811 = tpu.vector_load_idx %arg13[%add3A_810] : memref<5712xf32, #tpu.memory_space<vmem>>[vector<16xi32>], vector<16xf32>,
      %add3A_812 = arith.constant 1103 : i32
      %add3A_813 = vector.broadcast %add3A_812 : i32 to vector<16xi32>
      %add3A_814 = arith.addi %mul3A_3, %add3A_813 : vector<16xi32>
      %gather3A_815 = tpu.vector_load_idx %arg13[%add3A_814] : memref<5712xf32, #tpu.memory_space<vmem>>[vector<16xi32>], vector<16xf32>,
      %add3A_816 = arith.addf %gather3A_755, %gather3A_759 : vector<16xf32>
      %add3A_817 = arith.addf %gather3A_763, %gather3A_767 : vector<16xf32>
      %add3A_818 = arith.addf %gather3A_771, %gather3A_775 : vector<16xf32>
      %add3A_819 = arith.addf %gather3A_779, %gather3A_783 : vector<16xf32>
      %add3A_820 = arith.addf %gather3A_787, %gather3A_791 : vector<16xf32>
      %add3A_821 = arith.addf %gather3A_795, %gather3A_799 : vector<16xf32>
      %add3A_822 = arith.addf %gather3A_803, %gather3A_807 : vector<16xf32>
      %add3A_823 = arith.addf %gather3A_811, %gather3A_815 : vector<16xf32>
      %add3A_824 = arith.addf %add3A_816, %add3A_817 : vector<16xf32>
      %add3A_825 = arith.addf %add3A_818, %add3A_819 : vector<16xf32>
      %add3A_826 = arith.addf %add3A_820, %add3A_821 : vector<16xf32>
      %add3A_827 = arith.addf %add3A_822, %add3A_823 : vector<16xf32>
      %add3A_828 = arith.addf %add3A_824, %add3A_825 : vector<16xf32>
      %add3A_829 = arith.addf %add3A_826, %add3A_827 : vector<16xf32>
      %add3A_830 = arith.addf %add3A_828, %add3A_829 : vector<16xf32>
      %scatter3A_831 = arith.constant 0 : i32
      %scatter3A_832 = tpu.memref_slice %arg15[%rem3A_193, %scatter3A_831] : memref<2x320xf32, #tpu.memory_space<vmem>> -> memref<1x320xf32, #tpu.memory_space<vmem>>
      %scatter3A_833 = tpu.memref_squeeze %scatter3A_832 : memref<1x320xf32, #tpu.memory_space<vmem>> -> memref<320xf32, #tpu.memory_space<vmem>>
      tpu.vector_store_idx %scatter3A_833[%add3A_751], %add3A_830 : memref<320xf32, #tpu.memory_space<vmem>>[vector<16xi32>], vector<16xf32>,
      %add3A_834 = arith.constant 5 : i32
      %add3A_835 = vector.broadcast %add3A_834 : i32 to vector<16xi32>
      %add3A_836 = arith.addi %mul3A_6, %add3A_835 : vector<16xi32>
      %add3A_837 = arith.constant 1360 : i32
      %add3A_838 = vector.broadcast %add3A_837 : i32 to vector<16xi32>
      %add3A_839 = arith.addi %mul3A_3, %add3A_838 : vector<16xi32>
      %gather3A_840 = tpu.vector_load_idx %arg13[%add3A_839] : memref<5712xf32, #tpu.memory_space<vmem>>[vector<16xi32>], vector<16xf32>,
      %add3A_841 = arith.constant 1361 : i32
      %add3A_842 = vector.broadcast %add3A_841 : i32 to vector<16xi32>
      %add3A_843 = arith.addi %mul3A_3, %add3A_842 : vector<16xi32>
      %gather3A_844 = tpu.vector_load_idx %arg13[%add3A_843] : memref<5712xf32, #tpu.memory_space<vmem>>[vector<16xi32>], vector<16xf32>,
      %add3A_845 = arith.constant 1362 : i32
      %add3A_846 = vector.broadcast %add3A_845 : i32 to vector<16xi32>
      %add3A_847 = arith.addi %mul3A_3, %add3A_846 : vector<16xi32>
      %gather3A_848 = tpu.vector_load_idx %arg13[%add3A_847] : memref<5712xf32, #tpu.memory_space<vmem>>[vector<16xi32>], vector<16xf32>,
      %add3A_849 = arith.constant 1363 : i32
      %add3A_850 = vector.broadcast %add3A_849 : i32 to vector<16xi32>
      %add3A_851 = arith.addi %mul3A_3, %add3A_850 : vector<16xi32>
      %gather3A_852 = tpu.vector_load_idx %arg13[%add3A_851] : memref<5712xf32, #tpu.memory_space<vmem>>[vector<16xi32>], vector<16xf32>,
      %add3A_853 = arith.constant 1364 : i32
      %add3A_854 = vector.broadcast %add3A_853 : i32 to vector<16xi32>
      %add3A_855 = arith.addi %mul3A_3, %add3A_854 : vector<16xi32>
      %gather3A_856 = tpu.vector_load_idx %arg13[%add3A_855] : memref<5712xf32, #tpu.memory_space<vmem>>[vector<16xi32>], vector<16xf32>,
      %add3A_857 = arith.constant 1365 : i32
      %add3A_858 = vector.broadcast %add3A_857 : i32 to vector<16xi32>
      %add3A_859 = arith.addi %mul3A_3, %add3A_858 : vector<16xi32>
      %gather3A_860 = tpu.vector_load_idx %arg13[%add3A_859] : memref<5712xf32, #tpu.memory_space<vmem>>[vector<16xi32>], vector<16xf32>,
      %add3A_861 = arith.constant 1366 : i32
      %add3A_862 = vector.broadcast %add3A_861 : i32 to vector<16xi32>
      %add3A_863 = arith.addi %mul3A_3, %add3A_862 : vector<16xi32>
      %gather3A_864 = tpu.vector_load_idx %arg13[%add3A_863] : memref<5712xf32, #tpu.memory_space<vmem>>[vector<16xi32>], vector<16xf32>,
      %add3A_865 = arith.constant 1367 : i32
      %add3A_866 = vector.broadcast %add3A_865 : i32 to vector<16xi32>
      %add3A_867 = arith.addi %mul3A_3, %add3A_866 : vector<16xi32>
      %gather3A_868 = tpu.vector_load_idx %arg13[%add3A_867] : memref<5712xf32, #tpu.memory_space<vmem>>[vector<16xi32>], vector<16xf32>,
      %add3A_869 = arith.constant 1368 : i32
      %add3A_870 = vector.broadcast %add3A_869 : i32 to vector<16xi32>
      %add3A_871 = arith.addi %mul3A_3, %add3A_870 : vector<16xi32>
      %gather3A_872 = tpu.vector_load_idx %arg13[%add3A_871] : memref<5712xf32, #tpu.memory_space<vmem>>[vector<16xi32>], vector<16xf32>,
      %add3A_873 = arith.constant 1369 : i32
      %add3A_874 = vector.broadcast %add3A_873 : i32 to vector<16xi32>
      %add3A_875 = arith.addi %mul3A_3, %add3A_874 : vector<16xi32>
      %gather3A_876 = tpu.vector_load_idx %arg13[%add3A_875] : memref<5712xf32, #tpu.memory_space<vmem>>[vector<16xi32>], vector<16xf32>,
      %add3A_877 = arith.constant 1370 : i32
      %add3A_878 = vector.broadcast %add3A_877 : i32 to vector<16xi32>
      %add3A_879 = arith.addi %mul3A_3, %add3A_878 : vector<16xi32>
      %gather3A_880 = tpu.vector_load_idx %arg13[%add3A_879] : memref<5712xf32, #tpu.memory_space<vmem>>[vector<16xi32>], vector<16xf32>,
      %add3A_881 = arith.constant 1371 : i32
      %add3A_882 = vector.broadcast %add3A_881 : i32 to vector<16xi32>
      %add3A_883 = arith.addi %mul3A_3, %add3A_882 : vector<16xi32>
      %gather3A_884 = tpu.vector_load_idx %arg13[%add3A_883] : memref<5712xf32, #tpu.memory_space<vmem>>[vector<16xi32>], vector<16xf32>,
      %add3A_885 = arith.constant 1372 : i32
      %add3A_886 = vector.broadcast %add3A_885 : i32 to vector<16xi32>
      %add3A_887 = arith.addi %mul3A_3, %add3A_886 : vector<16xi32>
      %gather3A_888 = tpu.vector_load_idx %arg13[%add3A_887] : memref<5712xf32, #tpu.memory_space<vmem>>[vector<16xi32>], vector<16xf32>,
      %add3A_889 = arith.constant 1373 : i32
      %add3A_890 = vector.broadcast %add3A_889 : i32 to vector<16xi32>
      %add3A_891 = arith.addi %mul3A_3, %add3A_890 : vector<16xi32>
      %gather3A_892 = tpu.vector_load_idx %arg13[%add3A_891] : memref<5712xf32, #tpu.memory_space<vmem>>[vector<16xi32>], vector<16xf32>,
      %add3A_893 = arith.constant 1374 : i32
      %add3A_894 = vector.broadcast %add3A_893 : i32 to vector<16xi32>
      %add3A_895 = arith.addi %mul3A_3, %add3A_894 : vector<16xi32>
      %gather3A_896 = tpu.vector_load_idx %arg13[%add3A_895] : memref<5712xf32, #tpu.memory_space<vmem>>[vector<16xi32>], vector<16xf32>,
      %add3A_897 = arith.constant 1375 : i32
      %add3A_898 = vector.broadcast %add3A_897 : i32 to vector<16xi32>
      %add3A_899 = arith.addi %mul3A_3, %add3A_898 : vector<16xi32>
      %gather3A_900 = tpu.vector_load_idx %arg13[%add3A_899] : memref<5712xf32, #tpu.memory_space<vmem>>[vector<16xi32>], vector<16xf32>,
      %add3A_901 = arith.addf %gather3A_840, %gather3A_844 : vector<16xf32>
      %add3A_902 = arith.addf %gather3A_848, %gather3A_852 : vector<16xf32>
      %add3A_903 = arith.addf %gather3A_856, %gather3A_860 : vector<16xf32>
      %add3A_904 = arith.addf %gather3A_864, %gather3A_868 : vector<16xf32>
      %add3A_905 = arith.addf %gather3A_872, %gather3A_876 : vector<16xf32>
      %add3A_906 = arith.addf %gather3A_880, %gather3A_884 : vector<16xf32>
      %add3A_907 = arith.addf %gather3A_888, %gather3A_892 : vector<16xf32>
      %add3A_908 = arith.addf %gather3A_896, %gather3A_900 : vector<16xf32>
      %add3A_909 = arith.addf %add3A_901, %add3A_902 : vector<16xf32>
      %add3A_910 = arith.addf %add3A_903, %add3A_904 : vector<16xf32>
      %add3A_911 = arith.addf %add3A_905, %add3A_906 : vector<16xf32>
      %add3A_912 = arith.addf %add3A_907, %add3A_908 : vector<16xf32>
      %add3A_913 = arith.addf %add3A_909, %add3A_910 : vector<16xf32>
      %add3A_914 = arith.addf %add3A_911, %add3A_912 : vector<16xf32>
      %add3A_915 = arith.addf %add3A_913, %add3A_914 : vector<16xf32>
      %scatter3A_916 = arith.constant 0 : i32
      %scatter3A_917 = tpu.memref_slice %arg15[%rem3A_193, %scatter3A_916] : memref<2x320xf32, #tpu.memory_space<vmem>> -> memref<1x320xf32, #tpu.memory_space<vmem>>
      %scatter3A_918 = tpu.memref_squeeze %scatter3A_917 : memref<1x320xf32, #tpu.memory_space<vmem>> -> memref<320xf32, #tpu.memory_space<vmem>>
      tpu.vector_store_idx %scatter3A_918[%add3A_836], %add3A_915 : memref<320xf32, #tpu.memory_space<vmem>>[vector<16xi32>], vector<16xf32>,
      %add3A_919 = arith.constant 6 : i32
      %add3A_920 = vector.broadcast %add3A_919 : i32 to vector<16xi32>
      %add3A_921 = arith.addi %mul3A_6, %add3A_920 : vector<16xi32>
      %add3A_922 = arith.constant 1632 : i32
      %add3A_923 = vector.broadcast %add3A_922 : i32 to vector<16xi32>
      %add3A_924 = arith.addi %mul3A_3, %add3A_923 : vector<16xi32>
      %gather3A_925 = tpu.vector_load_idx %arg13[%add3A_924] : memref<5712xf32, #tpu.memory_space<vmem>>[vector<16xi32>], vector<16xf32>,
      %add3A_926 = arith.constant 1633 : i32
      %add3A_927 = vector.broadcast %add3A_926 : i32 to vector<16xi32>
      %add3A_928 = arith.addi %mul3A_3, %add3A_927 : vector<16xi32>
      %gather3A_929 = tpu.vector_load_idx %arg13[%add3A_928] : memref<5712xf32, #tpu.memory_space<vmem>>[vector<16xi32>], vector<16xf32>,
      %add3A_930 = arith.constant 1634 : i32
      %add3A_931 = vector.broadcast %add3A_930 : i32 to vector<16xi32>
      %add3A_932 = arith.addi %mul3A_3, %add3A_931 : vector<16xi32>
      %gather3A_933 = tpu.vector_load_idx %arg13[%add3A_932] : memref<5712xf32, #tpu.memory_space<vmem>>[vector<16xi32>], vector<16xf32>,
      %add3A_934 = arith.constant 1635 : i32
      %add3A_935 = vector.broadcast %add3A_934 : i32 to vector<16xi32>
      %add3A_936 = arith.addi %mul3A_3, %add3A_935 : vector<16xi32>
      %gather3A_937 = tpu.vector_load_idx %arg13[%add3A_936] : memref<5712xf32, #tpu.memory_space<vmem>>[vector<16xi32>], vector<16xf32>,
      %add3A_938 = arith.constant 1636 : i32
      %add3A_939 = vector.broadcast %add3A_938 : i32 to vector<16xi32>
      %add3A_940 = arith.addi %mul3A_3, %add3A_939 : vector<16xi32>
      %gather3A_941 = tpu.vector_load_idx %arg13[%add3A_940] : memref<5712xf32, #tpu.memory_space<vmem>>[vector<16xi32>], vector<16xf32>,
      %add3A_942 = arith.constant 1637 : i32
      %add3A_943 = vector.broadcast %add3A_942 : i32 to vector<16xi32>
      %add3A_944 = arith.addi %mul3A_3, %add3A_943 : vector<16xi32>
      %gather3A_945 = tpu.vector_load_idx %arg13[%add3A_944] : memref<5712xf32, #tpu.memory_space<vmem>>[vector<16xi32>], vector<16xf32>,
      %add3A_946 = arith.constant 1638 : i32
      %add3A_947 = vector.broadcast %add3A_946 : i32 to vector<16xi32>
      %add3A_948 = arith.addi %mul3A_3, %add3A_947 : vector<16xi32>
      %gather3A_949 = tpu.vector_load_idx %arg13[%add3A_948] : memref<5712xf32, #tpu.memory_space<vmem>>[vector<16xi32>], vector<16xf32>,
      %add3A_950 = arith.constant 1639 : i32
      %add3A_951 = vector.broadcast %add3A_950 : i32 to vector<16xi32>
      %add3A_952 = arith.addi %mul3A_3, %add3A_951 : vector<16xi32>
      %gather3A_953 = tpu.vector_load_idx %arg13[%add3A_952] : memref<5712xf32, #tpu.memory_space<vmem>>[vector<16xi32>], vector<16xf32>,
      %add3A_954 = arith.constant 1640 : i32
      %add3A_955 = vector.broadcast %add3A_954 : i32 to vector<16xi32>
      %add3A_956 = arith.addi %mul3A_3, %add3A_955 : vector<16xi32>
      %gather3A_957 = tpu.vector_load_idx %arg13[%add3A_956] : memref<5712xf32, #tpu.memory_space<vmem>>[vector<16xi32>], vector<16xf32>,
      %add3A_958 = arith.constant 1641 : i32
      %add3A_959 = vector.broadcast %add3A_958 : i32 to vector<16xi32>
      %add3A_960 = arith.addi %mul3A_3, %add3A_959 : vector<16xi32>
      %gather3A_961 = tpu.vector_load_idx %arg13[%add3A_960] : memref<5712xf32, #tpu.memory_space<vmem>>[vector<16xi32>], vector<16xf32>,
      %add3A_962 = arith.constant 1642 : i32
      %add3A_963 = vector.broadcast %add3A_962 : i32 to vector<16xi32>
      %add3A_964 = arith.addi %mul3A_3, %add3A_963 : vector<16xi32>
      %gather3A_965 = tpu.vector_load_idx %arg13[%add3A_964] : memref<5712xf32, #tpu.memory_space<vmem>>[vector<16xi32>], vector<16xf32>,
      %add3A_966 = arith.constant 1643 : i32
      %add3A_967 = vector.broadcast %add3A_966 : i32 to vector<16xi32>
      %add3A_968 = arith.addi %mul3A_3, %add3A_967 : vector<16xi32>
      %gather3A_969 = tpu.vector_load_idx %arg13[%add3A_968] : memref<5712xf32, #tpu.memory_space<vmem>>[vector<16xi32>], vector<16xf32>,
      %add3A_970 = arith.constant 1644 : i32
      %add3A_971 = vector.broadcast %add3A_970 : i32 to vector<16xi32>
      %add3A_972 = arith.addi %mul3A_3, %add3A_971 : vector<16xi32>
      %gather3A_973 = tpu.vector_load_idx %arg13[%add3A_972] : memref<5712xf32, #tpu.memory_space<vmem>>[vector<16xi32>], vector<16xf32>,
      %add3A_974 = arith.constant 1645 : i32
      %add3A_975 = vector.broadcast %add3A_974 : i32 to vector<16xi32>
      %add3A_976 = arith.addi %mul3A_3, %add3A_975 : vector<16xi32>
      %gather3A_977 = tpu.vector_load_idx %arg13[%add3A_976] : memref<5712xf32, #tpu.memory_space<vmem>>[vector<16xi32>], vector<16xf32>,
      %add3A_978 = arith.constant 1646 : i32
      %add3A_979 = vector.broadcast %add3A_978 : i32 to vector<16xi32>
      %add3A_980 = arith.addi %mul3A_3, %add3A_979 : vector<16xi32>
      %gather3A_981 = tpu.vector_load_idx %arg13[%add3A_980] : memref<5712xf32, #tpu.memory_space<vmem>>[vector<16xi32>], vector<16xf32>,
      %add3A_982 = arith.constant 1647 : i32
      %add3A_983 = vector.broadcast %add3A_982 : i32 to vector<16xi32>
      %add3A_984 = arith.addi %mul3A_3, %add3A_983 : vector<16xi32>
      %gather3A_985 = tpu.vector_load_idx %arg13[%add3A_984] : memref<5712xf32, #tpu.memory_space<vmem>>[vector<16xi32>], vector<16xf32>,
      %add3A_986 = arith.addf %gather3A_925, %gather3A_929 : vector<16xf32>
      %add3A_987 = arith.addf %gather3A_933, %gather3A_937 : vector<16xf32>
      %add3A_988 = arith.addf %gather3A_941, %gather3A_945 : vector<16xf32>
      %add3A_989 = arith.addf %gather3A_949, %gather3A_953 : vector<16xf32>
      %add3A_990 = arith.addf %gather3A_957, %gather3A_961 : vector<16xf32>
      %add3A_991 = arith.addf %gather3A_965, %gather3A_969 : vector<16xf32>
      %add3A_992 = arith.addf %gather3A_973, %gather3A_977 : vector<16xf32>
      %add3A_993 = arith.addf %gather3A_981, %gather3A_985 : vector<16xf32>
      %add3A_994 = arith.addf %add3A_986, %add3A_987 : vector<16xf32>
      %add3A_995 = arith.addf %add3A_988, %add3A_989 : vector<16xf32>
      %add3A_996 = arith.addf %add3A_990, %add3A_991 : vector<16xf32>
      %add3A_997 = arith.addf %add3A_992, %add3A_993 : vector<16xf32>
      %add3A_998 = arith.addf %add3A_994, %add3A_995 : vector<16xf32>
      %add3A_999 = arith.addf %add3A_996, %add3A_997 : vector<16xf32>
      %add3A_1000 = arith.addf %add3A_998, %add3A_999 : vector<16xf32>
      %scatter3A_1001 = arith.constant 0 : i32
      %scatter3A_1002 = tpu.memref_slice %arg15[%rem3A_193, %scatter3A_1001] : memref<2x320xf32, #tpu.memory_space<vmem>> -> memref<1x320xf32, #tpu.memory_space<vmem>>
      %scatter3A_1003 = tpu.memref_squeeze %scatter3A_1002 : memref<1x320xf32, #tpu.memory_space<vmem>> -> memref<320xf32, #tpu.memory_space<vmem>>
      tpu.vector_store_idx %scatter3A_1003[%add3A_921], %add3A_1000 : memref<320xf32, #tpu.memory_space<vmem>>[vector<16xi32>], vector<16xf32>,
      %add3A_1004 = arith.constant 7 : i32
      %add3A_1005 = vector.broadcast %add3A_1004 : i32 to vector<16xi32>
      %add3A_1006 = arith.addi %mul3A_6, %add3A_1005 : vector<16xi32>
      %add3A_1007 = arith.constant 1904 : i32
      %add3A_1008 = vector.broadcast %add3A_1007 : i32 to vector<16xi32>
      %add3A_1009 = arith.addi %mul3A_3, %add3A_1008 : vector<16xi32>
      %gather3A_1010 = tpu.vector_load_idx %arg13[%add3A_1009] : memref<5712xf32, #tpu.memory_space<vmem>>[vector<16xi32>], vector<16xf32>,
      %add3A_1011 = arith.constant 1905 : i32
      %add3A_1012 = vector.broadcast %add3A_1011 : i32 to vector<16xi32>
      %add3A_1013 = arith.addi %mul3A_3, %add3A_1012 : vector<16xi32>
      %gather3A_1014 = tpu.vector_load_idx %arg13[%add3A_1013] : memref<5712xf32, #tpu.memory_space<vmem>>[vector<16xi32>], vector<16xf32>,
      %add3A_1015 = arith.constant 1906 : i32
      %add3A_1016 = vector.broadcast %add3A_1015 : i32 to vector<16xi32>
      %add3A_1017 = arith.addi %mul3A_3, %add3A_1016 : vector<16xi32>
      %gather3A_1018 = tpu.vector_load_idx %arg13[%add3A_1017] : memref<5712xf32, #tpu.memory_space<vmem>>[vector<16xi32>], vector<16xf32>,
      %add3A_1019 = arith.constant 1907 : i32
      %add3A_1020 = vector.broadcast %add3A_1019 : i32 to vector<16xi32>
      %add3A_1021 = arith.addi %mul3A_3, %add3A_1020 : vector<16xi32>
      %gather3A_1022 = tpu.vector_load_idx %arg13[%add3A_1021] : memref<5712xf32, #tpu.memory_space<vmem>>[vector<16xi32>], vector<16xf32>,
      %add3A_1023 = arith.constant 1908 : i32
      %add3A_1024 = vector.broadcast %add3A_1023 : i32 to vector<16xi32>
      %add3A_1025 = arith.addi %mul3A_3, %add3A_1024 : vector<16xi32>
      %gather3A_1026 = tpu.vector_load_idx %arg13[%add3A_1025] : memref<5712xf32, #tpu.memory_space<vmem>>[vector<16xi32>], vector<16xf32>,
      %add3A_1027 = arith.constant 1909 : i32
      %add3A_1028 = vector.broadcast %add3A_1027 : i32 to vector<16xi32>
      %add3A_1029 = arith.addi %mul3A_3, %add3A_1028 : vector<16xi32>
      %gather3A_1030 = tpu.vector_load_idx %arg13[%add3A_1029] : memref<5712xf32, #tpu.memory_space<vmem>>[vector<16xi32>], vector<16xf32>,
      %add3A_1031 = arith.constant 1910 : i32
      %add3A_1032 = vector.broadcast %add3A_1031 : i32 to vector<16xi32>
      %add3A_1033 = arith.addi %mul3A_3, %add3A_1032 : vector<16xi32>
      %gather3A_1034 = tpu.vector_load_idx %arg13[%add3A_1033] : memref<5712xf32, #tpu.memory_space<vmem>>[vector<16xi32>], vector<16xf32>,
      %add3A_1035 = arith.constant 1911 : i32
      %add3A_1036 = vector.broadcast %add3A_1035 : i32 to vector<16xi32>
      %add3A_1037 = arith.addi %mul3A_3, %add3A_1036 : vector<16xi32>
      %gather3A_1038 = tpu.vector_load_idx %arg13[%add3A_1037] : memref<5712xf32, #tpu.memory_space<vmem>>[vector<16xi32>], vector<16xf32>,
      %add3A_1039 = arith.constant 1912 : i32
      %add3A_1040 = vector.broadcast %add3A_1039 : i32 to vector<16xi32>
      %add3A_1041 = arith.addi %mul3A_3, %add3A_1040 : vector<16xi32>
      %gather3A_1042 = tpu.vector_load_idx %arg13[%add3A_1041] : memref<5712xf32, #tpu.memory_space<vmem>>[vector<16xi32>], vector<16xf32>,
      %add3A_1043 = arith.constant 1913 : i32
      %add3A_1044 = vector.broadcast %add3A_1043 : i32 to vector<16xi32>
      %add3A_1045 = arith.addi %mul3A_3, %add3A_1044 : vector<16xi32>
      %gather3A_1046 = tpu.vector_load_idx %arg13[%add3A_1045] : memref<5712xf32, #tpu.memory_space<vmem>>[vector<16xi32>], vector<16xf32>,
      %add3A_1047 = arith.constant 1914 : i32
      %add3A_1048 = vector.broadcast %add3A_1047 : i32 to vector<16xi32>
      %add3A_1049 = arith.addi %mul3A_3, %add3A_1048 : vector<16xi32>
      %gather3A_1050 = tpu.vector_load_idx %arg13[%add3A_1049] : memref<5712xf32, #tpu.memory_space<vmem>>[vector<16xi32>], vector<16xf32>,
      %add3A_1051 = arith.constant 1915 : i32
      %add3A_1052 = vector.broadcast %add3A_1051 : i32 to vector<16xi32>
      %add3A_1053 = arith.addi %mul3A_3, %add3A_1052 : vector<16xi32>
      %gather3A_1054 = tpu.vector_load_idx %arg13[%add3A_1053] : memref<5712xf32, #tpu.memory_space<vmem>>[vector<16xi32>], vector<16xf32>,
      %add3A_1055 = arith.constant 1916 : i32
      %add3A_1056 = vector.broadcast %add3A_1055 : i32 to vector<16xi32>
      %add3A_1057 = arith.addi %mul3A_3, %add3A_1056 : vector<16xi32>
      %gather3A_1058 = tpu.vector_load_idx %arg13[%add3A_1057] : memref<5712xf32, #tpu.memory_space<vmem>>[vector<16xi32>], vector<16xf32>,
      %add3A_1059 = arith.constant 1917 : i32
      %add3A_1060 = vector.broadcast %add3A_1059 : i32 to vector<16xi32>
      %add3A_1061 = arith.addi %mul3A_3, %add3A_1060 : vector<16xi32>
      %gather3A_1062 = tpu.vector_load_idx %arg13[%add3A_1061] : memref<5712xf32, #tpu.memory_space<vmem>>[vector<16xi32>], vector<16xf32>,
      %add3A_1063 = arith.constant 1918 : i32
      %add3A_1064 = vector.broadcast %add3A_1063 : i32 to vector<16xi32>
      %add3A_1065 = arith.addi %mul3A_3, %add3A_1064 : vector<16xi32>
      %gather3A_1066 = tpu.vector_load_idx %arg13[%add3A_1065] : memref<5712xf32, #tpu.memory_space<vmem>>[vector<16xi32>], vector<16xf32>,
      %add3A_1067 = arith.constant 1919 : i32
      %add3A_1068 = vector.broadcast %add3A_1067 : i32 to vector<16xi32>
      %add3A_1069 = arith.addi %mul3A_3, %add3A_1068 : vector<16xi32>
      %gather3A_1070 = tpu.vector_load_idx %arg13[%add3A_1069] : memref<5712xf32, #tpu.memory_space<vmem>>[vector<16xi32>], vector<16xf32>,
      %add3A_1071 = arith.addf %gather3A_1010, %gather3A_1014 : vector<16xf32>
      %add3A_1072 = arith.addf %gather3A_1018, %gather3A_1022 : vector<16xf32>
      %add3A_1073 = arith.addf %gather3A_1026, %gather3A_1030 : vector<16xf32>
      %add3A_1074 = arith.addf %gather3A_1034, %gather3A_1038 : vector<16xf32>
      %add3A_1075 = arith.addf %gather3A_1042, %gather3A_1046 : vector<16xf32>
      %add3A_1076 = arith.addf %gather3A_1050, %gather3A_1054 : vector<16xf32>
      %add3A_1077 = arith.addf %gather3A_1058, %gather3A_1062 : vector<16xf32>
      %add3A_1078 = arith.addf %gather3A_1066, %gather3A_1070 : vector<16xf32>
      %add3A_1079 = arith.addf %add3A_1071, %add3A_1072 : vector<16xf32>
      %add3A_1080 = arith.addf %add3A_1073, %add3A_1074 : vector<16xf32>
      %add3A_1081 = arith.addf %add3A_1075, %add3A_1076 : vector<16xf32>
      %add3A_1082 = arith.addf %add3A_1077, %add3A_1078 : vector<16xf32>
      %add3A_1083 = arith.addf %add3A_1079, %add3A_1080 : vector<16xf32>
      %add3A_1084 = arith.addf %add3A_1081, %add3A_1082 : vector<16xf32>
      %add3A_1085 = arith.addf %add3A_1083, %add3A_1084 : vector<16xf32>
      %scatter3A_1086 = arith.constant 0 : i32
      %scatter3A_1087 = tpu.memref_slice %arg15[%rem3A_193, %scatter3A_1086] : memref<2x320xf32, #tpu.memory_space<vmem>> -> memref<1x320xf32, #tpu.memory_space<vmem>>
      %scatter3A_1088 = tpu.memref_squeeze %scatter3A_1087 : memref<1x320xf32, #tpu.memory_space<vmem>> -> memref<320xf32, #tpu.memory_space<vmem>>
      tpu.vector_store_idx %scatter3A_1088[%add3A_1006], %add3A_1085 : memref<320xf32, #tpu.memory_space<vmem>>[vector<16xi32>], vector<16xf32>,
      %add3A_1089 = arith.constant 8 : i32
      %add3A_1090 = vector.broadcast %add3A_1089 : i32 to vector<16xi32>
      %add3A_1091 = arith.addi %mul3A_6, %add3A_1090 : vector<16xi32>
      %add3A_1092 = arith.constant 2176 : i32
      %add3A_1093 = vector.broadcast %add3A_1092 : i32 to vector<16xi32>
      %add3A_1094 = arith.addi %mul3A_3, %add3A_1093 : vector<16xi32>
      %gather3A_1095 = tpu.vector_load_idx %arg13[%add3A_1094] : memref<5712xf32, #tpu.memory_space<vmem>>[vector<16xi32>], vector<16xf32>,
      %add3A_1096 = arith.constant 2177 : i32
      %add3A_1097 = vector.broadcast %add3A_1096 : i32 to vector<16xi32>
      %add3A_1098 = arith.addi %mul3A_3, %add3A_1097 : vector<16xi32>
      %gather3A_1099 = tpu.vector_load_idx %arg13[%add3A_1098] : memref<5712xf32, #tpu.memory_space<vmem>>[vector<16xi32>], vector<16xf32>,
      %add3A_1100 = arith.constant 2178 : i32
      %add3A_1101 = vector.broadcast %add3A_1100 : i32 to vector<16xi32>
      %add3A_1102 = arith.addi %mul3A_3, %add3A_1101 : vector<16xi32>
      %gather3A_1103 = tpu.vector_load_idx %arg13[%add3A_1102] : memref<5712xf32, #tpu.memory_space<vmem>>[vector<16xi32>], vector<16xf32>,
      %add3A_1104 = arith.constant 2179 : i32
      %add3A_1105 = vector.broadcast %add3A_1104 : i32 to vector<16xi32>
      %add3A_1106 = arith.addi %mul3A_3, %add3A_1105 : vector<16xi32>
      %gather3A_1107 = tpu.vector_load_idx %arg13[%add3A_1106] : memref<5712xf32, #tpu.memory_space<vmem>>[vector<16xi32>], vector<16xf32>,
      %add3A_1108 = arith.constant 2180 : i32
      %add3A_1109 = vector.broadcast %add3A_1108 : i32 to vector<16xi32>
      %add3A_1110 = arith.addi %mul3A_3, %add3A_1109 : vector<16xi32>
      %gather3A_1111 = tpu.vector_load_idx %arg13[%add3A_1110] : memref<5712xf32, #tpu.memory_space<vmem>>[vector<16xi32>], vector<16xf32>,
      %add3A_1112 = arith.constant 2181 : i32
      %add3A_1113 = vector.broadcast %add3A_1112 : i32 to vector<16xi32>
      %add3A_1114 = arith.addi %mul3A_3, %add3A_1113 : vector<16xi32>
      %gather3A_1115 = tpu.vector_load_idx %arg13[%add3A_1114] : memref<5712xf32, #tpu.memory_space<vmem>>[vector<16xi32>], vector<16xf32>,
      %add3A_1116 = arith.constant 2182 : i32
      %add3A_1117 = vector.broadcast %add3A_1116 : i32 to vector<16xi32>
      %add3A_1118 = arith.addi %mul3A_3, %add3A_1117 : vector<16xi32>
      %gather3A_1119 = tpu.vector_load_idx %arg13[%add3A_1118] : memref<5712xf32, #tpu.memory_space<vmem>>[vector<16xi32>], vector<16xf32>,
      %add3A_1120 = arith.constant 2183 : i32
      %add3A_1121 = vector.broadcast %add3A_1120 : i32 to vector<16xi32>
      %add3A_1122 = arith.addi %mul3A_3, %add3A_1121 : vector<16xi32>
      %gather3A_1123 = tpu.vector_load_idx %arg13[%add3A_1122] : memref<5712xf32, #tpu.memory_space<vmem>>[vector<16xi32>], vector<16xf32>,
      %add3A_1124 = arith.constant 2184 : i32
      %add3A_1125 = vector.broadcast %add3A_1124 : i32 to vector<16xi32>
      %add3A_1126 = arith.addi %mul3A_3, %add3A_1125 : vector<16xi32>
      %gather3A_1127 = tpu.vector_load_idx %arg13[%add3A_1126] : memref<5712xf32, #tpu.memory_space<vmem>>[vector<16xi32>], vector<16xf32>,
      %add3A_1128 = arith.constant 2185 : i32
      %add3A_1129 = vector.broadcast %add3A_1128 : i32 to vector<16xi32>
      %add3A_1130 = arith.addi %mul3A_3, %add3A_1129 : vector<16xi32>
      %gather3A_1131 = tpu.vector_load_idx %arg13[%add3A_1130] : memref<5712xf32, #tpu.memory_space<vmem>>[vector<16xi32>], vector<16xf32>,
      %add3A_1132 = arith.constant 2186 : i32
      %add3A_1133 = vector.broadcast %add3A_1132 : i32 to vector<16xi32>
      %add3A_1134 = arith.addi %mul3A_3, %add3A_1133 : vector<16xi32>
      %gather3A_1135 = tpu.vector_load_idx %arg13[%add3A_1134] : memref<5712xf32, #tpu.memory_space<vmem>>[vector<16xi32>], vector<16xf32>,
      %add3A_1136 = arith.constant 2187 : i32
      %add3A_1137 = vector.broadcast %add3A_1136 : i32 to vector<16xi32>
      %add3A_1138 = arith.addi %mul3A_3, %add3A_1137 : vector<16xi32>
      %gather3A_1139 = tpu.vector_load_idx %arg13[%add3A_1138] : memref<5712xf32, #tpu.memory_space<vmem>>[vector<16xi32>], vector<16xf32>,
      %add3A_1140 = arith.constant 2188 : i32
      %add3A_1141 = vector.broadcast %add3A_1140 : i32 to vector<16xi32>
      %add3A_1142 = arith.addi %mul3A_3, %add3A_1141 : vector<16xi32>
      %gather3A_1143 = tpu.vector_load_idx %arg13[%add3A_1142] : memref<5712xf32, #tpu.memory_space<vmem>>[vector<16xi32>], vector<16xf32>,
      %add3A_1144 = arith.constant 2189 : i32
      %add3A_1145 = vector.broadcast %add3A_1144 : i32 to vector<16xi32>
      %add3A_1146 = arith.addi %mul3A_3, %add3A_1145 : vector<16xi32>
      %gather3A_1147 = tpu.vector_load_idx %arg13[%add3A_1146] : memref<5712xf32, #tpu.memory_space<vmem>>[vector<16xi32>], vector<16xf32>,
      %add3A_1148 = arith.constant 2190 : i32
      %add3A_1149 = vector.broadcast %add3A_1148 : i32 to vector<16xi32>
      %add3A_1150 = arith.addi %mul3A_3, %add3A_1149 : vector<16xi32>
      %gather3A_1151 = tpu.vector_load_idx %arg13[%add3A_1150] : memref<5712xf32, #tpu.memory_space<vmem>>[vector<16xi32>], vector<16xf32>,
      %add3A_1152 = arith.constant 2191 : i32
      %add3A_1153 = vector.broadcast %add3A_1152 : i32 to vector<16xi32>
      %add3A_1154 = arith.addi %mul3A_3, %add3A_1153 : vector<16xi32>
      %gather3A_1155 = tpu.vector_load_idx %arg13[%add3A_1154] : memref<5712xf32, #tpu.memory_space<vmem>>[vector<16xi32>], vector<16xf32>,
      %add3A_1156 = arith.addf %gather3A_1095, %gather3A_1099 : vector<16xf32>
      %add3A_1157 = arith.addf %gather3A_1103, %gather3A_1107 : vector<16xf32>
      %add3A_1158 = arith.addf %gather3A_1111, %gather3A_1115 : vector<16xf32>
      %add3A_1159 = arith.addf %gather3A_1119, %gather3A_1123 : vector<16xf32>
      %add3A_1160 = arith.addf %gather3A_1127, %gather3A_1131 : vector<16xf32>
      %add3A_1161 = arith.addf %gather3A_1135, %gather3A_1139 : vector<16xf32>
      %add3A_1162 = arith.addf %gather3A_1143, %gather3A_1147 : vector<16xf32>
      %add3A_1163 = arith.addf %gather3A_1151, %gather3A_1155 : vector<16xf32>
      %add3A_1164 = arith.addf %add3A_1156, %add3A_1157 : vector<16xf32>
      %add3A_1165 = arith.addf %add3A_1158, %add3A_1159 : vector<16xf32>
      %add3A_1166 = arith.addf %add3A_1160, %add3A_1161 : vector<16xf32>
      %add3A_1167 = arith.addf %add3A_1162, %add3A_1163 : vector<16xf32>
      %add3A_1168 = arith.addf %add3A_1164, %add3A_1165 : vector<16xf32>
      %add3A_1169 = arith.addf %add3A_1166, %add3A_1167 : vector<16xf32>
      %add3A_1170 = arith.addf %add3A_1168, %add3A_1169 : vector<16xf32>
      %scatter3A_1171 = arith.constant 0 : i32
      %scatter3A_1172 = tpu.memref_slice %arg15[%rem3A_193, %scatter3A_1171] : memref<2x320xf32, #tpu.memory_space<vmem>> -> memref<1x320xf32, #tpu.memory_space<vmem>>
      %scatter3A_1173 = tpu.memref_squeeze %scatter3A_1172 : memref<1x320xf32, #tpu.memory_space<vmem>> -> memref<320xf32, #tpu.memory_space<vmem>>
      tpu.vector_store_idx %scatter3A_1173[%add3A_1091], %add3A_1170 : memref<320xf32, #tpu.memory_space<vmem>>[vector<16xi32>], vector<16xf32>,
      %add3A_1174 = arith.constant 9 : i32
      %add3A_1175 = vector.broadcast %add3A_1174 : i32 to vector<16xi32>
      %add3A_1176 = arith.addi %mul3A_6, %add3A_1175 : vector<16xi32>
      %add3A_1177 = arith.constant 2448 : i32
      %add3A_1178 = vector.broadcast %add3A_1177 : i32 to vector<16xi32>
      %add3A_1179 = arith.addi %mul3A_3, %add3A_1178 : vector<16xi32>
      %gather3A_1180 = tpu.vector_load_idx %arg13[%add3A_1179] : memref<5712xf32, #tpu.memory_space<vmem>>[vector<16xi32>], vector<16xf32>,
      %add3A_1181 = arith.constant 2449 : i32
      %add3A_1182 = vector.broadcast %add3A_1181 : i32 to vector<16xi32>
      %add3A_1183 = arith.addi %mul3A_3, %add3A_1182 : vector<16xi32>
      %gather3A_1184 = tpu.vector_load_idx %arg13[%add3A_1183] : memref<5712xf32, #tpu.memory_space<vmem>>[vector<16xi32>], vector<16xf32>,
      %add3A_1185 = arith.constant 2450 : i32
      %add3A_1186 = vector.broadcast %add3A_1185 : i32 to vector<16xi32>
      %add3A_1187 = arith.addi %mul3A_3, %add3A_1186 : vector<16xi32>
      %gather3A_1188 = tpu.vector_load_idx %arg13[%add3A_1187] : memref<5712xf32, #tpu.memory_space<vmem>>[vector<16xi32>], vector<16xf32>,
      %add3A_1189 = arith.constant 2451 : i32
      %add3A_1190 = vector.broadcast %add3A_1189 : i32 to vector<16xi32>
      %add3A_1191 = arith.addi %mul3A_3, %add3A_1190 : vector<16xi32>
      %gather3A_1192 = tpu.vector_load_idx %arg13[%add3A_1191] : memref<5712xf32, #tpu.memory_space<vmem>>[vector<16xi32>], vector<16xf32>,
      %add3A_1193 = arith.constant 2452 : i32
      %add3A_1194 = vector.broadcast %add3A_1193 : i32 to vector<16xi32>
      %add3A_1195 = arith.addi %mul3A_3, %add3A_1194 : vector<16xi32>
      %gather3A_1196 = tpu.vector_load_idx %arg13[%add3A_1195] : memref<5712xf32, #tpu.memory_space<vmem>>[vector<16xi32>], vector<16xf32>,
      %add3A_1197 = arith.constant 2453 : i32
      %add3A_1198 = vector.broadcast %add3A_1197 : i32 to vector<16xi32>
      %add3A_1199 = arith.addi %mul3A_3, %add3A_1198 : vector<16xi32>
      %gather3A_1200 = tpu.vector_load_idx %arg13[%add3A_1199] : memref<5712xf32, #tpu.memory_space<vmem>>[vector<16xi32>], vector<16xf32>,
      %add3A_1201 = arith.constant 2454 : i32
      %add3A_1202 = vector.broadcast %add3A_1201 : i32 to vector<16xi32>
      %add3A_1203 = arith.addi %mul3A_3, %add3A_1202 : vector<16xi32>
      %gather3A_1204 = tpu.vector_load_idx %arg13[%add3A_1203] : memref<5712xf32, #tpu.memory_space<vmem>>[vector<16xi32>], vector<16xf32>,
      %add3A_1205 = arith.constant 2455 : i32
      %add3A_1206 = vector.broadcast %add3A_1205 : i32 to vector<16xi32>
      %add3A_1207 = arith.addi %mul3A_3, %add3A_1206 : vector<16xi32>
      %gather3A_1208 = tpu.vector_load_idx %arg13[%add3A_1207] : memref<5712xf32, #tpu.memory_space<vmem>>[vector<16xi32>], vector<16xf32>,
      %add3A_1209 = arith.constant 2456 : i32
      %add3A_1210 = vector.broadcast %add3A_1209 : i32 to vector<16xi32>
      %add3A_1211 = arith.addi %mul3A_3, %add3A_1210 : vector<16xi32>
      %gather3A_1212 = tpu.vector_load_idx %arg13[%add3A_1211] : memref<5712xf32, #tpu.memory_space<vmem>>[vector<16xi32>], vector<16xf32>,
      %add3A_1213 = arith.constant 2457 : i32
      %add3A_1214 = vector.broadcast %add3A_1213 : i32 to vector<16xi32>
      %add3A_1215 = arith.addi %mul3A_3, %add3A_1214 : vector<16xi32>
      %gather3A_1216 = tpu.vector_load_idx %arg13[%add3A_1215] : memref<5712xf32, #tpu.memory_space<vmem>>[vector<16xi32>], vector<16xf32>,
      %add3A_1217 = arith.constant 2458 : i32
      %add3A_1218 = vector.broadcast %add3A_1217 : i32 to vector<16xi32>
      %add3A_1219 = arith.addi %mul3A_3, %add3A_1218 : vector<16xi32>
      %gather3A_1220 = tpu.vector_load_idx %arg13[%add3A_1219] : memref<5712xf32, #tpu.memory_space<vmem>>[vector<16xi32>], vector<16xf32>,
      %add3A_1221 = arith.constant 2459 : i32
      %add3A_1222 = vector.broadcast %add3A_1221 : i32 to vector<16xi32>
      %add3A_1223 = arith.addi %mul3A_3, %add3A_1222 : vector<16xi32>
      %gather3A_1224 = tpu.vector_load_idx %arg13[%add3A_1223] : memref<5712xf32, #tpu.memory_space<vmem>>[vector<16xi32>], vector<16xf32>,
      %add3A_1225 = arith.constant 2460 : i32
      %add3A_1226 = vector.broadcast %add3A_1225 : i32 to vector<16xi32>
      %add3A_1227 = arith.addi %mul3A_3, %add3A_1226 : vector<16xi32>
      %gather3A_1228 = tpu.vector_load_idx %arg13[%add3A_1227] : memref<5712xf32, #tpu.memory_space<vmem>>[vector<16xi32>], vector<16xf32>,
      %add3A_1229 = arith.constant 2461 : i32
      %add3A_1230 = vector.broadcast %add3A_1229 : i32 to vector<16xi32>
      %add3A_1231 = arith.addi %mul3A_3, %add3A_1230 : vector<16xi32>
      %gather3A_1232 = tpu.vector_load_idx %arg13[%add3A_1231] : memref<5712xf32, #tpu.memory_space<vmem>>[vector<16xi32>], vector<16xf32>,
      %add3A_1233 = arith.constant 2462 : i32
      %add3A_1234 = vector.broadcast %add3A_1233 : i32 to vector<16xi32>
      %add3A_1235 = arith.addi %mul3A_3, %add3A_1234 : vector<16xi32>
      %gather3A_1236 = tpu.vector_load_idx %arg13[%add3A_1235] : memref<5712xf32, #tpu.memory_space<vmem>>[vector<16xi32>], vector<16xf32>,
      %add3A_1237 = arith.constant 2463 : i32
      %add3A_1238 = vector.broadcast %add3A_1237 : i32 to vector<16xi32>
      %add3A_1239 = arith.addi %mul3A_3, %add3A_1238 : vector<16xi32>
      %gather3A_1240 = tpu.vector_load_idx %arg13[%add3A_1239] : memref<5712xf32, #tpu.memory_space<vmem>>[vector<16xi32>], vector<16xf32>,
      %add3A_1241 = arith.addf %gather3A_1180, %gather3A_1184 : vector<16xf32>
      %add3A_1242 = arith.addf %gather3A_1188, %gather3A_1192 : vector<16xf32>
      %add3A_1243 = arith.addf %gather3A_1196, %gather3A_1200 : vector<16xf32>
      %add3A_1244 = arith.addf %gather3A_1204, %gather3A_1208 : vector<16xf32>
      %add3A_1245 = arith.addf %gather3A_1212, %gather3A_1216 : vector<16xf32>
      %add3A_1246 = arith.addf %gather3A_1220, %gather3A_1224 : vector<16xf32>
      %add3A_1247 = arith.addf %gather3A_1228, %gather3A_1232 : vector<16xf32>
      %add3A_1248 = arith.addf %gather3A_1236, %gather3A_1240 : vector<16xf32>
      %add3A_1249 = arith.addf %add3A_1241, %add3A_1242 : vector<16xf32>
      %add3A_1250 = arith.addf %add3A_1243, %add3A_1244 : vector<16xf32>
      %add3A_1251 = arith.addf %add3A_1245, %add3A_1246 : vector<16xf32>
      %add3A_1252 = arith.addf %add3A_1247, %add3A_1248 : vector<16xf32>
      %add3A_1253 = arith.addf %add3A_1249, %add3A_1250 : vector<16xf32>
      %add3A_1254 = arith.addf %add3A_1251, %add3A_1252 : vector<16xf32>
      %add3A_1255 = arith.addf %add3A_1253, %add3A_1254 : vector<16xf32>
      %scatter3A_1256 = arith.constant 0 : i32
      %scatter3A_1257 = tpu.memref_slice %arg15[%rem3A_193, %scatter3A_1256] : memref<2x320xf32, #tpu.memory_space<vmem>> -> memref<1x320xf32, #tpu.memory_space<vmem>>
      %scatter3A_1258 = tpu.memref_squeeze %scatter3A_1257 : memref<1x320xf32, #tpu.memory_space<vmem>> -> memref<320xf32, #tpu.memory_space<vmem>>
      tpu.vector_store_idx %scatter3A_1258[%add3A_1176], %add3A_1255 : memref<320xf32, #tpu.memory_space<vmem>>[vector<16xi32>], vector<16xf32>,
      %add3A_1259 = arith.constant 10 : i32
      %add3A_1260 = vector.broadcast %add3A_1259 : i32 to vector<16xi32>
      %add3A_1261 = arith.addi %mul3A_6, %add3A_1260 : vector<16xi32>
      %add3A_1262 = arith.constant 2720 : i32
      %add3A_1263 = vector.broadcast %add3A_1262 : i32 to vector<16xi32>
      %add3A_1264 = arith.addi %mul3A_3, %add3A_1263 : vector<16xi32>
      %gather3A_1265 = tpu.vector_load_idx %arg13[%add3A_1264] : memref<5712xf32, #tpu.memory_space<vmem>>[vector<16xi32>], vector<16xf32>,
      %add3A_1266 = arith.constant 2721 : i32
      %add3A_1267 = vector.broadcast %add3A_1266 : i32 to vector<16xi32>
      %add3A_1268 = arith.addi %mul3A_3, %add3A_1267 : vector<16xi32>
      %gather3A_1269 = tpu.vector_load_idx %arg13[%add3A_1268] : memref<5712xf32, #tpu.memory_space<vmem>>[vector<16xi32>], vector<16xf32>,
      %add3A_1270 = arith.constant 2722 : i32
      %add3A_1271 = vector.broadcast %add3A_1270 : i32 to vector<16xi32>
      %add3A_1272 = arith.addi %mul3A_3, %add3A_1271 : vector<16xi32>
      %gather3A_1273 = tpu.vector_load_idx %arg13[%add3A_1272] : memref<5712xf32, #tpu.memory_space<vmem>>[vector<16xi32>], vector<16xf32>,
      %add3A_1274 = arith.constant 2723 : i32
      %add3A_1275 = vector.broadcast %add3A_1274 : i32 to vector<16xi32>
      %add3A_1276 = arith.addi %mul3A_3, %add3A_1275 : vector<16xi32>
      %gather3A_1277 = tpu.vector_load_idx %arg13[%add3A_1276] : memref<5712xf32, #tpu.memory_space<vmem>>[vector<16xi32>], vector<16xf32>,
      %add3A_1278 = arith.constant 2724 : i32
      %add3A_1279 = vector.broadcast %add3A_1278 : i32 to vector<16xi32>
      %add3A_1280 = arith.addi %mul3A_3, %add3A_1279 : vector<16xi32>
      %gather3A_1281 = tpu.vector_load_idx %arg13[%add3A_1280] : memref<5712xf32, #tpu.memory_space<vmem>>[vector<16xi32>], vector<16xf32>,
      %add3A_1282 = arith.constant 2725 : i32
      %add3A_1283 = vector.broadcast %add3A_1282 : i32 to vector<16xi32>
      %add3A_1284 = arith.addi %mul3A_3, %add3A_1283 : vector<16xi32>
      %gather3A_1285 = tpu.vector_load_idx %arg13[%add3A_1284] : memref<5712xf32, #tpu.memory_space<vmem>>[vector<16xi32>], vector<16xf32>,
      %add3A_1286 = arith.constant 2726 : i32
      %add3A_1287 = vector.broadcast %add3A_1286 : i32 to vector<16xi32>
      %add3A_1288 = arith.addi %mul3A_3, %add3A_1287 : vector<16xi32>
      %gather3A_1289 = tpu.vector_load_idx %arg13[%add3A_1288] : memref<5712xf32, #tpu.memory_space<vmem>>[vector<16xi32>], vector<16xf32>,
      %add3A_1290 = arith.constant 2727 : i32
      %add3A_1291 = vector.broadcast %add3A_1290 : i32 to vector<16xi32>
      %add3A_1292 = arith.addi %mul3A_3, %add3A_1291 : vector<16xi32>
      %gather3A_1293 = tpu.vector_load_idx %arg13[%add3A_1292] : memref<5712xf32, #tpu.memory_space<vmem>>[vector<16xi32>], vector<16xf32>,
      %add3A_1294 = arith.constant 2728 : i32
      %add3A_1295 = vector.broadcast %add3A_1294 : i32 to vector<16xi32>
      %add3A_1296 = arith.addi %mul3A_3, %add3A_1295 : vector<16xi32>
      %gather3A_1297 = tpu.vector_load_idx %arg13[%add3A_1296] : memref<5712xf32, #tpu.memory_space<vmem>>[vector<16xi32>], vector<16xf32>,
      %add3A_1298 = arith.constant 2729 : i32
      %add3A_1299 = vector.broadcast %add3A_1298 : i32 to vector<16xi32>
      %add3A_1300 = arith.addi %mul3A_3, %add3A_1299 : vector<16xi32>
      %gather3A_1301 = tpu.vector_load_idx %arg13[%add3A_1300] : memref<5712xf32, #tpu.memory_space<vmem>>[vector<16xi32>], vector<16xf32>,
      %add3A_1302 = arith.constant 2730 : i32
      %add3A_1303 = vector.broadcast %add3A_1302 : i32 to vector<16xi32>
      %add3A_1304 = arith.addi %mul3A_3, %add3A_1303 : vector<16xi32>
      %gather3A_1305 = tpu.vector_load_idx %arg13[%add3A_1304] : memref<5712xf32, #tpu.memory_space<vmem>>[vector<16xi32>], vector<16xf32>,
      %add3A_1306 = arith.constant 2731 : i32
      %add3A_1307 = vector.broadcast %add3A_1306 : i32 to vector<16xi32>
      %add3A_1308 = arith.addi %mul3A_3, %add3A_1307 : vector<16xi32>
      %gather3A_1309 = tpu.vector_load_idx %arg13[%add3A_1308] : memref<5712xf32, #tpu.memory_space<vmem>>[vector<16xi32>], vector<16xf32>,
      %add3A_1310 = arith.constant 2732 : i32
      %add3A_1311 = vector.broadcast %add3A_1310 : i32 to vector<16xi32>
      %add3A_1312 = arith.addi %mul3A_3, %add3A_1311 : vector<16xi32>
      %gather3A_1313 = tpu.vector_load_idx %arg13[%add3A_1312] : memref<5712xf32, #tpu.memory_space<vmem>>[vector<16xi32>], vector<16xf32>,
      %add3A_1314 = arith.constant 2733 : i32
      %add3A_1315 = vector.broadcast %add3A_1314 : i32 to vector<16xi32>
      %add3A_1316 = arith.addi %mul3A_3, %add3A_1315 : vector<16xi32>
      %gather3A_1317 = tpu.vector_load_idx %arg13[%add3A_1316] : memref<5712xf32, #tpu.memory_space<vmem>>[vector<16xi32>], vector<16xf32>,
      %add3A_1318 = arith.constant 2734 : i32
      %add3A_1319 = vector.broadcast %add3A_1318 : i32 to vector<16xi32>
      %add3A_1320 = arith.addi %mul3A_3, %add3A_1319 : vector<16xi32>
      %gather3A_1321 = tpu.vector_load_idx %arg13[%add3A_1320] : memref<5712xf32, #tpu.memory_space<vmem>>[vector<16xi32>], vector<16xf32>,
      %add3A_1322 = arith.constant 2735 : i32
      %add3A_1323 = vector.broadcast %add3A_1322 : i32 to vector<16xi32>
      %add3A_1324 = arith.addi %mul3A_3, %add3A_1323 : vector<16xi32>
      %gather3A_1325 = tpu.vector_load_idx %arg13[%add3A_1324] : memref<5712xf32, #tpu.memory_space<vmem>>[vector<16xi32>], vector<16xf32>,
      %add3A_1326 = arith.addf %gather3A_1265, %gather3A_1269 : vector<16xf32>
      %add3A_1327 = arith.addf %gather3A_1273, %gather3A_1277 : vector<16xf32>
      %add3A_1328 = arith.addf %gather3A_1281, %gather3A_1285 : vector<16xf32>
      %add3A_1329 = arith.addf %gather3A_1289, %gather3A_1293 : vector<16xf32>
      %add3A_1330 = arith.addf %gather3A_1297, %gather3A_1301 : vector<16xf32>
      %add3A_1331 = arith.addf %gather3A_1305, %gather3A_1309 : vector<16xf32>
      %add3A_1332 = arith.addf %gather3A_1313, %gather3A_1317 : vector<16xf32>
      %add3A_1333 = arith.addf %gather3A_1321, %gather3A_1325 : vector<16xf32>
      %add3A_1334 = arith.addf %add3A_1326, %add3A_1327 : vector<16xf32>
      %add3A_1335 = arith.addf %add3A_1328, %add3A_1329 : vector<16xf32>
      %add3A_1336 = arith.addf %add3A_1330, %add3A_1331 : vector<16xf32>
      %add3A_1337 = arith.addf %add3A_1332, %add3A_1333 : vector<16xf32>
      %add3A_1338 = arith.addf %add3A_1334, %add3A_1335 : vector<16xf32>
      %add3A_1339 = arith.addf %add3A_1336, %add3A_1337 : vector<16xf32>
      %add3A_1340 = arith.addf %add3A_1338, %add3A_1339 : vector<16xf32>
      %scatter3A_1341 = arith.constant 0 : i32
      %scatter3A_1342 = tpu.memref_slice %arg15[%rem3A_193, %scatter3A_1341] : memref<2x320xf32, #tpu.memory_space<vmem>> -> memref<1x320xf32, #tpu.memory_space<vmem>>
      %scatter3A_1343 = tpu.memref_squeeze %scatter3A_1342 : memref<1x320xf32, #tpu.memory_space<vmem>> -> memref<320xf32, #tpu.memory_space<vmem>>
      tpu.vector_store_idx %scatter3A_1343[%add3A_1261], %add3A_1340 : memref<320xf32, #tpu.memory_space<vmem>>[vector<16xi32>], vector<16xf32>,
      %add3A_1344 = arith.constant 11 : i32
      %add3A_1345 = vector.broadcast %add3A_1344 : i32 to vector<16xi32>
      %add3A_1346 = arith.addi %mul3A_6, %add3A_1345 : vector<16xi32>
      %add3A_1347 = arith.constant 2992 : i32
      %add3A_1348 = vector.broadcast %add3A_1347 : i32 to vector<16xi32>
      %add3A_1349 = arith.addi %mul3A_3, %add3A_1348 : vector<16xi32>
      %gather3A_1350 = tpu.vector_load_idx %arg13[%add3A_1349] : memref<5712xf32, #tpu.memory_space<vmem>>[vector<16xi32>], vector<16xf32>,
      %add3A_1351 = arith.constant 2993 : i32
      %add3A_1352 = vector.broadcast %add3A_1351 : i32 to vector<16xi32>
      %add3A_1353 = arith.addi %mul3A_3, %add3A_1352 : vector<16xi32>
      %gather3A_1354 = tpu.vector_load_idx %arg13[%add3A_1353] : memref<5712xf32, #tpu.memory_space<vmem>>[vector<16xi32>], vector<16xf32>,
      %add3A_1355 = arith.constant 2994 : i32
      %add3A_1356 = vector.broadcast %add3A_1355 : i32 to vector<16xi32>
      %add3A_1357 = arith.addi %mul3A_3, %add3A_1356 : vector<16xi32>
      %gather3A_1358 = tpu.vector_load_idx %arg13[%add3A_1357] : memref<5712xf32, #tpu.memory_space<vmem>>[vector<16xi32>], vector<16xf32>,
      %add3A_1359 = arith.constant 2995 : i32
      %add3A_1360 = vector.broadcast %add3A_1359 : i32 to vector<16xi32>
      %add3A_1361 = arith.addi %mul3A_3, %add3A_1360 : vector<16xi32>
      %gather3A_1362 = tpu.vector_load_idx %arg13[%add3A_1361] : memref<5712xf32, #tpu.memory_space<vmem>>[vector<16xi32>], vector<16xf32>,
      %add3A_1363 = arith.constant 2996 : i32
      %add3A_1364 = vector.broadcast %add3A_1363 : i32 to vector<16xi32>
      %add3A_1365 = arith.addi %mul3A_3, %add3A_1364 : vector<16xi32>
      %gather3A_1366 = tpu.vector_load_idx %arg13[%add3A_1365] : memref<5712xf32, #tpu.memory_space<vmem>>[vector<16xi32>], vector<16xf32>,
      %add3A_1367 = arith.constant 2997 : i32
      %add3A_1368 = vector.broadcast %add3A_1367 : i32 to vector<16xi32>
      %add3A_1369 = arith.addi %mul3A_3, %add3A_1368 : vector<16xi32>
      %gather3A_1370 = tpu.vector_load_idx %arg13[%add3A_1369] : memref<5712xf32, #tpu.memory_space<vmem>>[vector<16xi32>], vector<16xf32>,
      %add3A_1371 = arith.constant 2998 : i32
      %add3A_1372 = vector.broadcast %add3A_1371 : i32 to vector<16xi32>
      %add3A_1373 = arith.addi %mul3A_3, %add3A_1372 : vector<16xi32>
      %gather3A_1374 = tpu.vector_load_idx %arg13[%add3A_1373] : memref<5712xf32, #tpu.memory_space<vmem>>[vector<16xi32>], vector<16xf32>,
      %add3A_1375 = arith.constant 2999 : i32
      %add3A_1376 = vector.broadcast %add3A_1375 : i32 to vector<16xi32>
      %add3A_1377 = arith.addi %mul3A_3, %add3A_1376 : vector<16xi32>
      %gather3A_1378 = tpu.vector_load_idx %arg13[%add3A_1377] : memref<5712xf32, #tpu.memory_space<vmem>>[vector<16xi32>], vector<16xf32>,
      %add3A_1379 = arith.constant 3000 : i32
      %add3A_1380 = vector.broadcast %add3A_1379 : i32 to vector<16xi32>
      %add3A_1381 = arith.addi %mul3A_3, %add3A_1380 : vector<16xi32>
      %gather3A_1382 = tpu.vector_load_idx %arg13[%add3A_1381] : memref<5712xf32, #tpu.memory_space<vmem>>[vector<16xi32>], vector<16xf32>,
      %add3A_1383 = arith.constant 3001 : i32
      %add3A_1384 = vector.broadcast %add3A_1383 : i32 to vector<16xi32>
      %add3A_1385 = arith.addi %mul3A_3, %add3A_1384 : vector<16xi32>
      %gather3A_1386 = tpu.vector_load_idx %arg13[%add3A_1385] : memref<5712xf32, #tpu.memory_space<vmem>>[vector<16xi32>], vector<16xf32>,
      %add3A_1387 = arith.constant 3002 : i32
      %add3A_1388 = vector.broadcast %add3A_1387 : i32 to vector<16xi32>
      %add3A_1389 = arith.addi %mul3A_3, %add3A_1388 : vector<16xi32>
      %gather3A_1390 = tpu.vector_load_idx %arg13[%add3A_1389] : memref<5712xf32, #tpu.memory_space<vmem>>[vector<16xi32>], vector<16xf32>,
      %add3A_1391 = arith.constant 3003 : i32
      %add3A_1392 = vector.broadcast %add3A_1391 : i32 to vector<16xi32>
      %add3A_1393 = arith.addi %mul3A_3, %add3A_1392 : vector<16xi32>
      %gather3A_1394 = tpu.vector_load_idx %arg13[%add3A_1393] : memref<5712xf32, #tpu.memory_space<vmem>>[vector<16xi32>], vector<16xf32>,
      %add3A_1395 = arith.constant 3004 : i32
      %add3A_1396 = vector.broadcast %add3A_1395 : i32 to vector<16xi32>
      %add3A_1397 = arith.addi %mul3A_3, %add3A_1396 : vector<16xi32>
      %gather3A_1398 = tpu.vector_load_idx %arg13[%add3A_1397] : memref<5712xf32, #tpu.memory_space<vmem>>[vector<16xi32>], vector<16xf32>,
      %add3A_1399 = arith.constant 3005 : i32
      %add3A_1400 = vector.broadcast %add3A_1399 : i32 to vector<16xi32>
      %add3A_1401 = arith.addi %mul3A_3, %add3A_1400 : vector<16xi32>
      %gather3A_1402 = tpu.vector_load_idx %arg13[%add3A_1401] : memref<5712xf32, #tpu.memory_space<vmem>>[vector<16xi32>], vector<16xf32>,
      %add3A_1403 = arith.constant 3006 : i32
      %add3A_1404 = vector.broadcast %add3A_1403 : i32 to vector<16xi32>
      %add3A_1405 = arith.addi %mul3A_3, %add3A_1404 : vector<16xi32>
      %gather3A_1406 = tpu.vector_load_idx %arg13[%add3A_1405] : memref<5712xf32, #tpu.memory_space<vmem>>[vector<16xi32>], vector<16xf32>,
      %add3A_1407 = arith.constant 3007 : i32
      %add3A_1408 = vector.broadcast %add3A_1407 : i32 to vector<16xi32>
      %add3A_1409 = arith.addi %mul3A_3, %add3A_1408 : vector<16xi32>
      %gather3A_1410 = tpu.vector_load_idx %arg13[%add3A_1409] : memref<5712xf32, #tpu.memory_space<vmem>>[vector<16xi32>], vector<16xf32>,
      %add3A_1411 = arith.addf %gather3A_1350, %gather3A_1354 : vector<16xf32>
      %add3A_1412 = arith.addf %gather3A_1358, %gather3A_1362 : vector<16xf32>
      %add3A_1413 = arith.addf %gather3A_1366, %gather3A_1370 : vector<16xf32>
      %add3A_1414 = arith.addf %gather3A_1374, %gather3A_1378 : vector<16xf32>
      %add3A_1415 = arith.addf %gather3A_1382, %gather3A_1386 : vector<16xf32>
      %add3A_1416 = arith.addf %gather3A_1390, %gather3A_1394 : vector<16xf32>
      %add3A_1417 = arith.addf %gather3A_1398, %gather3A_1402 : vector<16xf32>
      %add3A_1418 = arith.addf %gather3A_1406, %gather3A_1410 : vector<16xf32>
      %add3A_1419 = arith.addf %add3A_1411, %add3A_1412 : vector<16xf32>
      %add3A_1420 = arith.addf %add3A_1413, %add3A_1414 : vector<16xf32>
      %add3A_1421 = arith.addf %add3A_1415, %add3A_1416 : vector<16xf32>
      %add3A_1422 = arith.addf %add3A_1417, %add3A_1418 : vector<16xf32>
      %add3A_1423 = arith.addf %add3A_1419, %add3A_1420 : vector<16xf32>
      %add3A_1424 = arith.addf %add3A_1421, %add3A_1422 : vector<16xf32>
      %add3A_1425 = arith.addf %add3A_1423, %add3A_1424 : vector<16xf32>
      %scatter3A_1426 = arith.constant 0 : i32
      %scatter3A_1427 = tpu.memref_slice %arg15[%rem3A_193, %scatter3A_1426] : memref<2x320xf32, #tpu.memory_space<vmem>> -> memref<1x320xf32, #tpu.memory_space<vmem>>
      %scatter3A_1428 = tpu.memref_squeeze %scatter3A_1427 : memref<1x320xf32, #tpu.memory_space<vmem>> -> memref<320xf32, #tpu.memory_space<vmem>>
      tpu.vector_store_idx %scatter3A_1428[%add3A_1346], %add3A_1425 : memref<320xf32, #tpu.memory_space<vmem>>[vector<16xi32>], vector<16xf32>,
      %add3A_1429 = arith.constant 12 : i32
      %add3A_1430 = vector.broadcast %add3A_1429 : i32 to vector<16xi32>
      %add3A_1431 = arith.addi %mul3A_6, %add3A_1430 : vector<16xi32>
      %add3A_1432 = arith.constant 3264 : i32
      %add3A_1433 = vector.broadcast %add3A_1432 : i32 to vector<16xi32>
      %add3A_1434 = arith.addi %mul3A_3, %add3A_1433 : vector<16xi32>
      %gather3A_1435 = tpu.vector_load_idx %arg13[%add3A_1434] : memref<5712xf32, #tpu.memory_space<vmem>>[vector<16xi32>], vector<16xf32>,
      %add3A_1436 = arith.constant 3265 : i32
      %add3A_1437 = vector.broadcast %add3A_1436 : i32 to vector<16xi32>
      %add3A_1438 = arith.addi %mul3A_3, %add3A_1437 : vector<16xi32>
      %gather3A_1439 = tpu.vector_load_idx %arg13[%add3A_1438] : memref<5712xf32, #tpu.memory_space<vmem>>[vector<16xi32>], vector<16xf32>,
      %add3A_1440 = arith.constant 3266 : i32
      %add3A_1441 = vector.broadcast %add3A_1440 : i32 to vector<16xi32>
      %add3A_1442 = arith.addi %mul3A_3, %add3A_1441 : vector<16xi32>
      %gather3A_1443 = tpu.vector_load_idx %arg13[%add3A_1442] : memref<5712xf32, #tpu.memory_space<vmem>>[vector<16xi32>], vector<16xf32>,
      %add3A_1444 = arith.constant 3267 : i32
      %add3A_1445 = vector.broadcast %add3A_1444 : i32 to vector<16xi32>
      %add3A_1446 = arith.addi %mul3A_3, %add3A_1445 : vector<16xi32>
      %gather3A_1447 = tpu.vector_load_idx %arg13[%add3A_1446] : memref<5712xf32, #tpu.memory_space<vmem>>[vector<16xi32>], vector<16xf32>,
      %add3A_1448 = arith.constant 3268 : i32
      %add3A_1449 = vector.broadcast %add3A_1448 : i32 to vector<16xi32>
      %add3A_1450 = arith.addi %mul3A_3, %add3A_1449 : vector<16xi32>
      %gather3A_1451 = tpu.vector_load_idx %arg13[%add3A_1450] : memref<5712xf32, #tpu.memory_space<vmem>>[vector<16xi32>], vector<16xf32>,
      %add3A_1452 = arith.constant 3269 : i32
      %add3A_1453 = vector.broadcast %add3A_1452 : i32 to vector<16xi32>
      %add3A_1454 = arith.addi %mul3A_3, %add3A_1453 : vector<16xi32>
      %gather3A_1455 = tpu.vector_load_idx %arg13[%add3A_1454] : memref<5712xf32, #tpu.memory_space<vmem>>[vector<16xi32>], vector<16xf32>,
      %add3A_1456 = arith.constant 3270 : i32
      %add3A_1457 = vector.broadcast %add3A_1456 : i32 to vector<16xi32>
      %add3A_1458 = arith.addi %mul3A_3, %add3A_1457 : vector<16xi32>
      %gather3A_1459 = tpu.vector_load_idx %arg13[%add3A_1458] : memref<5712xf32, #tpu.memory_space<vmem>>[vector<16xi32>], vector<16xf32>,
      %add3A_1460 = arith.constant 3271 : i32
      %add3A_1461 = vector.broadcast %add3A_1460 : i32 to vector<16xi32>
      %add3A_1462 = arith.addi %mul3A_3, %add3A_1461 : vector<16xi32>
      %gather3A_1463 = tpu.vector_load_idx %arg13[%add3A_1462] : memref<5712xf32, #tpu.memory_space<vmem>>[vector<16xi32>], vector<16xf32>,
      %add3A_1464 = arith.constant 3272 : i32
      %add3A_1465 = vector.broadcast %add3A_1464 : i32 to vector<16xi32>
      %add3A_1466 = arith.addi %mul3A_3, %add3A_1465 : vector<16xi32>
      %gather3A_1467 = tpu.vector_load_idx %arg13[%add3A_1466] : memref<5712xf32, #tpu.memory_space<vmem>>[vector<16xi32>], vector<16xf32>,
      %add3A_1468 = arith.constant 3273 : i32
      %add3A_1469 = vector.broadcast %add3A_1468 : i32 to vector<16xi32>
      %add3A_1470 = arith.addi %mul3A_3, %add3A_1469 : vector<16xi32>
      %gather3A_1471 = tpu.vector_load_idx %arg13[%add3A_1470] : memref<5712xf32, #tpu.memory_space<vmem>>[vector<16xi32>], vector<16xf32>,
      %add3A_1472 = arith.constant 3274 : i32
      %add3A_1473 = vector.broadcast %add3A_1472 : i32 to vector<16xi32>
      %add3A_1474 = arith.addi %mul3A_3, %add3A_1473 : vector<16xi32>
      %gather3A_1475 = tpu.vector_load_idx %arg13[%add3A_1474] : memref<5712xf32, #tpu.memory_space<vmem>>[vector<16xi32>], vector<16xf32>,
      %add3A_1476 = arith.constant 3275 : i32
      %add3A_1477 = vector.broadcast %add3A_1476 : i32 to vector<16xi32>
      %add3A_1478 = arith.addi %mul3A_3, %add3A_1477 : vector<16xi32>
      %gather3A_1479 = tpu.vector_load_idx %arg13[%add3A_1478] : memref<5712xf32, #tpu.memory_space<vmem>>[vector<16xi32>], vector<16xf32>,
      %add3A_1480 = arith.constant 3276 : i32
      %add3A_1481 = vector.broadcast %add3A_1480 : i32 to vector<16xi32>
      %add3A_1482 = arith.addi %mul3A_3, %add3A_1481 : vector<16xi32>
      %gather3A_1483 = tpu.vector_load_idx %arg13[%add3A_1482] : memref<5712xf32, #tpu.memory_space<vmem>>[vector<16xi32>], vector<16xf32>,
      %add3A_1484 = arith.constant 3277 : i32
      %add3A_1485 = vector.broadcast %add3A_1484 : i32 to vector<16xi32>
      %add3A_1486 = arith.addi %mul3A_3, %add3A_1485 : vector<16xi32>
      %gather3A_1487 = tpu.vector_load_idx %arg13[%add3A_1486] : memref<5712xf32, #tpu.memory_space<vmem>>[vector<16xi32>], vector<16xf32>,
      %add3A_1488 = arith.constant 3278 : i32
      %add3A_1489 = vector.broadcast %add3A_1488 : i32 to vector<16xi32>
      %add3A_1490 = arith.addi %mul3A_3, %add3A_1489 : vector<16xi32>
      %gather3A_1491 = tpu.vector_load_idx %arg13[%add3A_1490] : memref<5712xf32, #tpu.memory_space<vmem>>[vector<16xi32>], vector<16xf32>,
      %add3A_1492 = arith.constant 3279 : i32
      %add3A_1493 = vector.broadcast %add3A_1492 : i32 to vector<16xi32>
      %add3A_1494 = arith.addi %mul3A_3, %add3A_1493 : vector<16xi32>
      %gather3A_1495 = tpu.vector_load_idx %arg13[%add3A_1494] : memref<5712xf32, #tpu.memory_space<vmem>>[vector<16xi32>], vector<16xf32>,
      %add3A_1496 = arith.addf %gather3A_1435, %gather3A_1439 : vector<16xf32>
      %add3A_1497 = arith.addf %gather3A_1443, %gather3A_1447 : vector<16xf32>
      %add3A_1498 = arith.addf %gather3A_1451, %gather3A_1455 : vector<16xf32>
      %add3A_1499 = arith.addf %gather3A_1459, %gather3A_1463 : vector<16xf32>
      %add3A_1500 = arith.addf %gather3A_1467, %gather3A_1471 : vector<16xf32>
      %add3A_1501 = arith.addf %gather3A_1475, %gather3A_1479 : vector<16xf32>
      %add3A_1502 = arith.addf %gather3A_1483, %gather3A_1487 : vector<16xf32>
      %add3A_1503 = arith.addf %gather3A_1491, %gather3A_1495 : vector<16xf32>
      %add3A_1504 = arith.addf %add3A_1496, %add3A_1497 : vector<16xf32>
      %add3A_1505 = arith.addf %add3A_1498, %add3A_1499 : vector<16xf32>
      %add3A_1506 = arith.addf %add3A_1500, %add3A_1501 : vector<16xf32>
      %add3A_1507 = arith.addf %add3A_1502, %add3A_1503 : vector<16xf32>
      %add3A_1508 = arith.addf %add3A_1504, %add3A_1505 : vector<16xf32>
      %add3A_1509 = arith.addf %add3A_1506, %add3A_1507 : vector<16xf32>
      %add3A_1510 = arith.addf %add3A_1508, %add3A_1509 : vector<16xf32>
      %scatter3A_1511 = arith.constant 0 : i32
      %scatter3A_1512 = tpu.memref_slice %arg15[%rem3A_193, %scatter3A_1511] : memref<2x320xf32, #tpu.memory_space<vmem>> -> memref<1x320xf32, #tpu.memory_space<vmem>>
      %scatter3A_1513 = tpu.memref_squeeze %scatter3A_1512 : memref<1x320xf32, #tpu.memory_space<vmem>> -> memref<320xf32, #tpu.memory_space<vmem>>
      tpu.vector_store_idx %scatter3A_1513[%add3A_1431], %add3A_1510 : memref<320xf32, #tpu.memory_space<vmem>>[vector<16xi32>], vector<16xf32>,
      %add3A_1514 = arith.constant 13 : i32
      %add3A_1515 = vector.broadcast %add3A_1514 : i32 to vector<16xi32>
      %add3A_1516 = arith.addi %mul3A_6, %add3A_1515 : vector<16xi32>
      %add3A_1517 = arith.constant 3536 : i32
      %add3A_1518 = vector.broadcast %add3A_1517 : i32 to vector<16xi32>
      %add3A_1519 = arith.addi %mul3A_3, %add3A_1518 : vector<16xi32>
      %gather3A_1520 = tpu.vector_load_idx %arg13[%add3A_1519] : memref<5712xf32, #tpu.memory_space<vmem>>[vector<16xi32>], vector<16xf32>,
      %add3A_1521 = arith.constant 3537 : i32
      %add3A_1522 = vector.broadcast %add3A_1521 : i32 to vector<16xi32>
      %add3A_1523 = arith.addi %mul3A_3, %add3A_1522 : vector<16xi32>
      %gather3A_1524 = tpu.vector_load_idx %arg13[%add3A_1523] : memref<5712xf32, #tpu.memory_space<vmem>>[vector<16xi32>], vector<16xf32>,
      %add3A_1525 = arith.constant 3538 : i32
      %add3A_1526 = vector.broadcast %add3A_1525 : i32 to vector<16xi32>
      %add3A_1527 = arith.addi %mul3A_3, %add3A_1526 : vector<16xi32>
      %gather3A_1528 = tpu.vector_load_idx %arg13[%add3A_1527] : memref<5712xf32, #tpu.memory_space<vmem>>[vector<16xi32>], vector<16xf32>,
      %add3A_1529 = arith.constant 3539 : i32
      %add3A_1530 = vector.broadcast %add3A_1529 : i32 to vector<16xi32>
      %add3A_1531 = arith.addi %mul3A_3, %add3A_1530 : vector<16xi32>
      %gather3A_1532 = tpu.vector_load_idx %arg13[%add3A_1531] : memref<5712xf32, #tpu.memory_space<vmem>>[vector<16xi32>], vector<16xf32>,
      %add3A_1533 = arith.constant 3540 : i32
      %add3A_1534 = vector.broadcast %add3A_1533 : i32 to vector<16xi32>
      %add3A_1535 = arith.addi %mul3A_3, %add3A_1534 : vector<16xi32>
      %gather3A_1536 = tpu.vector_load_idx %arg13[%add3A_1535] : memref<5712xf32, #tpu.memory_space<vmem>>[vector<16xi32>], vector<16xf32>,
      %add3A_1537 = arith.constant 3541 : i32
      %add3A_1538 = vector.broadcast %add3A_1537 : i32 to vector<16xi32>
      %add3A_1539 = arith.addi %mul3A_3, %add3A_1538 : vector<16xi32>
      %gather3A_1540 = tpu.vector_load_idx %arg13[%add3A_1539] : memref<5712xf32, #tpu.memory_space<vmem>>[vector<16xi32>], vector<16xf32>,
      %add3A_1541 = arith.constant 3542 : i32
      %add3A_1542 = vector.broadcast %add3A_1541 : i32 to vector<16xi32>
      %add3A_1543 = arith.addi %mul3A_3, %add3A_1542 : vector<16xi32>
      %gather3A_1544 = tpu.vector_load_idx %arg13[%add3A_1543] : memref<5712xf32, #tpu.memory_space<vmem>>[vector<16xi32>], vector<16xf32>,
      %add3A_1545 = arith.constant 3543 : i32
      %add3A_1546 = vector.broadcast %add3A_1545 : i32 to vector<16xi32>
      %add3A_1547 = arith.addi %mul3A_3, %add3A_1546 : vector<16xi32>
      %gather3A_1548 = tpu.vector_load_idx %arg13[%add3A_1547] : memref<5712xf32, #tpu.memory_space<vmem>>[vector<16xi32>], vector<16xf32>,
      %add3A_1549 = arith.constant 3544 : i32
      %add3A_1550 = vector.broadcast %add3A_1549 : i32 to vector<16xi32>
      %add3A_1551 = arith.addi %mul3A_3, %add3A_1550 : vector<16xi32>
      %gather3A_1552 = tpu.vector_load_idx %arg13[%add3A_1551] : memref<5712xf32, #tpu.memory_space<vmem>>[vector<16xi32>], vector<16xf32>,
      %add3A_1553 = arith.constant 3545 : i32
      %add3A_1554 = vector.broadcast %add3A_1553 : i32 to vector<16xi32>
      %add3A_1555 = arith.addi %mul3A_3, %add3A_1554 : vector<16xi32>
      %gather3A_1556 = tpu.vector_load_idx %arg13[%add3A_1555] : memref<5712xf32, #tpu.memory_space<vmem>>[vector<16xi32>], vector<16xf32>,
      %add3A_1557 = arith.constant 3546 : i32
      %add3A_1558 = vector.broadcast %add3A_1557 : i32 to vector<16xi32>
      %add3A_1559 = arith.addi %mul3A_3, %add3A_1558 : vector<16xi32>
      %gather3A_1560 = tpu.vector_load_idx %arg13[%add3A_1559] : memref<5712xf32, #tpu.memory_space<vmem>>[vector<16xi32>], vector<16xf32>,
      %add3A_1561 = arith.constant 3547 : i32
      %add3A_1562 = vector.broadcast %add3A_1561 : i32 to vector<16xi32>
      %add3A_1563 = arith.addi %mul3A_3, %add3A_1562 : vector<16xi32>
      %gather3A_1564 = tpu.vector_load_idx %arg13[%add3A_1563] : memref<5712xf32, #tpu.memory_space<vmem>>[vector<16xi32>], vector<16xf32>,
      %add3A_1565 = arith.constant 3548 : i32
      %add3A_1566 = vector.broadcast %add3A_1565 : i32 to vector<16xi32>
      %add3A_1567 = arith.addi %mul3A_3, %add3A_1566 : vector<16xi32>
      %gather3A_1568 = tpu.vector_load_idx %arg13[%add3A_1567] : memref<5712xf32, #tpu.memory_space<vmem>>[vector<16xi32>], vector<16xf32>,
      %add3A_1569 = arith.constant 3549 : i32
      %add3A_1570 = vector.broadcast %add3A_1569 : i32 to vector<16xi32>
      %add3A_1571 = arith.addi %mul3A_3, %add3A_1570 : vector<16xi32>
      %gather3A_1572 = tpu.vector_load_idx %arg13[%add3A_1571] : memref<5712xf32, #tpu.memory_space<vmem>>[vector<16xi32>], vector<16xf32>,
      %add3A_1573 = arith.constant 3550 : i32
      %add3A_1574 = vector.broadcast %add3A_1573 : i32 to vector<16xi32>
      %add3A_1575 = arith.addi %mul3A_3, %add3A_1574 : vector<16xi32>
      %gather3A_1576 = tpu.vector_load_idx %arg13[%add3A_1575] : memref<5712xf32, #tpu.memory_space<vmem>>[vector<16xi32>], vector<16xf32>,
      %add3A_1577 = arith.constant 3551 : i32
      %add3A_1578 = vector.broadcast %add3A_1577 : i32 to vector<16xi32>
      %add3A_1579 = arith.addi %mul3A_3, %add3A_1578 : vector<16xi32>
      %gather3A_1580 = tpu.vector_load_idx %arg13[%add3A_1579] : memref<5712xf32, #tpu.memory_space<vmem>>[vector<16xi32>], vector<16xf32>,
      %add3A_1581 = arith.addf %gather3A_1520, %gather3A_1524 : vector<16xf32>
      %add3A_1582 = arith.addf %gather3A_1528, %gather3A_1532 : vector<16xf32>
      %add3A_1583 = arith.addf %gather3A_1536, %gather3A_1540 : vector<16xf32>
      %add3A_1584 = arith.addf %gather3A_1544, %gather3A_1548 : vector<16xf32>
      %add3A_1585 = arith.addf %gather3A_1552, %gather3A_1556 : vector<16xf32>
      %add3A_1586 = arith.addf %gather3A_1560, %gather3A_1564 : vector<16xf32>
      %add3A_1587 = arith.addf %gather3A_1568, %gather3A_1572 : vector<16xf32>
      %add3A_1588 = arith.addf %gather3A_1576, %gather3A_1580 : vector<16xf32>
      %add3A_1589 = arith.addf %add3A_1581, %add3A_1582 : vector<16xf32>
      %add3A_1590 = arith.addf %add3A_1583, %add3A_1584 : vector<16xf32>
      %add3A_1591 = arith.addf %add3A_1585, %add3A_1586 : vector<16xf32>
      %add3A_1592 = arith.addf %add3A_1587, %add3A_1588 : vector<16xf32>
      %add3A_1593 = arith.addf %add3A_1589, %add3A_1590 : vector<16xf32>
      %add3A_1594 = arith.addf %add3A_1591, %add3A_1592 : vector<16xf32>
      %add3A_1595 = arith.addf %add3A_1593, %add3A_1594 : vector<16xf32>
      %scatter3A_1596 = arith.constant 0 : i32
      %scatter3A_1597 = tpu.memref_slice %arg15[%rem3A_193, %scatter3A_1596] : memref<2x320xf32, #tpu.memory_space<vmem>> -> memref<1x320xf32, #tpu.memory_space<vmem>>
      %scatter3A_1598 = tpu.memref_squeeze %scatter3A_1597 : memref<1x320xf32, #tpu.memory_space<vmem>> -> memref<320xf32, #tpu.memory_space<vmem>>
      tpu.vector_store_idx %scatter3A_1598[%add3A_1516], %add3A_1595 : memref<320xf32, #tpu.memory_space<vmem>>[vector<16xi32>], vector<16xf32>,
      %add3A_1599 = arith.constant 14 : i32
      %add3A_1600 = vector.broadcast %add3A_1599 : i32 to vector<16xi32>
      %add3A_1601 = arith.addi %mul3A_6, %add3A_1600 : vector<16xi32>
      %add3A_1602 = arith.constant 3808 : i32
      %add3A_1603 = vector.broadcast %add3A_1602 : i32 to vector<16xi32>
      %add3A_1604 = arith.addi %mul3A_3, %add3A_1603 : vector<16xi32>
      %gather3A_1605 = tpu.vector_load_idx %arg13[%add3A_1604] : memref<5712xf32, #tpu.memory_space<vmem>>[vector<16xi32>], vector<16xf32>,
      %add3A_1606 = arith.constant 3809 : i32
      %add3A_1607 = vector.broadcast %add3A_1606 : i32 to vector<16xi32>
      %add3A_1608 = arith.addi %mul3A_3, %add3A_1607 : vector<16xi32>
      %gather3A_1609 = tpu.vector_load_idx %arg13[%add3A_1608] : memref<5712xf32, #tpu.memory_space<vmem>>[vector<16xi32>], vector<16xf32>,
      %add3A_1610 = arith.constant 3810 : i32
      %add3A_1611 = vector.broadcast %add3A_1610 : i32 to vector<16xi32>
      %add3A_1612 = arith.addi %mul3A_3, %add3A_1611 : vector<16xi32>
      %gather3A_1613 = tpu.vector_load_idx %arg13[%add3A_1612] : memref<5712xf32, #tpu.memory_space<vmem>>[vector<16xi32>], vector<16xf32>,
      %add3A_1614 = arith.constant 3811 : i32
      %add3A_1615 = vector.broadcast %add3A_1614 : i32 to vector<16xi32>
      %add3A_1616 = arith.addi %mul3A_3, %add3A_1615 : vector<16xi32>
      %gather3A_1617 = tpu.vector_load_idx %arg13[%add3A_1616] : memref<5712xf32, #tpu.memory_space<vmem>>[vector<16xi32>], vector<16xf32>,
      %add3A_1618 = arith.constant 3812 : i32
      %add3A_1619 = vector.broadcast %add3A_1618 : i32 to vector<16xi32>
      %add3A_1620 = arith.addi %mul3A_3, %add3A_1619 : vector<16xi32>
      %gather3A_1621 = tpu.vector_load_idx %arg13[%add3A_1620] : memref<5712xf32, #tpu.memory_space<vmem>>[vector<16xi32>], vector<16xf32>,
      %add3A_1622 = arith.constant 3813 : i32
      %add3A_1623 = vector.broadcast %add3A_1622 : i32 to vector<16xi32>
      %add3A_1624 = arith.addi %mul3A_3, %add3A_1623 : vector<16xi32>
      %gather3A_1625 = tpu.vector_load_idx %arg13[%add3A_1624] : memref<5712xf32, #tpu.memory_space<vmem>>[vector<16xi32>], vector<16xf32>,
      %add3A_1626 = arith.constant 3814 : i32
      %add3A_1627 = vector.broadcast %add3A_1626 : i32 to vector<16xi32>
      %add3A_1628 = arith.addi %mul3A_3, %add3A_1627 : vector<16xi32>
      %gather3A_1629 = tpu.vector_load_idx %arg13[%add3A_1628] : memref<5712xf32, #tpu.memory_space<vmem>>[vector<16xi32>], vector<16xf32>,
      %add3A_1630 = arith.constant 3815 : i32
      %add3A_1631 = vector.broadcast %add3A_1630 : i32 to vector<16xi32>
      %add3A_1632 = arith.addi %mul3A_3, %add3A_1631 : vector<16xi32>
      %gather3A_1633 = tpu.vector_load_idx %arg13[%add3A_1632] : memref<5712xf32, #tpu.memory_space<vmem>>[vector<16xi32>], vector<16xf32>,
      %add3A_1634 = arith.constant 3816 : i32
      %add3A_1635 = vector.broadcast %add3A_1634 : i32 to vector<16xi32>
      %add3A_1636 = arith.addi %mul3A_3, %add3A_1635 : vector<16xi32>
      %gather3A_1637 = tpu.vector_load_idx %arg13[%add3A_1636] : memref<5712xf32, #tpu.memory_space<vmem>>[vector<16xi32>], vector<16xf32>,
      %add3A_1638 = arith.constant 3817 : i32
      %add3A_1639 = vector.broadcast %add3A_1638 : i32 to vector<16xi32>
      %add3A_1640 = arith.addi %mul3A_3, %add3A_1639 : vector<16xi32>
      %gather3A_1641 = tpu.vector_load_idx %arg13[%add3A_1640] : memref<5712xf32, #tpu.memory_space<vmem>>[vector<16xi32>], vector<16xf32>,
      %add3A_1642 = arith.constant 3818 : i32
      %add3A_1643 = vector.broadcast %add3A_1642 : i32 to vector<16xi32>
      %add3A_1644 = arith.addi %mul3A_3, %add3A_1643 : vector<16xi32>
      %gather3A_1645 = tpu.vector_load_idx %arg13[%add3A_1644] : memref<5712xf32, #tpu.memory_space<vmem>>[vector<16xi32>], vector<16xf32>,
      %add3A_1646 = arith.constant 3819 : i32
      %add3A_1647 = vector.broadcast %add3A_1646 : i32 to vector<16xi32>
      %add3A_1648 = arith.addi %mul3A_3, %add3A_1647 : vector<16xi32>
      %gather3A_1649 = tpu.vector_load_idx %arg13[%add3A_1648] : memref<5712xf32, #tpu.memory_space<vmem>>[vector<16xi32>], vector<16xf32>,
      %add3A_1650 = arith.constant 3820 : i32
      %add3A_1651 = vector.broadcast %add3A_1650 : i32 to vector<16xi32>
      %add3A_1652 = arith.addi %mul3A_3, %add3A_1651 : vector<16xi32>
      %gather3A_1653 = tpu.vector_load_idx %arg13[%add3A_1652] : memref<5712xf32, #tpu.memory_space<vmem>>[vector<16xi32>], vector<16xf32>,
      %add3A_1654 = arith.constant 3821 : i32
      %add3A_1655 = vector.broadcast %add3A_1654 : i32 to vector<16xi32>
      %add3A_1656 = arith.addi %mul3A_3, %add3A_1655 : vector<16xi32>
      %gather3A_1657 = tpu.vector_load_idx %arg13[%add3A_1656] : memref<5712xf32, #tpu.memory_space<vmem>>[vector<16xi32>], vector<16xf32>,
      %add3A_1658 = arith.constant 3822 : i32
      %add3A_1659 = vector.broadcast %add3A_1658 : i32 to vector<16xi32>
      %add3A_1660 = arith.addi %mul3A_3, %add3A_1659 : vector<16xi32>
      %gather3A_1661 = tpu.vector_load_idx %arg13[%add3A_1660] : memref<5712xf32, #tpu.memory_space<vmem>>[vector<16xi32>], vector<16xf32>,
      %add3A_1662 = arith.constant 3823 : i32
      %add3A_1663 = vector.broadcast %add3A_1662 : i32 to vector<16xi32>
      %add3A_1664 = arith.addi %mul3A_3, %add3A_1663 : vector<16xi32>
      %gather3A_1665 = tpu.vector_load_idx %arg13[%add3A_1664] : memref<5712xf32, #tpu.memory_space<vmem>>[vector<16xi32>], vector<16xf32>,
      %add3A_1666 = arith.addf %gather3A_1605, %gather3A_1609 : vector<16xf32>
      %add3A_1667 = arith.addf %gather3A_1613, %gather3A_1617 : vector<16xf32>
      %add3A_1668 = arith.addf %gather3A_1621, %gather3A_1625 : vector<16xf32>
      %add3A_1669 = arith.addf %gather3A_1629, %gather3A_1633 : vector<16xf32>
      %add3A_1670 = arith.addf %gather3A_1637, %gather3A_1641 : vector<16xf32>
      %add3A_1671 = arith.addf %gather3A_1645, %gather3A_1649 : vector<16xf32>
      %add3A_1672 = arith.addf %gather3A_1653, %gather3A_1657 : vector<16xf32>
      %add3A_1673 = arith.addf %gather3A_1661, %gather3A_1665 : vector<16xf32>
      %add3A_1674 = arith.addf %add3A_1666, %add3A_1667 : vector<16xf32>
      %add3A_1675 = arith.addf %add3A_1668, %add3A_1669 : vector<16xf32>
      %add3A_1676 = arith.addf %add3A_1670, %add3A_1671 : vector<16xf32>
      %add3A_1677 = arith.addf %add3A_1672, %add3A_1673 : vector<16xf32>
      %add3A_1678 = arith.addf %add3A_1674, %add3A_1675 : vector<16xf32>
      %add3A_1679 = arith.addf %add3A_1676, %add3A_1677 : vector<16xf32>
      %add3A_1680 = arith.addf %add3A_1678, %add3A_1679 : vector<16xf32>
      %scatter3A_1681 = arith.constant 0 : i32
      %scatter3A_1682 = tpu.memref_slice %arg15[%rem3A_193, %scatter3A_1681] : memref<2x320xf32, #tpu.memory_space<vmem>> -> memref<1x320xf32, #tpu.memory_space<vmem>>
      %scatter3A_1683 = tpu.memref_squeeze %scatter3A_1682 : memref<1x320xf32, #tpu.memory_space<vmem>> -> memref<320xf32, #tpu.memory_space<vmem>>
      tpu.vector_store_idx %scatter3A_1683[%add3A_1601], %add3A_1680 : memref<320xf32, #tpu.memory_space<vmem>>[vector<16xi32>], vector<16xf32>,
      %add3A_1684 = arith.constant 15 : i32
      %add3A_1685 = vector.broadcast %add3A_1684 : i32 to vector<16xi32>
      %add3A_1686 = arith.addi %mul3A_6, %add3A_1685 : vector<16xi32>
      %add3A_1687 = arith.constant 4080 : i32
      %add3A_1688 = vector.broadcast %add3A_1687 : i32 to vector<16xi32>
      %add3A_1689 = arith.addi %mul3A_3, %add3A_1688 : vector<16xi32>
      %gather3A_1690 = tpu.vector_load_idx %arg13[%add3A_1689] : memref<5712xf32, #tpu.memory_space<vmem>>[vector<16xi32>], vector<16xf32>,
      %add3A_1691 = arith.constant 4081 : i32
      %add3A_1692 = vector.broadcast %add3A_1691 : i32 to vector<16xi32>
      %add3A_1693 = arith.addi %mul3A_3, %add3A_1692 : vector<16xi32>
      %gather3A_1694 = tpu.vector_load_idx %arg13[%add3A_1693] : memref<5712xf32, #tpu.memory_space<vmem>>[vector<16xi32>], vector<16xf32>,
      %add3A_1695 = arith.constant 4082 : i32
      %add3A_1696 = vector.broadcast %add3A_1695 : i32 to vector<16xi32>
      %add3A_1697 = arith.addi %mul3A_3, %add3A_1696 : vector<16xi32>
      %gather3A_1698 = tpu.vector_load_idx %arg13[%add3A_1697] : memref<5712xf32, #tpu.memory_space<vmem>>[vector<16xi32>], vector<16xf32>,
      %add3A_1699 = arith.constant 4083 : i32
      %add3A_1700 = vector.broadcast %add3A_1699 : i32 to vector<16xi32>
      %add3A_1701 = arith.addi %mul3A_3, %add3A_1700 : vector<16xi32>
      %gather3A_1702 = tpu.vector_load_idx %arg13[%add3A_1701] : memref<5712xf32, #tpu.memory_space<vmem>>[vector<16xi32>], vector<16xf32>,
      %add3A_1703 = arith.constant 4084 : i32
      %add3A_1704 = vector.broadcast %add3A_1703 : i32 to vector<16xi32>
      %add3A_1705 = arith.addi %mul3A_3, %add3A_1704 : vector<16xi32>
      %gather3A_1706 = tpu.vector_load_idx %arg13[%add3A_1705] : memref<5712xf32, #tpu.memory_space<vmem>>[vector<16xi32>], vector<16xf32>,
      %add3A_1707 = arith.constant 4085 : i32
      %add3A_1708 = vector.broadcast %add3A_1707 : i32 to vector<16xi32>
      %add3A_1709 = arith.addi %mul3A_3, %add3A_1708 : vector<16xi32>
      %gather3A_1710 = tpu.vector_load_idx %arg13[%add3A_1709] : memref<5712xf32, #tpu.memory_space<vmem>>[vector<16xi32>], vector<16xf32>,
      %add3A_1711 = arith.constant 4086 : i32
      %add3A_1712 = vector.broadcast %add3A_1711 : i32 to vector<16xi32>
      %add3A_1713 = arith.addi %mul3A_3, %add3A_1712 : vector<16xi32>
      %gather3A_1714 = tpu.vector_load_idx %arg13[%add3A_1713] : memref<5712xf32, #tpu.memory_space<vmem>>[vector<16xi32>], vector<16xf32>,
      %add3A_1715 = arith.constant 4087 : i32
      %add3A_1716 = vector.broadcast %add3A_1715 : i32 to vector<16xi32>
      %add3A_1717 = arith.addi %mul3A_3, %add3A_1716 : vector<16xi32>
      %gather3A_1718 = tpu.vector_load_idx %arg13[%add3A_1717] : memref<5712xf32, #tpu.memory_space<vmem>>[vector<16xi32>], vector<16xf32>,
      %add3A_1719 = arith.constant 4088 : i32
      %add3A_1720 = vector.broadcast %add3A_1719 : i32 to vector<16xi32>
      %add3A_1721 = arith.addi %mul3A_3, %add3A_1720 : vector<16xi32>
      %gather3A_1722 = tpu.vector_load_idx %arg13[%add3A_1721] : memref<5712xf32, #tpu.memory_space<vmem>>[vector<16xi32>], vector<16xf32>,
      %add3A_1723 = arith.constant 4089 : i32
      %add3A_1724 = vector.broadcast %add3A_1723 : i32 to vector<16xi32>
      %add3A_1725 = arith.addi %mul3A_3, %add3A_1724 : vector<16xi32>
      %gather3A_1726 = tpu.vector_load_idx %arg13[%add3A_1725] : memref<5712xf32, #tpu.memory_space<vmem>>[vector<16xi32>], vector<16xf32>,
      %add3A_1727 = arith.constant 4090 : i32
      %add3A_1728 = vector.broadcast %add3A_1727 : i32 to vector<16xi32>
      %add3A_1729 = arith.addi %mul3A_3, %add3A_1728 : vector<16xi32>
      %gather3A_1730 = tpu.vector_load_idx %arg13[%add3A_1729] : memref<5712xf32, #tpu.memory_space<vmem>>[vector<16xi32>], vector<16xf32>,
      %add3A_1731 = arith.constant 4091 : i32
      %add3A_1732 = vector.broadcast %add3A_1731 : i32 to vector<16xi32>
      %add3A_1733 = arith.addi %mul3A_3, %add3A_1732 : vector<16xi32>
      %gather3A_1734 = tpu.vector_load_idx %arg13[%add3A_1733] : memref<5712xf32, #tpu.memory_space<vmem>>[vector<16xi32>], vector<16xf32>,
      %add3A_1735 = arith.constant 4092 : i32
      %add3A_1736 = vector.broadcast %add3A_1735 : i32 to vector<16xi32>
      %add3A_1737 = arith.addi %mul3A_3, %add3A_1736 : vector<16xi32>
      %gather3A_1738 = tpu.vector_load_idx %arg13[%add3A_1737] : memref<5712xf32, #tpu.memory_space<vmem>>[vector<16xi32>], vector<16xf32>,
      %add3A_1739 = arith.constant 4093 : i32
      %add3A_1740 = vector.broadcast %add3A_1739 : i32 to vector<16xi32>
      %add3A_1741 = arith.addi %mul3A_3, %add3A_1740 : vector<16xi32>
      %gather3A_1742 = tpu.vector_load_idx %arg13[%add3A_1741] : memref<5712xf32, #tpu.memory_space<vmem>>[vector<16xi32>], vector<16xf32>,
      %add3A_1743 = arith.constant 4094 : i32
      %add3A_1744 = vector.broadcast %add3A_1743 : i32 to vector<16xi32>
      %add3A_1745 = arith.addi %mul3A_3, %add3A_1744 : vector<16xi32>
      %gather3A_1746 = tpu.vector_load_idx %arg13[%add3A_1745] : memref<5712xf32, #tpu.memory_space<vmem>>[vector<16xi32>], vector<16xf32>,
      %add3A_1747 = arith.constant 4095 : i32
      %add3A_1748 = vector.broadcast %add3A_1747 : i32 to vector<16xi32>
      %add3A_1749 = arith.addi %mul3A_3, %add3A_1748 : vector<16xi32>
      %gather3A_1750 = tpu.vector_load_idx %arg13[%add3A_1749] : memref<5712xf32, #tpu.memory_space<vmem>>[vector<16xi32>], vector<16xf32>,
      %add3A_1751 = arith.addf %gather3A_1690, %gather3A_1694 : vector<16xf32>
      %add3A_1752 = arith.addf %gather3A_1698, %gather3A_1702 : vector<16xf32>
      %add3A_1753 = arith.addf %gather3A_1706, %gather3A_1710 : vector<16xf32>
      %add3A_1754 = arith.addf %gather3A_1714, %gather3A_1718 : vector<16xf32>
      %add3A_1755 = arith.addf %gather3A_1722, %gather3A_1726 : vector<16xf32>
      %add3A_1756 = arith.addf %gather3A_1730, %gather3A_1734 : vector<16xf32>
      %add3A_1757 = arith.addf %gather3A_1738, %gather3A_1742 : vector<16xf32>
      %add3A_1758 = arith.addf %gather3A_1746, %gather3A_1750 : vector<16xf32>
      %add3A_1759 = arith.addf %add3A_1751, %add3A_1752 : vector<16xf32>
      %add3A_1760 = arith.addf %add3A_1753, %add3A_1754 : vector<16xf32>
      %add3A_1761 = arith.addf %add3A_1755, %add3A_1756 : vector<16xf32>
      %add3A_1762 = arith.addf %add3A_1757, %add3A_1758 : vector<16xf32>
      %add3A_1763 = arith.addf %add3A_1759, %add3A_1760 : vector<16xf32>
      %add3A_1764 = arith.addf %add3A_1761, %add3A_1762 : vector<16xf32>
      %add3A_1765 = arith.addf %add3A_1763, %add3A_1764 : vector<16xf32>
      %scatter3A_1766 = arith.constant 0 : i32
      %scatter3A_1767 = tpu.memref_slice %arg15[%rem3A_193, %scatter3A_1766] : memref<2x320xf32, #tpu.memory_space<vmem>> -> memref<1x320xf32, #tpu.memory_space<vmem>>
      %scatter3A_1768 = tpu.memref_squeeze %scatter3A_1767 : memref<1x320xf32, #tpu.memory_space<vmem>> -> memref<320xf32, #tpu.memory_space<vmem>>
      tpu.vector_store_idx %scatter3A_1768[%add3A_1686], %add3A_1765 : memref<320xf32, #tpu.memory_space<vmem>>[vector<16xi32>], vector<16xf32>,
      %add3A_1769 = arith.constant 16 : i32
      %add3A_1770 = vector.broadcast %add3A_1769 : i32 to vector<16xi32>
      %add3A_1771 = arith.addi %mul3A_6, %add3A_1770 : vector<16xi32>
      %add3A_1772 = arith.constant 4352 : i32
      %add3A_1773 = vector.broadcast %add3A_1772 : i32 to vector<16xi32>
      %add3A_1774 = arith.addi %mul3A_3, %add3A_1773 : vector<16xi32>
      %gather3A_1775 = tpu.vector_load_idx %arg13[%add3A_1774] : memref<5712xf32, #tpu.memory_space<vmem>>[vector<16xi32>], vector<16xf32>,
      %add3A_1776 = arith.constant 4353 : i32
      %add3A_1777 = vector.broadcast %add3A_1776 : i32 to vector<16xi32>
      %add3A_1778 = arith.addi %mul3A_3, %add3A_1777 : vector<16xi32>
      %gather3A_1779 = tpu.vector_load_idx %arg13[%add3A_1778] : memref<5712xf32, #tpu.memory_space<vmem>>[vector<16xi32>], vector<16xf32>,
      %add3A_1780 = arith.constant 4354 : i32
      %add3A_1781 = vector.broadcast %add3A_1780 : i32 to vector<16xi32>
      %add3A_1782 = arith.addi %mul3A_3, %add3A_1781 : vector<16xi32>
      %gather3A_1783 = tpu.vector_load_idx %arg13[%add3A_1782] : memref<5712xf32, #tpu.memory_space<vmem>>[vector<16xi32>], vector<16xf32>,
      %add3A_1784 = arith.constant 4355 : i32
      %add3A_1785 = vector.broadcast %add3A_1784 : i32 to vector<16xi32>
      %add3A_1786 = arith.addi %mul3A_3, %add3A_1785 : vector<16xi32>
      %gather3A_1787 = tpu.vector_load_idx %arg13[%add3A_1786] : memref<5712xf32, #tpu.memory_space<vmem>>[vector<16xi32>], vector<16xf32>,
      %add3A_1788 = arith.constant 4356 : i32
      %add3A_1789 = vector.broadcast %add3A_1788 : i32 to vector<16xi32>
      %add3A_1790 = arith.addi %mul3A_3, %add3A_1789 : vector<16xi32>
      %gather3A_1791 = tpu.vector_load_idx %arg13[%add3A_1790] : memref<5712xf32, #tpu.memory_space<vmem>>[vector<16xi32>], vector<16xf32>,
      %add3A_1792 = arith.constant 4357 : i32
      %add3A_1793 = vector.broadcast %add3A_1792 : i32 to vector<16xi32>
      %add3A_1794 = arith.addi %mul3A_3, %add3A_1793 : vector<16xi32>
      %gather3A_1795 = tpu.vector_load_idx %arg13[%add3A_1794] : memref<5712xf32, #tpu.memory_space<vmem>>[vector<16xi32>], vector<16xf32>,
      %add3A_1796 = arith.constant 4358 : i32
      %add3A_1797 = vector.broadcast %add3A_1796 : i32 to vector<16xi32>
      %add3A_1798 = arith.addi %mul3A_3, %add3A_1797 : vector<16xi32>
      %gather3A_1799 = tpu.vector_load_idx %arg13[%add3A_1798] : memref<5712xf32, #tpu.memory_space<vmem>>[vector<16xi32>], vector<16xf32>,
      %add3A_1800 = arith.constant 4359 : i32
      %add3A_1801 = vector.broadcast %add3A_1800 : i32 to vector<16xi32>
      %add3A_1802 = arith.addi %mul3A_3, %add3A_1801 : vector<16xi32>
      %gather3A_1803 = tpu.vector_load_idx %arg13[%add3A_1802] : memref<5712xf32, #tpu.memory_space<vmem>>[vector<16xi32>], vector<16xf32>,
      %add3A_1804 = arith.constant 4360 : i32
      %add3A_1805 = vector.broadcast %add3A_1804 : i32 to vector<16xi32>
      %add3A_1806 = arith.addi %mul3A_3, %add3A_1805 : vector<16xi32>
      %gather3A_1807 = tpu.vector_load_idx %arg13[%add3A_1806] : memref<5712xf32, #tpu.memory_space<vmem>>[vector<16xi32>], vector<16xf32>,
      %add3A_1808 = arith.constant 4361 : i32
      %add3A_1809 = vector.broadcast %add3A_1808 : i32 to vector<16xi32>
      %add3A_1810 = arith.addi %mul3A_3, %add3A_1809 : vector<16xi32>
      %gather3A_1811 = tpu.vector_load_idx %arg13[%add3A_1810] : memref<5712xf32, #tpu.memory_space<vmem>>[vector<16xi32>], vector<16xf32>,
      %add3A_1812 = arith.constant 4362 : i32
      %add3A_1813 = vector.broadcast %add3A_1812 : i32 to vector<16xi32>
      %add3A_1814 = arith.addi %mul3A_3, %add3A_1813 : vector<16xi32>
      %gather3A_1815 = tpu.vector_load_idx %arg13[%add3A_1814] : memref<5712xf32, #tpu.memory_space<vmem>>[vector<16xi32>], vector<16xf32>,
      %add3A_1816 = arith.constant 4363 : i32
      %add3A_1817 = vector.broadcast %add3A_1816 : i32 to vector<16xi32>
      %add3A_1818 = arith.addi %mul3A_3, %add3A_1817 : vector<16xi32>
      %gather3A_1819 = tpu.vector_load_idx %arg13[%add3A_1818] : memref<5712xf32, #tpu.memory_space<vmem>>[vector<16xi32>], vector<16xf32>,
      %add3A_1820 = arith.constant 4364 : i32
      %add3A_1821 = vector.broadcast %add3A_1820 : i32 to vector<16xi32>
      %add3A_1822 = arith.addi %mul3A_3, %add3A_1821 : vector<16xi32>
      %gather3A_1823 = tpu.vector_load_idx %arg13[%add3A_1822] : memref<5712xf32, #tpu.memory_space<vmem>>[vector<16xi32>], vector<16xf32>,
      %add3A_1824 = arith.constant 4365 : i32
      %add3A_1825 = vector.broadcast %add3A_1824 : i32 to vector<16xi32>
      %add3A_1826 = arith.addi %mul3A_3, %add3A_1825 : vector<16xi32>
      %gather3A_1827 = tpu.vector_load_idx %arg13[%add3A_1826] : memref<5712xf32, #tpu.memory_space<vmem>>[vector<16xi32>], vector<16xf32>,
      %add3A_1828 = arith.constant 4366 : i32
      %add3A_1829 = vector.broadcast %add3A_1828 : i32 to vector<16xi32>
      %add3A_1830 = arith.addi %mul3A_3, %add3A_1829 : vector<16xi32>
      %gather3A_1831 = tpu.vector_load_idx %arg13[%add3A_1830] : memref<5712xf32, #tpu.memory_space<vmem>>[vector<16xi32>], vector<16xf32>,
      %add3A_1832 = arith.constant 4367 : i32
      %add3A_1833 = vector.broadcast %add3A_1832 : i32 to vector<16xi32>
      %add3A_1834 = arith.addi %mul3A_3, %add3A_1833 : vector<16xi32>
      %gather3A_1835 = tpu.vector_load_idx %arg13[%add3A_1834] : memref<5712xf32, #tpu.memory_space<vmem>>[vector<16xi32>], vector<16xf32>,
      %add3A_1836 = arith.addf %gather3A_1775, %gather3A_1779 : vector<16xf32>
      %add3A_1837 = arith.addf %gather3A_1783, %gather3A_1787 : vector<16xf32>
      %add3A_1838 = arith.addf %gather3A_1791, %gather3A_1795 : vector<16xf32>
      %add3A_1839 = arith.addf %gather3A_1799, %gather3A_1803 : vector<16xf32>
      %add3A_1840 = arith.addf %gather3A_1807, %gather3A_1811 : vector<16xf32>
      %add3A_1841 = arith.addf %gather3A_1815, %gather3A_1819 : vector<16xf32>
      %add3A_1842 = arith.addf %gather3A_1823, %gather3A_1827 : vector<16xf32>
      %add3A_1843 = arith.addf %gather3A_1831, %gather3A_1835 : vector<16xf32>
      %add3A_1844 = arith.addf %add3A_1836, %add3A_1837 : vector<16xf32>
      %add3A_1845 = arith.addf %add3A_1838, %add3A_1839 : vector<16xf32>
      %add3A_1846 = arith.addf %add3A_1840, %add3A_1841 : vector<16xf32>
      %add3A_1847 = arith.addf %add3A_1842, %add3A_1843 : vector<16xf32>
      %add3A_1848 = arith.addf %add3A_1844, %add3A_1845 : vector<16xf32>
      %add3A_1849 = arith.addf %add3A_1846, %add3A_1847 : vector<16xf32>
      %add3A_1850 = arith.addf %add3A_1848, %add3A_1849 : vector<16xf32>
      %scatter3A_1851 = arith.constant 0 : i32
      %scatter3A_1852 = tpu.memref_slice %arg15[%rem3A_193, %scatter3A_1851] : memref<2x320xf32, #tpu.memory_space<vmem>> -> memref<1x320xf32, #tpu.memory_space<vmem>>
      %scatter3A_1853 = tpu.memref_squeeze %scatter3A_1852 : memref<1x320xf32, #tpu.memory_space<vmem>> -> memref<320xf32, #tpu.memory_space<vmem>>
      tpu.vector_store_idx %scatter3A_1853[%add3A_1771], %add3A_1850 : memref<320xf32, #tpu.memory_space<vmem>>[vector<16xi32>], vector<16xf32>,
      %add3A_1854 = arith.constant 17 : i32
      %add3A_1855 = vector.broadcast %add3A_1854 : i32 to vector<16xi32>
      %add3A_1856 = arith.addi %mul3A_6, %add3A_1855 : vector<16xi32>
      %add3A_1857 = arith.constant 4624 : i32
      %add3A_1858 = vector.broadcast %add3A_1857 : i32 to vector<16xi32>
      %add3A_1859 = arith.addi %mul3A_3, %add3A_1858 : vector<16xi32>
      %gather3A_1860 = tpu.vector_load_idx %arg13[%add3A_1859] : memref<5712xf32, #tpu.memory_space<vmem>>[vector<16xi32>], vector<16xf32>,
      %add3A_1861 = arith.constant 4625 : i32
      %add3A_1862 = vector.broadcast %add3A_1861 : i32 to vector<16xi32>
      %add3A_1863 = arith.addi %mul3A_3, %add3A_1862 : vector<16xi32>
      %gather3A_1864 = tpu.vector_load_idx %arg13[%add3A_1863] : memref<5712xf32, #tpu.memory_space<vmem>>[vector<16xi32>], vector<16xf32>,
      %add3A_1865 = arith.constant 4626 : i32
      %add3A_1866 = vector.broadcast %add3A_1865 : i32 to vector<16xi32>
      %add3A_1867 = arith.addi %mul3A_3, %add3A_1866 : vector<16xi32>
      %gather3A_1868 = tpu.vector_load_idx %arg13[%add3A_1867] : memref<5712xf32, #tpu.memory_space<vmem>>[vector<16xi32>], vector<16xf32>,
      %add3A_1869 = arith.constant 4627 : i32
      %add3A_1870 = vector.broadcast %add3A_1869 : i32 to vector<16xi32>
      %add3A_1871 = arith.addi %mul3A_3, %add3A_1870 : vector<16xi32>
      %gather3A_1872 = tpu.vector_load_idx %arg13[%add3A_1871] : memref<5712xf32, #tpu.memory_space<vmem>>[vector<16xi32>], vector<16xf32>,
      %add3A_1873 = arith.constant 4628 : i32
      %add3A_1874 = vector.broadcast %add3A_1873 : i32 to vector<16xi32>
      %add3A_1875 = arith.addi %mul3A_3, %add3A_1874 : vector<16xi32>
      %gather3A_1876 = tpu.vector_load_idx %arg13[%add3A_1875] : memref<5712xf32, #tpu.memory_space<vmem>>[vector<16xi32>], vector<16xf32>,
      %add3A_1877 = arith.constant 4629 : i32
      %add3A_1878 = vector.broadcast %add3A_1877 : i32 to vector<16xi32>
      %add3A_1879 = arith.addi %mul3A_3, %add3A_1878 : vector<16xi32>
      %gather3A_1880 = tpu.vector_load_idx %arg13[%add3A_1879] : memref<5712xf32, #tpu.memory_space<vmem>>[vector<16xi32>], vector<16xf32>,
      %add3A_1881 = arith.constant 4630 : i32
      %add3A_1882 = vector.broadcast %add3A_1881 : i32 to vector<16xi32>
      %add3A_1883 = arith.addi %mul3A_3, %add3A_1882 : vector<16xi32>
      %gather3A_1884 = tpu.vector_load_idx %arg13[%add3A_1883] : memref<5712xf32, #tpu.memory_space<vmem>>[vector<16xi32>], vector<16xf32>,
      %add3A_1885 = arith.constant 4631 : i32
      %add3A_1886 = vector.broadcast %add3A_1885 : i32 to vector<16xi32>
      %add3A_1887 = arith.addi %mul3A_3, %add3A_1886 : vector<16xi32>
      %gather3A_1888 = tpu.vector_load_idx %arg13[%add3A_1887] : memref<5712xf32, #tpu.memory_space<vmem>>[vector<16xi32>], vector<16xf32>,
      %add3A_1889 = arith.constant 4632 : i32
      %add3A_1890 = vector.broadcast %add3A_1889 : i32 to vector<16xi32>
      %add3A_1891 = arith.addi %mul3A_3, %add3A_1890 : vector<16xi32>
      %gather3A_1892 = tpu.vector_load_idx %arg13[%add3A_1891] : memref<5712xf32, #tpu.memory_space<vmem>>[vector<16xi32>], vector<16xf32>,
      %add3A_1893 = arith.constant 4633 : i32
      %add3A_1894 = vector.broadcast %add3A_1893 : i32 to vector<16xi32>
      %add3A_1895 = arith.addi %mul3A_3, %add3A_1894 : vector<16xi32>
      %gather3A_1896 = tpu.vector_load_idx %arg13[%add3A_1895] : memref<5712xf32, #tpu.memory_space<vmem>>[vector<16xi32>], vector<16xf32>,
      %add3A_1897 = arith.constant 4634 : i32
      %add3A_1898 = vector.broadcast %add3A_1897 : i32 to vector<16xi32>
      %add3A_1899 = arith.addi %mul3A_3, %add3A_1898 : vector<16xi32>
      %gather3A_1900 = tpu.vector_load_idx %arg13[%add3A_1899] : memref<5712xf32, #tpu.memory_space<vmem>>[vector<16xi32>], vector<16xf32>,
      %add3A_1901 = arith.constant 4635 : i32
      %add3A_1902 = vector.broadcast %add3A_1901 : i32 to vector<16xi32>
      %add3A_1903 = arith.addi %mul3A_3, %add3A_1902 : vector<16xi32>
      %gather3A_1904 = tpu.vector_load_idx %arg13[%add3A_1903] : memref<5712xf32, #tpu.memory_space<vmem>>[vector<16xi32>], vector<16xf32>,
      %add3A_1905 = arith.constant 4636 : i32
      %add3A_1906 = vector.broadcast %add3A_1905 : i32 to vector<16xi32>
      %add3A_1907 = arith.addi %mul3A_3, %add3A_1906 : vector<16xi32>
      %gather3A_1908 = tpu.vector_load_idx %arg13[%add3A_1907] : memref<5712xf32, #tpu.memory_space<vmem>>[vector<16xi32>], vector<16xf32>,
      %add3A_1909 = arith.constant 4637 : i32
      %add3A_1910 = vector.broadcast %add3A_1909 : i32 to vector<16xi32>
      %add3A_1911 = arith.addi %mul3A_3, %add3A_1910 : vector<16xi32>
      %gather3A_1912 = tpu.vector_load_idx %arg13[%add3A_1911] : memref<5712xf32, #tpu.memory_space<vmem>>[vector<16xi32>], vector<16xf32>,
      %add3A_1913 = arith.constant 4638 : i32
      %add3A_1914 = vector.broadcast %add3A_1913 : i32 to vector<16xi32>
      %add3A_1915 = arith.addi %mul3A_3, %add3A_1914 : vector<16xi32>
      %gather3A_1916 = tpu.vector_load_idx %arg13[%add3A_1915] : memref<5712xf32, #tpu.memory_space<vmem>>[vector<16xi32>], vector<16xf32>,
      %add3A_1917 = arith.constant 4639 : i32
      %add3A_1918 = vector.broadcast %add3A_1917 : i32 to vector<16xi32>
      %add3A_1919 = arith.addi %mul3A_3, %add3A_1918 : vector<16xi32>
      %gather3A_1920 = tpu.vector_load_idx %arg13[%add3A_1919] : memref<5712xf32, #tpu.memory_space<vmem>>[vector<16xi32>], vector<16xf32>,
      %add3A_1921 = arith.addf %gather3A_1860, %gather3A_1864 : vector<16xf32>
      %add3A_1922 = arith.addf %gather3A_1868, %gather3A_1872 : vector<16xf32>
      %add3A_1923 = arith.addf %gather3A_1876, %gather3A_1880 : vector<16xf32>
      %add3A_1924 = arith.addf %gather3A_1884, %gather3A_1888 : vector<16xf32>
      %add3A_1925 = arith.addf %gather3A_1892, %gather3A_1896 : vector<16xf32>
      %add3A_1926 = arith.addf %gather3A_1900, %gather3A_1904 : vector<16xf32>
      %add3A_1927 = arith.addf %gather3A_1908, %gather3A_1912 : vector<16xf32>
      %add3A_1928 = arith.addf %gather3A_1916, %gather3A_1920 : vector<16xf32>
      %add3A_1929 = arith.addf %add3A_1921, %add3A_1922 : vector<16xf32>
      %add3A_1930 = arith.addf %add3A_1923, %add3A_1924 : vector<16xf32>
      %add3A_1931 = arith.addf %add3A_1925, %add3A_1926 : vector<16xf32>
      %add3A_1932 = arith.addf %add3A_1927, %add3A_1928 : vector<16xf32>
      %add3A_1933 = arith.addf %add3A_1929, %add3A_1930 : vector<16xf32>
      %add3A_1934 = arith.addf %add3A_1931, %add3A_1932 : vector<16xf32>
      %add3A_1935 = arith.addf %add3A_1933, %add3A_1934 : vector<16xf32>
      %scatter3A_1936 = arith.constant 0 : i32
      %scatter3A_1937 = tpu.memref_slice %arg15[%rem3A_193, %scatter3A_1936] : memref<2x320xf32, #tpu.memory_space<vmem>> -> memref<1x320xf32, #tpu.memory_space<vmem>>
      %scatter3A_1938 = tpu.memref_squeeze %scatter3A_1937 : memref<1x320xf32, #tpu.memory_space<vmem>> -> memref<320xf32, #tpu.memory_space<vmem>>
      tpu.vector_store_idx %scatter3A_1938[%add3A_1856], %add3A_1935 : memref<320xf32, #tpu.memory_space<vmem>>[vector<16xi32>], vector<16xf32>,
      %add3A_1939 = arith.constant 18 : i32
      %add3A_1940 = vector.broadcast %add3A_1939 : i32 to vector<16xi32>
      %add3A_1941 = arith.addi %mul3A_6, %add3A_1940 : vector<16xi32>
      %add3A_1942 = arith.constant 4896 : i32
      %add3A_1943 = vector.broadcast %add3A_1942 : i32 to vector<16xi32>
      %add3A_1944 = arith.addi %mul3A_3, %add3A_1943 : vector<16xi32>
      %gather3A_1945 = tpu.vector_load_idx %arg13[%add3A_1944] : memref<5712xf32, #tpu.memory_space<vmem>>[vector<16xi32>], vector<16xf32>,
      %add3A_1946 = arith.constant 4897 : i32
      %add3A_1947 = vector.broadcast %add3A_1946 : i32 to vector<16xi32>
      %add3A_1948 = arith.addi %mul3A_3, %add3A_1947 : vector<16xi32>
      %gather3A_1949 = tpu.vector_load_idx %arg13[%add3A_1948] : memref<5712xf32, #tpu.memory_space<vmem>>[vector<16xi32>], vector<16xf32>,
      %add3A_1950 = arith.constant 4898 : i32
      %add3A_1951 = vector.broadcast %add3A_1950 : i32 to vector<16xi32>
      %add3A_1952 = arith.addi %mul3A_3, %add3A_1951 : vector<16xi32>
      %gather3A_1953 = tpu.vector_load_idx %arg13[%add3A_1952] : memref<5712xf32, #tpu.memory_space<vmem>>[vector<16xi32>], vector<16xf32>,
      %add3A_1954 = arith.constant 4899 : i32
      %add3A_1955 = vector.broadcast %add3A_1954 : i32 to vector<16xi32>
      %add3A_1956 = arith.addi %mul3A_3, %add3A_1955 : vector<16xi32>
      %gather3A_1957 = tpu.vector_load_idx %arg13[%add3A_1956] : memref<5712xf32, #tpu.memory_space<vmem>>[vector<16xi32>], vector<16xf32>,
      %add3A_1958 = arith.constant 4900 : i32
      %add3A_1959 = vector.broadcast %add3A_1958 : i32 to vector<16xi32>
      %add3A_1960 = arith.addi %mul3A_3, %add3A_1959 : vector<16xi32>
      %gather3A_1961 = tpu.vector_load_idx %arg13[%add3A_1960] : memref<5712xf32, #tpu.memory_space<vmem>>[vector<16xi32>], vector<16xf32>,
      %add3A_1962 = arith.constant 4901 : i32
      %add3A_1963 = vector.broadcast %add3A_1962 : i32 to vector<16xi32>
      %add3A_1964 = arith.addi %mul3A_3, %add3A_1963 : vector<16xi32>
      %gather3A_1965 = tpu.vector_load_idx %arg13[%add3A_1964] : memref<5712xf32, #tpu.memory_space<vmem>>[vector<16xi32>], vector<16xf32>,
      %add3A_1966 = arith.constant 4902 : i32
      %add3A_1967 = vector.broadcast %add3A_1966 : i32 to vector<16xi32>
      %add3A_1968 = arith.addi %mul3A_3, %add3A_1967 : vector<16xi32>
      %gather3A_1969 = tpu.vector_load_idx %arg13[%add3A_1968] : memref<5712xf32, #tpu.memory_space<vmem>>[vector<16xi32>], vector<16xf32>,
      %add3A_1970 = arith.constant 4903 : i32
      %add3A_1971 = vector.broadcast %add3A_1970 : i32 to vector<16xi32>
      %add3A_1972 = arith.addi %mul3A_3, %add3A_1971 : vector<16xi32>
      %gather3A_1973 = tpu.vector_load_idx %arg13[%add3A_1972] : memref<5712xf32, #tpu.memory_space<vmem>>[vector<16xi32>], vector<16xf32>,
      %add3A_1974 = arith.constant 4904 : i32
      %add3A_1975 = vector.broadcast %add3A_1974 : i32 to vector<16xi32>
      %add3A_1976 = arith.addi %mul3A_3, %add3A_1975 : vector<16xi32>
      %gather3A_1977 = tpu.vector_load_idx %arg13[%add3A_1976] : memref<5712xf32, #tpu.memory_space<vmem>>[vector<16xi32>], vector<16xf32>,
      %add3A_1978 = arith.constant 4905 : i32
      %add3A_1979 = vector.broadcast %add3A_1978 : i32 to vector<16xi32>
      %add3A_1980 = arith.addi %mul3A_3, %add3A_1979 : vector<16xi32>
      %gather3A_1981 = tpu.vector_load_idx %arg13[%add3A_1980] : memref<5712xf32, #tpu.memory_space<vmem>>[vector<16xi32>], vector<16xf32>,
      %add3A_1982 = arith.constant 4906 : i32
      %add3A_1983 = vector.broadcast %add3A_1982 : i32 to vector<16xi32>
      %add3A_1984 = arith.addi %mul3A_3, %add3A_1983 : vector<16xi32>
      %gather3A_1985 = tpu.vector_load_idx %arg13[%add3A_1984] : memref<5712xf32, #tpu.memory_space<vmem>>[vector<16xi32>], vector<16xf32>,
      %add3A_1986 = arith.constant 4907 : i32
      %add3A_1987 = vector.broadcast %add3A_1986 : i32 to vector<16xi32>
      %add3A_1988 = arith.addi %mul3A_3, %add3A_1987 : vector<16xi32>
      %gather3A_1989 = tpu.vector_load_idx %arg13[%add3A_1988] : memref<5712xf32, #tpu.memory_space<vmem>>[vector<16xi32>], vector<16xf32>,
      %add3A_1990 = arith.constant 4908 : i32
      %add3A_1991 = vector.broadcast %add3A_1990 : i32 to vector<16xi32>
      %add3A_1992 = arith.addi %mul3A_3, %add3A_1991 : vector<16xi32>
      %gather3A_1993 = tpu.vector_load_idx %arg13[%add3A_1992] : memref<5712xf32, #tpu.memory_space<vmem>>[vector<16xi32>], vector<16xf32>,
      %add3A_1994 = arith.constant 4909 : i32
      %add3A_1995 = vector.broadcast %add3A_1994 : i32 to vector<16xi32>
      %add3A_1996 = arith.addi %mul3A_3, %add3A_1995 : vector<16xi32>
      %gather3A_1997 = tpu.vector_load_idx %arg13[%add3A_1996] : memref<5712xf32, #tpu.memory_space<vmem>>[vector<16xi32>], vector<16xf32>,
      %add3A_1998 = arith.constant 4910 : i32
      %add3A_1999 = vector.broadcast %add3A_1998 : i32 to vector<16xi32>
      %add3A_2000 = arith.addi %mul3A_3, %add3A_1999 : vector<16xi32>
      %gather3A_2001 = tpu.vector_load_idx %arg13[%add3A_2000] : memref<5712xf32, #tpu.memory_space<vmem>>[vector<16xi32>], vector<16xf32>,
      %add3A_2002 = arith.constant 4911 : i32
      %add3A_2003 = vector.broadcast %add3A_2002 : i32 to vector<16xi32>
      %add3A_2004 = arith.addi %mul3A_3, %add3A_2003 : vector<16xi32>
      %gather3A_2005 = tpu.vector_load_idx %arg13[%add3A_2004] : memref<5712xf32, #tpu.memory_space<vmem>>[vector<16xi32>], vector<16xf32>,
      %add3A_2006 = arith.addf %gather3A_1945, %gather3A_1949 : vector<16xf32>
      %add3A_2007 = arith.addf %gather3A_1953, %gather3A_1957 : vector<16xf32>
      %add3A_2008 = arith.addf %gather3A_1961, %gather3A_1965 : vector<16xf32>
      %add3A_2009 = arith.addf %gather3A_1969, %gather3A_1973 : vector<16xf32>
      %add3A_2010 = arith.addf %gather3A_1977, %gather3A_1981 : vector<16xf32>
      %add3A_2011 = arith.addf %gather3A_1985, %gather3A_1989 : vector<16xf32>
      %add3A_2012 = arith.addf %gather3A_1993, %gather3A_1997 : vector<16xf32>
      %add3A_2013 = arith.addf %gather3A_2001, %gather3A_2005 : vector<16xf32>
      %add3A_2014 = arith.addf %add3A_2006, %add3A_2007 : vector<16xf32>
      %add3A_2015 = arith.addf %add3A_2008, %add3A_2009 : vector<16xf32>
      %add3A_2016 = arith.addf %add3A_2010, %add3A_2011 : vector<16xf32>
      %add3A_2017 = arith.addf %add3A_2012, %add3A_2013 : vector<16xf32>
      %add3A_2018 = arith.addf %add3A_2014, %add3A_2015 : vector<16xf32>
      %add3A_2019 = arith.addf %add3A_2016, %add3A_2017 : vector<16xf32>
      %add3A_2020 = arith.addf %add3A_2018, %add3A_2019 : vector<16xf32>
      %scatter3A_2021 = arith.constant 0 : i32
      %scatter3A_2022 = tpu.memref_slice %arg15[%rem3A_193, %scatter3A_2021] : memref<2x320xf32, #tpu.memory_space<vmem>> -> memref<1x320xf32, #tpu.memory_space<vmem>>
      %scatter3A_2023 = tpu.memref_squeeze %scatter3A_2022 : memref<1x320xf32, #tpu.memory_space<vmem>> -> memref<320xf32, #tpu.memory_space<vmem>>
      tpu.vector_store_idx %scatter3A_2023[%add3A_1941], %add3A_2020 : memref<320xf32, #tpu.memory_space<vmem>>[vector<16xi32>], vector<16xf32>,
      %add3A_2024 = arith.constant 19 : i32
      %add3A_2025 = vector.broadcast %add3A_2024 : i32 to vector<16xi32>
      %add3A_2026 = arith.addi %mul3A_6, %add3A_2025 : vector<16xi32>
      %add3A_2027 = arith.constant 5168 : i32
      %add3A_2028 = vector.broadcast %add3A_2027 : i32 to vector<16xi32>
      %add3A_2029 = arith.addi %mul3A_3, %add3A_2028 : vector<16xi32>
      %gather3A_2030 = tpu.vector_load_idx %arg13[%add3A_2029] : memref<5712xf32, #tpu.memory_space<vmem>>[vector<16xi32>], vector<16xf32>,
      %add3A_2031 = arith.constant 5169 : i32
      %add3A_2032 = vector.broadcast %add3A_2031 : i32 to vector<16xi32>
      %add3A_2033 = arith.addi %mul3A_3, %add3A_2032 : vector<16xi32>
      %gather3A_2034 = tpu.vector_load_idx %arg13[%add3A_2033] : memref<5712xf32, #tpu.memory_space<vmem>>[vector<16xi32>], vector<16xf32>,
      %add3A_2035 = arith.constant 5170 : i32
      %add3A_2036 = vector.broadcast %add3A_2035 : i32 to vector<16xi32>
      %add3A_2037 = arith.addi %mul3A_3, %add3A_2036 : vector<16xi32>
      %gather3A_2038 = tpu.vector_load_idx %arg13[%add3A_2037] : memref<5712xf32, #tpu.memory_space<vmem>>[vector<16xi32>], vector<16xf32>,
      %add3A_2039 = arith.constant 5171 : i32
      %add3A_2040 = vector.broadcast %add3A_2039 : i32 to vector<16xi32>
      %add3A_2041 = arith.addi %mul3A_3, %add3A_2040 : vector<16xi32>
      %gather3A_2042 = tpu.vector_load_idx %arg13[%add3A_2041] : memref<5712xf32, #tpu.memory_space<vmem>>[vector<16xi32>], vector<16xf32>,
      %add3A_2043 = arith.constant 5172 : i32
      %add3A_2044 = vector.broadcast %add3A_2043 : i32 to vector<16xi32>
      %add3A_2045 = arith.addi %mul3A_3, %add3A_2044 : vector<16xi32>
      %gather3A_2046 = tpu.vector_load_idx %arg13[%add3A_2045] : memref<5712xf32, #tpu.memory_space<vmem>>[vector<16xi32>], vector<16xf32>,
      %add3A_2047 = arith.constant 5173 : i32
      %add3A_2048 = vector.broadcast %add3A_2047 : i32 to vector<16xi32>
      %add3A_2049 = arith.addi %mul3A_3, %add3A_2048 : vector<16xi32>
      %gather3A_2050 = tpu.vector_load_idx %arg13[%add3A_2049] : memref<5712xf32, #tpu.memory_space<vmem>>[vector<16xi32>], vector<16xf32>,
      %add3A_2051 = arith.constant 5174 : i32
      %add3A_2052 = vector.broadcast %add3A_2051 : i32 to vector<16xi32>
      %add3A_2053 = arith.addi %mul3A_3, %add3A_2052 : vector<16xi32>
      %gather3A_2054 = tpu.vector_load_idx %arg13[%add3A_2053] : memref<5712xf32, #tpu.memory_space<vmem>>[vector<16xi32>], vector<16xf32>,
      %add3A_2055 = arith.constant 5175 : i32
      %add3A_2056 = vector.broadcast %add3A_2055 : i32 to vector<16xi32>
      %add3A_2057 = arith.addi %mul3A_3, %add3A_2056 : vector<16xi32>
      %gather3A_2058 = tpu.vector_load_idx %arg13[%add3A_2057] : memref<5712xf32, #tpu.memory_space<vmem>>[vector<16xi32>], vector<16xf32>,
      %add3A_2059 = arith.constant 5176 : i32
      %add3A_2060 = vector.broadcast %add3A_2059 : i32 to vector<16xi32>
      %add3A_2061 = arith.addi %mul3A_3, %add3A_2060 : vector<16xi32>
      %gather3A_2062 = tpu.vector_load_idx %arg13[%add3A_2061] : memref<5712xf32, #tpu.memory_space<vmem>>[vector<16xi32>], vector<16xf32>,
      %add3A_2063 = arith.constant 5177 : i32
      %add3A_2064 = vector.broadcast %add3A_2063 : i32 to vector<16xi32>
      %add3A_2065 = arith.addi %mul3A_3, %add3A_2064 : vector<16xi32>
      %gather3A_2066 = tpu.vector_load_idx %arg13[%add3A_2065] : memref<5712xf32, #tpu.memory_space<vmem>>[vector<16xi32>], vector<16xf32>,
      %add3A_2067 = arith.constant 5178 : i32
      %add3A_2068 = vector.broadcast %add3A_2067 : i32 to vector<16xi32>
      %add3A_2069 = arith.addi %mul3A_3, %add3A_2068 : vector<16xi32>
      %gather3A_2070 = tpu.vector_load_idx %arg13[%add3A_2069] : memref<5712xf32, #tpu.memory_space<vmem>>[vector<16xi32>], vector<16xf32>,
      %add3A_2071 = arith.constant 5179 : i32
      %add3A_2072 = vector.broadcast %add3A_2071 : i32 to vector<16xi32>
      %add3A_2073 = arith.addi %mul3A_3, %add3A_2072 : vector<16xi32>
      %gather3A_2074 = tpu.vector_load_idx %arg13[%add3A_2073] : memref<5712xf32, #tpu.memory_space<vmem>>[vector<16xi32>], vector<16xf32>,
      %add3A_2075 = arith.constant 5180 : i32
      %add3A_2076 = vector.broadcast %add3A_2075 : i32 to vector<16xi32>
      %add3A_2077 = arith.addi %mul3A_3, %add3A_2076 : vector<16xi32>
      %gather3A_2078 = tpu.vector_load_idx %arg13[%add3A_2077] : memref<5712xf32, #tpu.memory_space<vmem>>[vector<16xi32>], vector<16xf32>,
      %add3A_2079 = arith.constant 5181 : i32
      %add3A_2080 = vector.broadcast %add3A_2079 : i32 to vector<16xi32>
      %add3A_2081 = arith.addi %mul3A_3, %add3A_2080 : vector<16xi32>
      %gather3A_2082 = tpu.vector_load_idx %arg13[%add3A_2081] : memref<5712xf32, #tpu.memory_space<vmem>>[vector<16xi32>], vector<16xf32>,
      %add3A_2083 = arith.constant 5182 : i32
      %add3A_2084 = vector.broadcast %add3A_2083 : i32 to vector<16xi32>
      %add3A_2085 = arith.addi %mul3A_3, %add3A_2084 : vector<16xi32>
      %gather3A_2086 = tpu.vector_load_idx %arg13[%add3A_2085] : memref<5712xf32, #tpu.memory_space<vmem>>[vector<16xi32>], vector<16xf32>,
      %add3A_2087 = arith.constant 5183 : i32
      %add3A_2088 = vector.broadcast %add3A_2087 : i32 to vector<16xi32>
      %add3A_2089 = arith.addi %mul3A_3, %add3A_2088 : vector<16xi32>
      %gather3A_2090 = tpu.vector_load_idx %arg13[%add3A_2089] : memref<5712xf32, #tpu.memory_space<vmem>>[vector<16xi32>], vector<16xf32>,
      %add3A_2091 = arith.addf %gather3A_2030, %gather3A_2034 : vector<16xf32>
      %add3A_2092 = arith.addf %gather3A_2038, %gather3A_2042 : vector<16xf32>
      %add3A_2093 = arith.addf %gather3A_2046, %gather3A_2050 : vector<16xf32>
      %add3A_2094 = arith.addf %gather3A_2054, %gather3A_2058 : vector<16xf32>
      %add3A_2095 = arith.addf %gather3A_2062, %gather3A_2066 : vector<16xf32>
      %add3A_2096 = arith.addf %gather3A_2070, %gather3A_2074 : vector<16xf32>
      %add3A_2097 = arith.addf %gather3A_2078, %gather3A_2082 : vector<16xf32>
      %add3A_2098 = arith.addf %gather3A_2086, %gather3A_2090 : vector<16xf32>
      %add3A_2099 = arith.addf %add3A_2091, %add3A_2092 : vector<16xf32>
      %add3A_2100 = arith.addf %add3A_2093, %add3A_2094 : vector<16xf32>
      %add3A_2101 = arith.addf %add3A_2095, %add3A_2096 : vector<16xf32>
      %add3A_2102 = arith.addf %add3A_2097, %add3A_2098 : vector<16xf32>
      %add3A_2103 = arith.addf %add3A_2099, %add3A_2100 : vector<16xf32>
      %add3A_2104 = arith.addf %add3A_2101, %add3A_2102 : vector<16xf32>
      %add3A_2105 = arith.addf %add3A_2103, %add3A_2104 : vector<16xf32>
      %scatter3A_2106 = arith.constant 0 : i32
      %scatter3A_2107 = tpu.memref_slice %arg15[%rem3A_193, %scatter3A_2106] : memref<2x320xf32, #tpu.memory_space<vmem>> -> memref<1x320xf32, #tpu.memory_space<vmem>>
      %scatter3A_2108 = tpu.memref_squeeze %scatter3A_2107 : memref<1x320xf32, #tpu.memory_space<vmem>> -> memref<320xf32, #tpu.memory_space<vmem>>
      tpu.vector_store_idx %scatter3A_2108[%add3A_2026], %add3A_2105 : memref<320xf32, #tpu.memory_space<vmem>>[vector<16xi32>], vector<16xf32>,
      %dma_start3A_2109 = arith.constant 0 : i32
      %dma_start3A_2110 = tpu.memref_slice %arg14[%rem3A_193, %dma_start3A_2109] : memref<2x16xf32, #tpu.memory_space<vmem>> -> memref<1x16xf32, #tpu.memory_space<vmem>>
      %dma_start3A_2111 = tpu.memref_squeeze %dma_start3A_2110 : memref<1x16xf32, #tpu.memory_space<vmem>> -> memref<16xf32, #tpu.memory_space<vmem>>
      %dma_start3A_2112 = tpu.memref_slice %arg7[%add3A_198] : memref<16384xf32, #tpu.memory_space<hbm>> -> memref<16xf32, #tpu.memory_space<hbm>>
      %dma_start3A_2113 = tpu.memref_slice %arg17[%rem3A_193] : memref<2x!tpu.dma_semaphore, #tpu.memory_space<semaphore_mem>> -> memref<1x!tpu.dma_semaphore, #tpu.memory_space<semaphore_mem>>
      %dma_start3A_2114 = tpu.memref_squeeze %dma_start3A_2113 : memref<1x!tpu.dma_semaphore, #tpu.memory_space<semaphore_mem>> -> memref<!tpu.dma_semaphore, #tpu.memory_space<semaphore_mem>>
      %dma_start3A_2115 = tpu.memref_slice %arg7[%add3A_198] : memref<16384xf32, #tpu.memory_space<hbm>> -> memref<16xf32, #tpu.memory_space<hbm>>
      %dma_start3A_2116 = arith.constant 0 : i32
      %dma_start3A_2117 = tpu.memref_slice %arg14[%rem3A_193, %dma_start3A_2116] : memref<2x16xf32, #tpu.memory_space<vmem>> -> memref<1x16xf32, #tpu.memory_space<vmem>>
      %dma_start3A_2118 = tpu.memref_squeeze %dma_start3A_2117 : memref<1x16xf32, #tpu.memory_space<vmem>> -> memref<16xf32, #tpu.memory_space<vmem>>
      tpu.enqueue_dma source(%dma_start3A_2118 : memref<16xf32, #tpu.memory_space<vmem>>) target(%dma_start3A_2115 : memref<16xf32, #tpu.memory_space<hbm>>) target_semaphore(%dma_start3A_2114 : memref<!tpu.dma_semaphore, #tpu.memory_space<semaphore_mem>>)
      %mul3A_2119 = arith.constant 20 : i32
      %mul3A_2120 = arith.muli %add3A_198, %mul3A_2119 : i32
      %dma_start3A_2121 = arith.constant 0 : i32
      %dma_start3A_2122 = tpu.memref_slice %arg15[%rem3A_193, %dma_start3A_2121] : memref<2x320xf32, #tpu.memory_space<vmem>> -> memref<1x320xf32, #tpu.memory_space<vmem>>
      %dma_start3A_2123 = tpu.memref_squeeze %dma_start3A_2122 : memref<1x320xf32, #tpu.memory_space<vmem>> -> memref<320xf32, #tpu.memory_space<vmem>>
      %dma_start3A_2124 = tpu.memref_slice %arg8[%mul3A_2120] : memref<327680xf32, #tpu.memory_space<hbm>> -> memref<320xf32, #tpu.memory_space<hbm>>
      %dma_start3A_2125 = tpu.memref_slice %arg17[%rem3A_193] : memref<2x!tpu.dma_semaphore, #tpu.memory_space<semaphore_mem>> -> memref<1x!tpu.dma_semaphore, #tpu.memory_space<semaphore_mem>>
      %dma_start3A_2126 = tpu.memref_squeeze %dma_start3A_2125 : memref<1x!tpu.dma_semaphore, #tpu.memory_space<semaphore_mem>> -> memref<!tpu.dma_semaphore, #tpu.memory_space<semaphore_mem>>
      %dma_start3A_2127 = tpu.memref_slice %arg8[%mul3A_2120] : memref<327680xf32, #tpu.memory_space<hbm>> -> memref<320xf32, #tpu.memory_space<hbm>>
      %dma_start3A_2128 = arith.constant 0 : i32
      %dma_start3A_2129 = tpu.memref_slice %arg15[%rem3A_193, %dma_start3A_2128] : memref<2x320xf32, #tpu.memory_space<vmem>> -> memref<1x320xf32, #tpu.memory_space<vmem>>
      %dma_start3A_2130 = tpu.memref_squeeze %dma_start3A_2129 : memref<1x320xf32, #tpu.memory_space<vmem>> -> memref<320xf32, #tpu.memory_space<vmem>>
      tpu.enqueue_dma source(%dma_start3A_2130 : memref<320xf32, #tpu.memory_space<vmem>>) target(%dma_start3A_2127 : memref<320xf32, #tpu.memory_space<hbm>>) target_semaphore(%dma_start3A_2126 : memref<!tpu.dma_semaphore, #tpu.memory_space<semaphore_mem>>)
    }
    %scan3A_135 = arith.constant 32 : i32
    %dma_wait3A = arith.constant 0 : i32
    %dma_wait3A_136 = arith.constant 0 : i32
    %dma_wait3A_137 = arith.constant 0 : i32
    %dma_wait3A_138 = tpu.memref_slice %arg14[%dma_wait3A, %dma_wait3A_137] : memref<2x16xf32, #tpu.memory_space<vmem>> -> memref<1x16xf32, #tpu.memory_space<vmem>>
    %dma_wait3A_139 = tpu.memref_squeeze %dma_wait3A_138 : memref<1x16xf32, #tpu.memory_space<vmem>> -> memref<16xf32, #tpu.memory_space<vmem>>
    %dma_wait3A_140 = arith.constant 0 : i32
    %dma_wait3A_141 = tpu.memref_slice %arg7[%dma_wait3A_140] : memref<16384xf32, #tpu.memory_space<hbm>> -> memref<16xf32, #tpu.memory_space<hbm>>
    %dma_wait3A_142 = tpu.memref_slice %arg17[%dma_wait3A_136] : memref<2x!tpu.dma_semaphore, #tpu.memory_space<semaphore_mem>> -> memref<1x!tpu.dma_semaphore, #tpu.memory_space<semaphore_mem>>
    %dma_wait3A_143 = tpu.memref_squeeze %dma_wait3A_142 : memref<1x!tpu.dma_semaphore, #tpu.memory_space<semaphore_mem>> -> memref<!tpu.dma_semaphore, #tpu.memory_space<semaphore_mem>>
    %dma_wait3A_144 = arith.constant 0 : i32
    %dma_wait3A_145 = tpu.memref_slice %arg7[%dma_wait3A_144] : memref<16384xf32, #tpu.memory_space<hbm>> -> memref<16xf32, #tpu.memory_space<hbm>>
    %dma_wait3A_146 = arith.constant 0 : i32
    %dma_wait3A_147 = tpu.memref_slice %arg14[%dma_wait3A, %dma_wait3A_146] : memref<2x16xf32, #tpu.memory_space<vmem>> -> memref<1x16xf32, #tpu.memory_space<vmem>>
    %dma_wait3A_148 = tpu.memref_squeeze %dma_wait3A_147 : memref<1x16xf32, #tpu.memory_space<vmem>> -> memref<16xf32, #tpu.memory_space<vmem>>
    tpu.wait_dma2 semaphore(%dma_wait3A_143 : memref<!tpu.dma_semaphore, #tpu.memory_space<semaphore_mem>>) src(%dma_wait3A_148 : memref<16xf32, #tpu.memory_space<vmem>>) dst(%dma_wait3A_145 : memref<16xf32, #tpu.memory_space<hbm>>)
    %dma_wait3A_149 = arith.constant 0 : i32
    %dma_wait3A_150 = arith.constant 0 : i32
    %dma_wait3A_151 = arith.constant 0 : i32
    %dma_wait3A_152 = tpu.memref_slice %arg15[%dma_wait3A_149, %dma_wait3A_151] : memref<2x320xf32, #tpu.memory_space<vmem>> -> memref<1x320xf32, #tpu.memory_space<vmem>>
    %dma_wait3A_153 = tpu.memref_squeeze %dma_wait3A_152 : memref<1x320xf32, #tpu.memory_space<vmem>> -> memref<320xf32, #tpu.memory_space<vmem>>
    %dma_wait3A_154 = arith.constant 0 : i32
    %dma_wait3A_155 = tpu.memref_slice %arg8[%dma_wait3A_154] : memref<327680xf32, #tpu.memory_space<hbm>> -> memref<320xf32, #tpu.memory_space<hbm>>
    %dma_wait3A_156 = tpu.memref_slice %arg17[%dma_wait3A_150] : memref<2x!tpu.dma_semaphore, #tpu.memory_space<semaphore_mem>> -> memref<1x!tpu.dma_semaphore, #tpu.memory_space<semaphore_mem>>
    %dma_wait3A_157 = tpu.memref_squeeze %dma_wait3A_156 : memref<1x!tpu.dma_semaphore, #tpu.memory_space<semaphore_mem>> -> memref<!tpu.dma_semaphore, #tpu.memory_space<semaphore_mem>>
    %dma_wait3A_158 = arith.constant 0 : i32
    %dma_wait3A_159 = tpu.memref_slice %arg8[%dma_wait3A_158] : memref<327680xf32, #tpu.memory_space<hbm>> -> memref<320xf32, #tpu.memory_space<hbm>>
    %dma_wait3A_160 = arith.constant 0 : i32
    %dma_wait3A_161 = tpu.memref_slice %arg15[%dma_wait3A_149, %dma_wait3A_160] : memref<2x320xf32, #tpu.memory_space<vmem>> -> memref<1x320xf32, #tpu.memory_space<vmem>>
    %dma_wait3A_162 = tpu.memref_squeeze %dma_wait3A_161 : memref<1x320xf32, #tpu.memory_space<vmem>> -> memref<320xf32, #tpu.memory_space<vmem>>
    tpu.wait_dma2 semaphore(%dma_wait3A_157 : memref<!tpu.dma_semaphore, #tpu.memory_space<semaphore_mem>>) src(%dma_wait3A_162 : memref<320xf32, #tpu.memory_space<vmem>>) dst(%dma_wait3A_159 : memref<320xf32, #tpu.memory_space<hbm>>)
    %dma_wait3A_163 = arith.constant 1 : i32
    %dma_wait3A_164 = arith.constant 1 : i32
    %dma_wait3A_165 = arith.constant 0 : i32
    %dma_wait3A_166 = tpu.memref_slice %arg14[%dma_wait3A_163, %dma_wait3A_165] : memref<2x16xf32, #tpu.memory_space<vmem>> -> memref<1x16xf32, #tpu.memory_space<vmem>>
    %dma_wait3A_167 = tpu.memref_squeeze %dma_wait3A_166 : memref<1x16xf32, #tpu.memory_space<vmem>> -> memref<16xf32, #tpu.memory_space<vmem>>
    %dma_wait3A_168 = arith.constant 0 : i32
    %dma_wait3A_169 = tpu.memref_slice %arg7[%dma_wait3A_168] : memref<16384xf32, #tpu.memory_space<hbm>> -> memref<16xf32, #tpu.memory_space<hbm>>
    %dma_wait3A_170 = tpu.memref_slice %arg17[%dma_wait3A_164] : memref<2x!tpu.dma_semaphore, #tpu.memory_space<semaphore_mem>> -> memref<1x!tpu.dma_semaphore, #tpu.memory_space<semaphore_mem>>
    %dma_wait3A_171 = tpu.memref_squeeze %dma_wait3A_170 : memref<1x!tpu.dma_semaphore, #tpu.memory_space<semaphore_mem>> -> memref<!tpu.dma_semaphore, #tpu.memory_space<semaphore_mem>>
    %dma_wait3A_172 = arith.constant 0 : i32
    %dma_wait3A_173 = tpu.memref_slice %arg7[%dma_wait3A_172] : memref<16384xf32, #tpu.memory_space<hbm>> -> memref<16xf32, #tpu.memory_space<hbm>>
    %dma_wait3A_174 = arith.constant 0 : i32
    %dma_wait3A_175 = tpu.memref_slice %arg14[%dma_wait3A_163, %dma_wait3A_174] : memref<2x16xf32, #tpu.memory_space<vmem>> -> memref<1x16xf32, #tpu.memory_space<vmem>>
    %dma_wait3A_176 = tpu.memref_squeeze %dma_wait3A_175 : memref<1x16xf32, #tpu.memory_space<vmem>> -> memref<16xf32, #tpu.memory_space<vmem>>
    tpu.wait_dma2 semaphore(%dma_wait3A_171 : memref<!tpu.dma_semaphore, #tpu.memory_space<semaphore_mem>>) src(%dma_wait3A_176 : memref<16xf32, #tpu.memory_space<vmem>>) dst(%dma_wait3A_173 : memref<16xf32, #tpu.memory_space<hbm>>)
    %dma_wait3A_177 = arith.constant 1 : i32
    %dma_wait3A_178 = arith.constant 1 : i32
    %dma_wait3A_179 = arith.constant 0 : i32
    %dma_wait3A_180 = tpu.memref_slice %arg15[%dma_wait3A_177, %dma_wait3A_179] : memref<2x320xf32, #tpu.memory_space<vmem>> -> memref<1x320xf32, #tpu.memory_space<vmem>>
    %dma_wait3A_181 = tpu.memref_squeeze %dma_wait3A_180 : memref<1x320xf32, #tpu.memory_space<vmem>> -> memref<320xf32, #tpu.memory_space<vmem>>
    %dma_wait3A_182 = arith.constant 0 : i32
    %dma_wait3A_183 = tpu.memref_slice %arg8[%dma_wait3A_182] : memref<327680xf32, #tpu.memory_space<hbm>> -> memref<320xf32, #tpu.memory_space<hbm>>
    %dma_wait3A_184 = tpu.memref_slice %arg17[%dma_wait3A_178] : memref<2x!tpu.dma_semaphore, #tpu.memory_space<semaphore_mem>> -> memref<1x!tpu.dma_semaphore, #tpu.memory_space<semaphore_mem>>
    %dma_wait3A_185 = tpu.memref_squeeze %dma_wait3A_184 : memref<1x!tpu.dma_semaphore, #tpu.memory_space<semaphore_mem>> -> memref<!tpu.dma_semaphore, #tpu.memory_space<semaphore_mem>>
    %dma_wait3A_186 = arith.constant 0 : i32
    %dma_wait3A_187 = tpu.memref_slice %arg8[%dma_wait3A_186] : memref<327680xf32, #tpu.memory_space<hbm>> -> memref<320xf32, #tpu.memory_space<hbm>>
    %dma_wait3A_188 = arith.constant 0 : i32
    %dma_wait3A_189 = tpu.memref_slice %arg15[%dma_wait3A_177, %dma_wait3A_188] : memref<2x320xf32, #tpu.memory_space<vmem>> -> memref<1x320xf32, #tpu.memory_space<vmem>>
    %dma_wait3A_190 = tpu.memref_squeeze %dma_wait3A_189 : memref<1x320xf32, #tpu.memory_space<vmem>> -> memref<320xf32, #tpu.memory_space<vmem>>
    tpu.wait_dma2 semaphore(%dma_wait3A_185 : memref<!tpu.dma_semaphore, #tpu.memory_space<semaphore_mem>>) src(%dma_wait3A_190 : memref<320xf32, #tpu.memory_space<vmem>>) dst(%dma_wait3A_187 : memref<320xf32, #tpu.memory_space<hbm>>)
    return
  }
}

</mosaic_0001>

<sc_bundles>
// kernel: _sc_call.3.cloned.1.call-start
scs
__scs_entry_jumppad:
0x0: {  	(pc) =	sbr.rel $0x88, $3  }
0x1: {  	(tag) =	ssettag $0x0;
	lr =	simm.s32 $0x1  }
0x2: {  	[smem:$0x3F9C] =	sst lr;
	_ =	strace $0xD0000000  }
0x3: {  	_ = 	snop  }
0x4: {  	_ = 	snop  }
0x5: {  	_ = 	snop  }
0x6: {  	_ = 	snop  }
0x7: {  	_ = 	snop  }
__scs_overlays_trampoline_lowered:
0x8: {  	[smem:$0x3FAB] =	sst s0  }
0x9: {  	[smem:$0x3FAC] =	sst s1  }
0xa: {  	[smem:$0x3FAD] =	sst s2  }
0xb: {  	[smem:$0x3FAE] =	sst s3  }
0xc: {  	[smem:$0x3FAF] =	sst s4  }
0xd: {  	[smem:$0x3FB0] =	sst s5  }
0xe: {  	[smem:$0x3FB1] =	sst s6  }
0xf: {  	[smem:$0x3FB2] =	sst s7  }
0x10: {  	[smem:$0x3FB3] =	sst s8  }
0x11: {  	[smem:$0x3FB4] =	sst s9;
	s0 =	simm.s32 @!p0 $0x0  }
0x12: {  	s1 =	sld [smem:$0x3F9A];
	s0 =	simm.s32 @p0 $0x1  }
0x13: {  	[smem:$0x3FB5] =	sst s0;
	s0 =	simm.s32 @!p1 $0x0  }
0x14: {  	s2 =	sld [smem:$0x3F99];
	s0 =	simm.s32 @p1 $0x1  }
0x15: {  	[smem:$0x3FB6] =	sst s0;
	s0 =	simm.s32 @!p2 $0x0  }
0x16: {  	s3 =	sld [smem:$0x3FDB];
	s0 =	simm.s32 @p2 $0x1  }
0x17: {  	s4 =	simm.s32 $0x1BF5;
	[smem:$0x3FB8] =	sst s0  }
0x18: {  	s0 =	sld [smem:$0x3F9B];
	_ =	swait.ge [sflag:s4], $0x0  }
0x19: {  	s7 =	sld [smem:$0x3F9C]  }
0x1a: {  	s8 =	sadd.s32 $0xFFFFE003, lr  }
0x1b: {  	s9 =	sadd.s32 $0xFFFFFEF7, lr;
	s5 =	simm.s32 $0xFFFFFFFF;
	p2 =	slt.u32 s8, $0xFFFFF086  }
0x1c: {  	p1 =	slt.u32 s9, $0xF7A;
	s5 =	simm.s32 @!p2 $0x0  }
0x1d: {  	s5 =	simm.s32 @p1 $0x1;
	p0 =	seq.s32 s7, s2  }
0x1e: {  	s7 =	smul.u32 @!p0 $0xF7A, s2;
	p2 =	seq.s32 @!p0 s5, $0x0  }
0x1f: {  	s9 =	smul.u32 $0xF7A, s1;
	s8 =	simm.s32 @!p0 $0x1BF5;
	p2 =	por !p2, p0  }
0x20: {  	[sflag:s8] =	ssyncset.s32 @!p0 $0xFFFFF086;
	s6 =	sadd.s32 @!p0 s3, s7;
	s7 =	simm.s32 @!p0 $0x108  }
0x21: {  	s3 =	sadd.s32 s3, s9;
	s6 =	sadd.s32 @!p0 $0x88, s6;
	s7 =	simm.s32 @p2 $0x1082  }
0x22: {  	[simem:s7], [sflag:s8] =	dma.local @!p0 [hbm:s6], $0xF7A  }
0x23: {  	s9 =	sor.u32 $0xD0000000, s2;
	s6 =	simm.s32 $0x108;
	_ =	swait.ge @!p0 [sflag:s8], $0x0  }
0x24: {  	s3 =	sadd.s32 $0x88, s3;
	s6 =	simm.s32 @!p1 $0x1082;
	[sflag:s4] =	ssyncset.s32 $0xFFFFF086  }
0x25: {  	[simem:s6], [sflag:s4] =	dma.local [hbm:s3], $0xF7A  }
0x26: {  	[smem:$0x3F9C] =	sst s1;
	(tag) =	ssettag s2;
	_ =	strace s9  }
0x27: {  	s1 =	sld [smem:$0x3FAC]  }
0x28: {  	s2 =	sld [smem:$0x3FAD]  }
0x29: {  	s4 =	sld [smem:$0x3FAF]  }
0x2a: {  	p0 =	seq.s32 s5, $0x0;
	s5 =	sld [smem:$0x3FB0]  }
0x2b: {  	s6 =	sld [smem:$0x3FB1]  }
0x2c: {  	s7 =	sld [smem:$0x3FB2]  }
0x2d: {  	s3 =	simm.s32 $0x108;
	s8 =	sld [smem:$0x3FB3]  }
0x2e: {  	s3 =	simm.s32 @!p0 $0x1082;
	s9 =	sld [smem:$0x3FB4]  }
0x2f: {  	lr =	sadd.s32 s0, s3;
	s0 =	sld [smem:$0x3FAB]  }
0x30: {  	s3 =	sld [smem:$0x3FAE]  }
0x31: {  	[smem:$0x3FB7] =	sst s10  }
0x32: {  	s10 =	sld [smem:$0x3FB5];
	_ =	sdelay $0x3  }
0x33: {  	p0 =	seq.s32 s10, $0x1;
	s10 =	sld [smem:$0x3FB7];
	_ =	sdelay $0x3  }
0x34: {  	[smem:$0x3FB7] =	sst s10  }
0x35: {  	s10 =	sld [smem:$0x3FB6];
	_ =	sdelay $0x3  }
0x36: {  	p1 =	seq.s32 s10, $0x1;
	s10 =	sld [smem:$0x3FB7];
	_ =	sdelay $0x3  }
0x37: {  	[smem:$0x3FB7] =	sst s10  }
0x38: {  	s10 =	sld [smem:$0x3FB8]  }
0x39: {  	_ = 	snop;
	(pc) =	sbr.ind lr, $3  }
0x3a: {  	_ = 	snop  }
0x3b: {  	_ = 	snop  }
0x3c: {  	p2 =	seq.s32 s10, $0x1;
	s10 =	sld [smem:$0x3FB7]  }
0x3d: {  	_ =	shalt  }
0x3e: {  	_ =	shalt  }
0x3f: {  	_ =	shalt  }
0x40: {  	_ =	shalt  }
0x41: {  	_ =	shalt  }
0x42: {  	_ =	shalt  }
0x43: {  	_ =	shalt  }
0x44: {  	_ =	shalt  }
0x45: {  	_ =	shalt  }
0x46: {  	_ =	shalt  }
0x47: {  	_ =	shalt  }
0x48: {  	_ =	shalt  }
0x49: {  	_ =	shalt  }
0x4a: {  	_ =	shalt  }
0x4b: {  	_ =	shalt  }
0x4c: {  	_ =	shalt  }
0x4d: {  	_ =	shalt  }
0x4e: {  	_ =	shalt  }
0x4f: {  	_ =	shalt  }
0x50: {  	_ =	shalt  }
0x51: {  	_ =	shalt  }
0x52: {  	_ =	shalt  }
0x53: {  	_ =	shalt  }
0x54: {  	_ =	shalt  }
0x55: {  	_ =	shalt  }
0x56: {  	_ =	shalt  }
0x57: {  	_ =	shalt  }
0x58: {  	_ =	shalt  }
0x59: {  	_ =	shalt  }
0x5a: {  	_ =	shalt  }
0x5b: {  	_ =	shalt  }
0x5c: {  	_ =	shalt  }
0x5d: {  	_ =	shalt  }
0x5e: {  	_ =	shalt  }
0x5f: {  	_ =	shalt  }
0x60: {  	_ =	shalt  }
0x61: {  	_ =	shalt  }
0x62: {  	_ =	shalt  }
0x63: {  	_ =	shalt  }
0x64: {  	_ =	shalt  }
0x65: {  	_ =	shalt  }
0x66: {  	_ =	shalt  }
0x67: {  	_ =	shalt  }
0x68: {  	_ =	shalt  }
0x69: {  	_ =	shalt  }
0x6a: {  	_ =	shalt  }
0x6b: {  	_ =	shalt  }
0x6c: {  	_ =	shalt  }
0x6d: {  	_ =	shalt  }
0x6e: {  	_ =	shalt  }
0x6f: {  	_ =	shalt  }
0x70: {  	_ =	shalt  }
0x71: {  	_ =	shalt  }
0x72: {  	_ =	shalt  }
0x73: {  	_ =	shalt  }
0x74: {  	_ =	shalt  }
0x75: {  	_ =	shalt  }
0x76: {  	_ =	shalt  }
0x77: {  	_ =	shalt  }
0x78: {  	_ =	shalt  }
0x79: {  	_ =	shalt  }
0x7a: {  	_ =	shalt  }
0x7b: {  	_ =	shalt  }
0x7c: {  	_ =	shalt  }
0x7d: {  	_ =	shalt  }
0x7e: {  	_ =	shalt  }
0x7f: {  	_ =	shalt  }
0x80: {  	_ =	shalt  }
0x81: {  	_ =	shalt  }
0x82: {  	_ =	shalt  }
0x83: {  	_ =	shalt  }
0x84: {  	_ =	shalt  }
0x85: {  	_ =	shalt  }
0x86: {  	_ =	shalt  }
0x87: {  	_ =	shalt  }
.Lfunc_end0:
.L_simem_size_0:
called_computation_lowered:
.L_overlay_start_0:
0x88: {  	s2 =	sld [smem:$0x3FD9]  }
0x89: {  	s3 =	sld [smem:$0x3FFE];
	_ =	sdelay $0x1  }
0x8a: {  	s1 =	srdreg.scid  }
0x8b: {  	s0 =	sand.u32 $0x1, s1  }
0x8c: {  	s14 =	sshll.u32 s0, $0xA;
	s2 =	sadd.s32 s3, s2  }
0x8d: {  	s2 =	sadd.s32 s2, s14  }
0x8e: {  	[smem:$0x3FC3] =	sst s2  }
0x8f: {  	_ = 	snop  }
0x90: {  	s2 =	sld [smem:$0x3FD0];
	_ =	sdelay $0x2  }
0x91: {  	s15 =	simm.s32 $0xA;
	s4 =	simm.s32 $0x10  }
0x92: {  	[smem:s4], [sflag:s15] =	dma.local [hbm:s2], $0x1  }
0x93: {  	_ =	swait.eq [sflag:s15], $0x1  }
0x94: {  	[sflag:s15] =	ssyncset.done $0x0  }
0x95: {  	s16 =	sld [smem:$0x10];
	[sflag:s15] =	ssyncadd.s32 $0xFFFFFFFF  }
0x96: {  	s17 =	sld [smem:$0x11];
	(tm) =	ssettm $0x1  }
0x97: {  	s18 =	sld [smem:$0x3FFB];
	_ =	sdelay $0x3  }
0x98: {  	_ =	strace s18  }
0x99: {  	s4 =	sld [smem:$0x3FFC];
	_ =	sdelay $0x3  }
0x9a: {  	_ =	strace s4  }
0x9b: {  	s4 =	sld [smem:$0x3FFD];
	_ =	sdelay $0x3  }
0x9c: {  	_ =	strace s4  }
0x9d: {  	_ =	strace $0x8FFFFFFF  }
0x9e: {  	s19 =	sld [smem:$0x3FDB];
	_ =	sdelay $0x1  }
0x9f: {  	s5 =	simm.s32 $_scs_section_size  }
0xa0: {  	s6 =	simm.s32 $_size__tile_overlayer_lowered;
	s7 =	simm.s32 $_tile_overlayer_lowered  }
0xa1: {  	s22 =	simm.s32 $0x1BFF;
	s21 =	sshll.u32 s7, $0x1;
	s4 =	sadd.s32 s5, s19  }
0xa2: {  	s8 =	simm.s32 $0x0;
	s20 =	sshll.u32 s6, $0x1;
	s6 =	sadd.s32 s21, s4  }
0xa3: {  	[timem:s8], [sflag:s22] =	dma.local [hbm:s6], s20  }
0xa4: {  	_ =	swait.ge [sflag:s22], s20  }
0xa5: {  	s5 =	ssub.s32 $0x0, s20;
	[sflag:s22] =	ssyncset.done $0x0  }
0xa6: {  	[sflag:s22] =	ssyncadd.s32 s5;
	_ =	sdelay $0x1  }
0xa7: {  	s23 =	simm.s32 $0x1B8B  }
0xa8: {  	_ =	swait.ge [sflag:s23], $0x1  }
0xa9: {  	[sflag:s23] =	ssyncset.done $0x0  }
0xaa: {  	s25 =	simm.s32 $0x1B8E;
	s24 =	sld [smem:$0x3FFE];
	[sflag:s23] =	ssyncadd.s32 $0xFFFFFFFF  }
0xab: {  	s26 =	simm.s32 $execute0_lowered;
	[smem:$0x3FD2] =	sst s25  }
0xac: {  	s6 =	sshll.u32 s26, $0x1;
	_ =	strace $0x80000046;
	[dreg:$0x1] =	wrdreg $0xFFFFFFFF  }
0xad: {  	s28 =	simm.s32 $_size_execute0_lowered;
	s4 =	sadd.s32 s4, s6;
	[dreg:$0x0] =	wrdreg $0x0  }
0xae: {  	s6 =	sshll.u32 s28, $0x1;
	[dreg:$0x2] =	wrdreg s4  }
0xaf: {  	[dreg:$0x3] =	wrdreg s6  }
0xb0: {  	[dreg:$0x4] =	wrdreg $0xC0  }
0xb1: {  	_ =	task [dreg:s8], $0x5FFFF  }
0xb2: {  	[dreg:$0x1] =	wrdreg $0xFFFFFFFF  }
0xb3: {  	[dreg:$0x0] =	wrdreg $0x60  }
0xb4: {  	[dreg:$0x2] =	wrdreg s24  }
0xb5: {  	[dreg:$0x3] =	wrdreg s16  }
0xb6: {  	[dreg:$0x4] =	wrdreg s17  }
0xb7: {  	[dreg:$0x5] =	wrdreg $0x9  }
0xb8: {  	_ =	task.clear_ibuf [dreg:s8], $0x6FFFF;
	_ =	strace $0x90000046  }
0xb9: {  	s29 =	simm.s32 $0x9;
	_ =	strace $0x80000048  }
0xba: {  	_ =	swait.ge [sflag:s29], $0x1  }
0xbb: {  	[sflag:s29] =	ssyncadd.s32 $0xFFFFFFFF  }
0xbc: {  	_ =	strace $0x90000048  }
0xbd: {  	_ =	sfence  }
0xbe: {  	s30 =	sld [smem:$0x0];
	_ =	sdelay $0x2  }
0xbf: {  	s31 =	sshll.u32 s1, $0xD;
	s1 =	sshrl.u32 s1, $0x2  }
0xc0: {  	s3 =	sand.u32 $0x4000, s31;
	s1 =	sadd.s32 s1, s30  }
0xc1: {  	s0 =	sor.u32 s3, s0;
	s1 =	sshll.u32 s1, $0x11  }
0xc2: {  	s0 =	sor.u32 s1, s0  }
0xc3: {  	s0 =	sadd.s32 $0x8F2B, s0  }
0xc4: {  	[sflag:s0] =	ssyncadd.remote.s32 $0x1  }
0xc5: {  	_ =	sfence.sel $0xFFFF  }
0xc6: {  	[dreg:$0x0] =	wrdreg $0xFFFFFFFF;
	(pc) =	sbr.abs _section_cstart, $3  }
0xc7: {  	[dreg:$0x1] =	wrdreg $0xFFFFFFFF  }
0xc8: {  	_ =	task.clear_ibuf [dreg:s8], $0x2FFFF;
	_ =	strace $0x9FFFFFFF  }
0xc9: {  	(tm) =	ssettm $0x7FFFFFFF  }
tec
execute0_lowered:
.L_overlay_start_1:
0x0: {  	(tag) =	ssettag $0x1  }
0x1: {  	v32 =	vlaneseq.u32  }
0x2: {  	v0 =	vmul.u32 $0x11, v32;
	_ =	sdelay $0x1  }
0x3: {  	v1 =	vadd.s32 $0x1540, v0  }
0x4: {  	[tilespmem:$0x1FD50] =	vst v1;
	v1 =	vadd.s32 $0x1541, v0  }
0x5: {  	[tilespmem:$0x1FD60] =	vst v1;
	v1 =	vadd.s32 $0x1542, v0  }
0x6: {  	[tilespmem:$0x1FD70] =	vst v1;
	v1 =	vadd.s32 $0x1543, v0  }
0x7: {  	[tilespmem:$0x1FD80] =	vst v1;
	v1 =	vadd.s32 $0x1544, v0  }
0x8: {  	[tilespmem:$0x1FD90] =	vst v1;
	v1 =	vadd.s32 $0x1545, v0  }
0x9: {  	[tilespmem:$0x1FDA0] =	vst v1;
	v1 =	vadd.s32 $0x1546, v0  }
0xa: {  	[tilespmem:$0x1FDB0] =	vst v1;
	v1 =	vadd.s32 $0x1547, v0  }
0xb: {  	[tilespmem:$0x1FDC0] =	vst v1;
	v1 =	vadd.s32 $0x1548, v0  }
0xc: {  	[tilespmem:$0x1FDD0] =	vst v1;
	v1 =	vadd.s32 $0x1549, v0  }
0xd: {  	[tilespmem:$0x1FDE0] =	vst v1;
	v1 =	vadd.s32 $0x154A, v0  }
0xe: {  	[tilespmem:$0x1FDF0] =	vst v1;
	v1 =	vadd.s32 $0x154B, v0  }
0xf: {  	[tilespmem:$0x1FE00] =	vst v1;
	v1 =	vadd.s32 $0x154C, v0  }
0x10: {  	[tilespmem:$0x1FE10] =	vst v1;
	v1 =	vadd.s32 $0x154D, v0  }
0x11: {  	[tilespmem:$0x1FE20] =	vst v1;
	v1 =	vadd.s32 $0x154E, v0  }
0x12: {  	[tilespmem:$0x1FE30] =	vst v1;
	v1 =	vadd.s32 $0x154F, v0  }
0x13: {  	[tilespmem:$0x1FE40] =	vst v1;
	v1 =	vadd.s32 $0x1, v0  }
0x14: {  	s1 =	rddreg [dreg:$0x0];
	s4 =	stileid.u32;
	[tilespmem:$0x1FE50] =	vst v1;
	v1 =	vadd.s32 $0x2, v0  }
0x15: {  	s0 =	rddreg [dreg:$0x1];
	s5 =	sshll.u32 s4, $0x1;
	s4 =	simm.s32 $0x0;
	[tilespmem:$0x1FE60] =	vst v1;
	v1 =	vadd.s32 $0x3, v0  }
0x16: {  	[smem:$0x7FF] =	sst s4;
	[tilespmem:$0x1FE70] =	vst v1;
	v1 =	vadd.s32 $0x4, v0  }
0x17: {  	s3 =	rddreg [dreg:$0x2];
	_ =	strace $0x80000047;
	[tilespmem:$0x1FE80] =	vst v1;
	v1 =	vadd.s32 $0x5, v0  }
0x18: {  	[tilespmem:$0x1FE90] =	vst v1;
	v1 =	vadd.s32 $0x6, v0  }
0x19: {  	[tilespmem:$0x1FEA0] =	vst v1;
	v1 =	vadd.s32 $0x7, v0  }
0x1a: {  	[tilespmem:$0x1FEB0] =	vst v1;
	v1 =	vadd.s32 $0x8, v0  }
0x1b: {  	[tilespmem:$0x1FEC0] =	vst v1;
	v1 =	vadd.s32 $0x9, v0  }
0x1c: {  	[tilespmem:$0x1FED0] =	vst v1;
	v1 =	vadd.s32 $0xA, v0  }
0x1d: {  	[tilespmem:$0x1FEE0] =	vst v1;
	v1 =	vadd.s32 $0xB, v0  }
0x1e: {  	[tilespmem:$0x1FEF0] =	vst v1;
	v1 =	vadd.s32 $0xC, v0  }
0x1f: {  	[tilespmem:$0x1FF00] =	vst v1;
	v1 =	vadd.s32 $0xD, v0  }
0x20: {  	[tilespmem:$0x1FF10] =	vst v1;
	v1 =	vadd.s32 $0xE, v0  }
0x21: {  	[tilespmem:$0x1FF20] =	vst v1;
	v1 =	vadd.s32 $0xF, v0  }
0x22: {  	[tilespmem:$0x1FF30] =	vst v1;
	v1 =	vadd.s32 $0x110, v0  }
0x23: {  	[tilespmem:$0x1FF40] =	vst v1;
	v1 =	vadd.s32 $0x111, v0  }
0x24: {  	[tilespmem:$0x1FF50] =	vst v1;
	v1 =	vadd.s32 $0x112, v0  }
0x25: {  	s2 =	srdreg.scid;
	s12 =	simm.s32 $0x5;
	s13 =	simm.s32 $0x2800;
	[tilespmem:$0x1FF60] =	vst v1;
	v1 =	vadd.s32 $0x113, v0  }
0x26: {  	s14 =	simm.s32 $0x5000;
	s15 =	simm.s32 $0x50;
	s28 =	simm.s32 $0x28F0;
	[tilespmem:$0x1FF70] =	vst v1;
	v1 =	vadd.s32 $0x114, v0  }
0x27: {  	s29 =	simm.s32 $0xDE00;
	s30 =	simm.s32 $0x10;
	s31 =	simm.s32 $0xF200;
	[tilespmem:$0x1FF80] =	vst v1;
	v1 =	vadd.s32 $0x115, v0  }
0x28: {  	s16 =	simm.s32 $0x4;
	s17 =	simm.s32 $0x0;
	s2 =	sand.u32 $0x1, s2;
	v32 =	vmul.u32 $0x14, v32;
	v45 =	vadd.s32 $0x11C, v0;
	[tilespmem:$0x1FF90] =	vst v1;
	v1 =	vadd.s32 $0x116, v0  }
0x29: {  	s6 =	sadd.s32 $0xF80E00, s1;
	s10 =	sor.u32 s2, s5;
	s2 =	ssub.s32 $0x2, s2;
	v46 =	vadd.s32 $0x11D, v0;
	v47 =	vadd.s32 $0x11E, v0;
	[tilespmem:$0x1FFA0] =	vst v1;
	v1 =	vadd.s32 $0x117, v0  }
0x2a: {  	s5 =	smul.u32 $0x500, s10;
	s25 =	sshll.u32 s10, $0x6;
	s7 =	sshrl.u32 s2, $0x1;
	v48 =	vadd.s32 $0x11F, v0;
	v50 =	vadd.s32 $0x220, v0;
	[tilespmem:$0x1FFB0] =	vst v1;
	v1 =	vadd.s32 $0x118, v0  }
0x2b: {  	s10 =	sshll.u32 s10, $0x9;
	v51 =	vadd.s32 $0x221, v0;
	v52 =	vadd.s32 $0x222, v0;
	s9 =	sadd.s32 s25, s1;
	s26 =	ssub.s32 s2, s7;
	[tilespmem:$0x1FFC0] =	vst v1;
	v1 =	vadd.s32 $0x119, v0  }
0x2c: {  	v49 =	vor.u32 $0x1, v32;
	v53 =	vadd.s32 $0x223, v0;
	s2 =	simm.s32 $0x19A00;
	s8 =	sadd.s32 s5, s1;
	s5 =	sadd.s32 $0x1740E00, s1;
	[tilespmem:$0x1FFD0] =	vst v1;
	v1 =	vadd.s32 $0x11A, v0  }
0x2d: {  	v54 =	vadd.s32 $0x224, v0;
	v55 =	vadd.s32 $0x225, v0;
	s9 =	sadd.s32 $0x14E00, s9;
	s11 =	smax.u32 s26, $0x1;
	s26 =	simm.s32 $0x8E00;
	[tilespmem:$0x1FFE0] =	vst v1;
	v1 =	vadd.s32 $0x11B, v0  }
0x2e: {  	v56 =	vadd.s32 $0x226, v0;
	v57 =	vadd.s32 $0x227, v0;
	v58 =	vadd.s32 $0x228, v0;
	s1 =	simm.s32 $0x3;
	s7 =	sadd.s32 $0xAE00, s8;
	s8 =	sadd.s32 $0xE00, s8;
	[tilespmem:$0x1FFF0] =	vst v1  }
.LBB2_1:
0x2f: {  	[tilespmem:s4], [sflag:$0x5] =	stream.linear.gather [hbm4b:s7+s4], $0x2800, $0x38;
	[tilespmem:$0x1B2F0] =	vst v63  }
0x30: {  	_ =	swait.ge [sflag:s12], $0x2800  }
0x31: {  	[sflag:s12] =	ssyncset.done $0x0  }
0x32: {  	[sflag:s12] =	ssyncadd.s32 $0xFFFFD800  }
0x33: {  	[tilespmem:s13], [sflag:$0x5] =	stream.linear.gather [hbm4b:s8+s4], $0x2800, $0x38;
	[tilespmem:$0x1B2F0] =	vst v63  }
0x34: {  	_ =	swait.ge [sflag:s12], $0x2800  }
0x35: {  	[sflag:s12] =	ssyncset.done $0x0  }
0x36: {  	[sflag:s12] =	ssyncadd.s32 $0xFFFFD800  }
0x37: {  	[tilespmem:s14], [sflag:$0x5] =	stream.linear.gather [hbm4b:s9+s4], $0x200, $0x38;
	[tilespmem:$0x1B2F0] =	vst v63  }
0x38: {  	_ =	swait.ge [sflag:s12], $0x200  }
0x39: {  	[sflag:s12] =	ssyncset.done $0x0  }
0x3a: {  	s18 =	simm.s32 $0x5200;
	[sflag:s12] =	ssyncadd.s32 $0xFFFFFE00  }
0x3b: {  	[tilespmem:s18], [sflag:$0x1] =	stream.indirect.gather [hbm4b:s5+s15], $0x40, s4, s15, $0xb8;
	[tilespmem:$0x1B2F0] =	vst v63  }
0x3c: {  	s25 =	simm.s32 $0xA200  }
0x3d: {  	[tilespmem:s25], [sflag:$0x1] =	stream.indirect.gather [hbm4b:s6+s15], $0x40, s13, s15, $0xb8;
	[tilespmem:$0x1B2F0] =	vst v63  }
0x3e: {  	s19 =	simm.s32 $0x6600  }
0x3f: {  	[tilespmem:s19], [sflag:$0x1] =	stream.indirect.gather [hbm4b:s5+s15], $0x40, s15, s15, $0xb8;
	[tilespmem:$0x1B2F0] =	vst v63  }
0x40: {  	s20 =	simm.s32 $0x2850;
	s19 =	simm.s32 $0xB600  }
0x41: {  	[tilespmem:s19], [sflag:$0x1] =	stream.indirect.gather [hbm4b:s6+s15], $0x40, s20, s15, $0xb8;
	[tilespmem:$0x1B2F0] =	vst v63  }
0x42: {  	s21 =	simm.s32 $0xA0;
	s22 =	simm.s32 $0x7A00  }
0x43: {  	[tilespmem:s22], [sflag:$0x1] =	stream.indirect.gather [hbm4b:s5+s15], $0x40, s21, s15, $0xb8;
	[tilespmem:$0x1B2F0] =	vst v63  }
0x44: {  	s23 =	simm.s32 $0x28A0;
	s24 =	simm.s32 $0xCA00  }
0x45: {  	[tilespmem:s24], [sflag:$0x1] =	stream.indirect.gather [hbm4b:s6+s15], $0x40, s23, s15, $0xb8;
	[tilespmem:$0x1B2F0] =	vst v63  }
0x46: {  	s25 =	simm.s32 $0xF0  }
0x47: {  	[tilespmem:s26], [sflag:$0x1] =	stream.indirect.gather [hbm4b:s5+s15], $0x40, s25, s15, $0xb8;
	[tilespmem:$0x1B2F0] =	vst v63  }
0x48: {  	_ = 	snop  }
0x49: {  	[tilespmem:s29], [sflag:$0x1] =	stream.indirect.gather [hbm4b:s6+s15], $0x40, s28, s15, $0xb8;
	[tilespmem:$0x1B2F0] =	vst v63  }
0x4a: {  	p0 =	por $0x0, $0x0;
	s18 =	simm.s32 $0x0  }
0x4b: {  	[tilespmem:s31], [sflag:$0x1] =	stream.indirect.gather [hbm4b:s6+s30], $0x40, s14, s30, $0xb8;
	[tilespmem:$0x1B2F0] =	vst v63  }
.LBB2_2:
0x4c: {  	p1 =	seq.s32 s18, $0x1F  }
0x4d: {  	s19 =	sadd.s32 @!p1 $0x1, s18  }
0x4e: {  	s20 =	sand.u32 @!p1 $0x1, s19  }
0x4f: {  	s21 =	smul.u32 @!p1 $0x29000, s20;
	_ =	sdelay $0x1  }
0x50: {  	s22 =	smul.u32 @!p1 $0x140, s19;
	s21 =	sshrl.u32 @!p1 s21, $0x2  }
0x51: {  	s24 =	simm.s32 @!p1 $0x50;
	s20 =	sadd.s32 @!p1 $0x1, s20;
	s23 =	sadd.s32 @!p1 $0x5200, s21  }
0x52: {  	[tilespmem:s23], [sflag:s20] =	stream.indirect.gather @!p1 [hbm4b:s5+s24], $0x40, s22, s24, $0xb8;
	[tilespmem:$0x1B2F0] =	vst v63  }
0x53: {  	s25 =	sadd.s32 @!p1 $0x2800, s22;
	s23 =	sadd.s32 @!p1 $0xA200, s21  }
0x54: {  	[tilespmem:s23], [sflag:s20] =	stream.indirect.gather @!p1 [hbm4b:s6+s24], $0x40, s25, s24, $0xb8;
	[tilespmem:$0x1B2F0] =	vst v63  }
0x55: {  	s23 =	sadd.s32 @!p1 $0x6600, s21;
	s25 =	sadd.s32 @!p1 $0x50, s22  }
0x56: {  	[tilespmem:s23], [sflag:s20] =	stream.indirect.gather @!p1 [hbm4b:s5+s24], $0x40, s25, s24, $0xb8;
	[tilespmem:$0x1B2F0] =	vst v63  }
0x57: {  	s23 =	sadd.s32 @!p1 $0xB600, s21;
	s25 =	sadd.s32 @!p1 $0x2850, s22  }
0x58: {  	[tilespmem:s23], [sflag:s20] =	stream.indirect.gather @!p1 [hbm4b:s6+s24], $0x40, s25, s24, $0xb8;
	[tilespmem:$0x1B2F0] =	vst v63  }
0x59: {  	s23 =	sadd.s32 @!p1 $0x7A00, s21;
	s25 =	sadd.s32 @!p1 $0xA0, s22  }
0x5a: {  	[tilespmem:s23], [sflag:s20] =	stream.indirect.gather @!p1 [hbm4b:s5+s24], $0x40, s25, s24, $0xb8;
	[tilespmem:$0x1B2F0] =	vst v63  }
0x5b: {  	s23 =	sadd.s32 @!p1 $0xCA00, s21;
	s25 =	sadd.s32 @!p1 $0x28A0, s22  }
0x5c: {  	[tilespmem:s23], [sflag:s20] =	stream.indirect.gather @!p1 [hbm4b:s6+s24], $0x40, s25, s24, $0xb8;
	[tilespmem:$0x1B2F0] =	vst v63  }
0x5d: {  	s23 =	sadd.s32 @!p1 $0x8E00, s21;
	s25 =	sadd.s32 @!p1 $0xF0, s22  }
0x5e: {  	[tilespmem:s23], [sflag:s20] =	stream.indirect.gather @!p1 [hbm4b:s5+s24], $0x40, s25, s24, $0xb8;
	[tilespmem:$0x1B2F0] =	vst v63  }
0x5f: {  	s22 =	sadd.s32 @!p1 $0x28F0, s22;
	s23 =	sadd.s32 @!p1 $0xDE00, s21  }
0x60: {  	[tilespmem:s23], [sflag:s20] =	stream.indirect.gather @!p1 [hbm4b:s6+s24], $0x40, s22, s24, $0xb8;
	[tilespmem:$0x1B2F0] =	vst v63  }
0x61: {  	s22 =	sshll.u32 @!p1 s19, $0x4  }
0x62: {  	s21 =	sadd.s32 @!p1 $0xF200, s21;
	s22 =	sand.u32 @!p1 $0x3FFFFFF0, s22  }
0x63: {  	s19 =	sand.u32 $0x1, s18;
	s23 =	simm.s32 @!p1 $0x10;
	s22 =	sadd.s32 @!p1 $0x5000, s22  }
0x64: {  	[tilespmem:s21], [sflag:s20] =	stream.indirect.gather @!p1 [hbm4b:s6+s23], $0x40, s22, s23, $0xb8;
	[tilespmem:$0x1B2F0] =	vst v63  }
0x65: {  	s22 =	sadd.s32 $0x1, s19  }
0x66: {  	_ =	swait.ge [sflag:s22], $0x1400  }
0x67: {  	[sflag:s22] =	ssyncset.done $0x0  }
0x68: {  	[sflag:s22] =	ssyncadd.s32 $0xFFFFEC00  }
0x69: {  	_ =	swait.ge [sflag:s22], $0x1400  }
0x6a: {  	[sflag:s22] =	ssyncset.done $0x0  }
0x6b: {  	[sflag:s22] =	ssyncadd.s32 $0xFFFFEC00  }
0x6c: {  	_ =	swait.ge [sflag:s22], $0x1400  }
0x6d: {  	[sflag:s22] =	ssyncset.done $0x0  }
0x6e: {  	[sflag:s22] =	ssyncadd.s32 $0xFFFFEC00  }
0x6f: {  	_ =	swait.ge [sflag:s22], $0x1400  }
0x70: {  	[sflag:s22] =	ssyncset.done $0x0  }
0x71: {  	[sflag:s22] =	ssyncadd.s32 $0xFFFFEC00  }
0x72: {  	_ =	swait.ge [sflag:s22], $0x1400  }
0x73: {  	[sflag:s22] =	ssyncset.done $0x0  }
0x74: {  	[sflag:s22] =	ssyncadd.s32 $0xFFFFEC00  }
0x75: {  	_ =	swait.ge [sflag:s22], $0x1400  }
0x76: {  	[sflag:s22] =	ssyncset.done $0x0  }
0x77: {  	s20 =	simm.s32 $0x1;
	[sflag:s22] =	ssyncadd.s32 $0xFFFFEC00  }
0x78: {  	s20 =	simm.s32 @!p0 $0x0;
	_ =	swait.ge [sflag:s22], $0x1400  }
0x79: {  	s23 =	smul.u32 $0x29000, s20;
	[sflag:s22] =	ssyncset.done $0x0  }
0x7a: {  	[sflag:s22] =	ssyncadd.s32 $0xFFFFEC00  }
0x7b: {  	s25 =	sshrl.u32 s23, $0x2;
	_ =	swait.ge [sflag:s22], $0x1400  }
0x7c: {  	v59 =	vmov s25;
	[sflag:s22] =	ssyncset.done $0x0  }
0x7d: {  	[sflag:s22] =	ssyncadd.s32 $0xFFFFEC00  }
0x7e: {  	s24 =	sshll.u32 s18, $0x4;
	s21 =	simm.s32 $0x5200;
	_ =	swait.ge [sflag:s22], $0x400  }
0x7f: {  	s20 =	sadd.s32 s10, s24;
	s24 =	simm.s32 $0x5200;
	[sflag:s22] =	ssyncset.done $0x0  }
0x80: {  	s23 =	simm.s32 $0x19A00;
	[sflag:s22] =	ssyncadd.s32 $0xFFFFFC00;
	s22 =	simm.s32 $0x0  }
.LBB2_3:
0x81: {  	v60 =	vld.idx.msk [tilespmem:v59+s21+$0x0 ss:$0x1], $0xffff  }
0x82: {  	v61 =	vld.idx.msk [tilespmem:v59+s21+$0x10 ss:$0x1], $0xffff  }
0x83: {  	v62 =	vld.idx.msk [tilespmem:v59+s21+$0x20 ss:$0x1], $0xffff  }
0x84: {  	v63 =	vld.idx.msk [tilespmem:v59+s21+$0x30 ss:$0x1], $0xffff  }
0x85: {  	v1 =	vld.idx.msk [tilespmem:v59+s21+$0x40 ss:$0x1], $0xffff  }
0x86: {  	v2 =	vld.idx.msk [tilespmem:v59+s21+$0x50 ss:$0x1], $0xffff  }
0x87: {  	v3 =	vld.idx.msk [tilespmem:v59+s21+$0x60 ss:$0x1], $0xffff  }
0x88: {  	v4 =	vld.idx.msk [tilespmem:v59+s21+$0x70 ss:$0x1], $0xffff  }
0x89: {  	v5 =	vld.idx.msk [tilespmem:v59+s21+$0x80 ss:$0x1], $0xffff  }
0x8a: {  	v6 =	vld.idx.msk [tilespmem:v59+s21+$0x90 ss:$0x1], $0xffff  }
0x8b: {  	v7 =	vld.idx.msk [tilespmem:v59+s21+$0xA0 ss:$0x1], $0xffff  }
0x8c: {  	v8 =	vld.idx.msk [tilespmem:v59+s21+$0xB0 ss:$0x1], $0xffff  }
0x8d: {  	v9 =	vld.idx.msk [tilespmem:v59+s21+$0xC0 ss:$0x1], $0xffff  }
0x8e: {  	v10 =	vld.idx.msk [tilespmem:v59+s21+$0xD0 ss:$0x1], $0xffff  }
0x8f: {  	v11 =	vld.idx.msk [tilespmem:v59+s21+$0xE0 ss:$0x1], $0xffff  }
0x90: {  	v12 =	vld.idx.msk [tilespmem:v59+s21+$0xF0 ss:$0x1], $0xffff  }
0x91: {  	v13 =	vld.idx.msk [tilespmem:v59+s21+$0x100 ss:$0x1], $0xffff  }
0x92: {  	v14 =	vld.idx.msk [tilespmem:v59+s21+$0x110 ss:$0x1], $0xffff  }
0x93: {  	v15 =	vld.idx.msk [tilespmem:v59+s21+$0x120 ss:$0x1], $0xffff  }
0x94: {  	v16 =	vld.idx.msk [tilespmem:v59+s21+$0x130 ss:$0x1], $0xffff  }
0x95: {  	v17 =	vld.idx.msk [tilespmem:v59+s21+$0x140 ss:$0x1], $0xffff  }
0x96: {  	v18 =	vld.idx.msk [tilespmem:v59+s21+$0x150 ss:$0x1], $0xffff  }
0x97: {  	v19 =	vld.idx.msk [tilespmem:v59+s21+$0x160 ss:$0x1], $0xffff  }
0x98: {  	v20 =	vld.idx.msk [tilespmem:v59+s21+$0x170 ss:$0x1], $0xffff  }
0x99: {  	v21 =	vld.idx.msk [tilespmem:v59+s21+$0x180 ss:$0x1], $0xffff  }
0x9a: {  	v22 =	vld.idx.msk [tilespmem:v59+s21+$0x190 ss:$0x1], $0xffff  }
0x9b: {  	v23 =	vld.idx.msk [tilespmem:v59+s21+$0x1A0 ss:$0x1], $0xffff  }
0x9c: {  	v24 =	vld.idx.msk [tilespmem:v59+s21+$0x1B0 ss:$0x1], $0xffff  }
0x9d: {  	v25 =	vld.idx.msk [tilespmem:v59+s21+$0x1C0 ss:$0x1], $0xffff  }
0x9e: {  	v26 =	vld.idx.msk [tilespmem:v59+s21+$0x1D0 ss:$0x1], $0xffff  }
0x9f: {  	v27 =	vld.idx.msk [tilespmem:v59+s21+$0x1E0 ss:$0x1], $0xffff  }
0xa0: {  	v28 =	vld.idx.msk [tilespmem:v59+s21+$0x1F0 ss:$0x1], $0xffff  }
0xa1: {  	v29 =	vld.idx.msk [tilespmem:v59+s21+$0x200 ss:$0x1], $0xffff  }
0xa2: {  	v30 =	vld.idx.msk [tilespmem:v59+s21+$0x210 ss:$0x1], $0xffff  }
0xa3: {  	v31 =	vld.idx.msk [tilespmem:v59+s21+$0x220 ss:$0x1], $0xffff  }
0xa4: {  	v33 =	vld.idx.msk [tilespmem:v59+s21+$0x230 ss:$0x1], $0xffff  }
0xa5: {  	v34 =	vld.idx.msk [tilespmem:v59+s21+$0x240 ss:$0x1], $0xffff  }
0xa6: {  	v35 =	vld.idx.msk [tilespmem:v59+s21+$0x250 ss:$0x1], $0xffff  }
0xa7: {  	v36 =	vld.idx.msk [tilespmem:v59+s21+$0x260 ss:$0x1], $0xffff  }
0xa8: {  	v37 =	vld.idx.msk [tilespmem:v59+s21+$0x270 ss:$0x1], $0xffff  }
0xa9: {  	v38 =	vld.idx.msk [tilespmem:v59+s21+$0x280 ss:$0x1], $0xffff  }
0xaa: {  	v39 =	vld.idx.msk [tilespmem:v59+s21+$0x290 ss:$0x1], $0xffff  }
0xab: {  	v40 =	vld.idx.msk [tilespmem:v59+s21+$0x2A0 ss:$0x1], $0xffff  }
0xac: {  	v41 =	vld.idx.msk [tilespmem:v59+s21+$0x2B0 ss:$0x1], $0xffff  }
0xad: {  	v42 =	vld.idx.msk [tilespmem:v59+s21+$0x2C0 ss:$0x1], $0xffff  }
0xae: {  	v43 =	vld.idx.msk [tilespmem:v59+s21+$0x2D0 ss:$0x1], $0xffff  }
0xaf: {  	v44 =	vld.idx.msk [tilespmem:v59+s21+$0x2E0 ss:$0x1], $0xffff  }
0xb0: {  	v1 =	vadd.f32 v1, v60;
	v2 =	vadd.f32 v2, v61;
	v60 =	vld.idx.msk [tilespmem:v59+s21+$0x2F0 ss:$0x1], $0xffff  }
0xb1: {  	v3 =	vadd.f32 v3, v62;
	v4 =	vadd.f32 v4, v63;
	v61 =	vld.idx.msk [tilespmem:v59+s21+$0x300 ss:$0x1], $0xffff  }
0xb2: {  	v62 =	vld.idx.msk [tilespmem:v59+s21+$0x3A0 ss:$0x1], $0xffff;
	v1 =	vadd.f32 v5, v1;
	v2 =	vadd.f32 v6, v2  }
0xb3: {  	v63 =	vld.idx.msk [tilespmem:v59+s21+$0x3B0 ss:$0x1], $0xffff;
	v3 =	vadd.f32 v7, v3;
	v4 =	vadd.f32 v8, v4  }
0xb4: {  	v5 =	vld.idx.msk [tilespmem:v59+s21+$0x310 ss:$0x1], $0xffff;
	v1 =	vadd.f32 v9, v1;
	v2 =	vadd.f32 v10, v2  }
0xb5: {  	v6 =	vld.idx.msk [tilespmem:v59+s21+$0x320 ss:$0x1], $0xffff;
	v3 =	vadd.f32 v11, v3;
	v4 =	vadd.f32 v12, v4  }
0xb6: {  	v7 =	vld.idx.msk [tilespmem:v59+s21+$0x330 ss:$0x1], $0xffff;
	v1 =	vadd.f32 v13, v1;
	v2 =	vadd.f32 v14, v2  }
0xb7: {  	v8 =	vld.idx.msk [tilespmem:v59+s21+$0x340 ss:$0x1], $0xffff;
	v3 =	vadd.f32 v15, v3;
	v4 =	vadd.f32 v16, v4  }
0xb8: {  	v9 =	vld.idx.msk [tilespmem:v59+s21+$0x350 ss:$0x1], $0xffff;
	v1 =	vadd.f32 v17, v1;
	v2 =	vadd.f32 v18, v2  }
0xb9: {  	v10 =	vld.idx.msk [tilespmem:v59+s21+$0x360 ss:$0x1], $0xffff;
	v3 =	vadd.f32 v19, v3;
	v4 =	vadd.f32 v20, v4  }
0xba: {  	v11 =	vld.idx.msk [tilespmem:v59+s21+$0x370 ss:$0x1], $0xffff;
	v1 =	vadd.f32 v21, v1;
	v2 =	vadd.f32 v22, v2  }
0xbb: {  	v12 =	vld.idx.msk [tilespmem:v59+s21+$0x380 ss:$0x1], $0xffff;
	v3 =	vadd.f32 v23, v3;
	v4 =	vadd.f32 v24, v4  }
0xbc: {  	v13 =	vld.idx.msk [tilespmem:v59+s21+$0x390 ss:$0x1], $0xffff;
	v1 =	vadd.f32 v25, v1;
	v2 =	vadd.f32 v26, v2  }
0xbd: {  	v15 =	vld.idx.msk [tilespmem:v59+s21+$0x4F0 ss:$0x1], $0xffff;
	v3 =	vadd.f32 v27, v3;
	v4 =	vadd.f32 v28, v4  }
0xbe: {  	v28 =	vld.idx.msk [tilespmem:v59+s21+$0x3C0 ss:$0x1], $0xffff;
	v1 =	vadd.f32 v29, v1;
	v2 =	vadd.f32 v30, v2  }
0xbf: {  	v30 =	vld.idx.msk [tilespmem:v59+s21+$0x3D0 ss:$0x1], $0xffff;
	v3 =	vadd.f32 v31, v3;
	v4 =	vadd.f32 v33, v4  }
0xc0: {  	v31 =	vld.idx.msk [tilespmem:v59+s21+$0x3E0 ss:$0x1], $0xffff;
	v1 =	vadd.f32 v34, v1;
	v2 =	vadd.f32 v35, v2  }
0xc1: {  	v33 =	vld.idx.msk [tilespmem:v59+s21+$0x3F0 ss:$0x1], $0xffff;
	v3 =	vadd.f32 v36, v3;
	v4 =	vadd.f32 v37, v4  }
0xc2: {  	v34 =	vld.idx.msk [tilespmem:v59+s21+$0x400 ss:$0x1], $0xffff;
	v1 =	vadd.f32 v38, v1;
	v2 =	vadd.f32 v39, v2  }
0xc3: {  	v35 =	vld.idx.msk [tilespmem:v59+s21+$0x410 ss:$0x1], $0xffff;
	v3 =	vadd.f32 v40, v3;
	v4 =	vadd.f32 v41, v4  }
0xc4: {  	v36 =	vld.idx.msk [tilespmem:v59+s21+$0x420 ss:$0x1], $0xffff;
	v1 =	vadd.f32 v42, v1;
	v2 =	vadd.f32 v43, v2  }
0xc5: {  	v37 =	vld.idx.msk [tilespmem:v59+s21+$0x430 ss:$0x1], $0xffff;
	v3 =	vadd.f32 v44, v3;
	v4 =	vadd.f32 v60, v4  }
0xc6: {  	v38 =	vld.idx.msk [tilespmem:v59+s21+$0x440 ss:$0x1], $0xffff;
	v1 =	vadd.f32 v61, v1;
	v2 =	vadd.f32 v5, v2  }
0xc7: {  	v39 =	vld.idx.msk [tilespmem:v59+s21+$0x450 ss:$0x1], $0xffff;
	v3 =	vadd.f32 v6, v3;
	v4 =	vadd.f32 v7, v4  }
0xc8: {  	v40 =	vld.idx.msk [tilespmem:v59+s21+$0x460 ss:$0x1], $0xffff;
	v1 =	vadd.f32 v8, v1;
	v2 =	vadd.f32 v9, v2  }
0xc9: {  	v41 =	vld.idx.msk [tilespmem:v59+s21+$0x470 ss:$0x1], $0xffff;
	v3 =	vadd.f32 v10, v3;
	v4 =	vadd.f32 v11, v4  }
0xca: {  	v42 =	vld.idx.msk [tilespmem:v59+s21+$0x480 ss:$0x1], $0xffff;
	v1 =	vadd.f32 v12, v1;
	v2 =	vadd.f32 v13, v2  }
0xcb: {  	v43 =	vld.idx.msk [tilespmem:v59+s21+$0x490 ss:$0x1], $0xffff;
	v3 =	vadd.f32 v62, v3;
	v4 =	vadd.f32 v63, v4  }
0xcc: {  	v44 =	vld.idx.msk [tilespmem:v59+s21+$0x4A0 ss:$0x1], $0xffff;
	v1 =	vadd.f32 v28, v1;
	v2 =	vadd.f32 v30, v2  }
0xcd: {  	v60 =	vld.idx.msk [tilespmem:v59+s21+$0x4B0 ss:$0x1], $0xffff;
	v3 =	vadd.f32 v31, v3;
	v4 =	vadd.f32 v33, v4  }
0xce: {  	v61 =	vld.idx.msk [tilespmem:v59+s21+$0x4C0 ss:$0x1], $0xffff;
	v1 =	vadd.f32 v34, v1;
	v2 =	vadd.f32 v35, v2  }
0xcf: {  	v62 =	vld.idx.msk [tilespmem:v59+s21+$0x4D0 ss:$0x1], $0xffff;
	v3 =	vadd.f32 v36, v3;
	v4 =	vadd.f32 v37, v4  }
0xd0: {  	v63 =	vld.idx.msk [tilespmem:v59+s21+$0x4E0 ss:$0x1], $0xffff;
	v1 =	vadd.f32 v38, v1;
	v2 =	vadd.f32 v39, v2  }
0xd1: {  	v16 =	vld.idx.msk [tilespmem:v59+s24+$0xA000 ss:$0x1], $0xffff;
	v3 =	vadd.f32 v40, v3;
	v4 =	vadd.f32 v41, v4  }
0xd2: {  	v17 =	vld.idx.msk [tilespmem:v59+s24+$0xA010 ss:$0x1], $0xffff;
	v1 =	vadd.f32 v42, v1;
	v2 =	vadd.f32 v43, v2  }
0xd3: {  	v18 =	vld.idx.msk [tilespmem:v59+s24+$0xA020 ss:$0x1], $0xffff;
	v3 =	vadd.f32 v44, v3;
	v4 =	vadd.f32 v60, v4  }
0xd4: {  	v19 =	vld.idx.msk [tilespmem:v59+s24+$0xA030 ss:$0x1], $0xffff;
	v1 =	vadd.f32 v61, v1;
	v2 =	vadd.f32 v62, v2  }
0xd5: {  	v3 =	vadd.f32 v63, v3;
	v4 =	vadd.f32 v15, v4  }
0xd6: {  	v20 =	vmul.f32 $5.000000070e-02, v1;
	v21 =	vmul.f32 $5.000000070e-02, v2  }
0xd7: {  	v22 =	vmul.f32 $5.000000070e-02, v3;
	v23 =	vmul.f32 $5.000000070e-02, v4  }
0xd8: {  	v1 =	vmul.f32 v16, v20;
	v2 =	vmul.f32 v17, v21  }
0xd9: {  	v3 =	vmul.f32 v18, v22;
	v4 =	vmul.f32 v19, v23;
	_ =	sdelay $0x1  }
0xda: {  	v1 =	vadd.f32 v2, v1;
	v2 =	vadd.f32 v4, v3;
	_ =	sdelay $0x1  }
0xdb: {  	v1 =	vadd.f32 v2, v1  }
0xdc: {  	s25 =	sand.u32 $0xFF, s22  }
0xdd: {  	[tilespmem:s25+$0x1AF40] =	vst v1  }
0xde: {  	v1 =	vld.idx.msk [tilespmem:v59+s21+$0x5000 ss:$0x1], $0xffff  }
0xdf: {  	v2 =	vld.idx.msk [tilespmem:v59+s21+$0x5010 ss:$0x1], $0xffff  }
0xe0: {  	v3 =	vld.idx.msk [tilespmem:v59+s21+$0x5020 ss:$0x1], $0xffff  }
0xe1: {  	v24 =	vld.idx.msk [tilespmem:v59+s21+$0x5030 ss:$0x1], $0xffff;
	_ =	sdelay $0x3  }
0xe2: {  	v1 =	vmul.f32 v1, v20;
	v2 =	vmul.f32 v2, v21  }
0xe3: {  	v3 =	vmul.f32 v3, v22;
	v4 =	vmul.f32 v24, v23;
	_ =	sdelay $0x1  }
0xe4: {  	v1 =	vadd.f32 v2, v1;
	v2 =	vadd.f32 v4, v3;
	_ =	sdelay $0x1  }
0xe5: {  	v1 =	vadd.f32 v2, v1;
	_ =	sdelay $0x1  }
0xe6: {  	[tilespmem:s23+$0x0] =	vst v1  }
0xe7: {  	v1 =	vld.idx.msk [tilespmem:v59+s21+$0x5040 ss:$0x1], $0xffff  }
0xe8: {  	v2 =	vld.idx.msk [tilespmem:v59+s21+$0x5050 ss:$0x1], $0xffff  }
0xe9: {  	v3 =	vld.idx.msk [tilespmem:v59+s21+$0x5060 ss:$0x1], $0xffff  }
0xea: {  	v25 =	vld.idx.msk [tilespmem:v59+s21+$0x5070 ss:$0x1], $0xffff;
	_ =	sdelay $0x3  }
0xeb: {  	v1 =	vmul.f32 v1, v20;
	v2 =	vmul.f32 v2, v21  }
0xec: {  	v3 =	vmul.f32 v3, v22;
	v4 =	vmul.f32 v25, v23;
	_ =	sdelay $0x1  }
0xed: {  	v1 =	vadd.f32 v2, v1;
	v2 =	vadd.f32 v4, v3;
	_ =	sdelay $0x1  }
0xee: {  	v1 =	vadd.f32 v2, v1;
	_ =	sdelay $0x1  }
0xef: {  	[tilespmem:s25+$0x19B10] =	vst v1  }
0xf0: {  	v1 =	vld.idx.msk [tilespmem:v59+s21+$0x5080 ss:$0x1], $0xffff  }
0xf1: {  	v2 =	vld.idx.msk [tilespmem:v59+s21+$0x5090 ss:$0x1], $0xffff  }
0xf2: {  	v3 =	vld.idx.msk [tilespmem:v59+s21+$0x50A0 ss:$0x1], $0xffff  }
0xf3: {  	v26 =	vld.idx.msk [tilespmem:v59+s21+$0x50B0 ss:$0x1], $0xffff;
	_ =	sdelay $0x3  }
0xf4: {  	v1 =	vmul.f32 v1, v20;
	v2 =	vmul.f32 v2, v21  }
0xf5: {  	v3 =	vmul.f32 v3, v22;
	v4 =	vmul.f32 v26, v23;
	_ =	sdelay $0x1  }
0xf6: {  	v1 =	vadd.f32 v2, v1;
	v2 =	vadd.f32 v4, v3;
	_ =	sdelay $0x1  }
0xf7: {  	v1 =	vadd.f32 v2, v1;
	_ =	sdelay $0x1  }
0xf8: {  	[tilespmem:s25+$0x19C20] =	vst v1  }
0xf9: {  	v1 =	vld.idx.msk [tilespmem:v59+s21+$0x50C0 ss:$0x1], $0xffff  }
0xfa: {  	v2 =	vld.idx.msk [tilespmem:v59+s21+$0x50D0 ss:$0x1], $0xffff  }
0xfb: {  	v3 =	vld.idx.msk [tilespmem:v59+s21+$0x50E0 ss:$0x1], $0xffff  }
0xfc: {  	v27 =	vld.idx.msk [tilespmem:v59+s21+$0x50F0 ss:$0x1], $0xffff;
	_ =	sdelay $0x3  }
0xfd: {  	v1 =	vmul.f32 v1, v20;
	v2 =	vmul.f32 v2, v21  }
0xfe: {  	v3 =	vmul.f32 v3, v22;
	v4 =	vmul.f32 v27, v23;
	_ =	sdelay $0x1  }
0xff: {  	v1 =	vadd.f32 v2, v1;
	v2 =	vadd.f32 v4, v3;
	_ =	sdelay $0x1  }
0x100: {  	v1 =	vadd.f32 v2, v1;
	_ =	sdelay $0x1  }
0x101: {  	[tilespmem:s25+$0x19D30] =	vst v1  }
0x102: {  	v1 =	vld.idx.msk [tilespmem:v59+s21+$0x5100 ss:$0x1], $0xffff  }
0x103: {  	v2 =	vld.idx.msk [tilespmem:v59+s21+$0x5110 ss:$0x1], $0xffff  }
0x104: {  	v3 =	vld.idx.msk [tilespmem:v59+s21+$0x5120 ss:$0x1], $0xffff  }
0x105: {  	v28 =	vld.idx.msk [tilespmem:v59+s21+$0x5130 ss:$0x1], $0xffff;
	_ =	sdelay $0x3  }
0x106: {  	v1 =	vmul.f32 v1, v20;
	v2 =	vmul.f32 v2, v21  }
0x107: {  	v3 =	vmul.f32 v3, v22;
	v4 =	vmul.f32 v28, v23;
	_ =	sdelay $0x1  }
0x108: {  	v1 =	vadd.f32 v2, v1;
	v2 =	vadd.f32 v4, v3;
	_ =	sdelay $0x1  }
0x109: {  	v1 =	vadd.f32 v2, v1;
	_ =	sdelay $0x1  }
0x10a: {  	[tilespmem:s25+$0x19E40] =	vst v1  }
0x10b: {  	v1 =	vld.idx.msk [tilespmem:v59+s21+$0x5140 ss:$0x1], $0xffff  }
0x10c: {  	v2 =	vld.idx.msk [tilespmem:v59+s21+$0x5150 ss:$0x1], $0xffff  }
0x10d: {  	v3 =	vld.idx.msk [tilespmem:v59+s21+$0x5160 ss:$0x1], $0xffff  }
0x10e: {  	v29 =	vld.idx.msk [tilespmem:v59+s21+$0x5170 ss:$0x1], $0xffff;
	_ =	sdelay $0x3  }
0x10f: {  	v1 =	vmul.f32 v1, v20;
	v2 =	vmul.f32 v2, v21  }
0x110: {  	v3 =	vmul.f32 v3, v22;
	v4 =	vmul.f32 v29, v23;
	_ =	sdelay $0x1  }
0x111: {  	v1 =	vadd.f32 v2, v1;
	v2 =	vadd.f32 v4, v3;
	_ =	sdelay $0x1  }
0x112: {  	v1 =	vadd.f32 v2, v1;
	_ =	sdelay $0x1  }
0x113: {  	[tilespmem:s25+$0x19F50] =	vst v1  }
0x114: {  	v1 =	vld.idx.msk [tilespmem:v59+s21+$0x5180 ss:$0x1], $0xffff  }
0x115: {  	v2 =	vld.idx.msk [tilespmem:v59+s21+$0x5190 ss:$0x1], $0xffff  }
0x116: {  	v3 =	vld.idx.msk [tilespmem:v59+s21+$0x51A0 ss:$0x1], $0xffff  }
0x117: {  	v30 =	vld.idx.msk [tilespmem:v59+s21+$0x51B0 ss:$0x1], $0xffff;
	_ =	sdelay $0x3  }
0x118: {  	v1 =	vmul.f32 v1, v20;
	v2 =	vmul.f32 v2, v21  }
0x119: {  	v3 =	vmul.f32 v3, v22;
	v4 =	vmul.f32 v30, v23;
	_ =	sdelay $0x1  }
0x11a: {  	v1 =	vadd.f32 v2, v1;
	v2 =	vadd.f32 v4, v3;
	_ =	sdelay $0x1  }
0x11b: {  	v1 =	vadd.f32 v2, v1;
	_ =	sdelay $0x1  }
0x11c: {  	[tilespmem:s25+$0x1A060] =	vst v1  }
0x11d: {  	v1 =	vld.idx.msk [tilespmem:v59+s21+$0x51C0 ss:$0x1], $0xffff  }
0x11e: {  	v2 =	vld.idx.msk [tilespmem:v59+s21+$0x51D0 ss:$0x1], $0xffff  }
0x11f: {  	v3 =	vld.idx.msk [tilespmem:v59+s21+$0x51E0 ss:$0x1], $0xffff  }
0x120: {  	v31 =	vld.idx.msk [tilespmem:v59+s21+$0x51F0 ss:$0x1], $0xffff;
	_ =	sdelay $0x3  }
0x121: {  	v1 =	vmul.f32 v1, v20;
	v2 =	vmul.f32 v2, v21  }
0x122: {  	v3 =	vmul.f32 v3, v22;
	v4 =	vmul.f32 v31, v23;
	_ =	sdelay $0x1  }
0x123: {  	v1 =	vadd.f32 v2, v1;
	v2 =	vadd.f32 v4, v3;
	_ =	sdelay $0x1  }
0x124: {  	v1 =	vadd.f32 v2, v1;
	_ =	sdelay $0x1  }
0x125: {  	[tilespmem:s25+$0x1A170] =	vst v1  }
0x126: {  	v1 =	vld.idx.msk [tilespmem:v59+s21+$0x5200 ss:$0x1], $0xffff  }
0x127: {  	v2 =	vld.idx.msk [tilespmem:v59+s21+$0x5210 ss:$0x1], $0xffff  }
0x128: {  	v3 =	vld.idx.msk [tilespmem:v59+s21+$0x5220 ss:$0x1], $0xffff  }
0x129: {  	v33 =	vld.idx.msk [tilespmem:v59+s21+$0x5230 ss:$0x1], $0xffff;
	_ =	sdelay $0x3  }
0x12a: {  	v1 =	vmul.f32 v1, v20;
	v2 =	vmul.f32 v2, v21  }
0x12b: {  	v3 =	vmul.f32 v3, v22;
	v4 =	vmul.f32 v33, v23;
	_ =	sdelay $0x1  }
0x12c: {  	v1 =	vadd.f32 v2, v1;
	v2 =	vadd.f32 v4, v3;
	_ =	sdelay $0x1  }
0x12d: {  	v1 =	vadd.f32 v2, v1;
	_ =	sdelay $0x1  }
0x12e: {  	[tilespmem:s25+$0x1A280] =	vst v1  }
0x12f: {  	v1 =	vld.idx.msk [tilespmem:v59+s21+$0x5240 ss:$0x1], $0xffff  }
0x130: {  	v2 =	vld.idx.msk [tilespmem:v59+s21+$0x5250 ss:$0x1], $0xffff  }
0x131: {  	v3 =	vld.idx.msk [tilespmem:v59+s21+$0x5260 ss:$0x1], $0xffff  }
0x132: {  	v34 =	vld.idx.msk [tilespmem:v59+s21+$0x5270 ss:$0x1], $0xffff;
	_ =	sdelay $0x3  }
0x133: {  	v1 =	vmul.f32 v1, v20;
	v2 =	vmul.f32 v2, v21  }
0x134: {  	v3 =	vmul.f32 v3, v22;
	v4 =	vmul.f32 v34, v23;
	_ =	sdelay $0x1  }
0x135: {  	v1 =	vadd.f32 v2, v1;
	v2 =	vadd.f32 v4, v3;
	_ =	sdelay $0x1  }
0x136: {  	v1 =	vadd.f32 v2, v1;
	_ =	sdelay $0x1  }
0x137: {  	[tilespmem:s25+$0x1A390] =	vst v1  }
0x138: {  	v1 =	vld.idx.msk [tilespmem:v59+s21+$0x5280 ss:$0x1], $0xffff  }
0x139: {  	v2 =	vld.idx.msk [tilespmem:v59+s21+$0x5290 ss:$0x1], $0xffff  }
0x13a: {  	v3 =	vld.idx.msk [tilespmem:v59+s21+$0x52A0 ss:$0x1], $0xffff  }
0x13b: {  	v35 =	vld.idx.msk [tilespmem:v59+s21+$0x52B0 ss:$0x1], $0xffff;
	_ =	sdelay $0x3  }
0x13c: {  	v1 =	vmul.f32 v1, v20;
	v2 =	vmul.f32 v2, v21  }
0x13d: {  	v3 =	vmul.f32 v3, v22;
	v4 =	vmul.f32 v35, v23;
	_ =	sdelay $0x1  }
0x13e: {  	v1 =	vadd.f32 v2, v1;
	v2 =	vadd.f32 v4, v3;
	_ =	sdelay $0x1  }
0x13f: {  	v1 =	vadd.f32 v2, v1;
	_ =	sdelay $0x1  }
0x140: {  	[tilespmem:s25+$0x1A4A0] =	vst v1  }
0x141: {  	v1 =	vld.idx.msk [tilespmem:v59+s21+$0x52C0 ss:$0x1], $0xffff  }
0x142: {  	v2 =	vld.idx.msk [tilespmem:v59+s21+$0x52D0 ss:$0x1], $0xffff  }
0x143: {  	v3 =	vld.idx.msk [tilespmem:v59+s21+$0x52E0 ss:$0x1], $0xffff  }
0x144: {  	v36 =	vld.idx.msk [tilespmem:v59+s21+$0x52F0 ss:$0x1], $0xffff;
	_ =	sdelay $0x3  }
0x145: {  	v1 =	vmul.f32 v1, v20;
	v2 =	vmul.f32 v2, v21  }
0x146: {  	v3 =	vmul.f32 v3, v22;
	v4 =	vmul.f32 v36, v23;
	_ =	sdelay $0x1  }
0x147: {  	v1 =	vadd.f32 v2, v1;
	v2 =	vadd.f32 v4, v3;
	_ =	sdelay $0x1  }
0x148: {  	v1 =	vadd.f32 v2, v1;
	_ =	sdelay $0x1  }
0x149: {  	[tilespmem:s25+$0x1A5B0] =	vst v1  }
0x14a: {  	v1 =	vld.idx.msk [tilespmem:v59+s21+$0x5300 ss:$0x1], $0xffff  }
0x14b: {  	v2 =	vld.idx.msk [tilespmem:v59+s21+$0x5310 ss:$0x1], $0xffff  }
0x14c: {  	v3 =	vld.idx.msk [tilespmem:v59+s21+$0x5320 ss:$0x1], $0xffff  }
0x14d: {  	v37 =	vld.idx.msk [tilespmem:v59+s21+$0x5330 ss:$0x1], $0xffff;
	_ =	sdelay $0x3  }
0x14e: {  	v1 =	vmul.f32 v1, v20;
	v2 =	vmul.f32 v2, v21  }
0x14f: {  	v3 =	vmul.f32 v3, v22;
	v4 =	vmul.f32 v37, v23;
	_ =	sdelay $0x1  }
0x150: {  	v1 =	vadd.f32 v2, v1;
	v2 =	vadd.f32 v4, v3;
	_ =	sdelay $0x1  }
0x151: {  	v1 =	vadd.f32 v2, v1;
	_ =	sdelay $0x1  }
0x152: {  	[tilespmem:s25+$0x1A6C0] =	vst v1  }
0x153: {  	v1 =	vld.idx.msk [tilespmem:v59+s21+$0x5340 ss:$0x1], $0xffff  }
0x154: {  	v2 =	vld.idx.msk [tilespmem:v59+s21+$0x5350 ss:$0x1], $0xffff  }
0x155: {  	v3 =	vld.idx.msk [tilespmem:v59+s21+$0x5360 ss:$0x1], $0xffff  }
0x156: {  	v38 =	vld.idx.msk [tilespmem:v59+s21+$0x5370 ss:$0x1], $0xffff;
	_ =	sdelay $0x3  }
0x157: {  	v1 =	vmul.f32 v1, v20;
	v2 =	vmul.f32 v2, v21  }
0x158: {  	v3 =	vmul.f32 v3, v22;
	v4 =	vmul.f32 v38, v23;
	_ =	sdelay $0x1  }
0x159: {  	v1 =	vadd.f32 v2, v1;
	v2 =	vadd.f32 v4, v3;
	_ =	sdelay $0x1  }
0x15a: {  	v1 =	vadd.f32 v2, v1;
	_ =	sdelay $0x1  }
0x15b: {  	[tilespmem:s25+$0x1A7D0] =	vst v1  }
0x15c: {  	v1 =	vld.idx.msk [tilespmem:v59+s21+$0x5380 ss:$0x1], $0xffff  }
0x15d: {  	v2 =	vld.idx.msk [tilespmem:v59+s21+$0x5390 ss:$0x1], $0xffff  }
0x15e: {  	v3 =	vld.idx.msk [tilespmem:v59+s21+$0x53A0 ss:$0x1], $0xffff  }
0x15f: {  	v39 =	vld.idx.msk [tilespmem:v59+s21+$0x53B0 ss:$0x1], $0xffff;
	_ =	sdelay $0x3  }
0x160: {  	v1 =	vmul.f32 v1, v20;
	v2 =	vmul.f32 v2, v21  }
0x161: {  	v3 =	vmul.f32 v3, v22;
	v4 =	vmul.f32 v39, v23;
	_ =	sdelay $0x1  }
0x162: {  	v1 =	vadd.f32 v2, v1;
	v2 =	vadd.f32 v4, v3;
	_ =	sdelay $0x1  }
0x163: {  	v1 =	vadd.f32 v2, v1;
	_ =	sdelay $0x1  }
0x164: {  	[tilespmem:s25+$0x1A8E0] =	vst v1  }
0x165: {  	v1 =	vld.idx.msk [tilespmem:v59+s21+$0x53C0 ss:$0x1], $0xffff  }
0x166: {  	v2 =	vld.idx.msk [tilespmem:v59+s21+$0x53D0 ss:$0x1], $0xffff  }
0x167: {  	v3 =	vld.idx.msk [tilespmem:v59+s21+$0x53E0 ss:$0x1], $0xffff  }
0x168: {  	v40 =	vld.idx.msk [tilespmem:v59+s21+$0x53F0 ss:$0x1], $0xffff;
	_ =	sdelay $0x3  }
0x169: {  	v1 =	vmul.f32 v1, v20;
	v2 =	vmul.f32 v2, v21  }
0x16a: {  	v3 =	vmul.f32 v3, v22;
	v4 =	vmul.f32 v40, v23;
	_ =	sdelay $0x1  }
0x16b: {  	v1 =	vadd.f32 v2, v1;
	v2 =	vadd.f32 v4, v3;
	_ =	sdelay $0x1  }
0x16c: {  	v1 =	vadd.f32 v2, v1;
	_ =	sdelay $0x1  }
0x16d: {  	[tilespmem:s25+$0x1A9F0] =	vst v1  }
0x16e: {  	v1 =	vld.idx.msk [tilespmem:v59+s21+$0x5400 ss:$0x1], $0xffff  }
0x16f: {  	v2 =	vld.idx.msk [tilespmem:v59+s21+$0x5410 ss:$0x1], $0xffff  }
0x170: {  	v3 =	vld.idx.msk [tilespmem:v59+s21+$0x5420 ss:$0x1], $0xffff  }
0x171: {  	v41 =	vld.idx.msk [tilespmem:v59+s21+$0x5430 ss:$0x1], $0xffff;
	_ =	sdelay $0x3  }
0x172: {  	v1 =	vmul.f32 v1, v20;
	v2 =	vmul.f32 v2, v21  }
0x173: {  	v3 =	vmul.f32 v3, v22;
	v4 =	vmul.f32 v41, v23;
	_ =	sdelay $0x1  }
0x174: {  	v1 =	vadd.f32 v2, v1;
	v2 =	vadd.f32 v4, v3;
	_ =	sdelay $0x1  }
0x175: {  	v1 =	vadd.f32 v2, v1;
	_ =	sdelay $0x1  }
0x176: {  	[tilespmem:s25+$0x1AB00] =	vst v1  }
0x177: {  	v1 =	vld.idx.msk [tilespmem:v59+s21+$0x5440 ss:$0x1], $0xffff  }
0x178: {  	v2 =	vld.idx.msk [tilespmem:v59+s21+$0x5450 ss:$0x1], $0xffff  }
0x179: {  	v3 =	vld.idx.msk [tilespmem:v59+s21+$0x5460 ss:$0x1], $0xffff  }
0x17a: {  	v42 =	vld.idx.msk [tilespmem:v59+s21+$0x5470 ss:$0x1], $0xffff;
	_ =	sdelay $0x3  }
0x17b: {  	v1 =	vmul.f32 v1, v20;
	v2 =	vmul.f32 v2, v21  }
0x17c: {  	v3 =	vmul.f32 v3, v22;
	v4 =	vmul.f32 v42, v23;
	_ =	sdelay $0x1  }
0x17d: {  	v1 =	vadd.f32 v2, v1;
	v2 =	vadd.f32 v4, v3;
	_ =	sdelay $0x1  }
0x17e: {  	v1 =	vadd.f32 v2, v1;
	_ =	sdelay $0x1  }
0x17f: {  	[tilespmem:s25+$0x1AC10] =	vst v1  }
0x180: {  	v1 =	vld.idx.msk [tilespmem:v59+s21+$0x5480 ss:$0x1], $0xffff  }
0x181: {  	v2 =	vld.idx.msk [tilespmem:v59+s21+$0x5490 ss:$0x1], $0xffff  }
0x182: {  	v3 =	vld.idx.msk [tilespmem:v59+s21+$0x54A0 ss:$0x1], $0xffff  }
0x183: {  	v43 =	vld.idx.msk [tilespmem:v59+s21+$0x54B0 ss:$0x1], $0xffff;
	_ =	sdelay $0x3  }
0x184: {  	v1 =	vmul.f32 v1, v20;
	v2 =	vmul.f32 v2, v21  }
0x185: {  	v3 =	vmul.f32 v3, v22;
	v4 =	vmul.f32 v43, v23;
	_ =	sdelay $0x1  }
0x186: {  	v1 =	vadd.f32 v2, v1;
	v2 =	vadd.f32 v4, v3;
	_ =	sdelay $0x1  }
0x187: {  	v1 =	vadd.f32 v2, v1;
	_ =	sdelay $0x1  }
0x188: {  	[tilespmem:s25+$0x1AD20] =	vst v1  }
0x189: {  	v1 =	vld.idx.msk [tilespmem:v59+s21+$0x54C0 ss:$0x1], $0xffff  }
0x18a: {  	v2 =	vld.idx.msk [tilespmem:v59+s21+$0x54D0 ss:$0x1], $0xffff  }
0x18b: {  	v3 =	vld.idx.msk [tilespmem:v59+s21+$0x54E0 ss:$0x1], $0xffff  }
0x18c: {  	v44 =	vld.idx.msk [tilespmem:v59+s21+$0x54F0 ss:$0x1], $0xffff;
	_ =	sdelay $0x3  }
0x18d: {  	v1 =	vmul.f32 v1, v20;
	v2 =	vmul.f32 v2, v21  }
0x18e: {  	v3 =	vmul.f32 v3, v22;
	v4 =	vmul.f32 v44, v23  }
0x18f: {  	p1 =	sne.s32 s22, $0xFF  }
.Ltmp0:
0x190: {  	v1 =	vadd.f32 v2, v1;
	v2 =	vadd.f32 v4, v3;
	(pc) =	sbr.rel @p1 .LBB2_3-.Ltmp0, $4  }
0x191: {  	_ = 	snop  }
0x192: {  	v1 =	vadd.f32 v2, v1  }
0x193: {  	s22 =	sadd.s32 $0x11, s22  }
0x194: {  	s24 =	sadd.s32 $0x40, s24;
	s23 =	sadd.s32 $0x11, s23;
	s21 =	sadd.s32 $0x500, s21;
	[tilespmem:s25+$0x1AE30] =	vst v1  }
0x195: {  	p1 =	slt.u32 s18, $0x2  }
0x196: {  	s21 =	sadd.s32 @!p1 $0x3, s19  }
0x197: {  	_ =	swait.ge @!p1 [sflag:s21], $0x10  }
0x198: {  	[sflag:s21] =	ssyncset.done @!p1 $0x0  }
0x199: {  	[sflag:s21] =	ssyncadd.s32 @!p1 $0xFFFFFFF0  }
0x19a: {  	_ =	swait.ge @!p1 [sflag:s21], $0x140  }
0x19b: {  	v1 =	vld [tilespmem:$0x1FD50]  }
0x19c: {  	v2 =	vld [tilespmem:$0x1FD60]  }
0x19d: {  	v3 =	vld [tilespmem:$0x1FD70]  }
0x19e: {  	v4 =	vld [tilespmem:$0x1FD80]  }
0x19f: {  	v5 =	vld [tilespmem:$0x1FD90]  }
0x1a0: {  	v6 =	vld [tilespmem:$0x1FDA0]  }
0x1a1: {  	v7 =	vld [tilespmem:$0x1FDB0]  }
0x1a2: {  	v8 =	vld [tilespmem:$0x1FDC0]  }
0x1a3: {  	v9 =	vld [tilespmem:$0x1FDD0]  }
0x1a4: {  	v10 =	vld [tilespmem:$0x1FDE0]  }
0x1a5: {  	v11 =	vld [tilespmem:$0x1FDF0]  }
0x1a6: {  	v12 =	vld [tilespmem:$0x1FE00]  }
0x1a7: {  	v13 =	vld [tilespmem:$0x1FE10]  }
0x1a8: {  	v14 =	vld [tilespmem:$0x1FE20]  }
0x1a9: {  	v15 =	vld [tilespmem:$0x1FE30]  }
0x1aa: {  	v16 =	vld [tilespmem:$0x1FE40]  }
0x1ab: {  	[sflag:s21] =	ssyncset.done @!p1 $0x0;
	v17 =	vld [tilespmem:$0x1FE90]  }
0x1ac: {  	v18 =	vld [tilespmem:$0x1FEA0];
	[sflag:s21] =	ssyncadd.s32 @!p1 $0xFFFFFEC0  }
0x1ad: {  	v1 =	vld.idx.msk [tilespmem:v1+s2+$0x0], $0xffff  }
0x1ae: {  	v2 =	vld.idx.msk [tilespmem:v2+s2+$0x0], $0xffff  }
0x1af: {  	v3 =	vld.idx.msk [tilespmem:v3+s2+$0x0], $0xffff  }
0x1b0: {  	v4 =	vld.idx.msk [tilespmem:v4+s2+$0x0], $0xffff  }
0x1b1: {  	v5 =	vld.idx.msk [tilespmem:v5+s2+$0x0], $0xffff  }
0x1b2: {  	v6 =	vld.idx.msk [tilespmem:v6+s2+$0x0], $0xffff  }
0x1b3: {  	v7 =	vld.idx.msk [tilespmem:v7+s2+$0x0], $0xffff  }
0x1b4: {  	v8 =	vld.idx.msk [tilespmem:v8+s2+$0x0], $0xffff  }
0x1b5: {  	v9 =	vld.idx.msk [tilespmem:v9+s2+$0x0], $0xffff  }
0x1b6: {  	v10 =	vld.idx.msk [tilespmem:v10+s2+$0x0], $0xffff  }
0x1b7: {  	v11 =	vld.idx.msk [tilespmem:v11+s2+$0x0], $0xffff  }
0x1b8: {  	v12 =	vld.idx.msk [tilespmem:v12+s2+$0x0], $0xffff  }
0x1b9: {  	v13 =	vld.idx.msk [tilespmem:v13+s2+$0x0], $0xffff  }
0x1ba: {  	v14 =	vld.idx.msk [tilespmem:v14+s2+$0x0], $0xffff  }
0x1bb: {  	v15 =	vld.idx.msk [tilespmem:v15+s2+$0x0], $0xffff  }
0x1bc: {  	v16 =	vld.idx.msk [tilespmem:v16+s2+$0x0], $0xffff  }
0x1bd: {  	v19 =	vld [tilespmem:$0x1FEB0]  }
0x1be: {  	v20 =	vld [tilespmem:$0x1FEC0];
	v1 =	vadd.f32 v2, v1;
	v2 =	vadd.f32 v4, v3  }
0x1bf: {  	v21 =	vld [tilespmem:$0x1FED0];
	v3 =	vadd.f32 v6, v5;
	v61 =	vadd.f32 v8, v7  }
0x1c0: {  	v22 =	vld [tilespmem:$0x1FEE0];
	v62 =	vadd.f32 v10, v9;
	v63 =	vadd.f32 v12, v11  }
0x1c1: {  	v23 =	vld [tilespmem:$0x1FEF0];
	v12 =	vadd.f32 v14, v13;
	v13 =	vadd.f32 v16, v15  }
0x1c2: {  	v24 =	vld [tilespmem:$0x1FF00];
	v1 =	vadd.f32 v2, v1;
	v2 =	vadd.f32 v61, v3  }
0x1c3: {  	v15 =	vld [tilespmem:$0x1FE70];
	v3 =	vadd.f32 v63, v62;
	v14 =	vadd.f32 v13, v12  }
0x1c4: {  	v16 =	vld [tilespmem:$0x1FE80]  }
0x1c5: {  	v25 =	vld [tilespmem:$0x1FF10];
	v1 =	vadd.f32 v2, v1;
	v2 =	vadd.f32 v14, v3  }
0x1c6: {  	v26 =	vld [tilespmem:$0x1FF20]  }
0x1c7: {  	v27 =	vld [tilespmem:$0x1FF30];
	v1 =	vadd.f32 v2, v1  }
0x1c8: {  	s23 =	sshll.u32 s19, $0x4;
	v3 =	vld [tilespmem:$0x1FE60]  }
0x1c9: {  	v2 =	vld [tilespmem:$0x1FE50];
	[tilespmem:s23+$0x1B050] =	vst v1  }
0x1ca: {  	v1 =	vld.idx.msk [tilespmem:v0+s2+$0x0], $0xffff  }
0x1cb: {  	v4 =	vld.idx.msk [tilespmem:v15+s2+$0x0], $0xffff  }
0x1cc: {  	v5 =	vld.idx.msk [tilespmem:v16+s2+$0x0], $0xffff  }
0x1cd: {  	v6 =	vld.idx.msk [tilespmem:v17+s2+$0x0], $0xffff  }
0x1ce: {  	v7 =	vld.idx.msk [tilespmem:v18+s2+$0x0], $0xffff  }
0x1cf: {  	v8 =	vld.idx.msk [tilespmem:v19+s2+$0x0], $0xffff  }
0x1d0: {  	v9 =	vld.idx.msk [tilespmem:v20+s2+$0x0], $0xffff  }
0x1d1: {  	v10 =	vld.idx.msk [tilespmem:v21+s2+$0x0], $0xffff  }
0x1d2: {  	v11 =	vld.idx.msk [tilespmem:v22+s2+$0x0], $0xffff  }
0x1d3: {  	v13 =	vld.idx.msk [tilespmem:v24+s2+$0x0], $0xffff  }
0x1d4: {  	v14 =	vld.idx.msk [tilespmem:v25+s2+$0x0], $0xffff  }
0x1d5: {  	v15 =	vld.idx.msk [tilespmem:v26+s2+$0x0], $0xffff  }
0x1d6: {  	v16 =	vld.idx.msk [tilespmem:v27+s2+$0x0], $0xffff  }
0x1d7: {  	v3 =	vld.idx.msk [tilespmem:v3+s2+$0x0], $0xffff  }
0x1d8: {  	v2 =	vld.idx.msk [tilespmem:v2+s2+$0x0], $0xffff  }
0x1d9: {  	v12 =	vld.idx.msk [tilespmem:v23+s2+$0x0], $0xffff;
	_ =	sdelay $0x1  }
0x1da: {  	v35 =	vld [tilespmem:$0x1FF70];
	v28 =	vadd.f32 v8, v7;
	v29 =	vadd.f32 v10, v9  }
0x1db: {  	v36 =	vld [tilespmem:$0x1FF80];
	v31 =	vadd.f32 v14, v13;
	v33 =	vadd.f32 v16, v15  }
0x1dc: {  	v37 =	vld [tilespmem:$0x1FF90];
	v1 =	vadd.f32 v2, v1;
	v2 =	vadd.f32 v4, v3  }
0x1dd: {  	v38 =	vld [tilespmem:$0x1FFA0];
	v30 =	vadd.f32 v12, v11;
	v3 =	vadd.f32 v6, v5  }
0x1de: {  	v39 =	vld [tilespmem:$0x1FFB0];
	v34 =	vadd.f32 v33, v31;
	v1 =	vadd.f32 v2, v1  }
0x1df: {  	v40 =	vld [tilespmem:$0x1FFC0];
	v2 =	vadd.f32 v28, v3;
	v3 =	vadd.f32 v30, v29  }
0x1e0: {  	v41 =	vld [tilespmem:$0x1FFD0]  }
0x1e1: {  	v42 =	vld [tilespmem:$0x1FFE0];
	v1 =	vadd.f32 v2, v1;
	v2 =	vadd.f32 v34, v3  }
0x1e2: {  	s22 =	smul.u32 $0x500, s19;
	v43 =	vld [tilespmem:$0x1FFF0]  }
0x1e3: {  	v3 =	vld [tilespmem:$0x1FF60];
	v1 =	vadd.f32 v2, v1  }
0x1e4: {  	s22 =	sshrl.u32 s22, $0x2;
	v2 =	vld [tilespmem:$0x1FF50]  }
0x1e5: {  	[tilespmem:v32+s22+$0x1B070] =	vst.idx.msk $0xffff, v1;
	v1 =	vld [tilespmem:$0x1FF40]  }
0x1e6: {  	v4 =	vld.idx.msk [tilespmem:v35+s2+$0x0], $0xffff  }
0x1e7: {  	v5 =	vld.idx.msk [tilespmem:v36+s2+$0x0], $0xffff  }
0x1e8: {  	v6 =	vld.idx.msk [tilespmem:v37+s2+$0x0], $0xffff  }
0x1e9: {  	v7 =	vld.idx.msk [tilespmem:v38+s2+$0x0], $0xffff  }
0x1ea: {  	v8 =	vld.idx.msk [tilespmem:v39+s2+$0x0], $0xffff  }
0x1eb: {  	v9 =	vld.idx.msk [tilespmem:v40+s2+$0x0], $0xffff  }
0x1ec: {  	v10 =	vld.idx.msk [tilespmem:v41+s2+$0x0], $0xffff  }
0x1ed: {  	v11 =	vld.idx.msk [tilespmem:v42+s2+$0x0], $0xffff  }
0x1ee: {  	v44 =	vld.idx.msk [tilespmem:v45+s2+$0x0], $0xffff  }
0x1ef: {  	v59 =	vld.idx.msk [tilespmem:v46+s2+$0x0], $0xffff  }
0x1f0: {  	v60 =	vld.idx.msk [tilespmem:v47+s2+$0x0], $0xffff  }
0x1f1: {  	v61 =	vld.idx.msk [tilespmem:v48+s2+$0x0], $0xffff  }
0x1f2: {  	v3 =	vld.idx.msk [tilespmem:v3+s2+$0x0], $0xffff  }
0x1f3: {  	v2 =	vld.idx.msk [tilespmem:v2+s2+$0x0], $0xffff  }
0x1f4: {  	v1 =	vld.idx.msk [tilespmem:v1+s2+$0x0], $0xffff  }
0x1f5: {  	v12 =	vld.idx.msk [tilespmem:v43+s2+$0x0], $0xffff;
	_ =	sdelay $0x1  }
0x1f6: {  	v62 =	vadd.f32 v8, v7;
	v63 =	vadd.f32 v10, v9  }
0x1f7: {  	v17 =	vadd.f32 v59, v44;
	v18 =	vadd.f32 v61, v60  }
0x1f8: {  	v1 =	vadd.f32 v2, v1;
	v2 =	vadd.f32 v4, v3  }
0x1f9: {  	v12 =	vadd.f32 v12, v11;
	v3 =	vadd.f32 v6, v5  }
0x1fa: {  	v19 =	vadd.f32 v18, v17;
	v1 =	vadd.f32 v2, v1  }
0x1fb: {  	v2 =	vadd.f32 v62, v3;
	v3 =	vadd.f32 v12, v63;
	_ =	sdelay $0x1  }
0x1fc: {  	v1 =	vadd.f32 v2, v1;
	v2 =	vadd.f32 v19, v3;
	_ =	sdelay $0x1  }
0x1fd: {  	v1 =	vadd.f32 v2, v1;
	_ =	sdelay $0x1  }
0x1fe: {  	[tilespmem:v49+s22+$0x1B070] =	vst.idx.msk $0xffff, v1  }
0x1ff: {  	v1 =	vld.idx.msk [tilespmem:v50+s2+$0x0], $0xffff  }
0x200: {  	v2 =	vld.idx.msk [tilespmem:v51+s2+$0x0], $0xffff  }
0x201: {  	v3 =	vld.idx.msk [tilespmem:v52+s2+$0x0], $0xffff  }
0x202: {  	v20 =	vld.idx.msk [tilespmem:v53+s2+$0x0], $0xffff  }
0x203: {  	v22 =	vadd.s32 $0x229, v0;
	v21 =	vld.idx.msk [tilespmem:v54+s2+$0x0], $0xffff  }
0x204: {  	v24 =	vadd.s32 $0x22A, v0;
	v23 =	vld.idx.msk [tilespmem:v55+s2+$0x0], $0xffff  }
0x205: {  	v26 =	vadd.s32 $0x22B, v0;
	v25 =	vld.idx.msk [tilespmem:v56+s2+$0x0], $0xffff  }
0x206: {  	v28 =	vadd.s32 $0x22C, v0;
	v27 =	vld.idx.msk [tilespmem:v57+s2+$0x0], $0xffff  }
0x207: {  	v30 =	vadd.s32 $0x22D, v0;
	v29 =	vld.idx.msk [tilespmem:v58+s2+$0x0], $0xffff  }
0x208: {  	v31 =	vadd.s32 $0x22E, v0;
	v6 =	vld.idx.msk [tilespmem:v22+s2+$0x0], $0xffff  }
0x209: {  	v33 =	vadd.s32 $0x22F, v0;
	v8 =	vld.idx.msk [tilespmem:v24+s2+$0x0], $0xffff  }
0x20a: {  	v10 =	vld.idx.msk [tilespmem:v26+s2+$0x0], $0xffff  }
0x20b: {  	v12 =	vld.idx.msk [tilespmem:v28+s2+$0x0], $0xffff  }
0x20c: {  	v14 =	vld.idx.msk [tilespmem:v30+s2+$0x0], $0xffff  }
0x20d: {  	v15 =	vld.idx.msk [tilespmem:v31+s2+$0x0], $0xffff  }
0x20e: {  	v16 =	vld.idx.msk [tilespmem:v33+s2+$0x0], $0xffff;
	_ =	sdelay $0x1  }
0x20f: {  	v1 =	vadd.f32 v2, v1;
	v2 =	vadd.f32 v20, v3  }
0x210: {  	v3 =	vadd.f32 v23, v21;
	v34 =	vadd.f32 v27, v25  }
0x211: {  	v35 =	vadd.f32 v6, v29;
	v36 =	vadd.f32 v10, v8  }
0x212: {  	v37 =	vadd.f32 v14, v12;
	v38 =	vadd.f32 v16, v15  }
0x213: {  	v1 =	vadd.f32 v2, v1;
	v2 =	vadd.f32 v34, v3  }
0x214: {  	v3 =	vadd.f32 v36, v35;
	v39 =	vadd.f32 v38, v37  }
0x215: {  	v40 =	vor.u32 $0x2, v32  }
0x216: {  	v1 =	vadd.f32 v2, v1;
	v2 =	vadd.f32 v39, v3;
	v3 =	vadd.s32 $0x330, v0  }
0x217: {  	v41 =	vadd.s32 $0x331, v0  }
0x218: {  	v42 =	vadd.s32 $0x333, v0;
	v1 =	vadd.f32 v2, v1  }
0x219: {  	v43 =	vadd.s32 $0x335, v0  }
0x21a: {  	v44 =	vadd.s32 $0x336, v0;
	[tilespmem:v40+s22+$0x1B070] =	vst.idx.msk $0xffff, v1  }
0x21b: {  	v59 =	vadd.s32 $0x337, v0;
	v3 =	vld.idx.msk [tilespmem:v3+s2+$0x0], $0xffff  }
0x21c: {  	v60 =	vadd.s32 $0x338, v0;
	v4 =	vld.idx.msk [tilespmem:v41+s2+$0x0], $0xffff  }
0x21d: {  	v61 =	vadd.s32 $0x339, v0;
	v6 =	vld.idx.msk [tilespmem:v42+s2+$0x0], $0xffff  }
0x21e: {  	v62 =	vadd.s32 $0x33A, v0;
	v5 =	vld.idx.msk [tilespmem:v43+s2+$0x0], $0xffff  }
0x21f: {  	v63 =	vadd.s32 $0x33B, v0;
	v7 =	vld.idx.msk [tilespmem:v44+s2+$0x0], $0xffff  }
0x220: {  	v20 =	vadd.s32 $0x33C, v0;
	v8 =	vld.idx.msk [tilespmem:v59+s2+$0x0], $0xffff  }
0x221: {  	v21 =	vadd.s32 $0x33D, v0;
	v9 =	vld.idx.msk [tilespmem:v60+s2+$0x0], $0xffff  }
0x222: {  	v22 =	vadd.s32 $0x33E, v0;
	v10 =	vld.idx.msk [tilespmem:v61+s2+$0x0], $0xffff  }
0x223: {  	v23 =	vadd.s32 $0x33F, v0;
	v11 =	vld.idx.msk [tilespmem:v62+s2+$0x0], $0xffff  }
0x224: {  	v2 =	vadd.s32 $0x332, v0;
	v12 =	vld.idx.msk [tilespmem:v63+s2+$0x0], $0xffff  }
0x225: {  	v1 =	vadd.s32 $0x334, v0;
	v13 =	vld.idx.msk [tilespmem:v20+s2+$0x0], $0xffff  }
0x226: {  	v14 =	vld.idx.msk [tilespmem:v21+s2+$0x0], $0xffff  }
0x227: {  	v15 =	vld.idx.msk [tilespmem:v22+s2+$0x0], $0xffff  }
0x228: {  	v16 =	vld.idx.msk [tilespmem:v23+s2+$0x0], $0xffff  }
0x229: {  	v2 =	vld.idx.msk [tilespmem:v2+s2+$0x0], $0xffff  }
0x22a: {  	v1 =	vld.idx.msk [tilespmem:v1+s2+$0x0], $0xffff;
	_ =	sdelay $0x1  }
0x22b: {  	v3 =	vadd.f32 v4, v3;
	v24 =	vadd.f32 v8, v7  }
0x22c: {  	v25 =	vadd.f32 v10, v9;
	v27 =	vadd.f32 v14, v13  }
0x22d: {  	v28 =	vadd.f32 v16, v15;
	v2 =	vadd.f32 v6, v2  }
0x22e: {  	v26 =	vadd.f32 v12, v11;
	v1 =	vadd.f32 v5, v1  }
0x22f: {  	v29 =	vadd.f32 v28, v27;
	v2 =	vadd.f32 v2, v3  }
0x230: {  	v3 =	vadd.f32 v26, v25;
	v1 =	vadd.f32 v24, v1  }
0x231: {  	v30 =	vor.u32 $0x3, v32  }
0x232: {  	v1 =	vadd.f32 v1, v2;
	v2 =	vadd.f32 v29, v3;
	v3 =	vadd.s32 $0x440, v0  }
0x233: {  	v31 =	vadd.s32 $0x441, v0  }
0x234: {  	v33 =	vadd.s32 $0x443, v0;
	v1 =	vadd.f32 v2, v1  }
0x235: {  	v34 =	vadd.s32 $0x445, v0  }
0x236: {  	v35 =	vadd.s32 $0x446, v0;
	[tilespmem:v30+s22+$0x1B070] =	vst.idx.msk $0xffff, v1  }
0x237: {  	v36 =	vadd.s32 $0x447, v0;
	v3 =	vld.idx.msk [tilespmem:v3+s2+$0x0], $0xffff  }
0x238: {  	v37 =	vadd.s32 $0x448, v0;
	v4 =	vld.idx.msk [tilespmem:v31+s2+$0x0], $0xffff  }
0x239: {  	v38 =	vadd.s32 $0x449, v0;
	v6 =	vld.idx.msk [tilespmem:v33+s2+$0x0], $0xffff  }
0x23a: {  	v39 =	vadd.s32 $0x44A, v0;
	v5 =	vld.idx.msk [tilespmem:v34+s2+$0x0], $0xffff  }
0x23b: {  	v40 =	vadd.s32 $0x44B, v0;
	v7 =	vld.idx.msk [tilespmem:v35+s2+$0x0], $0xffff  }
0x23c: {  	v41 =	vadd.s32 $0x44C, v0;
	v8 =	vld.idx.msk [tilespmem:v36+s2+$0x0], $0xffff  }
0x23d: {  	v42 =	vadd.s32 $0x44D, v0;
	v9 =	vld.idx.msk [tilespmem:v37+s2+$0x0], $0xffff  }
0x23e: {  	v43 =	vadd.s32 $0x44E, v0;
	v10 =	vld.idx.msk [tilespmem:v38+s2+$0x0], $0xffff  }
0x23f: {  	v44 =	vadd.s32 $0x44F, v0;
	v11 =	vld.idx.msk [tilespmem:v39+s2+$0x0], $0xffff  }
0x240: {  	v2 =	vadd.s32 $0x442, v0;
	v12 =	vld.idx.msk [tilespmem:v40+s2+$0x0], $0xffff  }
0x241: {  	v1 =	vadd.s32 $0x444, v0;
	v13 =	vld.idx.msk [tilespmem:v41+s2+$0x0], $0xffff  }
0x242: {  	v14 =	vld.idx.msk [tilespmem:v42+s2+$0x0], $0xffff  }
0x243: {  	v15 =	vld.idx.msk [tilespmem:v43+s2+$0x0], $0xffff  }
0x244: {  	v16 =	vld.idx.msk [tilespmem:v44+s2+$0x0], $0xffff  }
0x245: {  	v2 =	vld.idx.msk [tilespmem:v2+s2+$0x0], $0xffff  }
0x246: {  	v1 =	vld.idx.msk [tilespmem:v1+s2+$0x0], $0xffff;
	_ =	sdelay $0x1  }
0x247: {  	v3 =	vadd.f32 v4, v3;
	v59 =	vadd.f32 v8, v7  }
0x248: {  	v60 =	vadd.f32 v10, v9;
	v62 =	vadd.f32 v14, v13  }
0x249: {  	v63 =	vadd.f32 v16, v15;
	v2 =	vadd.f32 v6, v2  }
0x24a: {  	v61 =	vadd.f32 v12, v11;
	v1 =	vadd.f32 v5, v1  }
0x24b: {  	v12 =	vadd.f32 v63, v62;
	v2 =	vadd.f32 v2, v3  }
0x24c: {  	v3 =	vadd.f32 v61, v60;
	v1 =	vadd.f32 v59, v1  }
0x24d: {  	v13 =	vadd.s32 $0x4, v32  }
0x24e: {  	v1 =	vadd.f32 v1, v2;
	v2 =	vadd.f32 v12, v3;
	v3 =	vadd.s32 $0x550, v0  }
0x24f: {  	v14 =	vadd.s32 $0x551, v0  }
0x250: {  	v15 =	vadd.s32 $0x553, v0;
	v1 =	vadd.f32 v2, v1  }
0x251: {  	v16 =	vadd.s32 $0x555, v0  }
0x252: {  	v17 =	vadd.s32 $0x556, v0;
	[tilespmem:v13+s22+$0x1B070] =	vst.idx.msk $0xffff, v1  }
0x253: {  	v18 =	vadd.s32 $0x557, v0;
	v3 =	vld.idx.msk [tilespmem:v3+s2+$0x0], $0xffff  }
0x254: {  	v19 =	vadd.s32 $0x558, v0;
	v4 =	vld.idx.msk [tilespmem:v14+s2+$0x0], $0xffff  }
0x255: {  	v20 =	vadd.s32 $0x559, v0;
	v6 =	vld.idx.msk [tilespmem:v15+s2+$0x0], $0xffff  }
0x256: {  	v21 =	vadd.s32 $0x55A, v0;
	v5 =	vld.idx.msk [tilespmem:v16+s2+$0x0], $0xffff  }
0x257: {  	v22 =	vadd.s32 $0x55B, v0;
	v7 =	vld.idx.msk [tilespmem:v17+s2+$0x0], $0xffff  }
0x258: {  	v23 =	vadd.s32 $0x55C, v0;
	v8 =	vld.idx.msk [tilespmem:v18+s2+$0x0], $0xffff  }
0x259: {  	v24 =	vadd.s32 $0x55D, v0;
	v9 =	vld.idx.msk [tilespmem:v19+s2+$0x0], $0xffff  }
0x25a: {  	v25 =	vadd.s32 $0x55E, v0;
	v10 =	vld.idx.msk [tilespmem:v20+s2+$0x0], $0xffff  }
0x25b: {  	v26 =	vadd.s32 $0x55F, v0;
	v11 =	vld.idx.msk [tilespmem:v21+s2+$0x0], $0xffff  }
0x25c: {  	v2 =	vadd.s32 $0x552, v0;
	v12 =	vld.idx.msk [tilespmem:v22+s2+$0x0], $0xffff  }
0x25d: {  	v1 =	vadd.s32 $0x554, v0;
	v13 =	vld.idx.msk [tilespmem:v23+s2+$0x0], $0xffff  }
0x25e: {  	v14 =	vld.idx.msk [tilespmem:v24+s2+$0x0], $0xffff  }
0x25f: {  	v15 =	vld.idx.msk [tilespmem:v25+s2+$0x0], $0xffff  }
0x260: {  	v16 =	vld.idx.msk [tilespmem:v26+s2+$0x0], $0xffff  }
0x261: {  	v2 =	vld.idx.msk [tilespmem:v2+s2+$0x0], $0xffff  }
0x262: {  	v1 =	vld.idx.msk [tilespmem:v1+s2+$0x0], $0xffff;
	_ =	sdelay $0x1  }
0x263: {  	v3 =	vadd.f32 v4, v3;
	v27 =	vadd.f32 v8, v7  }
0x264: {  	v28 =	vadd.f32 v10, v9;
	v30 =	vadd.f32 v14, v13  }
0x265: {  	v31 =	vadd.f32 v16, v15;
	v2 =	vadd.f32 v6, v2  }
0x266: {  	v29 =	vadd.f32 v12, v11;
	v1 =	vadd.f32 v5, v1  }
0x267: {  	v33 =	vadd.f32 v31, v30;
	v2 =	vadd.f32 v2, v3  }
0x268: {  	v3 =	vadd.f32 v29, v28;
	v1 =	vadd.f32 v27, v1  }
0x269: {  	v34 =	vadd.s32 $0x5, v32  }
0x26a: {  	v1 =	vadd.f32 v1, v2;
	v2 =	vadd.f32 v33, v3;
	v3 =	vadd.s32 $0x660, v0  }
0x26b: {  	v35 =	vadd.s32 $0x661, v0  }
0x26c: {  	v36 =	vadd.s32 $0x663, v0;
	v1 =	vadd.f32 v2, v1  }
0x26d: {  	v37 =	vadd.s32 $0x665, v0  }
0x26e: {  	v38 =	vadd.s32 $0x666, v0;
	[tilespmem:v34+s22+$0x1B070] =	vst.idx.msk $0xffff, v1  }
0x26f: {  	v39 =	vadd.s32 $0x667, v0;
	v3 =	vld.idx.msk [tilespmem:v3+s2+$0x0], $0xffff  }
0x270: {  	v40 =	vadd.s32 $0x668, v0;
	v4 =	vld.idx.msk [tilespmem:v35+s2+$0x0], $0xffff  }
0x271: {  	v41 =	vadd.s32 $0x669, v0;
	v6 =	vld.idx.msk [tilespmem:v36+s2+$0x0], $0xffff  }
0x272: {  	v42 =	vadd.s32 $0x66A, v0;
	v5 =	vld.idx.msk [tilespmem:v37+s2+$0x0], $0xffff  }
0x273: {  	v43 =	vadd.s32 $0x66B, v0;
	v7 =	vld.idx.msk [tilespmem:v38+s2+$0x0], $0xffff  }
0x274: {  	v44 =	vadd.s32 $0x66C, v0;
	v8 =	vld.idx.msk [tilespmem:v39+s2+$0x0], $0xffff  }
0x275: {  	v59 =	vadd.s32 $0x66D, v0;
	v9 =	vld.idx.msk [tilespmem:v40+s2+$0x0], $0xffff  }
0x276: {  	v60 =	vadd.s32 $0x66E, v0;
	v10 =	vld.idx.msk [tilespmem:v41+s2+$0x0], $0xffff  }
0x277: {  	v61 =	vadd.s32 $0x66F, v0;
	v11 =	vld.idx.msk [tilespmem:v42+s2+$0x0], $0xffff  }
0x278: {  	v2 =	vadd.s32 $0x662, v0;
	v12 =	vld.idx.msk [tilespmem:v43+s2+$0x0], $0xffff  }
0x279: {  	v1 =	vadd.s32 $0x664, v0;
	v13 =	vld.idx.msk [tilespmem:v44+s2+$0x0], $0xffff  }
0x27a: {  	v14 =	vld.idx.msk [tilespmem:v59+s2+$0x0], $0xffff  }
0x27b: {  	v15 =	vld.idx.msk [tilespmem:v60+s2+$0x0], $0xffff  }
0x27c: {  	v16 =	vld.idx.msk [tilespmem:v61+s2+$0x0], $0xffff  }
0x27d: {  	v2 =	vld.idx.msk [tilespmem:v2+s2+$0x0], $0xffff  }
0x27e: {  	v1 =	vld.idx.msk [tilespmem:v1+s2+$0x0], $0xffff;
	_ =	sdelay $0x1  }
0x27f: {  	v3 =	vadd.f32 v4, v3;
	v62 =	vadd.f32 v8, v7  }
0x280: {  	v63 =	vadd.f32 v10, v9;
	v14 =	vadd.f32 v14, v13  }
0x281: {  	v17 =	vadd.f32 v16, v15;
	v2 =	vadd.f32 v6, v2  }
0x282: {  	v12 =	vadd.f32 v12, v11;
	v1 =	vadd.f32 v5, v1  }
0x283: {  	v18 =	vadd.f32 v17, v14;
	v2 =	vadd.f32 v2, v3  }
0x284: {  	v3 =	vadd.f32 v12, v63;
	v1 =	vadd.f32 v62, v1  }
0x285: {  	v19 =	vadd.s32 $0x6, v32  }
0x286: {  	v1 =	vadd.f32 v1, v2;
	v2 =	vadd.f32 v18, v3;
	v3 =	vadd.s32 $0x770, v0  }
0x287: {  	v20 =	vadd.s32 $0x771, v0  }
0x288: {  	v21 =	vadd.s32 $0x773, v0;
	v1 =	vadd.f32 v2, v1  }
0x289: {  	v22 =	vadd.s32 $0x775, v0  }
0x28a: {  	v23 =	vadd.s32 $0x776, v0;
	[tilespmem:v19+s22+$0x1B070] =	vst.idx.msk $0xffff, v1  }
0x28b: {  	v24 =	vadd.s32 $0x777, v0;
	v3 =	vld.idx.msk [tilespmem:v3+s2+$0x0], $0xffff  }
0x28c: {  	v25 =	vadd.s32 $0x778, v0;
	v4 =	vld.idx.msk [tilespmem:v20+s2+$0x0], $0xffff  }
0x28d: {  	v26 =	vadd.s32 $0x779, v0;
	v6 =	vld.idx.msk [tilespmem:v21+s2+$0x0], $0xffff  }
0x28e: {  	v27 =	vadd.s32 $0x77A, v0;
	v5 =	vld.idx.msk [tilespmem:v22+s2+$0x0], $0xffff  }
0x28f: {  	v28 =	vadd.s32 $0x77B, v0;
	v7 =	vld.idx.msk [tilespmem:v23+s2+$0x0], $0xffff  }
0x290: {  	v29 =	vadd.s32 $0x77C, v0;
	v8 =	vld.idx.msk [tilespmem:v24+s2+$0x0], $0xffff  }
0x291: {  	v30 =	vadd.s32 $0x77D, v0;
	v9 =	vld.idx.msk [tilespmem:v25+s2+$0x0], $0xffff  }
0x292: {  	v31 =	vadd.s32 $0x77E, v0;
	v10 =	vld.idx.msk [tilespmem:v26+s2+$0x0], $0xffff  }
0x293: {  	v33 =	vadd.s32 $0x77F, v0;
	v11 =	vld.idx.msk [tilespmem:v27+s2+$0x0], $0xffff  }
0x294: {  	v2 =	vadd.s32 $0x772, v0;
	v12 =	vld.idx.msk [tilespmem:v28+s2+$0x0], $0xffff  }
0x295: {  	v1 =	vadd.s32 $0x774, v0;
	v13 =	vld.idx.msk [tilespmem:v29+s2+$0x0], $0xffff  }
0x296: {  	v14 =	vld.idx.msk [tilespmem:v30+s2+$0x0], $0xffff  }
0x297: {  	v15 =	vld.idx.msk [tilespmem:v31+s2+$0x0], $0xffff  }
0x298: {  	v16 =	vld.idx.msk [tilespmem:v33+s2+$0x0], $0xffff  }
0x299: {  	v2 =	vld.idx.msk [tilespmem:v2+s2+$0x0], $0xffff  }
0x29a: {  	v1 =	vld.idx.msk [tilespmem:v1+s2+$0x0], $0xffff;
	_ =	sdelay $0x1  }
0x29b: {  	v3 =	vadd.f32 v4, v3;
	v34 =	vadd.f32 v8, v7  }
0x29c: {  	v35 =	vadd.f32 v10, v9;
	v37 =	vadd.f32 v14, v13  }
0x29d: {  	v38 =	vadd.f32 v16, v15;
	v2 =	vadd.f32 v6, v2  }
0x29e: {  	v36 =	vadd.f32 v12, v11;
	v1 =	vadd.f32 v5, v1  }
0x29f: {  	v39 =	vadd.f32 v38, v37;
	v2 =	vadd.f32 v2, v3  }
0x2a0: {  	v3 =	vadd.f32 v36, v35;
	v1 =	vadd.f32 v34, v1  }
0x2a1: {  	v40 =	vadd.s32 $0x7, v32  }
0x2a2: {  	v1 =	vadd.f32 v1, v2;
	v2 =	vadd.f32 v39, v3;
	v3 =	vadd.s32 $0x880, v0  }
0x2a3: {  	v41 =	vadd.s32 $0x881, v0  }
0x2a4: {  	v42 =	vadd.s32 $0x883, v0;
	v1 =	vadd.f32 v2, v1  }
0x2a5: {  	v43 =	vadd.s32 $0x885, v0  }
0x2a6: {  	v44 =	vadd.s32 $0x886, v0;
	[tilespmem:v40+s22+$0x1B070] =	vst.idx.msk $0xffff, v1  }
0x2a7: {  	v59 =	vadd.s32 $0x887, v0;
	v3 =	vld.idx.msk [tilespmem:v3+s2+$0x0], $0xffff  }
0x2a8: {  	v60 =	vadd.s32 $0x888, v0;
	v4 =	vld.idx.msk [tilespmem:v41+s2+$0x0], $0xffff  }
0x2a9: {  	v61 =	vadd.s32 $0x889, v0;
	v6 =	vld.idx.msk [tilespmem:v42+s2+$0x0], $0xffff  }
0x2aa: {  	v62 =	vadd.s32 $0x88A, v0;
	v5 =	vld.idx.msk [tilespmem:v43+s2+$0x0], $0xffff  }
0x2ab: {  	v63 =	vadd.s32 $0x88B, v0;
	v7 =	vld.idx.msk [tilespmem:v44+s2+$0x0], $0xffff  }
0x2ac: {  	v20 =	vadd.s32 $0x88C, v0;
	v8 =	vld.idx.msk [tilespmem:v59+s2+$0x0], $0xffff  }
0x2ad: {  	v21 =	vadd.s32 $0x88D, v0;
	v9 =	vld.idx.msk [tilespmem:v60+s2+$0x0], $0xffff  }
0x2ae: {  	v22 =	vadd.s32 $0x88E, v0;
	v10 =	vld.idx.msk [tilespmem:v61+s2+$0x0], $0xffff  }
0x2af: {  	v23 =	vadd.s32 $0x88F, v0;
	v11 =	vld.idx.msk [tilespmem:v62+s2+$0x0], $0xffff  }
0x2b0: {  	v2 =	vadd.s32 $0x882, v0;
	v12 =	vld.idx.msk [tilespmem:v63+s2+$0x0], $0xffff  }
0x2b1: {  	v1 =	vadd.s32 $0x884, v0;
	v13 =	vld.idx.msk [tilespmem:v20+s2+$0x0], $0xffff  }
0x2b2: {  	v14 =	vld.idx.msk [tilespmem:v21+s2+$0x0], $0xffff  }
0x2b3: {  	v15 =	vld.idx.msk [tilespmem:v22+s2+$0x0], $0xffff  }
0x2b4: {  	v16 =	vld.idx.msk [tilespmem:v23+s2+$0x0], $0xffff  }
0x2b5: {  	v2 =	vld.idx.msk [tilespmem:v2+s2+$0x0], $0xffff  }
0x2b6: {  	v1 =	vld.idx.msk [tilespmem:v1+s2+$0x0], $0xffff;
	_ =	sdelay $0x1  }
0x2b7: {  	v3 =	vadd.f32 v4, v3;
	v24 =	vadd.f32 v8, v7  }
0x2b8: {  	v25 =	vadd.f32 v10, v9;
	v27 =	vadd.f32 v14, v13  }
0x2b9: {  	v28 =	vadd.f32 v16, v15;
	v2 =	vadd.f32 v6, v2  }
0x2ba: {  	v26 =	vadd.f32 v12, v11;
	v1 =	vadd.f32 v5, v1  }
0x2bb: {  	v29 =	vadd.f32 v28, v27;
	v2 =	vadd.f32 v2, v3  }
0x2bc: {  	v3 =	vadd.f32 v26, v25;
	v1 =	vadd.f32 v24, v1  }
0x2bd: {  	v30 =	vadd.s32 $0x8, v32  }
0x2be: {  	v1 =	vadd.f32 v1, v2;
	v2 =	vadd.f32 v29, v3;
	v3 =	vadd.s32 $0x990, v0  }
0x2bf: {  	v31 =	vadd.s32 $0x991, v0  }
0x2c0: {  	v33 =	vadd.s32 $0x993, v0;
	v1 =	vadd.f32 v2, v1  }
0x2c1: {  	v34 =	vadd.s32 $0x995, v0  }
0x2c2: {  	v35 =	vadd.s32 $0x996, v0;
	[tilespmem:v30+s22+$0x1B070] =	vst.idx.msk $0xffff, v1  }
0x2c3: {  	v36 =	vadd.s32 $0x997, v0;
	v3 =	vld.idx.msk [tilespmem:v3+s2+$0x0], $0xffff  }
0x2c4: {  	v37 =	vadd.s32 $0x998, v0;
	v4 =	vld.idx.msk [tilespmem:v31+s2+$0x0], $0xffff  }
0x2c5: {  	v38 =	vadd.s32 $0x999, v0;
	v6 =	vld.idx.msk [tilespmem:v33+s2+$0x0], $0xffff  }
0x2c6: {  	v39 =	vadd.s32 $0x99A, v0;
	v5 =	vld.idx.msk [tilespmem:v34+s2+$0x0], $0xffff  }
0x2c7: {  	v40 =	vadd.s32 $0x99B, v0;
	v7 =	vld.idx.msk [tilespmem:v35+s2+$0x0], $0xffff  }
0x2c8: {  	v41 =	vadd.s32 $0x99C, v0;
	v8 =	vld.idx.msk [tilespmem:v36+s2+$0x0], $0xffff  }
0x2c9: {  	v42 =	vadd.s32 $0x99D, v0;
	v9 =	vld.idx.msk [tilespmem:v37+s2+$0x0], $0xffff  }
0x2ca: {  	v43 =	vadd.s32 $0x99E, v0;
	v10 =	vld.idx.msk [tilespmem:v38+s2+$0x0], $0xffff  }
0x2cb: {  	v44 =	vadd.s32 $0x99F, v0;
	v11 =	vld.idx.msk [tilespmem:v39+s2+$0x0], $0xffff  }
0x2cc: {  	v2 =	vadd.s32 $0x992, v0;
	v12 =	vld.idx.msk [tilespmem:v40+s2+$0x0], $0xffff  }
0x2cd: {  	v1 =	vadd.s32 $0x994, v0;
	v13 =	vld.idx.msk [tilespmem:v41+s2+$0x0], $0xffff  }
0x2ce: {  	v14 =	vld.idx.msk [tilespmem:v42+s2+$0x0], $0xffff  }
0x2cf: {  	v15 =	vld.idx.msk [tilespmem:v43+s2+$0x0], $0xffff  }
0x2d0: {  	v16 =	vld.idx.msk [tilespmem:v44+s2+$0x0], $0xffff  }
0x2d1: {  	v2 =	vld.idx.msk [tilespmem:v2+s2+$0x0], $0xffff  }
0x2d2: {  	v1 =	vld.idx.msk [tilespmem:v1+s2+$0x0], $0xffff;
	_ =	sdelay $0x1  }
0x2d3: {  	v3 =	vadd.f32 v4, v3;
	v59 =	vadd.f32 v8, v7  }
0x2d4: {  	v60 =	vadd.f32 v10, v9;
	v62 =	vadd.f32 v14, v13  }
0x2d5: {  	v63 =	vadd.f32 v16, v15;
	v2 =	vadd.f32 v6, v2  }
0x2d6: {  	v61 =	vadd.f32 v12, v11;
	v1 =	vadd.f32 v5, v1  }
0x2d7: {  	v12 =	vadd.f32 v63, v62;
	v2 =	vadd.f32 v2, v3  }
0x2d8: {  	v3 =	vadd.f32 v61, v60;
	v1 =	vadd.f32 v59, v1  }
0x2d9: {  	v13 =	vadd.s32 $0x9, v32  }
0x2da: {  	v1 =	vadd.f32 v1, v2;
	v2 =	vadd.f32 v12, v3;
	v3 =	vadd.s32 $0xAA0, v0  }
0x2db: {  	v14 =	vadd.s32 $0xAA1, v0  }
0x2dc: {  	v15 =	vadd.s32 $0xAA3, v0;
	v1 =	vadd.f32 v2, v1  }
0x2dd: {  	v16 =	vadd.s32 $0xAA5, v0  }
0x2de: {  	v17 =	vadd.s32 $0xAA6, v0;
	[tilespmem:v13+s22+$0x1B070] =	vst.idx.msk $0xffff, v1  }
0x2df: {  	v18 =	vadd.s32 $0xAA7, v0;
	v3 =	vld.idx.msk [tilespmem:v3+s2+$0x0], $0xffff  }
0x2e0: {  	v19 =	vadd.s32 $0xAA8, v0;
	v4 =	vld.idx.msk [tilespmem:v14+s2+$0x0], $0xffff  }
0x2e1: {  	v20 =	vadd.s32 $0xAA9, v0;
	v6 =	vld.idx.msk [tilespmem:v15+s2+$0x0], $0xffff  }
0x2e2: {  	v21 =	vadd.s32 $0xAAA, v0;
	v5 =	vld.idx.msk [tilespmem:v16+s2+$0x0], $0xffff  }
0x2e3: {  	v22 =	vadd.s32 $0xAAB, v0;
	v7 =	vld.idx.msk [tilespmem:v17+s2+$0x0], $0xffff  }
0x2e4: {  	v23 =	vadd.s32 $0xAAC, v0;
	v8 =	vld.idx.msk [tilespmem:v18+s2+$0x0], $0xffff  }
0x2e5: {  	v24 =	vadd.s32 $0xAAD, v0;
	v9 =	vld.idx.msk [tilespmem:v19+s2+$0x0], $0xffff  }
0x2e6: {  	v25 =	vadd.s32 $0xAAE, v0;
	v10 =	vld.idx.msk [tilespmem:v20+s2+$0x0], $0xffff  }
0x2e7: {  	v26 =	vadd.s32 $0xAAF, v0;
	v11 =	vld.idx.msk [tilespmem:v21+s2+$0x0], $0xffff  }
0x2e8: {  	v2 =	vadd.s32 $0xAA2, v0;
	v12 =	vld.idx.msk [tilespmem:v22+s2+$0x0], $0xffff  }
0x2e9: {  	v1 =	vadd.s32 $0xAA4, v0;
	v13 =	vld.idx.msk [tilespmem:v23+s2+$0x0], $0xffff  }
0x2ea: {  	v14 =	vld.idx.msk [tilespmem:v24+s2+$0x0], $0xffff  }
0x2eb: {  	v15 =	vld.idx.msk [tilespmem:v25+s2+$0x0], $0xffff  }
0x2ec: {  	v16 =	vld.idx.msk [tilespmem:v26+s2+$0x0], $0xffff  }
0x2ed: {  	v2 =	vld.idx.msk [tilespmem:v2+s2+$0x0], $0xffff  }
0x2ee: {  	v1 =	vld.idx.msk [tilespmem:v1+s2+$0x0], $0xffff;
	_ =	sdelay $0x1  }
0x2ef: {  	v3 =	vadd.f32 v4, v3;
	v27 =	vadd.f32 v8, v7  }
0x2f0: {  	v28 =	vadd.f32 v10, v9;
	v30 =	vadd.f32 v14, v13  }
0x2f1: {  	v31 =	vadd.f32 v16, v15;
	v2 =	vadd.f32 v6, v2  }
0x2f2: {  	v29 =	vadd.f32 v12, v11;
	v1 =	vadd.f32 v5, v1  }
0x2f3: {  	v33 =	vadd.f32 v31, v30;
	v2 =	vadd.f32 v2, v3  }
0x2f4: {  	v3 =	vadd.f32 v29, v28;
	v1 =	vadd.f32 v27, v1  }
0x2f5: {  	v34 =	vadd.s32 $0xA, v32  }
0x2f6: {  	v1 =	vadd.f32 v1, v2;
	v2 =	vadd.f32 v33, v3;
	v3 =	vadd.s32 $0xBB0, v0  }
0x2f7: {  	v35 =	vadd.s32 $0xBB1, v0  }
0x2f8: {  	v36 =	vadd.s32 $0xBB3, v0;
	v1 =	vadd.f32 v2, v1  }
0x2f9: {  	v37 =	vadd.s32 $0xBB5, v0  }
0x2fa: {  	v38 =	vadd.s32 $0xBB6, v0;
	[tilespmem:v34+s22+$0x1B070] =	vst.idx.msk $0xffff, v1  }
0x2fb: {  	v39 =	vadd.s32 $0xBB7, v0;
	v3 =	vld.idx.msk [tilespmem:v3+s2+$0x0], $0xffff  }
0x2fc: {  	v40 =	vadd.s32 $0xBB8, v0;
	v4 =	vld.idx.msk [tilespmem:v35+s2+$0x0], $0xffff  }
0x2fd: {  	v41 =	vadd.s32 $0xBB9, v0;
	v6 =	vld.idx.msk [tilespmem:v36+s2+$0x0], $0xffff  }
0x2fe: {  	v42 =	vadd.s32 $0xBBA, v0;
	v5 =	vld.idx.msk [tilespmem:v37+s2+$0x0], $0xffff  }
0x2ff: {  	v43 =	vadd.s32 $0xBBB, v0;
	v7 =	vld.idx.msk [tilespmem:v38+s2+$0x0], $0xffff  }
0x300: {  	v44 =	vadd.s32 $0xBBC, v0;
	v8 =	vld.idx.msk [tilespmem:v39+s2+$0x0], $0xffff  }
0x301: {  	v59 =	vadd.s32 $0xBBD, v0;
	v9 =	vld.idx.msk [tilespmem:v40+s2+$0x0], $0xffff  }
0x302: {  	v60 =	vadd.s32 $0xBBE, v0;
	v10 =	vld.idx.msk [tilespmem:v41+s2+$0x0], $0xffff  }
0x303: {  	v61 =	vadd.s32 $0xBBF, v0;
	v11 =	vld.idx.msk [tilespmem:v42+s2+$0x0], $0xffff  }
0x304: {  	v2 =	vadd.s32 $0xBB2, v0;
	v12 =	vld.idx.msk [tilespmem:v43+s2+$0x0], $0xffff  }
0x305: {  	v1 =	vadd.s32 $0xBB4, v0;
	v13 =	vld.idx.msk [tilespmem:v44+s2+$0x0], $0xffff  }
0x306: {  	v14 =	vld.idx.msk [tilespmem:v59+s2+$0x0], $0xffff  }
0x307: {  	v15 =	vld.idx.msk [tilespmem:v60+s2+$0x0], $0xffff  }
0x308: {  	v16 =	vld.idx.msk [tilespmem:v61+s2+$0x0], $0xffff  }
0x309: {  	v2 =	vld.idx.msk [tilespmem:v2+s2+$0x0], $0xffff  }
0x30a: {  	v1 =	vld.idx.msk [tilespmem:v1+s2+$0x0], $0xffff;
	_ =	sdelay $0x1  }
0x30b: {  	v3 =	vadd.f32 v4, v3;
	v62 =	vadd.f32 v8, v7  }
0x30c: {  	v63 =	vadd.f32 v10, v9;
	v14 =	vadd.f32 v14, v13  }
0x30d: {  	v17 =	vadd.f32 v16, v15;
	v2 =	vadd.f32 v6, v2  }
0x30e: {  	v12 =	vadd.f32 v12, v11;
	v1 =	vadd.f32 v5, v1  }
0x30f: {  	v18 =	vadd.f32 v17, v14;
	v2 =	vadd.f32 v2, v3  }
0x310: {  	v3 =	vadd.f32 v12, v63;
	v1 =	vadd.f32 v62, v1  }
0x311: {  	v19 =	vadd.s32 $0xB, v32  }
0x312: {  	v1 =	vadd.f32 v1, v2;
	v2 =	vadd.f32 v18, v3;
	v3 =	vadd.s32 $0xCC0, v0  }
0x313: {  	v20 =	vadd.s32 $0xCC1, v0  }
0x314: {  	v21 =	vadd.s32 $0xCC3, v0;
	v1 =	vadd.f32 v2, v1  }
0x315: {  	v22 =	vadd.s32 $0xCC5, v0  }
0x316: {  	v23 =	vadd.s32 $0xCC6, v0;
	[tilespmem:v19+s22+$0x1B070] =	vst.idx.msk $0xffff, v1  }
0x317: {  	v24 =	vadd.s32 $0xCC7, v0;
	v3 =	vld.idx.msk [tilespmem:v3+s2+$0x0], $0xffff  }
0x318: {  	v25 =	vadd.s32 $0xCC8, v0;
	v4 =	vld.idx.msk [tilespmem:v20+s2+$0x0], $0xffff  }
0x319: {  	v26 =	vadd.s32 $0xCC9, v0;
	v6 =	vld.idx.msk [tilespmem:v21+s2+$0x0], $0xffff  }
0x31a: {  	v27 =	vadd.s32 $0xCCA, v0;
	v5 =	vld.idx.msk [tilespmem:v22+s2+$0x0], $0xffff  }
0x31b: {  	v28 =	vadd.s32 $0xCCB, v0;
	v7 =	vld.idx.msk [tilespmem:v23+s2+$0x0], $0xffff  }
0x31c: {  	v29 =	vadd.s32 $0xCCC, v0;
	v8 =	vld.idx.msk [tilespmem:v24+s2+$0x0], $0xffff  }
0x31d: {  	v30 =	vadd.s32 $0xCCD, v0;
	v9 =	vld.idx.msk [tilespmem:v25+s2+$0x0], $0xffff  }
0x31e: {  	v31 =	vadd.s32 $0xCCE, v0;
	v10 =	vld.idx.msk [tilespmem:v26+s2+$0x0], $0xffff  }
0x31f: {  	v33 =	vadd.s32 $0xCCF, v0;
	v11 =	vld.idx.msk [tilespmem:v27+s2+$0x0], $0xffff  }
0x320: {  	v2 =	vadd.s32 $0xCC2, v0;
	v12 =	vld.idx.msk [tilespmem:v28+s2+$0x0], $0xffff  }
0x321: {  	v1 =	vadd.s32 $0xCC4, v0;
	v13 =	vld.idx.msk [tilespmem:v29+s2+$0x0], $0xffff  }
0x322: {  	v14 =	vld.idx.msk [tilespmem:v30+s2+$0x0], $0xffff  }
0x323: {  	v15 =	vld.idx.msk [tilespmem:v31+s2+$0x0], $0xffff  }
0x324: {  	v16 =	vld.idx.msk [tilespmem:v33+s2+$0x0], $0xffff  }
0x325: {  	v2 =	vld.idx.msk [tilespmem:v2+s2+$0x0], $0xffff  }
0x326: {  	v1 =	vld.idx.msk [tilespmem:v1+s2+$0x0], $0xffff;
	_ =	sdelay $0x1  }
0x327: {  	v3 =	vadd.f32 v4, v3;
	v34 =	vadd.f32 v8, v7  }
0x328: {  	v35 =	vadd.f32 v10, v9;
	v37 =	vadd.f32 v14, v13  }
0x329: {  	v38 =	vadd.f32 v16, v15;
	v2 =	vadd.f32 v6, v2  }
0x32a: {  	v36 =	vadd.f32 v12, v11;
	v1 =	vadd.f32 v5, v1  }
0x32b: {  	v39 =	vadd.f32 v38, v37;
	v2 =	vadd.f32 v2, v3  }
0x32c: {  	v3 =	vadd.f32 v36, v35;
	v1 =	vadd.f32 v34, v1  }
0x32d: {  	v40 =	vadd.s32 $0xC, v32  }
0x32e: {  	v1 =	vadd.f32 v1, v2;
	v2 =	vadd.f32 v39, v3;
	v3 =	vadd.s32 $0xDD0, v0  }
0x32f: {  	v41 =	vadd.s32 $0xDD1, v0  }
0x330: {  	v42 =	vadd.s32 $0xDD3, v0;
	v1 =	vadd.f32 v2, v1  }
0x331: {  	v43 =	vadd.s32 $0xDD5, v0  }
0x332: {  	v44 =	vadd.s32 $0xDD6, v0;
	[tilespmem:v40+s22+$0x1B070] =	vst.idx.msk $0xffff, v1  }
0x333: {  	v59 =	vadd.s32 $0xDD7, v0;
	v3 =	vld.idx.msk [tilespmem:v3+s2+$0x0], $0xffff  }
0x334: {  	v60 =	vadd.s32 $0xDD8, v0;
	v4 =	vld.idx.msk [tilespmem:v41+s2+$0x0], $0xffff  }
0x335: {  	v61 =	vadd.s32 $0xDD9, v0;
	v6 =	vld.idx.msk [tilespmem:v42+s2+$0x0], $0xffff  }
0x336: {  	v62 =	vadd.s32 $0xDDA, v0;
	v5 =	vld.idx.msk [tilespmem:v43+s2+$0x0], $0xffff  }
0x337: {  	v63 =	vadd.s32 $0xDDB, v0;
	v7 =	vld.idx.msk [tilespmem:v44+s2+$0x0], $0xffff  }
0x338: {  	v20 =	vadd.s32 $0xDDC, v0;
	v8 =	vld.idx.msk [tilespmem:v59+s2+$0x0], $0xffff  }
0x339: {  	v21 =	vadd.s32 $0xDDD, v0;
	v9 =	vld.idx.msk [tilespmem:v60+s2+$0x0], $0xffff  }
0x33a: {  	v22 =	vadd.s32 $0xDDE, v0;
	v10 =	vld.idx.msk [tilespmem:v61+s2+$0x0], $0xffff  }
0x33b: {  	v23 =	vadd.s32 $0xDDF, v0;
	v11 =	vld.idx.msk [tilespmem:v62+s2+$0x0], $0xffff  }
0x33c: {  	v2 =	vadd.s32 $0xDD2, v0;
	v12 =	vld.idx.msk [tilespmem:v63+s2+$0x0], $0xffff  }
0x33d: {  	v1 =	vadd.s32 $0xDD4, v0;
	v13 =	vld.idx.msk [tilespmem:v20+s2+$0x0], $0xffff  }
0x33e: {  	v14 =	vld.idx.msk [tilespmem:v21+s2+$0x0], $0xffff  }
0x33f: {  	v15 =	vld.idx.msk [tilespmem:v22+s2+$0x0], $0xffff  }
0x340: {  	v16 =	vld.idx.msk [tilespmem:v23+s2+$0x0], $0xffff  }
0x341: {  	v2 =	vld.idx.msk [tilespmem:v2+s2+$0x0], $0xffff  }
0x342: {  	v1 =	vld.idx.msk [tilespmem:v1+s2+$0x0], $0xffff;
	_ =	sdelay $0x1  }
0x343: {  	v3 =	vadd.f32 v4, v3;
	v24 =	vadd.f32 v8, v7  }
0x344: {  	v25 =	vadd.f32 v10, v9;
	v27 =	vadd.f32 v14, v13  }
0x345: {  	v28 =	vadd.f32 v16, v15;
	v2 =	vadd.f32 v6, v2  }
0x346: {  	v26 =	vadd.f32 v12, v11;
	v1 =	vadd.f32 v5, v1  }
0x347: {  	v29 =	vadd.f32 v28, v27;
	v2 =	vadd.f32 v2, v3  }
0x348: {  	v3 =	vadd.f32 v26, v25;
	v1 =	vadd.f32 v24, v1  }
0x349: {  	v30 =	vadd.s32 $0xD, v32  }
0x34a: {  	v1 =	vadd.f32 v1, v2;
	v2 =	vadd.f32 v29, v3;
	v3 =	vadd.s32 $0xEE0, v0  }
0x34b: {  	v31 =	vadd.s32 $0xEE1, v0  }
0x34c: {  	v33 =	vadd.s32 $0xEE3, v0;
	v1 =	vadd.f32 v2, v1  }
0x34d: {  	v34 =	vadd.s32 $0xEE5, v0  }
0x34e: {  	v35 =	vadd.s32 $0xEE6, v0;
	[tilespmem:v30+s22+$0x1B070] =	vst.idx.msk $0xffff, v1  }
0x34f: {  	v36 =	vadd.s32 $0xEE7, v0;
	v3 =	vld.idx.msk [tilespmem:v3+s2+$0x0], $0xffff  }
0x350: {  	v37 =	vadd.s32 $0xEE8, v0;
	v4 =	vld.idx.msk [tilespmem:v31+s2+$0x0], $0xffff  }
0x351: {  	v38 =	vadd.s32 $0xEE9, v0;
	v6 =	vld.idx.msk [tilespmem:v33+s2+$0x0], $0xffff  }
0x352: {  	v39 =	vadd.s32 $0xEEA, v0;
	v5 =	vld.idx.msk [tilespmem:v34+s2+$0x0], $0xffff  }
0x353: {  	v40 =	vadd.s32 $0xEEB, v0;
	v7 =	vld.idx.msk [tilespmem:v35+s2+$0x0], $0xffff  }
0x354: {  	v41 =	vadd.s32 $0xEEC, v0;
	v8 =	vld.idx.msk [tilespmem:v36+s2+$0x0], $0xffff  }
0x355: {  	v42 =	vadd.s32 $0xEED, v0;
	v9 =	vld.idx.msk [tilespmem:v37+s2+$0x0], $0xffff  }
0x356: {  	v43 =	vadd.s32 $0xEEE, v0;
	v10 =	vld.idx.msk [tilespmem:v38+s2+$0x0], $0xffff  }
0x357: {  	v44 =	vadd.s32 $0xEEF, v0;
	v11 =	vld.idx.msk [tilespmem:v39+s2+$0x0], $0xffff  }
0x358: {  	v2 =	vadd.s32 $0xEE2, v0;
	v12 =	vld.idx.msk [tilespmem:v40+s2+$0x0], $0xffff  }
0x359: {  	v1 =	vadd.s32 $0xEE4, v0;
	v13 =	vld.idx.msk [tilespmem:v41+s2+$0x0], $0xffff  }
0x35a: {  	v14 =	vld.idx.msk [tilespmem:v42+s2+$0x0], $0xffff  }
0x35b: {  	v15 =	vld.idx.msk [tilespmem:v43+s2+$0x0], $0xffff  }
0x35c: {  	v16 =	vld.idx.msk [tilespmem:v44+s2+$0x0], $0xffff  }
0x35d: {  	v2 =	vld.idx.msk [tilespmem:v2+s2+$0x0], $0xffff  }
0x35e: {  	v1 =	vld.idx.msk [tilespmem:v1+s2+$0x0], $0xffff;
	_ =	sdelay $0x1  }
0x35f: {  	v3 =	vadd.f32 v4, v3;
	v59 =	vadd.f32 v8, v7  }
0x360: {  	v60 =	vadd.f32 v10, v9;
	v62 =	vadd.f32 v14, v13  }
0x361: {  	v63 =	vadd.f32 v16, v15;
	v2 =	vadd.f32 v6, v2  }
0x362: {  	v61 =	vadd.f32 v12, v11;
	v1 =	vadd.f32 v5, v1  }
0x363: {  	v12 =	vadd.f32 v63, v62;
	v2 =	vadd.f32 v2, v3  }
0x364: {  	v3 =	vadd.f32 v61, v60;
	v1 =	vadd.f32 v59, v1  }
0x365: {  	v13 =	vadd.s32 $0xE, v32  }
0x366: {  	v1 =	vadd.f32 v1, v2;
	v2 =	vadd.f32 v12, v3;
	v3 =	vadd.s32 $0xFF0, v0  }
0x367: {  	v14 =	vadd.s32 $0xFF1, v0  }
0x368: {  	v15 =	vadd.s32 $0xFF3, v0;
	v1 =	vadd.f32 v2, v1  }
0x369: {  	v16 =	vadd.s32 $0xFF5, v0  }
0x36a: {  	v17 =	vadd.s32 $0xFF6, v0;
	[tilespmem:v13+s22+$0x1B070] =	vst.idx.msk $0xffff, v1  }
0x36b: {  	v18 =	vadd.s32 $0xFF7, v0;
	v3 =	vld.idx.msk [tilespmem:v3+s2+$0x0], $0xffff  }
0x36c: {  	v19 =	vadd.s32 $0xFF8, v0;
	v4 =	vld.idx.msk [tilespmem:v14+s2+$0x0], $0xffff  }
0x36d: {  	v20 =	vadd.s32 $0xFF9, v0;
	v6 =	vld.idx.msk [tilespmem:v15+s2+$0x0], $0xffff  }
0x36e: {  	v21 =	vadd.s32 $0xFFA, v0;
	v5 =	vld.idx.msk [tilespmem:v16+s2+$0x0], $0xffff  }
0x36f: {  	v22 =	vadd.s32 $0xFFB, v0;
	v7 =	vld.idx.msk [tilespmem:v17+s2+$0x0], $0xffff  }
0x370: {  	v23 =	vadd.s32 $0xFFC, v0;
	v8 =	vld.idx.msk [tilespmem:v18+s2+$0x0], $0xffff  }
0x371: {  	v24 =	vadd.s32 $0xFFD, v0;
	v9 =	vld.idx.msk [tilespmem:v19+s2+$0x0], $0xffff  }
0x372: {  	v25 =	vadd.s32 $0xFFE, v0;
	v10 =	vld.idx.msk [tilespmem:v20+s2+$0x0], $0xffff  }
0x373: {  	v26 =	vadd.s32 $0xFFF, v0;
	v11 =	vld.idx.msk [tilespmem:v21+s2+$0x0], $0xffff  }
0x374: {  	v2 =	vadd.s32 $0xFF2, v0;
	v12 =	vld.idx.msk [tilespmem:v22+s2+$0x0], $0xffff  }
0x375: {  	v1 =	vadd.s32 $0xFF4, v0;
	v13 =	vld.idx.msk [tilespmem:v23+s2+$0x0], $0xffff  }
0x376: {  	v14 =	vld.idx.msk [tilespmem:v24+s2+$0x0], $0xffff  }
0x377: {  	v15 =	vld.idx.msk [tilespmem:v25+s2+$0x0], $0xffff  }
0x378: {  	v16 =	vld.idx.msk [tilespmem:v26+s2+$0x0], $0xffff  }
0x379: {  	v2 =	vld.idx.msk [tilespmem:v2+s2+$0x0], $0xffff  }
0x37a: {  	v1 =	vld.idx.msk [tilespmem:v1+s2+$0x0], $0xffff;
	_ =	sdelay $0x1  }
0x37b: {  	v3 =	vadd.f32 v4, v3;
	v27 =	vadd.f32 v8, v7  }
0x37c: {  	v28 =	vadd.f32 v10, v9;
	v30 =	vadd.f32 v14, v13  }
0x37d: {  	v31 =	vadd.f32 v16, v15;
	v2 =	vadd.f32 v6, v2  }
0x37e: {  	v29 =	vadd.f32 v12, v11;
	v1 =	vadd.f32 v5, v1  }
0x37f: {  	v33 =	vadd.f32 v31, v30;
	v2 =	vadd.f32 v2, v3  }
0x380: {  	v3 =	vadd.f32 v29, v28;
	v1 =	vadd.f32 v27, v1  }
0x381: {  	v34 =	vadd.s32 $0xF, v32  }
0x382: {  	v1 =	vadd.f32 v1, v2;
	v2 =	vadd.f32 v33, v3;
	v3 =	vor.u32 $0x1100, v0  }
0x383: {  	v35 =	vadd.s32 $0x1101, v0  }
0x384: {  	v36 =	vadd.s32 $0x1103, v0;
	v1 =	vadd.f32 v2, v1  }
0x385: {  	v37 =	vadd.s32 $0x1105, v0  }
0x386: {  	v38 =	vadd.s32 $0x1106, v0;
	[tilespmem:v34+s22+$0x1B070] =	vst.idx.msk $0xffff, v1  }
0x387: {  	v39 =	vadd.s32 $0x1107, v0;
	v3 =	vld.idx.msk [tilespmem:v3+s2+$0x0], $0xffff  }
0x388: {  	v40 =	vadd.s32 $0x1108, v0;
	v4 =	vld.idx.msk [tilespmem:v35+s2+$0x0], $0xffff  }
0x389: {  	v41 =	vadd.s32 $0x1109, v0;
	v6 =	vld.idx.msk [tilespmem:v36+s2+$0x0], $0xffff  }
0x38a: {  	v42 =	vadd.s32 $0x110A, v0;
	v5 =	vld.idx.msk [tilespmem:v37+s2+$0x0], $0xffff  }
0x38b: {  	v43 =	vadd.s32 $0x110B, v0;
	v7 =	vld.idx.msk [tilespmem:v38+s2+$0x0], $0xffff  }
0x38c: {  	v44 =	vadd.s32 $0x110C, v0;
	v8 =	vld.idx.msk [tilespmem:v39+s2+$0x0], $0xffff  }
0x38d: {  	v59 =	vadd.s32 $0x110D, v0;
	v9 =	vld.idx.msk [tilespmem:v40+s2+$0x0], $0xffff  }
0x38e: {  	v60 =	vadd.s32 $0x110E, v0;
	v10 =	vld.idx.msk [tilespmem:v41+s2+$0x0], $0xffff  }
0x38f: {  	v61 =	vadd.s32 $0x110F, v0;
	v11 =	vld.idx.msk [tilespmem:v42+s2+$0x0], $0xffff  }
0x390: {  	v2 =	vadd.s32 $0x1102, v0;
	v12 =	vld.idx.msk [tilespmem:v43+s2+$0x0], $0xffff  }
0x391: {  	v1 =	vadd.s32 $0x1104, v0;
	v13 =	vld.idx.msk [tilespmem:v44+s2+$0x0], $0xffff  }
0x392: {  	v14 =	vld.idx.msk [tilespmem:v59+s2+$0x0], $0xffff  }
0x393: {  	v15 =	vld.idx.msk [tilespmem:v60+s2+$0x0], $0xffff  }
0x394: {  	v16 =	vld.idx.msk [tilespmem:v61+s2+$0x0], $0xffff  }
0x395: {  	v2 =	vld.idx.msk [tilespmem:v2+s2+$0x0], $0xffff  }
0x396: {  	v1 =	vld.idx.msk [tilespmem:v1+s2+$0x0], $0xffff;
	_ =	sdelay $0x1  }
0x397: {  	v3 =	vadd.f32 v4, v3;
	v62 =	vadd.f32 v8, v7  }
0x398: {  	v63 =	vadd.f32 v10, v9;
	v14 =	vadd.f32 v14, v13  }
0x399: {  	v15 =	vadd.f32 v16, v15;
	v2 =	vadd.f32 v6, v2  }
0x39a: {  	v12 =	vadd.f32 v12, v11;
	v1 =	vadd.f32 v5, v1  }
0x39b: {  	v16 =	vadd.f32 v15, v14;
	v2 =	vadd.f32 v2, v3  }
0x39c: {  	v3 =	vadd.f32 v12, v63;
	v1 =	vadd.f32 v62, v1  }
0x39d: {  	v17 =	vadd.s32 $0x10, v32  }
0x39e: {  	v1 =	vadd.f32 v1, v2;
	v2 =	vadd.f32 v16, v3;
	v3 =	vadd.s32 $0x1210, v0  }
0x39f: {  	v18 =	vadd.s32 $0x1211, v0  }
0x3a0: {  	v19 =	vadd.s32 $0x1213, v0;
	v1 =	vadd.f32 v2, v1  }
0x3a1: {  	v20 =	vadd.s32 $0x1215, v0  }
0x3a2: {  	v21 =	vadd.s32 $0x1216, v0;
	[tilespmem:v17+s22+$0x1B070] =	vst.idx.msk $0xffff, v1  }
0x3a3: {  	v22 =	vadd.s32 $0x1217, v0;
	v3 =	vld.idx.msk [tilespmem:v3+s2+$0x0], $0xffff  }
0x3a4: {  	v23 =	vadd.s32 $0x1218, v0;
	v4 =	vld.idx.msk [tilespmem:v18+s2+$0x0], $0xffff  }
0x3a5: {  	v24 =	vadd.s32 $0x1219, v0;
	v6 =	vld.idx.msk [tilespmem:v19+s2+$0x0], $0xffff  }
0x3a6: {  	v25 =	vadd.s32 $0x121A, v0;
	v5 =	vld.idx.msk [tilespmem:v20+s2+$0x0], $0xffff  }
0x3a7: {  	v26 =	vadd.s32 $0x121B, v0;
	v7 =	vld.idx.msk [tilespmem:v21+s2+$0x0], $0xffff  }
0x3a8: {  	v27 =	vadd.s32 $0x121C, v0;
	v8 =	vld.idx.msk [tilespmem:v22+s2+$0x0], $0xffff  }
0x3a9: {  	v28 =	vadd.s32 $0x121D, v0;
	v9 =	vld.idx.msk [tilespmem:v23+s2+$0x0], $0xffff  }
0x3aa: {  	v29 =	vadd.s32 $0x121E, v0;
	v10 =	vld.idx.msk [tilespmem:v24+s2+$0x0], $0xffff  }
0x3ab: {  	v30 =	vadd.s32 $0x121F, v0;
	v11 =	vld.idx.msk [tilespmem:v25+s2+$0x0], $0xffff  }
0x3ac: {  	v2 =	vadd.s32 $0x1212, v0;
	v12 =	vld.idx.msk [tilespmem:v26+s2+$0x0], $0xffff  }
0x3ad: {  	v1 =	vadd.s32 $0x1214, v0;
	v13 =	vld.idx.msk [tilespmem:v27+s2+$0x0], $0xffff  }
0x3ae: {  	v14 =	vld.idx.msk [tilespmem:v28+s2+$0x0], $0xffff  }
0x3af: {  	v15 =	vld.idx.msk [tilespmem:v29+s2+$0x0], $0xffff  }
0x3b0: {  	v16 =	vld.idx.msk [tilespmem:v30+s2+$0x0], $0xffff  }
0x3b1: {  	v2 =	vld.idx.msk [tilespmem:v2+s2+$0x0], $0xffff  }
0x3b2: {  	v1 =	vld.idx.msk [tilespmem:v1+s2+$0x0], $0xffff;
	_ =	sdelay $0x1  }
0x3b3: {  	v3 =	vadd.f32 v4, v3;
	v31 =	vadd.f32 v8, v7  }
0x3b4: {  	v33 =	vadd.f32 v10, v9;
	v35 =	vadd.f32 v14, v13  }
0x3b5: {  	v36 =	vadd.f32 v16, v15;
	v2 =	vadd.f32 v6, v2  }
0x3b6: {  	v34 =	vadd.f32 v12, v11;
	v1 =	vadd.f32 v5, v1  }
0x3b7: {  	v37 =	vadd.f32 v36, v35;
	v2 =	vadd.f32 v2, v3  }
0x3b8: {  	v3 =	vadd.f32 v34, v33;
	v1 =	vadd.f32 v31, v1  }
0x3b9: {  	v38 =	vadd.s32 $0x11, v32  }
0x3ba: {  	v1 =	vadd.f32 v1, v2;
	v2 =	vadd.f32 v37, v3;
	v3 =	vadd.s32 $0x1320, v0  }
0x3bb: {  	v39 =	vadd.s32 $0x1321, v0  }
0x3bc: {  	v40 =	vadd.s32 $0x1323, v0;
	v1 =	vadd.f32 v2, v1  }
0x3bd: {  	v41 =	vadd.s32 $0x1325, v0  }
0x3be: {  	v42 =	vadd.s32 $0x1326, v0;
	[tilespmem:v38+s22+$0x1B070] =	vst.idx.msk $0xffff, v1  }
0x3bf: {  	v43 =	vadd.s32 $0x1327, v0;
	v3 =	vld.idx.msk [tilespmem:v3+s2+$0x0], $0xffff  }
0x3c0: {  	v44 =	vadd.s32 $0x1328, v0;
	v4 =	vld.idx.msk [tilespmem:v39+s2+$0x0], $0xffff  }
0x3c1: {  	v59 =	vadd.s32 $0x1329, v0;
	v6 =	vld.idx.msk [tilespmem:v40+s2+$0x0], $0xffff  }
0x3c2: {  	v60 =	vadd.s32 $0x132A, v0;
	v5 =	vld.idx.msk [tilespmem:v41+s2+$0x0], $0xffff  }
0x3c3: {  	v61 =	vadd.s32 $0x132B, v0;
	v7 =	vld.idx.msk [tilespmem:v42+s2+$0x0], $0xffff  }
0x3c4: {  	v62 =	vadd.s32 $0x132C, v0;
	v8 =	vld.idx.msk [tilespmem:v43+s2+$0x0], $0xffff  }
0x3c5: {  	v63 =	vadd.s32 $0x132D, v0;
	v9 =	vld.idx.msk [tilespmem:v44+s2+$0x0], $0xffff  }
0x3c6: {  	v20 =	vadd.s32 $0x132E, v0;
	v10 =	vld.idx.msk [tilespmem:v59+s2+$0x0], $0xffff  }
0x3c7: {  	v21 =	vadd.s32 $0x132F, v0;
	v11 =	vld.idx.msk [tilespmem:v60+s2+$0x0], $0xffff  }
0x3c8: {  	v2 =	vadd.s32 $0x1322, v0;
	v12 =	vld.idx.msk [tilespmem:v61+s2+$0x0], $0xffff  }
0x3c9: {  	v1 =	vadd.s32 $0x1324, v0;
	v13 =	vld.idx.msk [tilespmem:v62+s2+$0x0], $0xffff  }
0x3ca: {  	v14 =	vld.idx.msk [tilespmem:v63+s2+$0x0], $0xffff  }
0x3cb: {  	v15 =	vld.idx.msk [tilespmem:v20+s2+$0x0], $0xffff  }
0x3cc: {  	v16 =	vld.idx.msk [tilespmem:v21+s2+$0x0], $0xffff  }
0x3cd: {  	v2 =	vld.idx.msk [tilespmem:v2+s2+$0x0], $0xffff  }
0x3ce: {  	v1 =	vld.idx.msk [tilespmem:v1+s2+$0x0], $0xffff;
	_ =	sdelay $0x1  }
0x3cf: {  	v3 =	vadd.f32 v4, v3;
	v22 =	vadd.f32 v8, v7  }
0x3d0: {  	v23 =	vadd.f32 v10, v9;
	v25 =	vadd.f32 v14, v13  }
0x3d1: {  	v26 =	vadd.f32 v16, v15;
	v2 =	vadd.f32 v6, v2  }
0x3d2: {  	v24 =	vadd.f32 v12, v11;
	v1 =	vadd.f32 v5, v1  }
0x3d3: {  	v27 =	vadd.f32 v26, v25;
	v2 =	vadd.f32 v2, v3  }
0x3d4: {  	v3 =	vadd.f32 v24, v23;
	v1 =	vadd.f32 v22, v1  }
0x3d5: {  	v28 =	vadd.s32 $0x12, v32  }
0x3d6: {  	v1 =	vadd.f32 v1, v2;
	v2 =	vadd.f32 v27, v3;
	v3 =	vadd.s32 $0x1430, v0  }
0x3d7: {  	v29 =	vadd.s32 $0x1431, v0  }
0x3d8: {  	v30 =	vadd.s32 $0x1433, v0;
	v1 =	vadd.f32 v2, v1  }
0x3d9: {  	v31 =	vadd.s32 $0x1435, v0  }
0x3da: {  	v33 =	vadd.s32 $0x1436, v0;
	[tilespmem:v28+s22+$0x1B070] =	vst.idx.msk $0xffff, v1  }
0x3db: {  	v34 =	vadd.s32 $0x1437, v0;
	v3 =	vld.idx.msk [tilespmem:v3+s2+$0x0], $0xffff  }
0x3dc: {  	v35 =	vadd.s32 $0x1438, v0;
	v4 =	vld.idx.msk [tilespmem:v29+s2+$0x0], $0xffff  }
0x3dd: {  	v36 =	vadd.s32 $0x1439, v0;
	v6 =	vld.idx.msk [tilespmem:v30+s2+$0x0], $0xffff  }
0x3de: {  	v37 =	vadd.s32 $0x143A, v0;
	v5 =	vld.idx.msk [tilespmem:v31+s2+$0x0], $0xffff  }
0x3df: {  	v38 =	vadd.s32 $0x143B, v0;
	v7 =	vld.idx.msk [tilespmem:v33+s2+$0x0], $0xffff  }
0x3e0: {  	v39 =	vadd.s32 $0x143C, v0;
	v8 =	vld.idx.msk [tilespmem:v34+s2+$0x0], $0xffff  }
0x3e1: {  	v40 =	vadd.s32 $0x143D, v0;
	v9 =	vld.idx.msk [tilespmem:v35+s2+$0x0], $0xffff  }
0x3e2: {  	v41 =	vadd.s32 $0x143E, v0;
	v10 =	vld.idx.msk [tilespmem:v36+s2+$0x0], $0xffff  }
0x3e3: {  	v42 =	vadd.s32 $0x143F, v0;
	v11 =	vld.idx.msk [tilespmem:v37+s2+$0x0], $0xffff  }
0x3e4: {  	v2 =	vadd.s32 $0x1432, v0;
	v12 =	vld.idx.msk [tilespmem:v38+s2+$0x0], $0xffff  }
0x3e5: {  	v1 =	vadd.s32 $0x1434, v0;
	v13 =	vld.idx.msk [tilespmem:v39+s2+$0x0], $0xffff  }
0x3e6: {  	v14 =	vld.idx.msk [tilespmem:v40+s2+$0x0], $0xffff  }
0x3e7: {  	v15 =	vld.idx.msk [tilespmem:v41+s2+$0x0], $0xffff  }
0x3e8: {  	v16 =	vld.idx.msk [tilespmem:v42+s2+$0x0], $0xffff  }
0x3e9: {  	v2 =	vld.idx.msk [tilespmem:v2+s2+$0x0], $0xffff  }
0x3ea: {  	v1 =	vld.idx.msk [tilespmem:v1+s2+$0x0], $0xffff;
	_ =	sdelay $0x1  }
0x3eb: {  	v3 =	vadd.f32 v4, v3;
	v43 =	vadd.f32 v8, v7  }
0x3ec: {  	v44 =	vadd.f32 v10, v9;
	v60 =	vadd.f32 v14, v13  }
0x3ed: {  	v61 =	vadd.f32 v16, v15;
	v2 =	vadd.f32 v6, v2  }
0x3ee: {  	v59 =	vadd.f32 v12, v11;
	v1 =	vadd.f32 v5, v1  }
0x3ef: {  	v62 =	vadd.f32 v61, v60;
	v2 =	vadd.f32 v2, v3  }
0x3f0: {  	v3 =	vadd.f32 v59, v44;
	v1 =	vadd.f32 v43, v1  }
0x3f1: {  	v63 =	vadd.s32 $0x13, v32  }
0x3f2: {  	v1 =	vadd.f32 v1, v2;
	v2 =	vadd.f32 v62, v3  }
0x3f3: {  	s18 =	sadd.s32 $0x1, s18  }
0x3f4: {  	s24 =	smul.u32 $0x14, s20;
	p1 =	sne.s32 s18, $0x20;
	v1 =	vadd.f32 v2, v1  }
.Ltmp1:
0x3f5: {  	s21 =	sadd.s32 $0x1B050, s23;
	s23 =	sshrl.u32 s20, $0x3;
	(pc) =	sbr.rel @p1 .LBB2_2-.Ltmp1, $4  }
0x3f6: {  	s19 =	sadd.s32 $0x3, s19;
	s20 =	sshrl.u32 s24, $0x3;
	s23 =	sadd.s32 s0, s23;
	[tilespmem:v63+s22+$0x1B070] =	vst.idx.msk $0xffff, v1  }
0x3f7: {  	[hbm4b:s23+s4] =	stream.linear.scatter [tilespmem:s21], [sflag:s19], $0x10, $0x38;
	[tilespmem:$0x1B2F0] =	vst v63  }
0x3f8: {  	p0 =	por !p0, !p0;
	s25 =	sadd.s32 $0x1B070, s22;
	s20 =	sadd.s32 s3, s20  }
0x3f9: {  	[hbm4b:s20+s4] =	stream.linear.scatter [tilespmem:s25], [sflag:s19], $0x140, $0x38;
	[tilespmem:$0x1B2F0] =	vst v63  }
0x3fa: {  	_ =	swait.ge [sflag:s1], $0x10  }
0x3fb: {  	[sflag:s1] =	ssyncset.done $0x0  }
0x3fc: {  	[sflag:s1] =	ssyncadd.s32 $0xFFFFFFF0  }
0x3fd: {  	_ =	swait.ge [sflag:s1], $0x140  }
0x3fe: {  	[sflag:s1] =	ssyncset.done $0x0  }
0x3ff: {  	s17 =	sadd.s32 $0x1, s17;
	[sflag:s1] =	ssyncadd.s32 $0xFFFFFEC0  }
0x400: {  	p0 =	sne.s32 s17, s11;
	_ =	swait.ge [sflag:s16], $0x10  }
.Ltmp2:
0x401: {  	[sflag:s16] =	ssyncset.done $0x0;
	(pc) =	sbr.rel @p0 .LBB2_1-.Ltmp2, $4  }
0x402: {  	[sflag:s16] =	ssyncadd.s32 $0xFFFFFFF0  }
0x403: {  	_ =	swait.ge [sflag:s16], $0x140  }
0x404: {  	[sflag:s16] =	ssyncset.done $0x0  }
0x405: {  	[sflag:s16] =	ssyncadd.s32 $0xFFFFFEC0  }
0x406: {  	_ =	sfence.sel $0x180000  }
0x407: {  	[bflag:$0x0] =	sbarrier.arrive $0xFFFF  }
0x408: {  	_ =	strace $0x90000047  }
0x409: {  	s0 =	stileid.u32;
	[bflag:$0x2] =	sbarrier.arrive $0xFFFF  }
0x40a: {  	p0 =	sne.s32 s0, $0x0;
	s0 =	rddreg [dreg:$0x3]  }
0x40b: {  	s0 =	sadd.s32 @!p0 $0x100000, s0  }
0x40c: {  	[sflag:s0] =	ssyncadd.tile.s32 @!p0 $0x1;
	_ =	shalt  }
.Lfunc_end2:
_tile_overlayer_lowered:
.L_overlay_start_2:
0x40d: {  	(tag) =	ssettag $0x2  }
0x40e: {  	s0 =	rddreg [dreg:$0x0];
	s2 =	stileid.u32  }
0x40f: {  	s1 =	rddreg [dreg:$0x1];
	p0 =	sne.s32 s2, $0x0  }
0x410: {  	s3 =	rddreg [dreg:$0x2];
	[bflag:$0x3] =	sbarrier.arrive $0xFFFF;
	s2 =	simm.s32 @!p0 $0x1C05  }
0x411: {  	[timem:s3], [sflag:s2] =	dma.local @!p0 [hbm:s0], s1  }
0x412: {  	s0 =	simm.s32 @!p0 $0x5  }
0x413: {  	_ =	swait.ge @!p0 [sflag:s0], s1  }
0x414: {  	s1 =	ssub.s32 @!p0 $0x0, s1;
	[sflag:s0] =	ssyncset.done @!p0 $0x0  }
0x415: {  	[sflag:s0] =	ssyncadd.s32 @!p0 s1  }
0x416: {  	[bflag:$0x3] =	sbarrier.arrive $0xFFFF  }
0x417: {  	_ =	shalt  }

</sc_bundles>
